<compile_context>
chip_gen: v7x
topology: tpu7x:2x2x1
jax: 0.10.2.dev20260603
libtpu: 0.0.44.dev20260713+nightly
codegen_flags: <defaults>
</compile_context>

<pallas_src>
import functools

import jax
import jax.numpy as jnp
from jax import lax
from jax.experimental import pallas as pl
from jax.experimental.pallas import tpu as pltpu
from jax.experimental.pallas import tpu_sc as plsc

N = 10000
E = 320000
NF = 128
TF = 4
HID = 128
OUT = 16
G = 64

NCORE = 2
NSUB = 16
NW = NCORE * NSUB

CH = 125
ECH = E // CH
ROWS_PER_TILE = ECH // NW
HALF_ROWS = ROWS_PER_TILE // 2
NODE_SLICE = N // NSUB
ZROWS = 25

EPT = E // NW
DEG_PAD = 10240

ROWB = 1000
GRID = N // ROWB

_P = jax.lax.Precision.HIGHEST


def _sc_deg_body(dst_hbm, batch_hbm, pdeg0_hbm, pdeg1_hbm, counts_hbm,
                 idx_d, bidx, ones_v, zeros_v, accd, accc, stsem):
    c = lax.axis_index("c")
    s = lax.axis_index("s")
    w = c * NSUB + s

    pltpu.async_copy(dst_hbm.at[w, 0], idx_d, stsem)

    @pl.when(c == 0)
    def _():
        pltpu.sync_copy(batch_hbm.at[s, 0], bidx)

    def _fill(r, _):
        ones_v[pl.ds(r * 16, 16)] = jnp.full((16,), 1.0, jnp.float32)
        return _
    lax.fori_loop(0, EPT // 16, _fill, 0)
    for j in range(8):
        zeros_v[pl.ds(j * 16, 16)] = jnp.zeros((16,), jnp.float32)

    for i in range(5):
        pltpu.sync_copy(zeros_v, accd.at[pl.ds(s * 640 + i * 128, 128)])

    @pl.when(jnp.logical_and(c == 0, s == 0))
    def _():
        pltpu.sync_copy(zeros_v, accc)

    pltpu.make_async_copy(dst_hbm.at[w, 0], idx_d, stsem).wait()
    plsc.subcore_barrier()

    pltpu.sync_copy(ones_v, accd.at[idx_d], add=True)

    @pl.when(c == 0)
    def _():
        pltpu.sync_copy(ones_v.at[pl.ds(0, N // NSUB)], accc.at[bidx],
                        add=True)

    plsc.subcore_barrier()

    @pl.when(s < 10)
    def _():
        @pl.when(c == 0)
        def _():
            pltpu.sync_copy(accd.at[pl.ds(s * 1024, 1024)],
                            pdeg0_hbm.at[pl.ds(s * 1024, 1024)])

        @pl.when(c == 1)
        def _():
            pltpu.sync_copy(accd.at[pl.ds(s * 1024, 1024)],
                            pdeg1_hbm.at[pl.ds(s * 1024, 1024)])

    @pl.when(jnp.logical_and(c == 0, s == 0))
    def _():
        pltpu.sync_copy(accc, counts_hbm)


_sc_deg = functools.partial(
    pl.kernel,
    out_type=(jax.ShapeDtypeStruct((DEG_PAD,), jnp.float32),
              jax.ShapeDtypeStruct((DEG_PAD,), jnp.float32),
              jax.ShapeDtypeStruct((128,), jnp.float32)),
    mesh=plsc.VectorSubcoreMesh(core_axis_name="c", subcore_axis_name="s"),
    scratch_types=[
        pltpu.VMEM((EPT,), jnp.int32),
        pltpu.VMEM((N // NSUB,), jnp.int32),
        pltpu.VMEM((EPT,), jnp.float32),
        pltpu.VMEM((128,), jnp.float32),
        pltpu.VMEM_SHARED((DEG_PAD,), jnp.float32),
        pltpu.VMEM_SHARED((128,), jnp.float32),
        pltpu.SemaphoreType.DMA,
    ],
)(_sc_deg_body)


def _sc_agg_body(y_hbm, src_hbm, dst_hbm, part_hbm,
                 idx_s, idx_d, rows0, rows1, zbuf, acc,
                 gsem0, gsem1, ssem0, ssem1):
    c = lax.axis_index("c")
    s = lax.axis_index("s")
    w = c * NSUB + s

    for half in range(2):
        base = w * ROWS_PER_TILE + half * HALF_ROWS
        pltpu.sync_copy(src_hbm.at[pl.ds(base, HALF_ROWS)], idx_s)
        pltpu.sync_copy(dst_hbm.at[pl.ds(base, HALF_ROWS)], idx_d)
        pltpu.async_copy(y_hbm.at[idx_s.at[0]], rows0, gsem0)

        if half == 0:
            def _zrow(r, _):
                for j in range(HID // 16):
                    zbuf[r, pl.ds(j * 16, 16)] = jnp.zeros((16,), jnp.float32)
                return _
            lax.fori_loop(0, ZROWS, _zrow, 0)
            for i in range(NODE_SLICE // ZROWS):
                pltpu.sync_copy(
                    zbuf, acc.at[pl.ds(s * NODE_SLICE + i * ZROWS, ZROWS)])
            plsc.subcore_barrier()

        def _pair(cc, carry):
            for b in range(2):
                rows = rows0 if b == 0 else rows1
                gsem = gsem0 if b == 0 else gsem1
                ssem = ssem0 if b == 0 else ssem1
                orows = rows1 if b == 0 else rows0
                ogsem = gsem1 if b == 0 else gsem0
                ossem = ssem1 if b == 0 else ssem0
                ch = cc * 2 + b

                @pl.when(ch + 1 < HALF_ROWS)
                def _():
                    @pl.when(ch >= 1)
                    def _():
                        pltpu.make_async_copy(
                            orows, acc.at[idx_d.at[ch - 1]], ossem).wait()
                    pltpu.async_copy(y_hbm.at[idx_s.at[ch + 1]], orows, ogsem)

                pltpu.make_async_copy(y_hbm.at[idx_s.at[ch]], rows, gsem).wait()
                pltpu.async_copy(rows, acc.at[idx_d.at[ch]], ssem, add=True)
            return carry

        lax.fori_loop(0, HALF_ROWS // 2, _pair, 0)
        pltpu.make_async_copy(rows0, acc.at[idx_d.at[HALF_ROWS - 2]],
                              ssem0).wait()
        pltpu.make_async_copy(rows1, acc.at[idx_d.at[HALF_ROWS - 1]],
                              ssem1).wait()

    plsc.subcore_barrier()

    @pl.when(s < 15)
    def _():
        pltpu.sync_copy(acc.at[pl.ds(s * 624, 624)],
                        part_hbm.at[c, pl.ds(s * 624, 624)])

    @pl.when(s == 15)
    def _():
        pltpu.sync_copy(acc.at[pl.ds(15 * 624, 640)],
                        part_hbm.at[c, pl.ds(15 * 624, 640)])


_sc_agg = functools.partial(
    pl.kernel,
    out_type=jax.ShapeDtypeStruct((NCORE, N, HID), jnp.float32),
    mesh=plsc.VectorSubcoreMesh(core_axis_name="c", subcore_axis_name="s"),
    scratch_types=[
        pltpu.VMEM((HALF_ROWS, CH), jnp.int32),
        pltpu.VMEM((HALF_ROWS, CH), jnp.int32),
        pltpu.VMEM((CH, HID), jnp.float32),
        pltpu.VMEM((CH, HID), jnp.float32),
        pltpu.VMEM((ZROWS, HID), jnp.float32),
        pltpu.VMEM_SHARED((N, HID), jnp.float32),
        pltpu.SemaphoreType.DMA,
        pltpu.SemaphoreType.DMA,
        pltpu.SemaphoreType.DMA,
        pltpu.SemaphoreType.DMA,
    ],
)(_sc_agg_body)


def _k1a_body(x_ref, top_ref, w1a_ref, w1b_ref, xw_ref):
    xw_ref[...] = (jnp.dot(x_ref[...], w1a_ref[...], precision=_P)
                   + jnp.dot(top_ref[...], w1b_ref[...], precision=_P))


def _k1a(x, top, w1a, w1b):
    return pl.pallas_call(
        _k1a_body,
        grid=(GRID,),
        in_specs=[
            pl.BlockSpec((ROWB, NF), lambda i: (i, 0)),
            pl.BlockSpec((ROWB, TF), lambda i: (i, 0)),
            pl.BlockSpec((NF, HID), lambda i: (0, 0)),
            pl.BlockSpec((TF, HID), lambda i: (0, 0)),
        ],
        out_specs=pl.BlockSpec((ROWB, HID), lambda i: (i, 0)),
        out_shape=jax.ShapeDtypeStruct((N, HID), jnp.float32),
    )(x, top, w1a, w1b)


def _k1b_body(xw_ref, p0_ref, p1_ref, y_ref, dinv_ref):
    deg = p0_ref[...] + p1_ref[...] + 1.0
    dinv = lax.rsqrt(deg)
    y_ref[...] = xw_ref[...] * dinv
    dinv_ref[...] = dinv


def _k1b(xw, p0, p1):
    return pl.pallas_call(
        _k1b_body,
        grid=(GRID,),
        in_specs=[
            pl.BlockSpec((ROWB, HID), lambda i: (i, 0)),
            pl.BlockSpec((ROWB, 1), lambda i: (i, 0)),
            pl.BlockSpec((ROWB, 1), lambda i: (i, 0)),
        ],
        out_specs=[
            pl.BlockSpec((ROWB, HID), lambda i: (i, 0)),
            pl.BlockSpec((ROWB, 1), lambda i: (i, 0)),
        ],
        out_shape=[
            jax.ShapeDtypeStruct((N, HID), jnp.float32),
            jax.ShapeDtypeStruct((N, 1), jnp.float32),
        ],
    )(xw, p0, p1)


def _k2_body(pa_ref, pb_ref, y1_ref, dinv_ref, b1_ref, w2_ref, y2_ref):
    dinv = dinv_ref[...]
    h1 = jax.nn.relu((pa_ref[...] + pb_ref[...] + y1_ref[...]) * dinv
                     + b1_ref[...])
    y2_ref[...] = jnp.dot(h1, w2_ref[...], precision=_P) * dinv


def _k2(pa, pb, y1, dinv, b1, w2):
    return pl.pallas_call(
        _k2_body,
        grid=(GRID,),
        in_specs=[
            pl.BlockSpec((ROWB, HID), lambda i: (i, 0)),
            pl.BlockSpec((ROWB, HID), lambda i: (i, 0)),
            pl.BlockSpec((ROWB, HID), lambda i: (i, 0)),
            pl.BlockSpec((ROWB, 1), lambda i: (i, 0)),
            pl.BlockSpec((1, HID), lambda i: (0, 0)),
            pl.BlockSpec((HID, HID), lambda i: (0, 0)),
        ],
        out_specs=pl.BlockSpec((ROWB, HID), lambda i: (i, 0)),
        out_shape=jax.ShapeDtypeStruct((N, HID), jnp.float32),
    )(pa, pb, y1, dinv, b1, w2)


def _k3_body(pa_ref, pb_ref, y2_ref, dinv_ref, b2_ref, batch_ref,
             counts_ref, fcw_ref, fcb_ref, out_ref, pooled):
    i = pl.program_id(0)

    @pl.when(i == 0)
    def _():
        pooled[...] = jnp.zeros((G, HID), jnp.float32)

    h2 = jax.nn.relu((pa_ref[...] + pb_ref[...] + y2_ref[...])
                     * dinv_ref[...] + b2_ref[...])
    bb = batch_ref[0]
    gid = lax.broadcasted_iota(jnp.int32, (G, ROWB), 0)
    mask = (bb == gid).astype(jnp.float32)
    pooled[...] += jnp.dot(mask, h2, precision=_P)

    @pl.when(i == GRID - 1)
    def _():
        cnt = jnp.maximum(counts_ref[...], 1.0)
        out_ref[...] = (jnp.dot(pooled[...] / cnt, fcw_ref[...],
                                precision=_P) + fcb_ref[...])


def _k3(pa, pb, y2, dinv, b2, batch3, counts, fcw, fcb):
    return pl.pallas_call(
        _k3_body,
        grid=(GRID,),
        in_specs=[
            pl.BlockSpec((ROWB, HID), lambda i: (i, 0)),
            pl.BlockSpec((ROWB, HID), lambda i: (i, 0)),
            pl.BlockSpec((ROWB, HID), lambda i: (i, 0)),
            pl.BlockSpec((ROWB, 1), lambda i: (i, 0)),
            pl.BlockSpec((1, HID), lambda i: (0, 0)),
            pl.BlockSpec((1, 1, ROWB), lambda i: (i, 0, 0)),
            pl.BlockSpec((G, 1), lambda i: (0, 0)),
            pl.BlockSpec((HID, OUT), lambda i: (0, 0)),
            pl.BlockSpec((1, OUT), lambda i: (0, 0)),
        ],
        out_specs=pl.BlockSpec((G, OUT), lambda i: (0, 0)),
        out_shape=jax.ShapeDtypeStruct((G, OUT), jnp.float32),
        scratch_shapes=[pltpu.VMEM((G, HID), jnp.float32)],
    )(pa, pb, y2, dinv, b2, batch3, counts, fcw, fcb)


def kernel(x, top_features, edge_index, batch, W1, b1, W2, b2, fc_W, fc_b):
    src2d = edge_index[0].reshape(ECH, CH)
    dst2d = edge_index[1].reshape(ECH, CH)
    pdeg0, pdeg1, counts = _sc_deg(edge_index[1].reshape(NW, 1, EPT),
                                   batch.reshape(NSUB, 1, N // NSUB))
    p0 = pdeg0[:N].reshape(N, 1)
    p1 = pdeg1[:N].reshape(N, 1)

    xw1 = _k1a(x, top_features, W1[:NF], W1[NF:])
    y1, dinv = _k1b(xw1, p0, p1)

    part1 = _sc_agg(y1, src2d, dst2d)
    y2 = _k2(part1[0], part1[1], y1, dinv, b1.reshape(1, HID), W2)

    part2 = _sc_agg(y2, src2d, dst2d)
    out = _k3(part2[0], part2[1], y2, dinv, b2.reshape(1, HID),
              batch.reshape(GRID, 1, ROWB), counts[:G].reshape(G, 1),
              fc_W, fc_b.reshape(1, OUT))
    return out

# --- scband reference (transcript-rebuilt; emitter-appended) ---
"""Pipeline reference for scband-gcn-65498251264412 (READ-ONLY COPY).

The authoritative reference and input builder live on the scoring server;
editing this copy changes nothing except your own understanding.
"""

import jax, jax.numpy as jnp
import numpy as np

N = 10000
E = 320000
NODE_FEATURES = 128
TOP_FEATURES = 4
IN_CHANNELS = NODE_FEATURES + TOP_FEATURES
HIDDEN = 128
OUT = 16
NUM_GRAPHS = 64


def setup_inputs(seed: int = 0) -> dict:
    key = jax.random.key(seed)
    ks = jax.random.split(key, 12)
    x = jax.random.normal(ks[0], (N, NODE_FEATURES), dtype=jnp.float32)
    top_features = jax.random.normal(ks[1], (N, TOP_FEATURES), dtype=jnp.float32)
    edge_index = jax.random.randint(ks[2], (2, E), 0, N, dtype=jnp.int32)
    batch = jnp.sort(jax.random.randint(ks[3], (N,), 0, NUM_GRAPHS, dtype=jnp.int32))
    # GCNConv layer 1: weight [IN_CHANNELS, HIDDEN], bias [HIDDEN]
    W1 = jax.random.normal(ks[4], (IN_CHANNELS, HIDDEN), dtype=jnp.float32) * (1.0 / np.sqrt(IN_CHANNELS))
    b1 = jnp.zeros((HIDDEN,), dtype=jnp.float32)
    # GCNConv layer 2
    W2 = jax.random.normal(ks[5], (HIDDEN, HIDDEN), dtype=jnp.float32) * (1.0 / np.sqrt(HIDDEN))
    b2 = jnp.zeros((HIDDEN,), dtype=jnp.float32)
    # final fc
    fc_W = jax.random.normal(ks[6], (HIDDEN, OUT), dtype=jnp.float32) * (1.0 / np.sqrt(HIDDEN))
    fc_b = jnp.zeros((OUT,), dtype=jnp.float32)
    return {"x": x, "top_features": top_features, "edge_index": edge_index, "batch": batch,
            "W1": W1, "b1": b1, "W2": W2, "b2": b2, "fc_W": fc_W, "fc_b": fc_b}


def _gcn_conv(x, edge_index, W, b, n_nodes):
    # PyG GCNConv (normalize=True, add_self_loops=True):
    # x' = D^{-1/2} (A + I) D^{-1/2} X W + b
    xw = x @ W
    loop = jnp.arange(n_nodes, dtype=edge_index.dtype)
    src = jnp.concatenate([edge_index[0], loop])
    dst = jnp.concatenate([edge_index[1], loop])
    deg = jnp.zeros((n_nodes,), dtype=xw.dtype).at[dst].add(1.0)
    deg_inv_sqrt = jnp.where(deg > 0, 1.0 / jnp.sqrt(deg), 0.0)
    norm = deg_inv_sqrt[src] * deg_inv_sqrt[dst]
    msg = xw[src] * norm[:, None]
    out = jnp.zeros((n_nodes, xw.shape[1]), dtype=xw.dtype).at[dst].add(msg)
    return out + b


def reference(x, top_features, edge_index, batch, W1, b1, W2, b2, fc_W, fc_b):
    n_nodes = x.shape[0]
    # forward_on_top_features=True -> concat topological features
    h = jnp.concatenate([x, top_features], axis=-1)
    # layer 0
    h = jax.nn.relu(_gcn_conv(h, edge_index, W1, b1, n_nodes))
    # layer 1 (dropout is identity in eval mode)
    h = jax.nn.relu(_gcn_conv(h, edge_index, W2, b2, n_nodes))
    # node_classification=False -> global_mean_pool over batch segments
    seg_sum = jax.ops.segment_sum(h, batch, num_segments=NUM_GRAPHS)
    counts = jax.ops.segment_sum(jnp.ones((n_nodes,), dtype=h.dtype), batch, num_segments=NUM_GRAPHS)
    pooled = seg_sum / jnp.clip(counts, 1.0, None)[:, None]
    out = pooled @ fc_W + fc_b
    return out

if __name__ == "__main__":
    import jax
    _d = setup_inputs()
    print(jax.jit(kernel)(*tuple(_d.values())))

</pallas_src>

<mosaic_0001>
#map = affine_map<(d0, d1) -> (0, 0)>
#map1 = affine_map<(d0, d1) -> (0, 0, 0)>
module attributes {stable_mosaic.version = 14 : i64} {
  func.func @_sc_agg_body(%arg0: i32, %arg1: i32, %arg2: memref<10000x128xf32, #tpu.memory_space<hbm>>, %arg3: memref<2560x125xi32, #tpu.memory_space<hbm>>, %arg4: memref<2560x125xi32, #tpu.memory_space<hbm>>, %arg5: memref<2x10000x128xf32, #tpu.memory_space<hbm>>, %arg6: memref<40x125xi32, #tpu.memory_space<vmem>>, %arg7: memref<40x125xi32, #tpu.memory_space<vmem>>, %arg8: memref<125x128xf32, #tpu.memory_space<vmem>>, %arg9: memref<125x128xf32, #tpu.memory_space<vmem>>, %arg10: memref<25x128xf32, #tpu.memory_space<vmem>>, %arg11: memref<10000x128xf32, #tpu.memory_space<vmem_shared>>, %arg12: memref<!tpu.dma_semaphore, #tpu.memory_space<semaphore_mem>>, %arg13: memref<!tpu.dma_semaphore, #tpu.memory_space<semaphore_mem>>, %arg14: memref<!tpu.dma_semaphore, #tpu.memory_space<semaphore_mem>>, %arg15: memref<!tpu.dma_semaphore, #tpu.memory_space<semaphore_mem>>) attributes {dimension_semantics = [#tpu.dimension_semantics<core_parallel>, #tpu.dimension_semantics<subcore_parallel>], iteration_bounds = array<i64: 2, 16>, scalar_prefetch = 0 : i64, scratch_operands = 10 : i64, tpu.core_type = #tpu.core_type<sc_vector_subcore>, window_params = [{transform_indices = #map}, {transform_indices = #map}, {transform_indices = #map}, {transform_indices = #map1}]} {
    %mul3A = arith.constant 16 : i32
    %mul3A_0 = arith.muli %arg0, %mul3A : i32
    %add3A = arith.addi %mul3A_0, %arg1 : i32
    %mul3A_1 = arith.constant 80 : i32
    %mul3A_2 = arith.muli %add3A, %mul3A_1 : i32
    %add3A_3 = arith.constant 0 : i32
    %add3A_4 = arith.addi %mul3A_2, %add3A_3 : i32
    "tpu.region"() ({
      %run_scoped3A = tpu.sem_alloc : memref<!tpu.dma_semaphore, #tpu.memory_space<semaphore_mem>>
      %dma_start3A_173 = arith.constant 0 : i32
      %dma_start3A_174 = tpu.memref_slice %arg3[%add3A_4, %dma_start3A_173] : memref<2560x125xi32, #tpu.memory_space<hbm>> -> memref<40x125xi32, #tpu.memory_space<hbm>>
      %dma_start3A_175 = arith.constant 0 : i32
      %dma_start3A_176 = tpu.memref_slice %arg3[%add3A_4, %dma_start3A_175] : memref<2560x125xi32, #tpu.memory_space<hbm>> -> memref<40x125xi32, #tpu.memory_space<hbm>>
      tpu.enqueue_dma source(%dma_start3A_176 : memref<40x125xi32, #tpu.memory_space<hbm>>) target(%arg6 : memref<40x125xi32, #tpu.memory_space<vmem>>) target_semaphore(%run_scoped3A : memref<!tpu.dma_semaphore, #tpu.memory_space<semaphore_mem>>)
      %dma_wait3A_177 = arith.constant 0 : i32
      %dma_wait3A_178 = tpu.memref_slice %arg3[%add3A_4, %dma_wait3A_177] : memref<2560x125xi32, #tpu.memory_space<hbm>> -> memref<40x125xi32, #tpu.memory_space<hbm>>
      %dma_wait3A_179 = arith.constant 0 : i32
      %dma_wait3A_180 = tpu.memref_slice %arg3[%add3A_4, %dma_wait3A_179] : memref<2560x125xi32, #tpu.memory_space<hbm>> -> memref<40x125xi32, #tpu.memory_space<hbm>>
      tpu.wait_dma2 semaphore(%run_scoped3A : memref<!tpu.dma_semaphore, #tpu.memory_space<semaphore_mem>>) src(%dma_wait3A_180 : memref<40x125xi32, #tpu.memory_space<hbm>>) dst(%arg6 : memref<40x125xi32, #tpu.memory_space<vmem>>)
      tpu.yield
    }) : () -> ()
    "tpu.region"() ({
      %run_scoped3A = tpu.sem_alloc : memref<!tpu.dma_semaphore, #tpu.memory_space<semaphore_mem>>
      %dma_start3A_173 = arith.constant 0 : i32
      %dma_start3A_174 = tpu.memref_slice %arg4[%add3A_4, %dma_start3A_173] : memref<2560x125xi32, #tpu.memory_space<hbm>> -> memref<40x125xi32, #tpu.memory_space<hbm>>
      %dma_start3A_175 = arith.constant 0 : i32
      %dma_start3A_176 = tpu.memref_slice %arg4[%add3A_4, %dma_start3A_175] : memref<2560x125xi32, #tpu.memory_space<hbm>> -> memref<40x125xi32, #tpu.memory_space<hbm>>
      tpu.enqueue_dma source(%dma_start3A_176 : memref<40x125xi32, #tpu.memory_space<hbm>>) target(%arg7 : memref<40x125xi32, #tpu.memory_space<vmem>>) target_semaphore(%run_scoped3A : memref<!tpu.dma_semaphore, #tpu.memory_space<semaphore_mem>>)
      %dma_wait3A_177 = arith.constant 0 : i32
      %dma_wait3A_178 = tpu.memref_slice %arg4[%add3A_4, %dma_wait3A_177] : memref<2560x125xi32, #tpu.memory_space<hbm>> -> memref<40x125xi32, #tpu.memory_space<hbm>>
      %dma_wait3A_179 = arith.constant 0 : i32
      %dma_wait3A_180 = tpu.memref_slice %arg4[%add3A_4, %dma_wait3A_179] : memref<2560x125xi32, #tpu.memory_space<hbm>> -> memref<40x125xi32, #tpu.memory_space<hbm>>
      tpu.wait_dma2 semaphore(%run_scoped3A : memref<!tpu.dma_semaphore, #tpu.memory_space<semaphore_mem>>) src(%dma_wait3A_180 : memref<40x125xi32, #tpu.memory_space<hbm>>) dst(%arg7 : memref<40x125xi32, #tpu.memory_space<vmem>>)
      tpu.yield
    }) : () -> ()
    %dma_start3A = arith.constant 0 : i32
    %dma_start3A_5 = arith.constant 0 : i32
    %dma_start3A_6 = tpu.memref_slice %arg6[%dma_start3A, %dma_start3A_5] : memref<40x125xi32, #tpu.memory_space<vmem>> -> memref<1x125xi32, #tpu.memory_space<vmem>>
    %dma_start3A_7 = tpu.memref_squeeze %dma_start3A_6 : memref<1x125xi32, #tpu.memory_space<vmem>> -> memref<125xi32, #tpu.memory_space<vmem>>
    %dma_start3A_8 = arith.constant 0 : i32
    %dma_start3A_9 = arith.constant 0 : i32
    %dma_start3A_10 = tpu.memref_slice %arg2[%dma_start3A_8, %dma_start3A_9] : memref<10000x128xf32, #tpu.memory_space<hbm>> -> memref<10000x128xf32, #tpu.memory_space<hbm>>
    tpu.enqueue_indirect_dma source(%dma_start3A_10 : memref<10000x128xf32, #tpu.memory_space<hbm>>) target(%arg8 : memref<125x128xf32, #tpu.memory_space<vmem>>) offsets(%dma_start3A_7 : memref<125xi32, #tpu.memory_space<vmem>>) semaphore(%arg12 : memref<!tpu.dma_semaphore, #tpu.memory_space<semaphore_mem>>)
    %scan3A = arith.constant 0 : i32
    %scan3A_11 = arith.constant 0 : i32
    %scan3A_12 = arith.constant 25 : i32
    %scan3A_13 = arith.addi %scan3A_11, %scan3A_12 : i32
    %scan3A_14 = arith.constant 1 : i32
    scf.for %scan3A_173 = %scan3A_11 to %scan3A_13 step %scan3A_14  : i32 {
      %broadcast_in_dim3A = arith.constant 0.000000e+00 : f32
      %broadcast_in_dim3A_174 = vector.broadcast %broadcast_in_dim3A : f32 to vector<16xf32>
      %swap3A = arith.index_cast %scan3A_173 : i32 to index
      %swap3A_175 = arith.constant 0 : index
      %swap3A_176 = tpu.vector_load %arg10[%swap3A, %swap3A_175] {strides = array<i32>} : memref<25x128xf32, #tpu.memory_space<vmem>>, vector<1x16xf32>,
      %swap3A_177 = vector.shape_cast %swap3A_176 : vector<1x16xf32> to vector<16xf32>
      %swap3A_178 = vector.shape_cast %broadcast_in_dim3A_174 : vector<16xf32> to vector<1x16xf32>
      tpu.vector_store %arg10[%swap3A, %swap3A_175], %swap3A_178 {strides = array<i32>} : memref<25x128xf32, #tpu.memory_space<vmem>>, vector<1x16xf32>,
      %broadcast_in_dim3A_179 = arith.constant 0.000000e+00 : f32
      %broadcast_in_dim3A_180 = vector.broadcast %broadcast_in_dim3A_179 : f32 to vector<16xf32>
      %swap3A_181 = arith.index_cast %scan3A_173 : i32 to index
      %swap3A_182 = arith.constant 16 : index
      %swap3A_183 = tpu.vector_load %arg10[%swap3A_181, %swap3A_182] {strides = array<i32>} : memref<25x128xf32, #tpu.memory_space<vmem>>, vector<1x16xf32>,
      %swap3A_184 = vector.shape_cast %swap3A_183 : vector<1x16xf32> to vector<16xf32>
      %swap3A_185 = vector.shape_cast %broadcast_in_dim3A_180 : vector<16xf32> to vector<1x16xf32>
      tpu.vector_store %arg10[%swap3A_181, %swap3A_182], %swap3A_185 {strides = array<i32>} : memref<25x128xf32, #tpu.memory_space<vmem>>, vector<1x16xf32>,
      %broadcast_in_dim3A_186 = arith.constant 0.000000e+00 : f32
      %broadcast_in_dim3A_187 = vector.broadcast %broadcast_in_dim3A_186 : f32 to vector<16xf32>
      %swap3A_188 = arith.index_cast %scan3A_173 : i32 to index
      %swap3A_189 = arith.constant 32 : index
      %swap3A_190 = tpu.vector_load %arg10[%swap3A_188, %swap3A_189] {strides = array<i32>} : memref<25x128xf32, #tpu.memory_space<vmem>>, vector<1x16xf32>,
      %swap3A_191 = vector.shape_cast %swap3A_190 : vector<1x16xf32> to vector<16xf32>
      %swap3A_192 = vector.shape_cast %broadcast_in_dim3A_187 : vector<16xf32> to vector<1x16xf32>
      tpu.vector_store %arg10[%swap3A_188, %swap3A_189], %swap3A_192 {strides = array<i32>} : memref<25x128xf32, #tpu.memory_space<vmem>>, vector<1x16xf32>,
      %broadcast_in_dim3A_193 = arith.constant 0.000000e+00 : f32
      %broadcast_in_dim3A_194 = vector.broadcast %broadcast_in_dim3A_193 : f32 to vector<16xf32>
      %swap3A_195 = arith.index_cast %scan3A_173 : i32 to index
      %swap3A_196 = arith.constant 48 : index
      %swap3A_197 = tpu.vector_load %arg10[%swap3A_195, %swap3A_196] {strides = array<i32>} : memref<25x128xf32, #tpu.memory_space<vmem>>, vector<1x16xf32>,
      %swap3A_198 = vector.shape_cast %swap3A_197 : vector<1x16xf32> to vector<16xf32>
      %swap3A_199 = vector.shape_cast %broadcast_in_dim3A_194 : vector<16xf32> to vector<1x16xf32>
      tpu.vector_store %arg10[%swap3A_195, %swap3A_196], %swap3A_199 {strides = array<i32>} : memref<25x128xf32, #tpu.memory_space<vmem>>, vector<1x16xf32>,
      %broadcast_in_dim3A_200 = arith.constant 0.000000e+00 : f32
      %broadcast_in_dim3A_201 = vector.broadcast %broadcast_in_dim3A_200 : f32 to vector<16xf32>
      %swap3A_202 = arith.index_cast %scan3A_173 : i32 to index
      %swap3A_203 = arith.constant 64 : index
      %swap3A_204 = tpu.vector_load %arg10[%swap3A_202, %swap3A_203] {strides = array<i32>} : memref<25x128xf32, #tpu.memory_space<vmem>>, vector<1x16xf32>,
      %swap3A_205 = vector.shape_cast %swap3A_204 : vector<1x16xf32> to vector<16xf32>
      %swap3A_206 = vector.shape_cast %broadcast_in_dim3A_201 : vector<16xf32> to vector<1x16xf32>
      tpu.vector_store %arg10[%swap3A_202, %swap3A_203], %swap3A_206 {strides = array<i32>} : memref<25x128xf32, #tpu.memory_space<vmem>>, vector<1x16xf32>,
      %broadcast_in_dim3A_207 = arith.constant 0.000000e+00 : f32
      %broadcast_in_dim3A_208 = vector.broadcast %broadcast_in_dim3A_207 : f32 to vector<16xf32>
      %swap3A_209 = arith.index_cast %scan3A_173 : i32 to index
      %swap3A_210 = arith.constant 80 : index
      %swap3A_211 = tpu.vector_load %arg10[%swap3A_209, %swap3A_210] {strides = array<i32>} : memref<25x128xf32, #tpu.memory_space<vmem>>, vector<1x16xf32>,
      %swap3A_212 = vector.shape_cast %swap3A_211 : vector<1x16xf32> to vector<16xf32>
      %swap3A_213 = vector.shape_cast %broadcast_in_dim3A_208 : vector<16xf32> to vector<1x16xf32>
      tpu.vector_store %arg10[%swap3A_209, %swap3A_210], %swap3A_213 {strides = array<i32>} : memref<25x128xf32, #tpu.memory_space<vmem>>, vector<1x16xf32>,
      %broadcast_in_dim3A_214 = arith.constant 0.000000e+00 : f32
      %broadcast_in_dim3A_215 = vector.broadcast %broadcast_in_dim3A_214 : f32 to vector<16xf32>
      %swap3A_216 = arith.index_cast %scan3A_173 : i32 to index
      %swap3A_217 = arith.constant 96 : index
      %swap3A_218 = tpu.vector_load %arg10[%swap3A_216, %swap3A_217] {strides = array<i32>} : memref<25x128xf32, #tpu.memory_space<vmem>>, vector<1x16xf32>,
      %swap3A_219 = vector.shape_cast %swap3A_218 : vector<1x16xf32> to vector<16xf32>
      %swap3A_220 = vector.shape_cast %broadcast_in_dim3A_215 : vector<16xf32> to vector<1x16xf32>
      tpu.vector_store %arg10[%swap3A_216, %swap3A_217], %swap3A_220 {strides = array<i32>} : memref<25x128xf32, #tpu.memory_space<vmem>>, vector<1x16xf32>,
      %broadcast_in_dim3A_221 = arith.constant 0.000000e+00 : f32
      %broadcast_in_dim3A_222 = vector.broadcast %broadcast_in_dim3A_221 : f32 to vector<16xf32>
      %swap3A_223 = arith.index_cast %scan3A_173 : i32 to index
      %swap3A_224 = arith.constant 112 : index
      %swap3A_225 = tpu.vector_load %arg10[%swap3A_223, %swap3A_224] {strides = array<i32>} : memref<25x128xf32, #tpu.memory_space<vmem>>, vector<1x16xf32>,
      %swap3A_226 = vector.shape_cast %swap3A_225 : vector<1x16xf32> to vector<16xf32>
      %swap3A_227 = vector.shape_cast %broadcast_in_dim3A_222 : vector<16xf32> to vector<1x16xf32>
      tpu.vector_store %arg10[%swap3A_223, %swap3A_224], %swap3A_227 {strides = array<i32>} : memref<25x128xf32, #tpu.memory_space<vmem>>, vector<1x16xf32>,
    }
    %scan3A_15 = arith.constant 25 : i32
    %mul3A_16 = arith.constant 625 : i32
    %mul3A_17 = arith.muli %arg1, %mul3A_16 : i32
    %add3A_18 = arith.constant 0 : i32
    %add3A_19 = arith.addi %mul3A_17, %add3A_18 : i32
    "tpu.region"() ({
      %run_scoped3A = tpu.sem_alloc : memref<!tpu.dma_semaphore, #tpu.memory_space<semaphore_mem>>
      %dma_start3A_173 = arith.constant 0 : i32
      %dma_start3A_174 = tpu.memref_slice %arg11[%add3A_19, %dma_start3A_173] : memref<10000x128xf32, #tpu.memory_space<vmem_shared>> -> memref<25x128xf32, #tpu.memory_space<vmem_shared>>
      %dma_start3A_175 = arith.constant 0 : i32
      %dma_start3A_176 = tpu.memref_slice %arg11[%add3A_19, %dma_start3A_175] : memref<10000x128xf32, #tpu.memory_space<vmem_shared>> -> memref<25x128xf32, #tpu.memory_space<vmem_shared>>
      tpu.enqueue_dma source(%arg10 : memref<25x128xf32, #tpu.memory_space<vmem>>) target(%dma_start3A_176 : memref<25x128xf32, #tpu.memory_space<vmem_shared>>) target_semaphore(%run_scoped3A : memref<!tpu.dma_semaphore, #tpu.memory_space<semaphore_mem>>)
      %dma_wait3A_177 = arith.constant 0 : i32
      %dma_wait3A_178 = tpu.memref_slice %arg11[%add3A_19, %dma_wait3A_177] : memref<10000x128xf32, #tpu.memory_space<vmem_shared>> -> memref<25x128xf32, #tpu.memory_space<vmem_shared>>
      %dma_wait3A_179 = arith.constant 0 : i32
      %dma_wait3A_180 = tpu.memref_slice %arg11[%add3A_19, %dma_wait3A_179] : memref<10000x128xf32, #tpu.memory_space<vmem_shared>> -> memref<25x128xf32, #tpu.memory_space<vmem_shared>>
      tpu.wait_dma2 semaphore(%run_scoped3A : memref<!tpu.dma_semaphore, #tpu.memory_space<semaphore_mem>>) src(%arg10 : memref<25x128xf32, #tpu.memory_space<vmem>>) dst(%dma_wait3A_180 : memref<25x128xf32, #tpu.memory_space<vmem_shared>>)
      tpu.yield
    }) : () -> ()
    %mul3A_20 = arith.constant 625 : i32
    %mul3A_21 = arith.muli %arg1, %mul3A_20 : i32
    %add3A_22 = arith.constant 25 : i32
    %add3A_23 = arith.addi %mul3A_21, %add3A_22 : i32
    "tpu.region"() ({
      %run_scoped3A = tpu.sem_alloc : memref<!tpu.dma_semaphore, #tpu.memory_space<semaphore_mem>>
      %dma_start3A_173 = arith.constant 0 : i32
      %dma_start3A_174 = tpu.memref_slice %arg11[%add3A_23, %dma_start3A_173] : memref<10000x128xf32, #tpu.memory_space<vmem_shared>> -> memref<25x128xf32, #tpu.memory_space<vmem_shared>>
      %dma_start3A_175 = arith.constant 0 : i32
      %dma_start3A_176 = tpu.memref_slice %arg11[%add3A_23, %dma_start3A_175] : memref<10000x128xf32, #tpu.memory_space<vmem_shared>> -> memref<25x128xf32, #tpu.memory_space<vmem_shared>>
      tpu.enqueue_dma source(%arg10 : memref<25x128xf32, #tpu.memory_space<vmem>>) target(%dma_start3A_176 : memref<25x128xf32, #tpu.memory_space<vmem_shared>>) target_semaphore(%run_scoped3A : memref<!tpu.dma_semaphore, #tpu.memory_space<semaphore_mem>>)
      %dma_wait3A_177 = arith.constant 0 : i32
      %dma_wait3A_178 = tpu.memref_slice %arg11[%add3A_23, %dma_wait3A_177] : memref<10000x128xf32, #tpu.memory_space<vmem_shared>> -> memref<25x128xf32, #tpu.memory_space<vmem_shared>>
      %dma_wait3A_179 = arith.constant 0 : i32
      %dma_wait3A_180 = tpu.memref_slice %arg11[%add3A_23, %dma_wait3A_179] : memref<10000x128xf32, #tpu.memory_space<vmem_shared>> -> memref<25x128xf32, #tpu.memory_space<vmem_shared>>
      tpu.wait_dma2 semaphore(%run_scoped3A : memref<!tpu.dma_semaphore, #tpu.memory_space<semaphore_mem>>) src(%arg10 : memref<25x128xf32, #tpu.memory_space<vmem>>) dst(%dma_wait3A_180 : memref<25x128xf32, #tpu.memory_space<vmem_shared>>)
      tpu.yield
    }) : () -> ()
    %mul3A_24 = arith.constant 625 : i32
    %mul3A_25 = arith.muli %arg1, %mul3A_24 : i32
    %add3A_26 = arith.constant 50 : i32
    %add3A_27 = arith.addi %mul3A_25, %add3A_26 : i32
    "tpu.region"() ({
      %run_scoped3A = tpu.sem_alloc : memref<!tpu.dma_semaphore, #tpu.memory_space<semaphore_mem>>
      %dma_start3A_173 = arith.constant 0 : i32
      %dma_start3A_174 = tpu.memref_slice %arg11[%add3A_27, %dma_start3A_173] : memref<10000x128xf32, #tpu.memory_space<vmem_shared>> -> memref<25x128xf32, #tpu.memory_space<vmem_shared>>
      %dma_start3A_175 = arith.constant 0 : i32
      %dma_start3A_176 = tpu.memref_slice %arg11[%add3A_27, %dma_start3A_175] : memref<10000x128xf32, #tpu.memory_space<vmem_shared>> -> memref<25x128xf32, #tpu.memory_space<vmem_shared>>
      tpu.enqueue_dma source(%arg10 : memref<25x128xf32, #tpu.memory_space<vmem>>) target(%dma_start3A_176 : memref<25x128xf32, #tpu.memory_space<vmem_shared>>) target_semaphore(%run_scoped3A : memref<!tpu.dma_semaphore, #tpu.memory_space<semaphore_mem>>)
      %dma_wait3A_177 = arith.constant 0 : i32
      %dma_wait3A_178 = tpu.memref_slice %arg11[%add3A_27, %dma_wait3A_177] : memref<10000x128xf32, #tpu.memory_space<vmem_shared>> -> memref<25x128xf32, #tpu.memory_space<vmem_shared>>
      %dma_wait3A_179 = arith.constant 0 : i32
      %dma_wait3A_180 = tpu.memref_slice %arg11[%add3A_27, %dma_wait3A_179] : memref<10000x128xf32, #tpu.memory_space<vmem_shared>> -> memref<25x128xf32, #tpu.memory_space<vmem_shared>>
      tpu.wait_dma2 semaphore(%run_scoped3A : memref<!tpu.dma_semaphore, #tpu.memory_space<semaphore_mem>>) src(%arg10 : memref<25x128xf32, #tpu.memory_space<vmem>>) dst(%dma_wait3A_180 : memref<25x128xf32, #tpu.memory_space<vmem_shared>>)
      tpu.yield
    }) : () -> ()
    %mul3A_28 = arith.constant 625 : i32
    %mul3A_29 = arith.muli %arg1, %mul3A_28 : i32
    %add3A_30 = arith.constant 75 : i32
    %add3A_31 = arith.addi %mul3A_29, %add3A_30 : i32
    "tpu.region"() ({
      %run_scoped3A = tpu.sem_alloc : memref<!tpu.dma_semaphore, #tpu.memory_space<semaphore_mem>>
      %dma_start3A_173 = arith.constant 0 : i32
      %dma_start3A_174 = tpu.memref_slice %arg11[%add3A_31, %dma_start3A_173] : memref<10000x128xf32, #tpu.memory_space<vmem_shared>> -> memref<25x128xf32, #tpu.memory_space<vmem_shared>>
      %dma_start3A_175 = arith.constant 0 : i32
      %dma_start3A_176 = tpu.memref_slice %arg11[%add3A_31, %dma_start3A_175] : memref<10000x128xf32, #tpu.memory_space<vmem_shared>> -> memref<25x128xf32, #tpu.memory_space<vmem_shared>>
      tpu.enqueue_dma source(%arg10 : memref<25x128xf32, #tpu.memory_space<vmem>>) target(%dma_start3A_176 : memref<25x128xf32, #tpu.memory_space<vmem_shared>>) target_semaphore(%run_scoped3A : memref<!tpu.dma_semaphore, #tpu.memory_space<semaphore_mem>>)
      %dma_wait3A_177 = arith.constant 0 : i32
      %dma_wait3A_178 = tpu.memref_slice %arg11[%add3A_31, %dma_wait3A_177] : memref<10000x128xf32, #tpu.memory_space<vmem_shared>> -> memref<25x128xf32, #tpu.memory_space<vmem_shared>>
      %dma_wait3A_179 = arith.constant 0 : i32
      %dma_wait3A_180 = tpu.memref_slice %arg11[%add3A_31, %dma_wait3A_179] : memref<10000x128xf32, #tpu.memory_space<vmem_shared>> -> memref<25x128xf32, #tpu.memory_space<vmem_shared>>
      tpu.wait_dma2 semaphore(%run_scoped3A : memref<!tpu.dma_semaphore, #tpu.memory_space<semaphore_mem>>) src(%arg10 : memref<25x128xf32, #tpu.memory_space<vmem>>) dst(%dma_wait3A_180 : memref<25x128xf32, #tpu.memory_space<vmem_shared>>)
      tpu.yield
    }) : () -> ()
    %mul3A_32 = arith.constant 625 : i32
    %mul3A_33 = arith.muli %arg1, %mul3A_32 : i32
    %add3A_34 = arith.constant 100 : i32
    %add3A_35 = arith.addi %mul3A_33, %add3A_34 : i32
    "tpu.region"() ({
      %run_scoped3A = tpu.sem_alloc : memref<!tpu.dma_semaphore, #tpu.memory_space<semaphore_mem>>
      %dma_start3A_173 = arith.constant 0 : i32
      %dma_start3A_174 = tpu.memref_slice %arg11[%add3A_35, %dma_start3A_173] : memref<10000x128xf32, #tpu.memory_space<vmem_shared>> -> memref<25x128xf32, #tpu.memory_space<vmem_shared>>
      %dma_start3A_175 = arith.constant 0 : i32
      %dma_start3A_176 = tpu.memref_slice %arg11[%add3A_35, %dma_start3A_175] : memref<10000x128xf32, #tpu.memory_space<vmem_shared>> -> memref<25x128xf32, #tpu.memory_space<vmem_shared>>
      tpu.enqueue_dma source(%arg10 : memref<25x128xf32, #tpu.memory_space<vmem>>) target(%dma_start3A_176 : memref<25x128xf32, #tpu.memory_space<vmem_shared>>) target_semaphore(%run_scoped3A : memref<!tpu.dma_semaphore, #tpu.memory_space<semaphore_mem>>)
      %dma_wait3A_177 = arith.constant 0 : i32
      %dma_wait3A_178 = tpu.memref_slice %arg11[%add3A_35, %dma_wait3A_177] : memref<10000x128xf32, #tpu.memory_space<vmem_shared>> -> memref<25x128xf32, #tpu.memory_space<vmem_shared>>
      %dma_wait3A_179 = arith.constant 0 : i32
      %dma_wait3A_180 = tpu.memref_slice %arg11[%add3A_35, %dma_wait3A_179] : memref<10000x128xf32, #tpu.memory_space<vmem_shared>> -> memref<25x128xf32, #tpu.memory_space<vmem_shared>>
      tpu.wait_dma2 semaphore(%run_scoped3A : memref<!tpu.dma_semaphore, #tpu.memory_space<semaphore_mem>>) src(%arg10 : memref<25x128xf32, #tpu.memory_space<vmem>>) dst(%dma_wait3A_180 : memref<25x128xf32, #tpu.memory_space<vmem_shared>>)
      tpu.yield
    }) : () -> ()
    %mul3A_36 = arith.constant 625 : i32
    %mul3A_37 = arith.muli %arg1, %mul3A_36 : i32
    %add3A_38 = arith.constant 125 : i32
    %add3A_39 = arith.addi %mul3A_37, %add3A_38 : i32
    "tpu.region"() ({
      %run_scoped3A = tpu.sem_alloc : memref<!tpu.dma_semaphore, #tpu.memory_space<semaphore_mem>>
      %dma_start3A_173 = arith.constant 0 : i32
      %dma_start3A_174 = tpu.memref_slice %arg11[%add3A_39, %dma_start3A_173] : memref<10000x128xf32, #tpu.memory_space<vmem_shared>> -> memref<25x128xf32, #tpu.memory_space<vmem_shared>>
      %dma_start3A_175 = arith.constant 0 : i32
      %dma_start3A_176 = tpu.memref_slice %arg11[%add3A_39, %dma_start3A_175] : memref<10000x128xf32, #tpu.memory_space<vmem_shared>> -> memref<25x128xf32, #tpu.memory_space<vmem_shared>>
      tpu.enqueue_dma source(%arg10 : memref<25x128xf32, #tpu.memory_space<vmem>>) target(%dma_start3A_176 : memref<25x128xf32, #tpu.memory_space<vmem_shared>>) target_semaphore(%run_scoped3A : memref<!tpu.dma_semaphore, #tpu.memory_space<semaphore_mem>>)
      %dma_wait3A_177 = arith.constant 0 : i32
      %dma_wait3A_178 = tpu.memref_slice %arg11[%add3A_39, %dma_wait3A_177] : memref<10000x128xf32, #tpu.memory_space<vmem_shared>> -> memref<25x128xf32, #tpu.memory_space<vmem_shared>>
      %dma_wait3A_179 = arith.constant 0 : i32
      %dma_wait3A_180 = tpu.memref_slice %arg11[%add3A_39, %dma_wait3A_179] : memref<10000x128xf32, #tpu.memory_space<vmem_shared>> -> memref<25x128xf32, #tpu.memory_space<vmem_shared>>
      tpu.wait_dma2 semaphore(%run_scoped3A : memref<!tpu.dma_semaphore, #tpu.memory_space<semaphore_mem>>) src(%arg10 : memref<25x128xf32, #tpu.memory_space<vmem>>) dst(%dma_wait3A_180 : memref<25x128xf32, #tpu.memory_space<vmem_shared>>)
      tpu.yield
    }) : () -> ()
    %mul3A_40 = arith.constant 625 : i32
    %mul3A_41 = arith.muli %arg1, %mul3A_40 : i32
    %add3A_42 = arith.constant 150 : i32
    %add3A_43 = arith.addi %mul3A_41, %add3A_42 : i32
    "tpu.region"() ({
      %run_scoped3A = tpu.sem_alloc : memref<!tpu.dma_semaphore, #tpu.memory_space<semaphore_mem>>
      %dma_start3A_173 = arith.constant 0 : i32
      %dma_start3A_174 = tpu.memref_slice %arg11[%add3A_43, %dma_start3A_173] : memref<10000x128xf32, #tpu.memory_space<vmem_shared>> -> memref<25x128xf32, #tpu.memory_space<vmem_shared>>
      %dma_start3A_175 = arith.constant 0 : i32
      %dma_start3A_176 = tpu.memref_slice %arg11[%add3A_43, %dma_start3A_175] : memref<10000x128xf32, #tpu.memory_space<vmem_shared>> -> memref<25x128xf32, #tpu.memory_space<vmem_shared>>
      tpu.enqueue_dma source(%arg10 : memref<25x128xf32, #tpu.memory_space<vmem>>) target(%dma_start3A_176 : memref<25x128xf32, #tpu.memory_space<vmem_shared>>) target_semaphore(%run_scoped3A : memref<!tpu.dma_semaphore, #tpu.memory_space<semaphore_mem>>)
      %dma_wait3A_177 = arith.constant 0 : i32
      %dma_wait3A_178 = tpu.memref_slice %arg11[%add3A_43, %dma_wait3A_177] : memref<10000x128xf32, #tpu.memory_space<vmem_shared>> -> memref<25x128xf32, #tpu.memory_space<vmem_shared>>
      %dma_wait3A_179 = arith.constant 0 : i32
      %dma_wait3A_180 = tpu.memref_slice %arg11[%add3A_43, %dma_wait3A_179] : memref<10000x128xf32, #tpu.memory_space<vmem_shared>> -> memref<25x128xf32, #tpu.memory_space<vmem_shared>>
      tpu.wait_dma2 semaphore(%run_scoped3A : memref<!tpu.dma_semaphore, #tpu.memory_space<semaphore_mem>>) src(%arg10 : memref<25x128xf32, #tpu.memory_space<vmem>>) dst(%dma_wait3A_180 : memref<25x128xf32, #tpu.memory_space<vmem_shared>>)
      tpu.yield
    }) : () -> ()
    %mul3A_44 = arith.constant 625 : i32
    %mul3A_45 = arith.muli %arg1, %mul3A_44 : i32
    %add3A_46 = arith.constant 175 : i32
    %add3A_47 = arith.addi %mul3A_45, %add3A_46 : i32
    "tpu.region"() ({
      %run_scoped3A = tpu.sem_alloc : memref<!tpu.dma_semaphore, #tpu.memory_space<semaphore_mem>>
      %dma_start3A_173 = arith.constant 0 : i32
      %dma_start3A_174 = tpu.memref_slice %arg11[%add3A_47, %dma_start3A_173] : memref<10000x128xf32, #tpu.memory_space<vmem_shared>> -> memref<25x128xf32, #tpu.memory_space<vmem_shared>>
      %dma_start3A_175 = arith.constant 0 : i32
      %dma_start3A_176 = tpu.memref_slice %arg11[%add3A_47, %dma_start3A_175] : memref<10000x128xf32, #tpu.memory_space<vmem_shared>> -> memref<25x128xf32, #tpu.memory_space<vmem_shared>>
      tpu.enqueue_dma source(%arg10 : memref<25x128xf32, #tpu.memory_space<vmem>>) target(%dma_start3A_176 : memref<25x128xf32, #tpu.memory_space<vmem_shared>>) target_semaphore(%run_scoped3A : memref<!tpu.dma_semaphore, #tpu.memory_space<semaphore_mem>>)
      %dma_wait3A_177 = arith.constant 0 : i32
      %dma_wait3A_178 = tpu.memref_slice %arg11[%add3A_47, %dma_wait3A_177] : memref<10000x128xf32, #tpu.memory_space<vmem_shared>> -> memref<25x128xf32, #tpu.memory_space<vmem_shared>>
      %dma_wait3A_179 = arith.constant 0 : i32
      %dma_wait3A_180 = tpu.memref_slice %arg11[%add3A_47, %dma_wait3A_179] : memref<10000x128xf32, #tpu.memory_space<vmem_shared>> -> memref<25x128xf32, #tpu.memory_space<vmem_shared>>
      tpu.wait_dma2 semaphore(%run_scoped3A : memref<!tpu.dma_semaphore, #tpu.memory_space<semaphore_mem>>) src(%arg10 : memref<25x128xf32, #tpu.memory_space<vmem>>) dst(%dma_wait3A_180 : memref<25x128xf32, #tpu.memory_space<vmem_shared>>)
      tpu.yield
    }) : () -> ()
    %mul3A_48 = arith.constant 625 : i32
    %mul3A_49 = arith.muli %arg1, %mul3A_48 : i32
    %add3A_50 = arith.constant 200 : i32
    %add3A_51 = arith.addi %mul3A_49, %add3A_50 : i32
    "tpu.region"() ({
      %run_scoped3A = tpu.sem_alloc : memref<!tpu.dma_semaphore, #tpu.memory_space<semaphore_mem>>
      %dma_start3A_173 = arith.constant 0 : i32
      %dma_start3A_174 = tpu.memref_slice %arg11[%add3A_51, %dma_start3A_173] : memref<10000x128xf32, #tpu.memory_space<vmem_shared>> -> memref<25x128xf32, #tpu.memory_space<vmem_shared>>
      %dma_start3A_175 = arith.constant 0 : i32
      %dma_start3A_176 = tpu.memref_slice %arg11[%add3A_51, %dma_start3A_175] : memref<10000x128xf32, #tpu.memory_space<vmem_shared>> -> memref<25x128xf32, #tpu.memory_space<vmem_shared>>
      tpu.enqueue_dma source(%arg10 : memref<25x128xf32, #tpu.memory_space<vmem>>) target(%dma_start3A_176 : memref<25x128xf32, #tpu.memory_space<vmem_shared>>) target_semaphore(%run_scoped3A : memref<!tpu.dma_semaphore, #tpu.memory_space<semaphore_mem>>)
      %dma_wait3A_177 = arith.constant 0 : i32
      %dma_wait3A_178 = tpu.memref_slice %arg11[%add3A_51, %dma_wait3A_177] : memref<10000x128xf32, #tpu.memory_space<vmem_shared>> -> memref<25x128xf32, #tpu.memory_space<vmem_shared>>
      %dma_wait3A_179 = arith.constant 0 : i32
      %dma_wait3A_180 = tpu.memref_slice %arg11[%add3A_51, %dma_wait3A_179] : memref<10000x128xf32, #tpu.memory_space<vmem_shared>> -> memref<25x128xf32, #tpu.memory_space<vmem_shared>>
      tpu.wait_dma2 semaphore(%run_scoped3A : memref<!tpu.dma_semaphore, #tpu.memory_space<semaphore_mem>>) src(%arg10 : memref<25x128xf32, #tpu.memory_space<vmem>>) dst(%dma_wait3A_180 : memref<25x128xf32, #tpu.memory_space<vmem_shared>>)
      tpu.yield
    }) : () -> ()
    %mul3A_52 = arith.constant 625 : i32
    %mul3A_53 = arith.muli %arg1, %mul3A_52 : i32
    %add3A_54 = arith.constant 225 : i32
    %add3A_55 = arith.addi %mul3A_53, %add3A_54 : i32
    "tpu.region"() ({
      %run_scoped3A = tpu.sem_alloc : memref<!tpu.dma_semaphore, #tpu.memory_space<semaphore_mem>>
      %dma_start3A_173 = arith.constant 0 : i32
      %dma_start3A_174 = tpu.memref_slice %arg11[%add3A_55, %dma_start3A_173] : memref<10000x128xf32, #tpu.memory_space<vmem_shared>> -> memref<25x128xf32, #tpu.memory_space<vmem_shared>>
      %dma_start3A_175 = arith.constant 0 : i32
      %dma_start3A_176 = tpu.memref_slice %arg11[%add3A_55, %dma_start3A_175] : memref<10000x128xf32, #tpu.memory_space<vmem_shared>> -> memref<25x128xf32, #tpu.memory_space<vmem_shared>>
      tpu.enqueue_dma source(%arg10 : memref<25x128xf32, #tpu.memory_space<vmem>>) target(%dma_start3A_176 : memref<25x128xf32, #tpu.memory_space<vmem_shared>>) target_semaphore(%run_scoped3A : memref<!tpu.dma_semaphore, #tpu.memory_space<semaphore_mem>>)
      %dma_wait3A_177 = arith.constant 0 : i32
      %dma_wait3A_178 = tpu.memref_slice %arg11[%add3A_55, %dma_wait3A_177] : memref<10000x128xf32, #tpu.memory_space<vmem_shared>> -> memref<25x128xf32, #tpu.memory_space<vmem_shared>>
      %dma_wait3A_179 = arith.constant 0 : i32
      %dma_wait3A_180 = tpu.memref_slice %arg11[%add3A_55, %dma_wait3A_179] : memref<10000x128xf32, #tpu.memory_space<vmem_shared>> -> memref<25x128xf32, #tpu.memory_space<vmem_shared>>
      tpu.wait_dma2 semaphore(%run_scoped3A : memref<!tpu.dma_semaphore, #tpu.memory_space<semaphore_mem>>) src(%arg10 : memref<25x128xf32, #tpu.memory_space<vmem>>) dst(%dma_wait3A_180 : memref<25x128xf32, #tpu.memory_space<vmem_shared>>)
      tpu.yield
    }) : () -> ()
    %mul3A_56 = arith.constant 625 : i32
    %mul3A_57 = arith.muli %arg1, %mul3A_56 : i32
    %add3A_58 = arith.constant 250 : i32
    %add3A_59 = arith.addi %mul3A_57, %add3A_58 : i32
    "tpu.region"() ({
      %run_scoped3A = tpu.sem_alloc : memref<!tpu.dma_semaphore, #tpu.memory_space<semaphore_mem>>
      %dma_start3A_173 = arith.constant 0 : i32
      %dma_start3A_174 = tpu.memref_slice %arg11[%add3A_59, %dma_start3A_173] : memref<10000x128xf32, #tpu.memory_space<vmem_shared>> -> memref<25x128xf32, #tpu.memory_space<vmem_shared>>
      %dma_start3A_175 = arith.constant 0 : i32
      %dma_start3A_176 = tpu.memref_slice %arg11[%add3A_59, %dma_start3A_175] : memref<10000x128xf32, #tpu.memory_space<vmem_shared>> -> memref<25x128xf32, #tpu.memory_space<vmem_shared>>
      tpu.enqueue_dma source(%arg10 : memref<25x128xf32, #tpu.memory_space<vmem>>) target(%dma_start3A_176 : memref<25x128xf32, #tpu.memory_space<vmem_shared>>) target_semaphore(%run_scoped3A : memref<!tpu.dma_semaphore, #tpu.memory_space<semaphore_mem>>)
      %dma_wait3A_177 = arith.constant 0 : i32
      %dma_wait3A_178 = tpu.memref_slice %arg11[%add3A_59, %dma_wait3A_177] : memref<10000x128xf32, #tpu.memory_space<vmem_shared>> -> memref<25x128xf32, #tpu.memory_space<vmem_shared>>
      %dma_wait3A_179 = arith.constant 0 : i32
      %dma_wait3A_180 = tpu.memref_slice %arg11[%add3A_59, %dma_wait3A_179] : memref<10000x128xf32, #tpu.memory_space<vmem_shared>> -> memref<25x128xf32, #tpu.memory_space<vmem_shared>>
      tpu.wait_dma2 semaphore(%run_scoped3A : memref<!tpu.dma_semaphore, #tpu.memory_space<semaphore_mem>>) src(%arg10 : memref<25x128xf32, #tpu.memory_space<vmem>>) dst(%dma_wait3A_180 : memref<25x128xf32, #tpu.memory_space<vmem_shared>>)
      tpu.yield
    }) : () -> ()
    %mul3A_60 = arith.constant 625 : i32
    %mul3A_61 = arith.muli %arg1, %mul3A_60 : i32
    %add3A_62 = arith.constant 275 : i32
    %add3A_63 = arith.addi %mul3A_61, %add3A_62 : i32
    "tpu.region"() ({
      %run_scoped3A = tpu.sem_alloc : memref<!tpu.dma_semaphore, #tpu.memory_space<semaphore_mem>>
      %dma_start3A_173 = arith.constant 0 : i32
      %dma_start3A_174 = tpu.memref_slice %arg11[%add3A_63, %dma_start3A_173] : memref<10000x128xf32, #tpu.memory_space<vmem_shared>> -> memref<25x128xf32, #tpu.memory_space<vmem_shared>>
      %dma_start3A_175 = arith.constant 0 : i32
      %dma_start3A_176 = tpu.memref_slice %arg11[%add3A_63, %dma_start3A_175] : memref<10000x128xf32, #tpu.memory_space<vmem_shared>> -> memref<25x128xf32, #tpu.memory_space<vmem_shared>>
      tpu.enqueue_dma source(%arg10 : memref<25x128xf32, #tpu.memory_space<vmem>>) target(%dma_start3A_176 : memref<25x128xf32, #tpu.memory_space<vmem_shared>>) target_semaphore(%run_scoped3A : memref<!tpu.dma_semaphore, #tpu.memory_space<semaphore_mem>>)
      %dma_wait3A_177 = arith.constant 0 : i32
      %dma_wait3A_178 = tpu.memref_slice %arg11[%add3A_63, %dma_wait3A_177] : memref<10000x128xf32, #tpu.memory_space<vmem_shared>> -> memref<25x128xf32, #tpu.memory_space<vmem_shared>>
      %dma_wait3A_179 = arith.constant 0 : i32
      %dma_wait3A_180 = tpu.memref_slice %arg11[%add3A_63, %dma_wait3A_179] : memref<10000x128xf32, #tpu.memory_space<vmem_shared>> -> memref<25x128xf32, #tpu.memory_space<vmem_shared>>
      tpu.wait_dma2 semaphore(%run_scoped3A : memref<!tpu.dma_semaphore, #tpu.memory_space<semaphore_mem>>) src(%arg10 : memref<25x128xf32, #tpu.memory_space<vmem>>) dst(%dma_wait3A_180 : memref<25x128xf32, #tpu.memory_space<vmem_shared>>)
      tpu.yield
    }) : () -> ()
    %mul3A_64 = arith.constant 625 : i32
    %mul3A_65 = arith.muli %arg1, %mul3A_64 : i32
    %add3A_66 = arith.constant 300 : i32
    %add3A_67 = arith.addi %mul3A_65, %add3A_66 : i32
    "tpu.region"() ({
      %run_scoped3A = tpu.sem_alloc : memref<!tpu.dma_semaphore, #tpu.memory_space<semaphore_mem>>
      %dma_start3A_173 = arith.constant 0 : i32
      %dma_start3A_174 = tpu.memref_slice %arg11[%add3A_67, %dma_start3A_173] : memref<10000x128xf32, #tpu.memory_space<vmem_shared>> -> memref<25x128xf32, #tpu.memory_space<vmem_shared>>
      %dma_start3A_175 = arith.constant 0 : i32
      %dma_start3A_176 = tpu.memref_slice %arg11[%add3A_67, %dma_start3A_175] : memref<10000x128xf32, #tpu.memory_space<vmem_shared>> -> memref<25x128xf32, #tpu.memory_space<vmem_shared>>
      tpu.enqueue_dma source(%arg10 : memref<25x128xf32, #tpu.memory_space<vmem>>) target(%dma_start3A_176 : memref<25x128xf32, #tpu.memory_space<vmem_shared>>) target_semaphore(%run_scoped3A : memref<!tpu.dma_semaphore, #tpu.memory_space<semaphore_mem>>)
      %dma_wait3A_177 = arith.constant 0 : i32
      %dma_wait3A_178 = tpu.memref_slice %arg11[%add3A_67, %dma_wait3A_177] : memref<10000x128xf32, #tpu.memory_space<vmem_shared>> -> memref<25x128xf32, #tpu.memory_space<vmem_shared>>
      %dma_wait3A_179 = arith.constant 0 : i32
      %dma_wait3A_180 = tpu.memref_slice %arg11[%add3A_67, %dma_wait3A_179] : memref<10000x128xf32, #tpu.memory_space<vmem_shared>> -> memref<25x128xf32, #tpu.memory_space<vmem_shared>>
      tpu.wait_dma2 semaphore(%run_scoped3A : memref<!tpu.dma_semaphore, #tpu.memory_space<semaphore_mem>>) src(%arg10 : memref<25x128xf32, #tpu.memory_space<vmem>>) dst(%dma_wait3A_180 : memref<25x128xf32, #tpu.memory_space<vmem_shared>>)
      tpu.yield
    }) : () -> ()
    %mul3A_68 = arith.constant 625 : i32
    %mul3A_69 = arith.muli %arg1, %mul3A_68 : i32
    %add3A_70 = arith.constant 325 : i32
    %add3A_71 = arith.addi %mul3A_69, %add3A_70 : i32
    "tpu.region"() ({
      %run_scoped3A = tpu.sem_alloc : memref<!tpu.dma_semaphore, #tpu.memory_space<semaphore_mem>>
      %dma_start3A_173 = arith.constant 0 : i32
      %dma_start3A_174 = tpu.memref_slice %arg11[%add3A_71, %dma_start3A_173] : memref<10000x128xf32, #tpu.memory_space<vmem_shared>> -> memref<25x128xf32, #tpu.memory_space<vmem_shared>>
      %dma_start3A_175 = arith.constant 0 : i32
      %dma_start3A_176 = tpu.memref_slice %arg11[%add3A_71, %dma_start3A_175] : memref<10000x128xf32, #tpu.memory_space<vmem_shared>> -> memref<25x128xf32, #tpu.memory_space<vmem_shared>>
      tpu.enqueue_dma source(%arg10 : memref<25x128xf32, #tpu.memory_space<vmem>>) target(%dma_start3A_176 : memref<25x128xf32, #tpu.memory_space<vmem_shared>>) target_semaphore(%run_scoped3A : memref<!tpu.dma_semaphore, #tpu.memory_space<semaphore_mem>>)
      %dma_wait3A_177 = arith.constant 0 : i32
      %dma_wait3A_178 = tpu.memref_slice %arg11[%add3A_71, %dma_wait3A_177] : memref<10000x128xf32, #tpu.memory_space<vmem_shared>> -> memref<25x128xf32, #tpu.memory_space<vmem_shared>>
      %dma_wait3A_179 = arith.constant 0 : i32
      %dma_wait3A_180 = tpu.memref_slice %arg11[%add3A_71, %dma_wait3A_179] : memref<10000x128xf32, #tpu.memory_space<vmem_shared>> -> memref<25x128xf32, #tpu.memory_space<vmem_shared>>
      tpu.wait_dma2 semaphore(%run_scoped3A : memref<!tpu.dma_semaphore, #tpu.memory_space<semaphore_mem>>) src(%arg10 : memref<25x128xf32, #tpu.memory_space<vmem>>) dst(%dma_wait3A_180 : memref<25x128xf32, #tpu.memory_space<vmem_shared>>)
      tpu.yield
    }) : () -> ()
    %mul3A_72 = arith.constant 625 : i32
    %mul3A_73 = arith.muli %arg1, %mul3A_72 : i32
    %add3A_74 = arith.constant 350 : i32
    %add3A_75 = arith.addi %mul3A_73, %add3A_74 : i32
    "tpu.region"() ({
      %run_scoped3A = tpu.sem_alloc : memref<!tpu.dma_semaphore, #tpu.memory_space<semaphore_mem>>
      %dma_start3A_173 = arith.constant 0 : i32
      %dma_start3A_174 = tpu.memref_slice %arg11[%add3A_75, %dma_start3A_173] : memref<10000x128xf32, #tpu.memory_space<vmem_shared>> -> memref<25x128xf32, #tpu.memory_space<vmem_shared>>
      %dma_start3A_175 = arith.constant 0 : i32
      %dma_start3A_176 = tpu.memref_slice %arg11[%add3A_75, %dma_start3A_175] : memref<10000x128xf32, #tpu.memory_space<vmem_shared>> -> memref<25x128xf32, #tpu.memory_space<vmem_shared>>
      tpu.enqueue_dma source(%arg10 : memref<25x128xf32, #tpu.memory_space<vmem>>) target(%dma_start3A_176 : memref<25x128xf32, #tpu.memory_space<vmem_shared>>) target_semaphore(%run_scoped3A : memref<!tpu.dma_semaphore, #tpu.memory_space<semaphore_mem>>)
      %dma_wait3A_177 = arith.constant 0 : i32
      %dma_wait3A_178 = tpu.memref_slice %arg11[%add3A_75, %dma_wait3A_177] : memref<10000x128xf32, #tpu.memory_space<vmem_shared>> -> memref<25x128xf32, #tpu.memory_space<vmem_shared>>
      %dma_wait3A_179 = arith.constant 0 : i32
      %dma_wait3A_180 = tpu.memref_slice %arg11[%add3A_75, %dma_wait3A_179] : memref<10000x128xf32, #tpu.memory_space<vmem_shared>> -> memref<25x128xf32, #tpu.memory_space<vmem_shared>>
      tpu.wait_dma2 semaphore(%run_scoped3A : memref<!tpu.dma_semaphore, #tpu.memory_space<semaphore_mem>>) src(%arg10 : memref<25x128xf32, #tpu.memory_space<vmem>>) dst(%dma_wait3A_180 : memref<25x128xf32, #tpu.memory_space<vmem_shared>>)
      tpu.yield
    }) : () -> ()
    %mul3A_76 = arith.constant 625 : i32
    %mul3A_77 = arith.muli %arg1, %mul3A_76 : i32
    %add3A_78 = arith.constant 375 : i32
    %add3A_79 = arith.addi %mul3A_77, %add3A_78 : i32
    "tpu.region"() ({
      %run_scoped3A = tpu.sem_alloc : memref<!tpu.dma_semaphore, #tpu.memory_space<semaphore_mem>>
      %dma_start3A_173 = arith.constant 0 : i32
      %dma_start3A_174 = tpu.memref_slice %arg11[%add3A_79, %dma_start3A_173] : memref<10000x128xf32, #tpu.memory_space<vmem_shared>> -> memref<25x128xf32, #tpu.memory_space<vmem_shared>>
      %dma_start3A_175 = arith.constant 0 : i32
      %dma_start3A_176 = tpu.memref_slice %arg11[%add3A_79, %dma_start3A_175] : memref<10000x128xf32, #tpu.memory_space<vmem_shared>> -> memref<25x128xf32, #tpu.memory_space<vmem_shared>>
      tpu.enqueue_dma source(%arg10 : memref<25x128xf32, #tpu.memory_space<vmem>>) target(%dma_start3A_176 : memref<25x128xf32, #tpu.memory_space<vmem_shared>>) target_semaphore(%run_scoped3A : memref<!tpu.dma_semaphore, #tpu.memory_space<semaphore_mem>>)
      %dma_wait3A_177 = arith.constant 0 : i32
      %dma_wait3A_178 = tpu.memref_slice %arg11[%add3A_79, %dma_wait3A_177] : memref<10000x128xf32, #tpu.memory_space<vmem_shared>> -> memref<25x128xf32, #tpu.memory_space<vmem_shared>>
      %dma_wait3A_179 = arith.constant 0 : i32
      %dma_wait3A_180 = tpu.memref_slice %arg11[%add3A_79, %dma_wait3A_179] : memref<10000x128xf32, #tpu.memory_space<vmem_shared>> -> memref<25x128xf32, #tpu.memory_space<vmem_shared>>
      tpu.wait_dma2 semaphore(%run_scoped3A : memref<!tpu.dma_semaphore, #tpu.memory_space<semaphore_mem>>) src(%arg10 : memref<25x128xf32, #tpu.memory_space<vmem>>) dst(%dma_wait3A_180 : memref<25x128xf32, #tpu.memory_space<vmem_shared>>)
      tpu.yield
    }) : () -> ()
    %mul3A_80 = arith.constant 625 : i32
    %mul3A_81 = arith.muli %arg1, %mul3A_80 : i32
    %add3A_82 = arith.constant 400 : i32
    %add3A_83 = arith.addi %mul3A_81, %add3A_82 : i32
    "tpu.region"() ({
      %run_scoped3A = tpu.sem_alloc : memref<!tpu.dma_semaphore, #tpu.memory_space<semaphore_mem>>
      %dma_start3A_173 = arith.constant 0 : i32
      %dma_start3A_174 = tpu.memref_slice %arg11[%add3A_83, %dma_start3A_173] : memref<10000x128xf32, #tpu.memory_space<vmem_shared>> -> memref<25x128xf32, #tpu.memory_space<vmem_shared>>
      %dma_start3A_175 = arith.constant 0 : i32
      %dma_start3A_176 = tpu.memref_slice %arg11[%add3A_83, %dma_start3A_175] : memref<10000x128xf32, #tpu.memory_space<vmem_shared>> -> memref<25x128xf32, #tpu.memory_space<vmem_shared>>
      tpu.enqueue_dma source(%arg10 : memref<25x128xf32, #tpu.memory_space<vmem>>) target(%dma_start3A_176 : memref<25x128xf32, #tpu.memory_space<vmem_shared>>) target_semaphore(%run_scoped3A : memref<!tpu.dma_semaphore, #tpu.memory_space<semaphore_mem>>)
      %dma_wait3A_177 = arith.constant 0 : i32
      %dma_wait3A_178 = tpu.memref_slice %arg11[%add3A_83, %dma_wait3A_177] : memref<10000x128xf32, #tpu.memory_space<vmem_shared>> -> memref<25x128xf32, #tpu.memory_space<vmem_shared>>
      %dma_wait3A_179 = arith.constant 0 : i32
      %dma_wait3A_180 = tpu.memref_slice %arg11[%add3A_83, %dma_wait3A_179] : memref<10000x128xf32, #tpu.memory_space<vmem_shared>> -> memref<25x128xf32, #tpu.memory_space<vmem_shared>>
      tpu.wait_dma2 semaphore(%run_scoped3A : memref<!tpu.dma_semaphore, #tpu.memory_space<semaphore_mem>>) src(%arg10 : memref<25x128xf32, #tpu.memory_space<vmem>>) dst(%dma_wait3A_180 : memref<25x128xf32, #tpu.memory_space<vmem_shared>>)
      tpu.yield
    }) : () -> ()
    %mul3A_84 = arith.constant 625 : i32
    %mul3A_85 = arith.muli %arg1, %mul3A_84 : i32
    %add3A_86 = arith.constant 425 : i32
    %add3A_87 = arith.addi %mul3A_85, %add3A_86 : i32
    "tpu.region"() ({
      %run_scoped3A = tpu.sem_alloc : memref<!tpu.dma_semaphore, #tpu.memory_space<semaphore_mem>>
      %dma_start3A_173 = arith.constant 0 : i32
      %dma_start3A_174 = tpu.memref_slice %arg11[%add3A_87, %dma_start3A_173] : memref<10000x128xf32, #tpu.memory_space<vmem_shared>> -> memref<25x128xf32, #tpu.memory_space<vmem_shared>>
      %dma_start3A_175 = arith.constant 0 : i32
      %dma_start3A_176 = tpu.memref_slice %arg11[%add3A_87, %dma_start3A_175] : memref<10000x128xf32, #tpu.memory_space<vmem_shared>> -> memref<25x128xf32, #tpu.memory_space<vmem_shared>>
      tpu.enqueue_dma source(%arg10 : memref<25x128xf32, #tpu.memory_space<vmem>>) target(%dma_start3A_176 : memref<25x128xf32, #tpu.memory_space<vmem_shared>>) target_semaphore(%run_scoped3A : memref<!tpu.dma_semaphore, #tpu.memory_space<semaphore_mem>>)
      %dma_wait3A_177 = arith.constant 0 : i32
      %dma_wait3A_178 = tpu.memref_slice %arg11[%add3A_87, %dma_wait3A_177] : memref<10000x128xf32, #tpu.memory_space<vmem_shared>> -> memref<25x128xf32, #tpu.memory_space<vmem_shared>>
      %dma_wait3A_179 = arith.constant 0 : i32
      %dma_wait3A_180 = tpu.memref_slice %arg11[%add3A_87, %dma_wait3A_179] : memref<10000x128xf32, #tpu.memory_space<vmem_shared>> -> memref<25x128xf32, #tpu.memory_space<vmem_shared>>
      tpu.wait_dma2 semaphore(%run_scoped3A : memref<!tpu.dma_semaphore, #tpu.memory_space<semaphore_mem>>) src(%arg10 : memref<25x128xf32, #tpu.memory_space<vmem>>) dst(%dma_wait3A_180 : memref<25x128xf32, #tpu.memory_space<vmem_shared>>)
      tpu.yield
    }) : () -> ()
    %mul3A_88 = arith.constant 625 : i32
    %mul3A_89 = arith.muli %arg1, %mul3A_88 : i32
    %add3A_90 = arith.constant 450 : i32
    %add3A_91 = arith.addi %mul3A_89, %add3A_90 : i32
    "tpu.region"() ({
      %run_scoped3A = tpu.sem_alloc : memref<!tpu.dma_semaphore, #tpu.memory_space<semaphore_mem>>
      %dma_start3A_173 = arith.constant 0 : i32
      %dma_start3A_174 = tpu.memref_slice %arg11[%add3A_91, %dma_start3A_173] : memref<10000x128xf32, #tpu.memory_space<vmem_shared>> -> memref<25x128xf32, #tpu.memory_space<vmem_shared>>
      %dma_start3A_175 = arith.constant 0 : i32
      %dma_start3A_176 = tpu.memref_slice %arg11[%add3A_91, %dma_start3A_175] : memref<10000x128xf32, #tpu.memory_space<vmem_shared>> -> memref<25x128xf32, #tpu.memory_space<vmem_shared>>
      tpu.enqueue_dma source(%arg10 : memref<25x128xf32, #tpu.memory_space<vmem>>) target(%dma_start3A_176 : memref<25x128xf32, #tpu.memory_space<vmem_shared>>) target_semaphore(%run_scoped3A : memref<!tpu.dma_semaphore, #tpu.memory_space<semaphore_mem>>)
      %dma_wait3A_177 = arith.constant 0 : i32
      %dma_wait3A_178 = tpu.memref_slice %arg11[%add3A_91, %dma_wait3A_177] : memref<10000x128xf32, #tpu.memory_space<vmem_shared>> -> memref<25x128xf32, #tpu.memory_space<vmem_shared>>
      %dma_wait3A_179 = arith.constant 0 : i32
      %dma_wait3A_180 = tpu.memref_slice %arg11[%add3A_91, %dma_wait3A_179] : memref<10000x128xf32, #tpu.memory_space<vmem_shared>> -> memref<25x128xf32, #tpu.memory_space<vmem_shared>>
      tpu.wait_dma2 semaphore(%run_scoped3A : memref<!tpu.dma_semaphore, #tpu.memory_space<semaphore_mem>>) src(%arg10 : memref<25x128xf32, #tpu.memory_space<vmem>>) dst(%dma_wait3A_180 : memref<25x128xf32, #tpu.memory_space<vmem_shared>>)
      tpu.yield
    }) : () -> ()
    %mul3A_92 = arith.constant 625 : i32
    %mul3A_93 = arith.muli %arg1, %mul3A_92 : i32
    %add3A_94 = arith.constant 475 : i32
    %add3A_95 = arith.addi %mul3A_93, %add3A_94 : i32
    "tpu.region"() ({
      %run_scoped3A = tpu.sem_alloc : memref<!tpu.dma_semaphore, #tpu.memory_space<semaphore_mem>>
      %dma_start3A_173 = arith.constant 0 : i32
      %dma_start3A_174 = tpu.memref_slice %arg11[%add3A_95, %dma_start3A_173] : memref<10000x128xf32, #tpu.memory_space<vmem_shared>> -> memref<25x128xf32, #tpu.memory_space<vmem_shared>>
      %dma_start3A_175 = arith.constant 0 : i32
      %dma_start3A_176 = tpu.memref_slice %arg11[%add3A_95, %dma_start3A_175] : memref<10000x128xf32, #tpu.memory_space<vmem_shared>> -> memref<25x128xf32, #tpu.memory_space<vmem_shared>>
      tpu.enqueue_dma source(%arg10 : memref<25x128xf32, #tpu.memory_space<vmem>>) target(%dma_start3A_176 : memref<25x128xf32, #tpu.memory_space<vmem_shared>>) target_semaphore(%run_scoped3A : memref<!tpu.dma_semaphore, #tpu.memory_space<semaphore_mem>>)
      %dma_wait3A_177 = arith.constant 0 : i32
      %dma_wait3A_178 = tpu.memref_slice %arg11[%add3A_95, %dma_wait3A_177] : memref<10000x128xf32, #tpu.memory_space<vmem_shared>> -> memref<25x128xf32, #tpu.memory_space<vmem_shared>>
      %dma_wait3A_179 = arith.constant 0 : i32
      %dma_wait3A_180 = tpu.memref_slice %arg11[%add3A_95, %dma_wait3A_179] : memref<10000x128xf32, #tpu.memory_space<vmem_shared>> -> memref<25x128xf32, #tpu.memory_space<vmem_shared>>
      tpu.wait_dma2 semaphore(%run_scoped3A : memref<!tpu.dma_semaphore, #tpu.memory_space<semaphore_mem>>) src(%arg10 : memref<25x128xf32, #tpu.memory_space<vmem>>) dst(%dma_wait3A_180 : memref<25x128xf32, #tpu.memory_space<vmem_shared>>)
      tpu.yield
    }) : () -> ()
    %mul3A_96 = arith.constant 625 : i32
    %mul3A_97 = arith.muli %arg1, %mul3A_96 : i32
    %add3A_98 = arith.constant 500 : i32
    %add3A_99 = arith.addi %mul3A_97, %add3A_98 : i32
    "tpu.region"() ({
      %run_scoped3A = tpu.sem_alloc : memref<!tpu.dma_semaphore, #tpu.memory_space<semaphore_mem>>
      %dma_start3A_173 = arith.constant 0 : i32
      %dma_start3A_174 = tpu.memref_slice %arg11[%add3A_99, %dma_start3A_173] : memref<10000x128xf32, #tpu.memory_space<vmem_shared>> -> memref<25x128xf32, #tpu.memory_space<vmem_shared>>
      %dma_start3A_175 = arith.constant 0 : i32
      %dma_start3A_176 = tpu.memref_slice %arg11[%add3A_99, %dma_start3A_175] : memref<10000x128xf32, #tpu.memory_space<vmem_shared>> -> memref<25x128xf32, #tpu.memory_space<vmem_shared>>
      tpu.enqueue_dma source(%arg10 : memref<25x128xf32, #tpu.memory_space<vmem>>) target(%dma_start3A_176 : memref<25x128xf32, #tpu.memory_space<vmem_shared>>) target_semaphore(%run_scoped3A : memref<!tpu.dma_semaphore, #tpu.memory_space<semaphore_mem>>)
      %dma_wait3A_177 = arith.constant 0 : i32
      %dma_wait3A_178 = tpu.memref_slice %arg11[%add3A_99, %dma_wait3A_177] : memref<10000x128xf32, #tpu.memory_space<vmem_shared>> -> memref<25x128xf32, #tpu.memory_space<vmem_shared>>
      %dma_wait3A_179 = arith.constant 0 : i32
      %dma_wait3A_180 = tpu.memref_slice %arg11[%add3A_99, %dma_wait3A_179] : memref<10000x128xf32, #tpu.memory_space<vmem_shared>> -> memref<25x128xf32, #tpu.memory_space<vmem_shared>>
      tpu.wait_dma2 semaphore(%run_scoped3A : memref<!tpu.dma_semaphore, #tpu.memory_space<semaphore_mem>>) src(%arg10 : memref<25x128xf32, #tpu.memory_space<vmem>>) dst(%dma_wait3A_180 : memref<25x128xf32, #tpu.memory_space<vmem_shared>>)
      tpu.yield
    }) : () -> ()
    %mul3A_100 = arith.constant 625 : i32
    %mul3A_101 = arith.muli %arg1, %mul3A_100 : i32
    %add3A_102 = arith.constant 525 : i32
    %add3A_103 = arith.addi %mul3A_101, %add3A_102 : i32
    "tpu.region"() ({
      %run_scoped3A = tpu.sem_alloc : memref<!tpu.dma_semaphore, #tpu.memory_space<semaphore_mem>>
      %dma_start3A_173 = arith.constant 0 : i32
      %dma_start3A_174 = tpu.memref_slice %arg11[%add3A_103, %dma_start3A_173] : memref<10000x128xf32, #tpu.memory_space<vmem_shared>> -> memref<25x128xf32, #tpu.memory_space<vmem_shared>>
      %dma_start3A_175 = arith.constant 0 : i32
      %dma_start3A_176 = tpu.memref_slice %arg11[%add3A_103, %dma_start3A_175] : memref<10000x128xf32, #tpu.memory_space<vmem_shared>> -> memref<25x128xf32, #tpu.memory_space<vmem_shared>>
      tpu.enqueue_dma source(%arg10 : memref<25x128xf32, #tpu.memory_space<vmem>>) target(%dma_start3A_176 : memref<25x128xf32, #tpu.memory_space<vmem_shared>>) target_semaphore(%run_scoped3A : memref<!tpu.dma_semaphore, #tpu.memory_space<semaphore_mem>>)
      %dma_wait3A_177 = arith.constant 0 : i32
      %dma_wait3A_178 = tpu.memref_slice %arg11[%add3A_103, %dma_wait3A_177] : memref<10000x128xf32, #tpu.memory_space<vmem_shared>> -> memref<25x128xf32, #tpu.memory_space<vmem_shared>>
      %dma_wait3A_179 = arith.constant 0 : i32
      %dma_wait3A_180 = tpu.memref_slice %arg11[%add3A_103, %dma_wait3A_179] : memref<10000x128xf32, #tpu.memory_space<vmem_shared>> -> memref<25x128xf32, #tpu.memory_space<vmem_shared>>
      tpu.wait_dma2 semaphore(%run_scoped3A : memref<!tpu.dma_semaphore, #tpu.memory_space<semaphore_mem>>) src(%arg10 : memref<25x128xf32, #tpu.memory_space<vmem>>) dst(%dma_wait3A_180 : memref<25x128xf32, #tpu.memory_space<vmem_shared>>)
      tpu.yield
    }) : () -> ()
    %mul3A_104 = arith.constant 625 : i32
    %mul3A_105 = arith.muli %arg1, %mul3A_104 : i32
    %add3A_106 = arith.constant 550 : i32
    %add3A_107 = arith.addi %mul3A_105, %add3A_106 : i32
    "tpu.region"() ({
      %run_scoped3A = tpu.sem_alloc : memref<!tpu.dma_semaphore, #tpu.memory_space<semaphore_mem>>
      %dma_start3A_173 = arith.constant 0 : i32
      %dma_start3A_174 = tpu.memref_slice %arg11[%add3A_107, %dma_start3A_173] : memref<10000x128xf32, #tpu.memory_space<vmem_shared>> -> memref<25x128xf32, #tpu.memory_space<vmem_shared>>
      %dma_start3A_175 = arith.constant 0 : i32
      %dma_start3A_176 = tpu.memref_slice %arg11[%add3A_107, %dma_start3A_175] : memref<10000x128xf32, #tpu.memory_space<vmem_shared>> -> memref<25x128xf32, #tpu.memory_space<vmem_shared>>
      tpu.enqueue_dma source(%arg10 : memref<25x128xf32, #tpu.memory_space<vmem>>) target(%dma_start3A_176 : memref<25x128xf32, #tpu.memory_space<vmem_shared>>) target_semaphore(%run_scoped3A : memref<!tpu.dma_semaphore, #tpu.memory_space<semaphore_mem>>)
      %dma_wait3A_177 = arith.constant 0 : i32
      %dma_wait3A_178 = tpu.memref_slice %arg11[%add3A_107, %dma_wait3A_177] : memref<10000x128xf32, #tpu.memory_space<vmem_shared>> -> memref<25x128xf32, #tpu.memory_space<vmem_shared>>
      %dma_wait3A_179 = arith.constant 0 : i32
      %dma_wait3A_180 = tpu.memref_slice %arg11[%add3A_107, %dma_wait3A_179] : memref<10000x128xf32, #tpu.memory_space<vmem_shared>> -> memref<25x128xf32, #tpu.memory_space<vmem_shared>>
      tpu.wait_dma2 semaphore(%run_scoped3A : memref<!tpu.dma_semaphore, #tpu.memory_space<semaphore_mem>>) src(%arg10 : memref<25x128xf32, #tpu.memory_space<vmem>>) dst(%dma_wait3A_180 : memref<25x128xf32, #tpu.memory_space<vmem_shared>>)
      tpu.yield
    }) : () -> ()
    %mul3A_108 = arith.constant 625 : i32
    %mul3A_109 = arith.muli %arg1, %mul3A_108 : i32
    %add3A_110 = arith.constant 575 : i32
    %add3A_111 = arith.addi %mul3A_109, %add3A_110 : i32
    "tpu.region"() ({
      %run_scoped3A = tpu.sem_alloc : memref<!tpu.dma_semaphore, #tpu.memory_space<semaphore_mem>>
      %dma_start3A_173 = arith.constant 0 : i32
      %dma_start3A_174 = tpu.memref_slice %arg11[%add3A_111, %dma_start3A_173] : memref<10000x128xf32, #tpu.memory_space<vmem_shared>> -> memref<25x128xf32, #tpu.memory_space<vmem_shared>>
      %dma_start3A_175 = arith.constant 0 : i32
      %dma_start3A_176 = tpu.memref_slice %arg11[%add3A_111, %dma_start3A_175] : memref<10000x128xf32, #tpu.memory_space<vmem_shared>> -> memref<25x128xf32, #tpu.memory_space<vmem_shared>>
      tpu.enqueue_dma source(%arg10 : memref<25x128xf32, #tpu.memory_space<vmem>>) target(%dma_start3A_176 : memref<25x128xf32, #tpu.memory_space<vmem_shared>>) target_semaphore(%run_scoped3A : memref<!tpu.dma_semaphore, #tpu.memory_space<semaphore_mem>>)
      %dma_wait3A_177 = arith.constant 0 : i32
      %dma_wait3A_178 = tpu.memref_slice %arg11[%add3A_111, %dma_wait3A_177] : memref<10000x128xf32, #tpu.memory_space<vmem_shared>> -> memref<25x128xf32, #tpu.memory_space<vmem_shared>>
      %dma_wait3A_179 = arith.constant 0 : i32
      %dma_wait3A_180 = tpu.memref_slice %arg11[%add3A_111, %dma_wait3A_179] : memref<10000x128xf32, #tpu.memory_space<vmem_shared>> -> memref<25x128xf32, #tpu.memory_space<vmem_shared>>
      tpu.wait_dma2 semaphore(%run_scoped3A : memref<!tpu.dma_semaphore, #tpu.memory_space<semaphore_mem>>) src(%arg10 : memref<25x128xf32, #tpu.memory_space<vmem>>) dst(%dma_wait3A_180 : memref<25x128xf32, #tpu.memory_space<vmem_shared>>)
      tpu.yield
    }) : () -> ()
    %mul3A_112 = arith.constant 625 : i32
    %mul3A_113 = arith.muli %arg1, %mul3A_112 : i32
    %add3A_114 = arith.constant 600 : i32
    %add3A_115 = arith.addi %mul3A_113, %add3A_114 : i32
    "tpu.region"() ({
      %run_scoped3A = tpu.sem_alloc : memref<!tpu.dma_semaphore, #tpu.memory_space<semaphore_mem>>
      %dma_start3A_173 = arith.constant 0 : i32
      %dma_start3A_174 = tpu.memref_slice %arg11[%add3A_115, %dma_start3A_173] : memref<10000x128xf32, #tpu.memory_space<vmem_shared>> -> memref<25x128xf32, #tpu.memory_space<vmem_shared>>
      %dma_start3A_175 = arith.constant 0 : i32
      %dma_start3A_176 = tpu.memref_slice %arg11[%add3A_115, %dma_start3A_175] : memref<10000x128xf32, #tpu.memory_space<vmem_shared>> -> memref<25x128xf32, #tpu.memory_space<vmem_shared>>
      tpu.enqueue_dma source(%arg10 : memref<25x128xf32, #tpu.memory_space<vmem>>) target(%dma_start3A_176 : memref<25x128xf32, #tpu.memory_space<vmem_shared>>) target_semaphore(%run_scoped3A : memref<!tpu.dma_semaphore, #tpu.memory_space<semaphore_mem>>)
      %dma_wait3A_177 = arith.constant 0 : i32
      %dma_wait3A_178 = tpu.memref_slice %arg11[%add3A_115, %dma_wait3A_177] : memref<10000x128xf32, #tpu.memory_space<vmem_shared>> -> memref<25x128xf32, #tpu.memory_space<vmem_shared>>
      %dma_wait3A_179 = arith.constant 0 : i32
      %dma_wait3A_180 = tpu.memref_slice %arg11[%add3A_115, %dma_wait3A_179] : memref<10000x128xf32, #tpu.memory_space<vmem_shared>> -> memref<25x128xf32, #tpu.memory_space<vmem_shared>>
      tpu.wait_dma2 semaphore(%run_scoped3A : memref<!tpu.dma_semaphore, #tpu.memory_space<semaphore_mem>>) src(%arg10 : memref<25x128xf32, #tpu.memory_space<vmem>>) dst(%dma_wait3A_180 : memref<25x128xf32, #tpu.memory_space<vmem_shared>>)
      tpu.yield
    }) : () -> ()
    %barrier3A = arith.constant 0 : index
    tpu.barrier barrier_id(%barrier3A)
    %scan3A_116 = arith.constant 0 : i32
    %scan3A_117 = arith.constant 0 : i32
    %scan3A_118 = arith.constant 20 : i32
    %scan3A_119 = arith.addi %scan3A_117, %scan3A_118 : i32
    %scan3A_120 = arith.constant 1 : i32
    scf.for %scan3A_173 = %scan3A_117 to %scan3A_119 step %scan3A_120  : i32 {
      %mul3A_174 = arith.constant 2 : i32
      %mul3A_175 = arith.muli %scan3A_173, %mul3A_174 : i32
      %add3A_176 = arith.constant 0 : i32
      %add3A_177 = arith.addi %mul3A_175, %add3A_176 : i32
      %add3A_178 = arith.constant 1 : i32
      %add3A_179 = arith.addi %add3A_177, %add3A_178 : i32
      %lt3A_180 = arith.constant 40 : i32
      %lt3A_181 = arith.cmpi slt, %add3A_179, %lt3A_180 : i32
      %convert_element_type3A_182 = arith.extui %lt3A_181 : i1 to i32
      %cond3A_183 = arith.constant 0 : i32
      %cond3A_184 = arith.cmpi ne, %convert_element_type3A_182, %cond3A_183 : i32
      scf.if %cond3A_184 {
        %ge3A = arith.constant 1 : i32
        %ge3A_220 = arith.cmpi sge, %add3A_177, %ge3A : i32
        %convert_element_type3A_221 = arith.extui %ge3A_220 : i1 to i32
        %cond3A_222 = arith.constant 0 : i32
        %cond3A_223 = arith.cmpi ne, %convert_element_type3A_221, %cond3A_222 : i32
        scf.if %cond3A_223 {
          %sub3A = arith.constant 1 : i32
          %sub3A_232 = arith.subi %add3A_177, %sub3A : i32
          %dma_wait3A_233 = arith.constant 0 : i32
          %dma_wait3A_234 = tpu.memref_slice %arg7[%sub3A_232, %dma_wait3A_233] : memref<40x125xi32, #tpu.memory_space<vmem>> -> memref<1x125xi32, #tpu.memory_space<vmem>>
          %dma_wait3A_235 = tpu.memref_squeeze %dma_wait3A_234 : memref<1x125xi32, #tpu.memory_space<vmem>> -> memref<125xi32, #tpu.memory_space<vmem>>
          %dma_wait3A_236 = arith.constant 0 : i32
          %dma_wait3A_237 = arith.constant 0 : i32
          %dma_wait3A_238 = tpu.memref_slice %arg11[%dma_wait3A_236, %dma_wait3A_237] : memref<10000x128xf32, #tpu.memory_space<vmem_shared>> -> memref<10000x128xf32, #tpu.memory_space<vmem_shared>>
          tpu.wait_indirect_dma semaphore(%arg15 : memref<!tpu.dma_semaphore, #tpu.memory_space<semaphore_mem>>) src(%arg9 : memref<125x128xf32, #tpu.memory_space<vmem>>) dst(%dma_wait3A_238 : memref<10000x128xf32, #tpu.memory_space<vmem_shared>>)
        } else {
        }
        %add3A_224 = arith.constant 1 : i32
        %add3A_225 = arith.addi %add3A_177, %add3A_224 : i32
        %dma_start3A_226 = arith.constant 0 : i32
        %dma_start3A_227 = tpu.memref_slice %arg6[%add3A_225, %dma_start3A_226] : memref<40x125xi32, #tpu.memory_space<vmem>> -> memref<1x125xi32, #tpu.memory_space<vmem>>
        %dma_start3A_228 = tpu.memref_squeeze %dma_start3A_227 : memref<1x125xi32, #tpu.memory_space<vmem>> -> memref<125xi32, #tpu.memory_space<vmem>>
        %dma_start3A_229 = arith.constant 0 : i32
        %dma_start3A_230 = arith.constant 0 : i32
        %dma_start3A_231 = tpu.memref_slice %arg2[%dma_start3A_229, %dma_start3A_230] : memref<10000x128xf32, #tpu.memory_space<hbm>> -> memref<10000x128xf32, #tpu.memory_space<hbm>>
        tpu.enqueue_indirect_dma source(%dma_start3A_231 : memref<10000x128xf32, #tpu.memory_space<hbm>>) target(%arg9 : memref<125x128xf32, #tpu.memory_space<vmem>>) offsets(%dma_start3A_228 : memref<125xi32, #tpu.memory_space<vmem>>) semaphore(%arg13 : memref<!tpu.dma_semaphore, #tpu.memory_space<semaphore_mem>>)
      } else {
      }
      %dma_wait3A_185 = arith.constant 0 : i32
      %dma_wait3A_186 = tpu.memref_slice %arg6[%add3A_177, %dma_wait3A_185] : memref<40x125xi32, #tpu.memory_space<vmem>> -> memref<1x125xi32, #tpu.memory_space<vmem>>
      %dma_wait3A_187 = tpu.memref_squeeze %dma_wait3A_186 : memref<1x125xi32, #tpu.memory_space<vmem>> -> memref<125xi32, #tpu.memory_space<vmem>>
      %dma_wait3A_188 = arith.constant 0 : i32
      %dma_wait3A_189 = arith.constant 0 : i32
      %dma_wait3A_190 = tpu.memref_slice %arg2[%dma_wait3A_188, %dma_wait3A_189] : memref<10000x128xf32, #tpu.memory_space<hbm>> -> memref<10000x128xf32, #tpu.memory_space<hbm>>
      tpu.wait_indirect_dma semaphore(%arg12 : memref<!tpu.dma_semaphore, #tpu.memory_space<semaphore_mem>>) src(%dma_wait3A_190 : memref<10000x128xf32, #tpu.memory_space<hbm>>) dst(%arg8 : memref<125x128xf32, #tpu.memory_space<vmem>>)
      %dma_start3A_191 = arith.constant 0 : i32
      %dma_start3A_192 = tpu.memref_slice %arg7[%add3A_177, %dma_start3A_191] : memref<40x125xi32, #tpu.memory_space<vmem>> -> memref<1x125xi32, #tpu.memory_space<vmem>>
      %dma_start3A_193 = tpu.memref_squeeze %dma_start3A_192 : memref<1x125xi32, #tpu.memory_space<vmem>> -> memref<125xi32, #tpu.memory_space<vmem>>
      %dma_start3A_194 = arith.constant 0 : i32
      %dma_start3A_195 = arith.constant 0 : i32
      %dma_start3A_196 = tpu.memref_slice %arg11[%dma_start3A_194, %dma_start3A_195] : memref<10000x128xf32, #tpu.memory_space<vmem_shared>> -> memref<10000x128xf32, #tpu.memory_space<vmem_shared>>
      tpu.enqueue_indirect_dma source(%arg8 : memref<125x128xf32, #tpu.memory_space<vmem>>) target(%dma_start3A_196 : memref<10000x128xf32, #tpu.memory_space<vmem_shared>>) offsets(%dma_start3A_193 : memref<125xi32, #tpu.memory_space<vmem>>) semaphore(%arg14 : memref<!tpu.dma_semaphore, #tpu.memory_space<semaphore_mem>>) {add = true}
      %mul3A_197 = arith.constant 2 : i32
      %mul3A_198 = arith.muli %scan3A_173, %mul3A_197 : i32
      %add3A_199 = arith.constant 1 : i32
      %add3A_200 = arith.addi %mul3A_198, %add3A_199 : i32
      %add3A_201 = arith.constant 1 : i32
      %add3A_202 = arith.addi %add3A_200, %add3A_201 : i32
      %lt3A_203 = arith.constant 40 : i32
      %lt3A_204 = arith.cmpi slt, %add3A_202, %lt3A_203 : i32
      %convert_element_type3A_205 = arith.extui %lt3A_204 : i1 to i32
      %cond3A_206 = arith.constant 0 : i32
      %cond3A_207 = arith.cmpi ne, %convert_element_type3A_205, %cond3A_206 : i32
      scf.if %cond3A_207 {
        %ge3A = arith.constant 1 : i32
        %ge3A_220 = arith.cmpi sge, %add3A_200, %ge3A : i32
        %convert_element_type3A_221 = arith.extui %ge3A_220 : i1 to i32
        %cond3A_222 = arith.constant 0 : i32
        %cond3A_223 = arith.cmpi ne, %convert_element_type3A_221, %cond3A_222 : i32
        scf.if %cond3A_223 {
          %sub3A = arith.constant 1 : i32
          %sub3A_232 = arith.subi %add3A_200, %sub3A : i32
          %dma_wait3A_233 = arith.constant 0 : i32
          %dma_wait3A_234 = tpu.memref_slice %arg7[%sub3A_232, %dma_wait3A_233] : memref<40x125xi32, #tpu.memory_space<vmem>> -> memref<1x125xi32, #tpu.memory_space<vmem>>
          %dma_wait3A_235 = tpu.memref_squeeze %dma_wait3A_234 : memref<1x125xi32, #tpu.memory_space<vmem>> -> memref<125xi32, #tpu.memory_space<vmem>>
          %dma_wait3A_236 = arith.constant 0 : i32
          %dma_wait3A_237 = arith.constant 0 : i32
          %dma_wait3A_238 = tpu.memref_slice %arg11[%dma_wait3A_236, %dma_wait3A_237] : memref<10000x128xf32, #tpu.memory_space<vmem_shared>> -> memref<10000x128xf32, #tpu.memory_space<vmem_shared>>
          tpu.wait_indirect_dma semaphore(%arg14 : memref<!tpu.dma_semaphore, #tpu.memory_space<semaphore_mem>>) src(%arg8 : memref<125x128xf32, #tpu.memory_space<vmem>>) dst(%dma_wait3A_238 : memref<10000x128xf32, #tpu.memory_space<vmem_shared>>)
        } else {
        }
        %add3A_224 = arith.constant 1 : i32
        %add3A_225 = arith.addi %add3A_200, %add3A_224 : i32
        %dma_start3A_226 = arith.constant 0 : i32
        %dma_start3A_227 = tpu.memref_slice %arg6[%add3A_225, %dma_start3A_226] : memref<40x125xi32, #tpu.memory_space<vmem>> -> memref<1x125xi32, #tpu.memory_space<vmem>>
        %dma_start3A_228 = tpu.memref_squeeze %dma_start3A_227 : memref<1x125xi32, #tpu.memory_space<vmem>> -> memref<125xi32, #tpu.memory_space<vmem>>
        %dma_start3A_229 = arith.constant 0 : i32
        %dma_start3A_230 = arith.constant 0 : i32
        %dma_start3A_231 = tpu.memref_slice %arg2[%dma_start3A_229, %dma_start3A_230] : memref<10000x128xf32, #tpu.memory_space<hbm>> -> memref<10000x128xf32, #tpu.memory_space<hbm>>
        tpu.enqueue_indirect_dma source(%dma_start3A_231 : memref<10000x128xf32, #tpu.memory_space<hbm>>) target(%arg8 : memref<125x128xf32, #tpu.memory_space<vmem>>) offsets(%dma_start3A_228 : memref<125xi32, #tpu.memory_space<vmem>>) semaphore(%arg12 : memref<!tpu.dma_semaphore, #tpu.memory_space<semaphore_mem>>)
      } else {
      }
      %dma_wait3A_208 = arith.constant 0 : i32
      %dma_wait3A_209 = tpu.memref_slice %arg6[%add3A_200, %dma_wait3A_208] : memref<40x125xi32, #tpu.memory_space<vmem>> -> memref<1x125xi32, #tpu.memory_space<vmem>>
      %dma_wait3A_210 = tpu.memref_squeeze %dma_wait3A_209 : memref<1x125xi32, #tpu.memory_space<vmem>> -> memref<125xi32, #tpu.memory_space<vmem>>
      %dma_wait3A_211 = arith.constant 0 : i32
      %dma_wait3A_212 = arith.constant 0 : i32
      %dma_wait3A_213 = tpu.memref_slice %arg2[%dma_wait3A_211, %dma_wait3A_212] : memref<10000x128xf32, #tpu.memory_space<hbm>> -> memref<10000x128xf32, #tpu.memory_space<hbm>>
      tpu.wait_indirect_dma semaphore(%arg13 : memref<!tpu.dma_semaphore, #tpu.memory_space<semaphore_mem>>) src(%dma_wait3A_213 : memref<10000x128xf32, #tpu.memory_space<hbm>>) dst(%arg9 : memref<125x128xf32, #tpu.memory_space<vmem>>)
      %dma_start3A_214 = arith.constant 0 : i32
      %dma_start3A_215 = tpu.memref_slice %arg7[%add3A_200, %dma_start3A_214] : memref<40x125xi32, #tpu.memory_space<vmem>> -> memref<1x125xi32, #tpu.memory_space<vmem>>
      %dma_start3A_216 = tpu.memref_squeeze %dma_start3A_215 : memref<1x125xi32, #tpu.memory_space<vmem>> -> memref<125xi32, #tpu.memory_space<vmem>>
      %dma_start3A_217 = arith.constant 0 : i32
      %dma_start3A_218 = arith.constant 0 : i32
      %dma_start3A_219 = tpu.memref_slice %arg11[%dma_start3A_217, %dma_start3A_218] : memref<10000x128xf32, #tpu.memory_space<vmem_shared>> -> memref<10000x128xf32, #tpu.memory_space<vmem_shared>>
      tpu.enqueue_indirect_dma source(%arg9 : memref<125x128xf32, #tpu.memory_space<vmem>>) target(%dma_start3A_219 : memref<10000x128xf32, #tpu.memory_space<vmem_shared>>) offsets(%dma_start3A_216 : memref<125xi32, #tpu.memory_space<vmem>>) semaphore(%arg15 : memref<!tpu.dma_semaphore, #tpu.memory_space<semaphore_mem>>) {add = true}
    }
    %scan3A_121 = arith.constant 20 : i32
    %dma_wait3A = arith.constant 38 : i32
    %dma_wait3A_122 = arith.constant 0 : i32
    %dma_wait3A_123 = tpu.memref_slice %arg7[%dma_wait3A, %dma_wait3A_122] : memref<40x125xi32, #tpu.memory_space<vmem>> -> memref<1x125xi32, #tpu.memory_space<vmem>>
    %dma_wait3A_124 = tpu.memref_squeeze %dma_wait3A_123 : memref<1x125xi32, #tpu.memory_space<vmem>> -> memref<125xi32, #tpu.memory_space<vmem>>
    %dma_wait3A_125 = arith.constant 0 : i32
    %dma_wait3A_126 = arith.constant 0 : i32
    %dma_wait3A_127 = tpu.memref_slice %arg11[%dma_wait3A_125, %dma_wait3A_126] : memref<10000x128xf32, #tpu.memory_space<vmem_shared>> -> memref<10000x128xf32, #tpu.memory_space<vmem_shared>>
    tpu.wait_indirect_dma semaphore(%arg14 : memref<!tpu.dma_semaphore, #tpu.memory_space<semaphore_mem>>) src(%arg8 : memref<125x128xf32, #tpu.memory_space<vmem>>) dst(%dma_wait3A_127 : memref<10000x128xf32, #tpu.memory_space<vmem_shared>>)
    %dma_wait3A_128 = arith.constant 39 : i32
    %dma_wait3A_129 = arith.constant 0 : i32
    %dma_wait3A_130 = tpu.memref_slice %arg7[%dma_wait3A_128, %dma_wait3A_129] : memref<40x125xi32, #tpu.memory_space<vmem>> -> memref<1x125xi32, #tpu.memory_space<vmem>>
    %dma_wait3A_131 = tpu.memref_squeeze %dma_wait3A_130 : memref<1x125xi32, #tpu.memory_space<vmem>> -> memref<125xi32, #tpu.memory_space<vmem>>
    %dma_wait3A_132 = arith.constant 0 : i32
    %dma_wait3A_133 = arith.constant 0 : i32
    %dma_wait3A_134 = tpu.memref_slice %arg11[%dma_wait3A_132, %dma_wait3A_133] : memref<10000x128xf32, #tpu.memory_space<vmem_shared>> -> memref<10000x128xf32, #tpu.memory_space<vmem_shared>>
    tpu.wait_indirect_dma semaphore(%arg15 : memref<!tpu.dma_semaphore, #tpu.memory_space<semaphore_mem>>) src(%arg9 : memref<125x128xf32, #tpu.memory_space<vmem>>) dst(%dma_wait3A_134 : memref<10000x128xf32, #tpu.memory_space<vmem_shared>>)
    %mul3A_135 = arith.constant 80 : i32
    %mul3A_136 = arith.muli %add3A, %mul3A_135 : i32
    %add3A_137 = arith.constant 40 : i32
    %add3A_138 = arith.addi %mul3A_136, %add3A_137 : i32
    "tpu.region"() ({
      %run_scoped3A = tpu.sem_alloc : memref<!tpu.dma_semaphore, #tpu.memory_space<semaphore_mem>>
      %dma_start3A_173 = arith.constant 0 : i32
      %dma_start3A_174 = tpu.memref_slice %arg3[%add3A_138, %dma_start3A_173] : memref<2560x125xi32, #tpu.memory_space<hbm>> -> memref<40x125xi32, #tpu.memory_space<hbm>>
      %dma_start3A_175 = arith.constant 0 : i32
      %dma_start3A_176 = tpu.memref_slice %arg3[%add3A_138, %dma_start3A_175] : memref<2560x125xi32, #tpu.memory_space<hbm>> -> memref<40x125xi32, #tpu.memory_space<hbm>>
      tpu.enqueue_dma source(%dma_start3A_176 : memref<40x125xi32, #tpu.memory_space<hbm>>) target(%arg6 : memref<40x125xi32, #tpu.memory_space<vmem>>) target_semaphore(%run_scoped3A : memref<!tpu.dma_semaphore, #tpu.memory_space<semaphore_mem>>)
      %dma_wait3A_177 = arith.constant 0 : i32
      %dma_wait3A_178 = tpu.memref_slice %arg3[%add3A_138, %dma_wait3A_177] : memref<2560x125xi32, #tpu.memory_space<hbm>> -> memref<40x125xi32, #tpu.memory_space<hbm>>
      %dma_wait3A_179 = arith.constant 0 : i32
      %dma_wait3A_180 = tpu.memref_slice %arg3[%add3A_138, %dma_wait3A_179] : memref<2560x125xi32, #tpu.memory_space<hbm>> -> memref<40x125xi32, #tpu.memory_space<hbm>>
      tpu.wait_dma2 semaphore(%run_scoped3A : memref<!tpu.dma_semaphore, #tpu.memory_space<semaphore_mem>>) src(%dma_wait3A_180 : memref<40x125xi32, #tpu.memory_space<hbm>>) dst(%arg6 : memref<40x125xi32, #tpu.memory_space<vmem>>)
      tpu.yield
    }) : () -> ()
    "tpu.region"() ({
      %run_scoped3A = tpu.sem_alloc : memref<!tpu.dma_semaphore, #tpu.memory_space<semaphore_mem>>
      %dma_start3A_173 = arith.constant 0 : i32
      %dma_start3A_174 = tpu.memref_slice %arg4[%add3A_138, %dma_start3A_173] : memref<2560x125xi32, #tpu.memory_space<hbm>> -> memref<40x125xi32, #tpu.memory_space<hbm>>
      %dma_start3A_175 = arith.constant 0 : i32
      %dma_start3A_176 = tpu.memref_slice %arg4[%add3A_138, %dma_start3A_175] : memref<2560x125xi32, #tpu.memory_space<hbm>> -> memref<40x125xi32, #tpu.memory_space<hbm>>
      tpu.enqueue_dma source(%dma_start3A_176 : memref<40x125xi32, #tpu.memory_space<hbm>>) target(%arg7 : memref<40x125xi32, #tpu.memory_space<vmem>>) target_semaphore(%run_scoped3A : memref<!tpu.dma_semaphore, #tpu.memory_space<semaphore_mem>>)
      %dma_wait3A_177 = arith.constant 0 : i32
      %dma_wait3A_178 = tpu.memref_slice %arg4[%add3A_138, %dma_wait3A_177] : memref<2560x125xi32, #tpu.memory_space<hbm>> -> memref<40x125xi32, #tpu.memory_space<hbm>>
      %dma_wait3A_179 = arith.constant 0 : i32
      %dma_wait3A_180 = tpu.memref_slice %arg4[%add3A_138, %dma_wait3A_179] : memref<2560x125xi32, #tpu.memory_space<hbm>> -> memref<40x125xi32, #tpu.memory_space<hbm>>
      tpu.wait_dma2 semaphore(%run_scoped3A : memref<!tpu.dma_semaphore, #tpu.memory_space<semaphore_mem>>) src(%dma_wait3A_180 : memref<40x125xi32, #tpu.memory_space<hbm>>) dst(%arg7 : memref<40x125xi32, #tpu.memory_space<vmem>>)
      tpu.yield
    }) : () -> ()
    %dma_start3A_139 = arith.constant 0 : i32
    %dma_start3A_140 = arith.constant 0 : i32
    %dma_start3A_141 = tpu.memref_slice %arg6[%dma_start3A_139, %dma_start3A_140] : memref<40x125xi32, #tpu.memory_space<vmem>> -> memref<1x125xi32, #tpu.memory_space<vmem>>
    %dma_start3A_142 = tpu.memref_squeeze %dma_start3A_141 : memref<1x125xi32, #tpu.memory_space<vmem>> -> memref<125xi32, #tpu.memory_space<vmem>>
    %dma_start3A_143 = arith.constant 0 : i32
    %dma_start3A_144 = arith.constant 0 : i32
    %dma_start3A_145 = tpu.memref_slice %arg2[%dma_start3A_143, %dma_start3A_144] : memref<10000x128xf32, #tpu.memory_space<hbm>> -> memref<10000x128xf32, #tpu.memory_space<hbm>>
    tpu.enqueue_indirect_dma source(%dma_start3A_145 : memref<10000x128xf32, #tpu.memory_space<hbm>>) target(%arg8 : memref<125x128xf32, #tpu.memory_space<vmem>>) offsets(%dma_start3A_142 : memref<125xi32, #tpu.memory_space<vmem>>) semaphore(%arg12 : memref<!tpu.dma_semaphore, #tpu.memory_space<semaphore_mem>>)
    %scan3A_146 = arith.constant 0 : i32
    %scan3A_147 = arith.constant 0 : i32
    %scan3A_148 = arith.constant 20 : i32
    %scan3A_149 = arith.addi %scan3A_147, %scan3A_148 : i32
    %scan3A_150 = arith.constant 1 : i32
    scf.for %scan3A_173 = %scan3A_147 to %scan3A_149 step %scan3A_150  : i32 {
      %mul3A_174 = arith.constant 2 : i32
      %mul3A_175 = arith.muli %scan3A_173, %mul3A_174 : i32
      %add3A_176 = arith.constant 0 : i32
      %add3A_177 = arith.addi %mul3A_175, %add3A_176 : i32
      %add3A_178 = arith.constant 1 : i32
      %add3A_179 = arith.addi %add3A_177, %add3A_178 : i32
      %lt3A_180 = arith.constant 40 : i32
      %lt3A_181 = arith.cmpi slt, %add3A_179, %lt3A_180 : i32
      %convert_element_type3A_182 = arith.extui %lt3A_181 : i1 to i32
      %cond3A_183 = arith.constant 0 : i32
      %cond3A_184 = arith.cmpi ne, %convert_element_type3A_182, %cond3A_183 : i32
      scf.if %cond3A_184 {
        %ge3A = arith.constant 1 : i32
        %ge3A_220 = arith.cmpi sge, %add3A_177, %ge3A : i32
        %convert_element_type3A_221 = arith.extui %ge3A_220 : i1 to i32
        %cond3A_222 = arith.constant 0 : i32
        %cond3A_223 = arith.cmpi ne, %convert_element_type3A_221, %cond3A_222 : i32
        scf.if %cond3A_223 {
          %sub3A = arith.constant 1 : i32
          %sub3A_232 = arith.subi %add3A_177, %sub3A : i32
          %dma_wait3A_233 = arith.constant 0 : i32
          %dma_wait3A_234 = tpu.memref_slice %arg7[%sub3A_232, %dma_wait3A_233] : memref<40x125xi32, #tpu.memory_space<vmem>> -> memref<1x125xi32, #tpu.memory_space<vmem>>
          %dma_wait3A_235 = tpu.memref_squeeze %dma_wait3A_234 : memref<1x125xi32, #tpu.memory_space<vmem>> -> memref<125xi32, #tpu.memory_space<vmem>>
          %dma_wait3A_236 = arith.constant 0 : i32
          %dma_wait3A_237 = arith.constant 0 : i32
          %dma_wait3A_238 = tpu.memref_slice %arg11[%dma_wait3A_236, %dma_wait3A_237] : memref<10000x128xf32, #tpu.memory_space<vmem_shared>> -> memref<10000x128xf32, #tpu.memory_space<vmem_shared>>
          tpu.wait_indirect_dma semaphore(%arg15 : memref<!tpu.dma_semaphore, #tpu.memory_space<semaphore_mem>>) src(%arg9 : memref<125x128xf32, #tpu.memory_space<vmem>>) dst(%dma_wait3A_238 : memref<10000x128xf32, #tpu.memory_space<vmem_shared>>)
        } else {
        }
        %add3A_224 = arith.constant 1 : i32
        %add3A_225 = arith.addi %add3A_177, %add3A_224 : i32
        %dma_start3A_226 = arith.constant 0 : i32
        %dma_start3A_227 = tpu.memref_slice %arg6[%add3A_225, %dma_start3A_226] : memref<40x125xi32, #tpu.memory_space<vmem>> -> memref<1x125xi32, #tpu.memory_space<vmem>>
        %dma_start3A_228 = tpu.memref_squeeze %dma_start3A_227 : memref<1x125xi32, #tpu.memory_space<vmem>> -> memref<125xi32, #tpu.memory_space<vmem>>
        %dma_start3A_229 = arith.constant 0 : i32
        %dma_start3A_230 = arith.constant 0 : i32
        %dma_start3A_231 = tpu.memref_slice %arg2[%dma_start3A_229, %dma_start3A_230] : memref<10000x128xf32, #tpu.memory_space<hbm>> -> memref<10000x128xf32, #tpu.memory_space<hbm>>
        tpu.enqueue_indirect_dma source(%dma_start3A_231 : memref<10000x128xf32, #tpu.memory_space<hbm>>) target(%arg9 : memref<125x128xf32, #tpu.memory_space<vmem>>) offsets(%dma_start3A_228 : memref<125xi32, #tpu.memory_space<vmem>>) semaphore(%arg13 : memref<!tpu.dma_semaphore, #tpu.memory_space<semaphore_mem>>)
      } else {
      }
      %dma_wait3A_185 = arith.constant 0 : i32
      %dma_wait3A_186 = tpu.memref_slice %arg6[%add3A_177, %dma_wait3A_185] : memref<40x125xi32, #tpu.memory_space<vmem>> -> memref<1x125xi32, #tpu.memory_space<vmem>>
      %dma_wait3A_187 = tpu.memref_squeeze %dma_wait3A_186 : memref<1x125xi32, #tpu.memory_space<vmem>> -> memref<125xi32, #tpu.memory_space<vmem>>
      %dma_wait3A_188 = arith.constant 0 : i32
      %dma_wait3A_189 = arith.constant 0 : i32
      %dma_wait3A_190 = tpu.memref_slice %arg2[%dma_wait3A_188, %dma_wait3A_189] : memref<10000x128xf32, #tpu.memory_space<hbm>> -> memref<10000x128xf32, #tpu.memory_space<hbm>>
      tpu.wait_indirect_dma semaphore(%arg12 : memref<!tpu.dma_semaphore, #tpu.memory_space<semaphore_mem>>) src(%dma_wait3A_190 : memref<10000x128xf32, #tpu.memory_space<hbm>>) dst(%arg8 : memref<125x128xf32, #tpu.memory_space<vmem>>)
      %dma_start3A_191 = arith.constant 0 : i32
      %dma_start3A_192 = tpu.memref_slice %arg7[%add3A_177, %dma_start3A_191] : memref<40x125xi32, #tpu.memory_space<vmem>> -> memref<1x125xi32, #tpu.memory_space<vmem>>
      %dma_start3A_193 = tpu.memref_squeeze %dma_start3A_192 : memref<1x125xi32, #tpu.memory_space<vmem>> -> memref<125xi32, #tpu.memory_space<vmem>>
      %dma_start3A_194 = arith.constant 0 : i32
      %dma_start3A_195 = arith.constant 0 : i32
      %dma_start3A_196 = tpu.memref_slice %arg11[%dma_start3A_194, %dma_start3A_195] : memref<10000x128xf32, #tpu.memory_space<vmem_shared>> -> memref<10000x128xf32, #tpu.memory_space<vmem_shared>>
      tpu.enqueue_indirect_dma source(%arg8 : memref<125x128xf32, #tpu.memory_space<vmem>>) target(%dma_start3A_196 : memref<10000x128xf32, #tpu.memory_space<vmem_shared>>) offsets(%dma_start3A_193 : memref<125xi32, #tpu.memory_space<vmem>>) semaphore(%arg14 : memref<!tpu.dma_semaphore, #tpu.memory_space<semaphore_mem>>) {add = true}
      %mul3A_197 = arith.constant 2 : i32
      %mul3A_198 = arith.muli %scan3A_173, %mul3A_197 : i32
      %add3A_199 = arith.constant 1 : i32
      %add3A_200 = arith.addi %mul3A_198, %add3A_199 : i32
      %add3A_201 = arith.constant 1 : i32
      %add3A_202 = arith.addi %add3A_200, %add3A_201 : i32
      %lt3A_203 = arith.constant 40 : i32
      %lt3A_204 = arith.cmpi slt, %add3A_202, %lt3A_203 : i32
      %convert_element_type3A_205 = arith.extui %lt3A_204 : i1 to i32
      %cond3A_206 = arith.constant 0 : i32
      %cond3A_207 = arith.cmpi ne, %convert_element_type3A_205, %cond3A_206 : i32
      scf.if %cond3A_207 {
        %ge3A = arith.constant 1 : i32
        %ge3A_220 = arith.cmpi sge, %add3A_200, %ge3A : i32
        %convert_element_type3A_221 = arith.extui %ge3A_220 : i1 to i32
        %cond3A_222 = arith.constant 0 : i32
        %cond3A_223 = arith.cmpi ne, %convert_element_type3A_221, %cond3A_222 : i32
        scf.if %cond3A_223 {
          %sub3A = arith.constant 1 : i32
          %sub3A_232 = arith.subi %add3A_200, %sub3A : i32
          %dma_wait3A_233 = arith.constant 0 : i32
          %dma_wait3A_234 = tpu.memref_slice %arg7[%sub3A_232, %dma_wait3A_233] : memref<40x125xi32, #tpu.memory_space<vmem>> -> memref<1x125xi32, #tpu.memory_space<vmem>>
          %dma_wait3A_235 = tpu.memref_squeeze %dma_wait3A_234 : memref<1x125xi32, #tpu.memory_space<vmem>> -> memref<125xi32, #tpu.memory_space<vmem>>
          %dma_wait3A_236 = arith.constant 0 : i32
          %dma_wait3A_237 = arith.constant 0 : i32
          %dma_wait3A_238 = tpu.memref_slice %arg11[%dma_wait3A_236, %dma_wait3A_237] : memref<10000x128xf32, #tpu.memory_space<vmem_shared>> -> memref<10000x128xf32, #tpu.memory_space<vmem_shared>>
          tpu.wait_indirect_dma semaphore(%arg14 : memref<!tpu.dma_semaphore, #tpu.memory_space<semaphore_mem>>) src(%arg8 : memref<125x128xf32, #tpu.memory_space<vmem>>) dst(%dma_wait3A_238 : memref<10000x128xf32, #tpu.memory_space<vmem_shared>>)
        } else {
        }
        %add3A_224 = arith.constant 1 : i32
        %add3A_225 = arith.addi %add3A_200, %add3A_224 : i32
        %dma_start3A_226 = arith.constant 0 : i32
        %dma_start3A_227 = tpu.memref_slice %arg6[%add3A_225, %dma_start3A_226] : memref<40x125xi32, #tpu.memory_space<vmem>> -> memref<1x125xi32, #tpu.memory_space<vmem>>
        %dma_start3A_228 = tpu.memref_squeeze %dma_start3A_227 : memref<1x125xi32, #tpu.memory_space<vmem>> -> memref<125xi32, #tpu.memory_space<vmem>>
        %dma_start3A_229 = arith.constant 0 : i32
        %dma_start3A_230 = arith.constant 0 : i32
        %dma_start3A_231 = tpu.memref_slice %arg2[%dma_start3A_229, %dma_start3A_230] : memref<10000x128xf32, #tpu.memory_space<hbm>> -> memref<10000x128xf32, #tpu.memory_space<hbm>>
        tpu.enqueue_indirect_dma source(%dma_start3A_231 : memref<10000x128xf32, #tpu.memory_space<hbm>>) target(%arg8 : memref<125x128xf32, #tpu.memory_space<vmem>>) offsets(%dma_start3A_228 : memref<125xi32, #tpu.memory_space<vmem>>) semaphore(%arg12 : memref<!tpu.dma_semaphore, #tpu.memory_space<semaphore_mem>>)
      } else {
      }
      %dma_wait3A_208 = arith.constant 0 : i32
      %dma_wait3A_209 = tpu.memref_slice %arg6[%add3A_200, %dma_wait3A_208] : memref<40x125xi32, #tpu.memory_space<vmem>> -> memref<1x125xi32, #tpu.memory_space<vmem>>
      %dma_wait3A_210 = tpu.memref_squeeze %dma_wait3A_209 : memref<1x125xi32, #tpu.memory_space<vmem>> -> memref<125xi32, #tpu.memory_space<vmem>>
      %dma_wait3A_211 = arith.constant 0 : i32
      %dma_wait3A_212 = arith.constant 0 : i32
      %dma_wait3A_213 = tpu.memref_slice %arg2[%dma_wait3A_211, %dma_wait3A_212] : memref<10000x128xf32, #tpu.memory_space<hbm>> -> memref<10000x128xf32, #tpu.memory_space<hbm>>
      tpu.wait_indirect_dma semaphore(%arg13 : memref<!tpu.dma_semaphore, #tpu.memory_space<semaphore_mem>>) src(%dma_wait3A_213 : memref<10000x128xf32, #tpu.memory_space<hbm>>) dst(%arg9 : memref<125x128xf32, #tpu.memory_space<vmem>>)
      %dma_start3A_214 = arith.constant 0 : i32
      %dma_start3A_215 = tpu.memref_slice %arg7[%add3A_200, %dma_start3A_214] : memref<40x125xi32, #tpu.memory_space<vmem>> -> memref<1x125xi32, #tpu.memory_space<vmem>>
      %dma_start3A_216 = tpu.memref_squeeze %dma_start3A_215 : memref<1x125xi32, #tpu.memory_space<vmem>> -> memref<125xi32, #tpu.memory_space<vmem>>
      %dma_start3A_217 = arith.constant 0 : i32
      %dma_start3A_218 = arith.constant 0 : i32
      %dma_start3A_219 = tpu.memref_slice %arg11[%dma_start3A_217, %dma_start3A_218] : memref<10000x128xf32, #tpu.memory_space<vmem_shared>> -> memref<10000x128xf32, #tpu.memory_space<vmem_shared>>
      tpu.enqueue_indirect_dma source(%arg9 : memref<125x128xf32, #tpu.memory_space<vmem>>) target(%dma_start3A_219 : memref<10000x128xf32, #tpu.memory_space<vmem_shared>>) offsets(%dma_start3A_216 : memref<125xi32, #tpu.memory_space<vmem>>) semaphore(%arg15 : memref<!tpu.dma_semaphore, #tpu.memory_space<semaphore_mem>>) {add = true}
    }
    %scan3A_151 = arith.constant 20 : i32
    %dma_wait3A_152 = arith.constant 38 : i32
    %dma_wait3A_153 = arith.constant 0 : i32
    %dma_wait3A_154 = tpu.memref_slice %arg7[%dma_wait3A_152, %dma_wait3A_153] : memref<40x125xi32, #tpu.memory_space<vmem>> -> memref<1x125xi32, #tpu.memory_space<vmem>>
    %dma_wait3A_155 = tpu.memref_squeeze %dma_wait3A_154 : memref<1x125xi32, #tpu.memory_space<vmem>> -> memref<125xi32, #tpu.memory_space<vmem>>
    %dma_wait3A_156 = arith.constant 0 : i32
    %dma_wait3A_157 = arith.constant 0 : i32
    %dma_wait3A_158 = tpu.memref_slice %arg11[%dma_wait3A_156, %dma_wait3A_157] : memref<10000x128xf32, #tpu.memory_space<vmem_shared>> -> memref<10000x128xf32, #tpu.memory_space<vmem_shared>>
    tpu.wait_indirect_dma semaphore(%arg14 : memref<!tpu.dma_semaphore, #tpu.memory_space<semaphore_mem>>) src(%arg8 : memref<125x128xf32, #tpu.memory_space<vmem>>) dst(%dma_wait3A_158 : memref<10000x128xf32, #tpu.memory_space<vmem_shared>>)
    %dma_wait3A_159 = arith.constant 39 : i32
    %dma_wait3A_160 = arith.constant 0 : i32
    %dma_wait3A_161 = tpu.memref_slice %arg7[%dma_wait3A_159, %dma_wait3A_160] : memref<40x125xi32, #tpu.memory_space<vmem>> -> memref<1x125xi32, #tpu.memory_space<vmem>>
    %dma_wait3A_162 = tpu.memref_squeeze %dma_wait3A_161 : memref<1x125xi32, #tpu.memory_space<vmem>> -> memref<125xi32, #tpu.memory_space<vmem>>
    %dma_wait3A_163 = arith.constant 0 : i32
    %dma_wait3A_164 = arith.constant 0 : i32
    %dma_wait3A_165 = tpu.memref_slice %arg11[%dma_wait3A_163, %dma_wait3A_164] : memref<10000x128xf32, #tpu.memory_space<vmem_shared>> -> memref<10000x128xf32, #tpu.memory_space<vmem_shared>>
    tpu.wait_indirect_dma semaphore(%arg15 : memref<!tpu.dma_semaphore, #tpu.memory_space<semaphore_mem>>) src(%arg9 : memref<125x128xf32, #tpu.memory_space<vmem>>) dst(%dma_wait3A_165 : memref<10000x128xf32, #tpu.memory_space<vmem_shared>>)
    %barrier3A_166 = arith.constant 0 : index
    tpu.barrier barrier_id(%barrier3A_166)
    %lt3A = arith.constant 15 : i32
    %lt3A_167 = arith.cmpi slt, %arg1, %lt3A : i32
    %convert_element_type3A = arith.extui %lt3A_167 : i1 to i32
    %cond3A = arith.constant 0 : i32
    %cond3A_168 = arith.cmpi ne, %convert_element_type3A, %cond3A : i32
    scf.if %cond3A_168 {
      %mul3A_173 = arith.constant 624 : i32
      %mul3A_174 = arith.muli %arg1, %mul3A_173 : i32
      %mul3A_175 = arith.constant 624 : i32
      %mul3A_176 = arith.muli %arg1, %mul3A_175 : i32
      "tpu.region"() ({
        %run_scoped3A = tpu.sem_alloc : memref<!tpu.dma_semaphore, #tpu.memory_space<semaphore_mem>>
        %dma_start3A_177 = arith.constant 0 : i32
        %dma_start3A_178 = tpu.memref_slice %arg5[%arg0, %mul3A_176, %dma_start3A_177] : memref<2x10000x128xf32, #tpu.memory_space<hbm>> -> memref<1x624x128xf32, #tpu.memory_space<hbm>>
        %dma_start3A_179 = tpu.memref_squeeze %dma_start3A_178 : memref<1x624x128xf32, #tpu.memory_space<hbm>> -> memref<624x128xf32, #tpu.memory_space<hbm>>
        %dma_start3A_180 = arith.constant 0 : i32
        %dma_start3A_181 = tpu.memref_slice %arg11[%mul3A_174, %dma_start3A_180] : memref<10000x128xf32, #tpu.memory_space<vmem_shared>> -> memref<624x128xf32, #tpu.memory_space<vmem_shared>>
        tpu.enqueue_dma source(%dma_start3A_181 : memref<624x128xf32, #tpu.memory_space<vmem_shared>>) target(%dma_start3A_179 : memref<624x128xf32, #tpu.memory_space<hbm>>) target_semaphore(%run_scoped3A : memref<!tpu.dma_semaphore, #tpu.memory_space<semaphore_mem>>)
        %dma_wait3A_182 = arith.constant 0 : i32
        %dma_wait3A_183 = tpu.memref_slice %arg5[%arg0, %mul3A_176, %dma_wait3A_182] : memref<2x10000x128xf32, #tpu.memory_space<hbm>> -> memref<1x624x128xf32, #tpu.memory_space<hbm>>
        %dma_wait3A_184 = tpu.memref_squeeze %dma_wait3A_183 : memref<1x624x128xf32, #tpu.memory_space<hbm>> -> memref<624x128xf32, #tpu.memory_space<hbm>>
        %dma_wait3A_185 = arith.constant 0 : i32
        %dma_wait3A_186 = tpu.memref_slice %arg11[%mul3A_174, %dma_wait3A_185] : memref<10000x128xf32, #tpu.memory_space<vmem_shared>> -> memref<624x128xf32, #tpu.memory_space<vmem_shared>>
        tpu.wait_dma2 semaphore(%run_scoped3A : memref<!tpu.dma_semaphore, #tpu.memory_space<semaphore_mem>>) src(%dma_wait3A_186 : memref<624x128xf32, #tpu.memory_space<vmem_shared>>) dst(%dma_wait3A_184 : memref<624x128xf32, #tpu.memory_space<hbm>>)
        tpu.yield
      }) : () -> ()
    } else {
    }
    %eq3A = arith.constant 15 : i32
    %eq3A_169 = arith.cmpi eq, %arg1, %eq3A : i32
    %convert_element_type3A_170 = arith.extui %eq3A_169 : i1 to i32
    %cond3A_171 = arith.constant 0 : i32
    %cond3A_172 = arith.cmpi ne, %convert_element_type3A_170, %cond3A_171 : i32
    scf.if %cond3A_172 {
      "tpu.region"() ({
        %run_scoped3A = tpu.sem_alloc : memref<!tpu.dma_semaphore, #tpu.memory_space<semaphore_mem>>
        %dma_start3A_173 = arith.constant 9360 : i32
        %dma_start3A_174 = arith.constant 0 : i32
        %dma_start3A_175 = tpu.memref_slice %arg5[%arg0, %dma_start3A_173, %dma_start3A_174] : memref<2x10000x128xf32, #tpu.memory_space<hbm>> -> memref<1x640x128xf32, #tpu.memory_space<hbm>>
        %dma_start3A_176 = tpu.memref_squeeze %dma_start3A_175 : memref<1x640x128xf32, #tpu.memory_space<hbm>> -> memref<640x128xf32, #tpu.memory_space<hbm>>
        %dma_start3A_177 = arith.constant 9360 : i32
        %dma_start3A_178 = arith.constant 0 : i32
        %dma_start3A_179 = tpu.memref_slice %arg11[%dma_start3A_177, %dma_start3A_178] : memref<10000x128xf32, #tpu.memory_space<vmem_shared>> -> memref<640x128xf32, #tpu.memory_space<vmem_shared>>
        tpu.enqueue_dma source(%dma_start3A_179 : memref<640x128xf32, #tpu.memory_space<vmem_shared>>) target(%dma_start3A_176 : memref<640x128xf32, #tpu.memory_space<hbm>>) target_semaphore(%run_scoped3A : memref<!tpu.dma_semaphore, #tpu.memory_space<semaphore_mem>>)
        %dma_wait3A_180 = arith.constant 9360 : i32
        %dma_wait3A_181 = arith.constant 0 : i32
        %dma_wait3A_182 = tpu.memref_slice %arg5[%arg0, %dma_wait3A_180, %dma_wait3A_181] : memref<2x10000x128xf32, #tpu.memory_space<hbm>> -> memref<1x640x128xf32, #tpu.memory_space<hbm>>
        %dma_wait3A_183 = tpu.memref_squeeze %dma_wait3A_182 : memref<1x640x128xf32, #tpu.memory_space<hbm>> -> memref<640x128xf32, #tpu.memory_space<hbm>>
        %dma_wait3A_184 = arith.constant 9360 : i32
        %dma_wait3A_185 = arith.constant 0 : i32
        %dma_wait3A_186 = tpu.memref_slice %arg11[%dma_wait3A_184, %dma_wait3A_185] : memref<10000x128xf32, #tpu.memory_space<vmem_shared>> -> memref<640x128xf32, #tpu.memory_space<vmem_shared>>
        tpu.wait_dma2 semaphore(%run_scoped3A : memref<!tpu.dma_semaphore, #tpu.memory_space<semaphore_mem>>) src(%dma_wait3A_186 : memref<640x128xf32, #tpu.memory_space<vmem_shared>>) dst(%dma_wait3A_183 : memref<640x128xf32, #tpu.memory_space<hbm>>)
        tpu.yield
      }) : () -> ()
    } else {
    }
    return
  }
}

#map = affine_map<(d0, d1) -> (0, 0, 0)>
#map1 = affine_map<(d0, d1) -> (0)>
module attributes {stable_mosaic.version = 14 : i64} {
  func.func @_sc_deg_body(%arg0: i32, %arg1: i32, %arg2: memref<32x1x10000xi32, #tpu.memory_space<hbm>>, %arg3: memref<16x1x625xi32, #tpu.memory_space<hbm>>, %arg4: memref<10240xf32, #tpu.memory_space<hbm>>, %arg5: memref<10240xf32, #tpu.memory_space<hbm>>, %arg6: memref<128xf32, #tpu.memory_space<hbm>>, %arg7: memref<10000xi32, #tpu.memory_space<vmem>>, %arg8: memref<625xi32, #tpu.memory_space<vmem>>, %arg9: memref<10000xf32, #tpu.memory_space<vmem>>, %arg10: memref<128xf32, #tpu.memory_space<vmem>>, %arg11: memref<10240xf32, #tpu.memory_space<vmem_shared>>, %arg12: memref<128xf32, #tpu.memory_space<vmem_shared>>, %arg13: memref<!tpu.dma_semaphore, #tpu.memory_space<semaphore_mem>>) attributes {dimension_semantics = [#tpu.dimension_semantics<core_parallel>, #tpu.dimension_semantics<subcore_parallel>], iteration_bounds = array<i64: 2, 16>, scalar_prefetch = 0 : i64, scratch_operands = 7 : i64, tpu.core_type = #tpu.core_type<sc_vector_subcore>, window_params = [{transform_indices = #map}, {transform_indices = #map}, {transform_indices = #map1}, {transform_indices = #map1}, {transform_indices = #map1}]} {
    %mul3A = arith.constant 16 : i32
    %mul3A_0 = arith.muli %arg0, %mul3A : i32
    %add3A = arith.addi %mul3A_0, %arg1 : i32
    %dma_start3A = arith.constant 0 : i32
    %dma_start3A_1 = arith.constant 0 : i32
    %dma_start3A_2 = tpu.memref_slice %arg2[%add3A, %dma_start3A, %dma_start3A_1] : memref<32x1x10000xi32, #tpu.memory_space<hbm>> -> memref<1x1x10000xi32, #tpu.memory_space<hbm>>
    %dma_start3A_3 = tpu.memref_squeeze %dma_start3A_2 : memref<1x1x10000xi32, #tpu.memory_space<hbm>> -> memref<10000xi32, #tpu.memory_space<hbm>>
    %dma_start3A_4 = arith.constant 0 : i32
    %dma_start3A_5 = tpu.memref_slice %arg2[%add3A, %dma_start3A, %dma_start3A_4] : memref<32x1x10000xi32, #tpu.memory_space<hbm>> -> memref<1x1x10000xi32, #tpu.memory_space<hbm>>
    %dma_start3A_6 = tpu.memref_squeeze %dma_start3A_5 : memref<1x1x10000xi32, #tpu.memory_space<hbm>> -> memref<10000xi32, #tpu.memory_space<hbm>>
    tpu.enqueue_dma source(%dma_start3A_6 : memref<10000xi32, #tpu.memory_space<hbm>>) target(%arg7 : memref<10000xi32, #tpu.memory_space<vmem>>) target_semaphore(%arg13 : memref<!tpu.dma_semaphore, #tpu.memory_space<semaphore_mem>>)
    %eq3A = arith.constant 0 : i32
    %eq3A_7 = arith.cmpi eq, %arg0, %eq3A : i32
    %convert_element_type3A = arith.extui %eq3A_7 : i1 to i32
    %cond3A = arith.constant 0 : i32
    %cond3A_8 = arith.cmpi ne, %convert_element_type3A, %cond3A : i32
    scf.if %cond3A_8 {
      %run_scoped3A = arith.constant 0 : i32
      "tpu.region"() ({
        %run_scoped3A_111 = tpu.sem_alloc : memref<!tpu.dma_semaphore, #tpu.memory_space<semaphore_mem>>
        %dma_start3A_112 = arith.constant 0 : i32
        %dma_start3A_113 = tpu.memref_slice %arg3[%arg1, %run_scoped3A, %dma_start3A_112] : memref<16x1x625xi32, #tpu.memory_space<hbm>> -> memref<1x1x625xi32, #tpu.memory_space<hbm>>
        %dma_start3A_114 = tpu.memref_squeeze %dma_start3A_113 : memref<1x1x625xi32, #tpu.memory_space<hbm>> -> memref<625xi32, #tpu.memory_space<hbm>>
        %dma_start3A_115 = arith.constant 0 : i32
        %dma_start3A_116 = tpu.memref_slice %arg3[%arg1, %run_scoped3A, %dma_start3A_115] : memref<16x1x625xi32, #tpu.memory_space<hbm>> -> memref<1x1x625xi32, #tpu.memory_space<hbm>>
        %dma_start3A_117 = tpu.memref_squeeze %dma_start3A_116 : memref<1x1x625xi32, #tpu.memory_space<hbm>> -> memref<625xi32, #tpu.memory_space<hbm>>
        tpu.enqueue_dma source(%dma_start3A_117 : memref<625xi32, #tpu.memory_space<hbm>>) target(%arg8 : memref<625xi32, #tpu.memory_space<vmem>>) target_semaphore(%run_scoped3A_111 : memref<!tpu.dma_semaphore, #tpu.memory_space<semaphore_mem>>)
        %dma_wait3A_118 = arith.constant 0 : i32
        %dma_wait3A_119 = tpu.memref_slice %arg3[%arg1, %run_scoped3A, %dma_wait3A_118] : memref<16x1x625xi32, #tpu.memory_space<hbm>> -> memref<1x1x625xi32, #tpu.memory_space<hbm>>
        %dma_wait3A_120 = tpu.memref_squeeze %dma_wait3A_119 : memref<1x1x625xi32, #tpu.memory_space<hbm>> -> memref<625xi32, #tpu.memory_space<hbm>>
        %dma_wait3A_121 = arith.constant 0 : i32
        %dma_wait3A_122 = tpu.memref_slice %arg3[%arg1, %run_scoped3A, %dma_wait3A_121] : memref<16x1x625xi32, #tpu.memory_space<hbm>> -> memref<1x1x625xi32, #tpu.memory_space<hbm>>
        %dma_wait3A_123 = tpu.memref_squeeze %dma_wait3A_122 : memref<1x1x625xi32, #tpu.memory_space<hbm>> -> memref<625xi32, #tpu.memory_space<hbm>>
        tpu.wait_dma2 semaphore(%run_scoped3A_111 : memref<!tpu.dma_semaphore, #tpu.memory_space<semaphore_mem>>) src(%dma_wait3A_123 : memref<625xi32, #tpu.memory_space<hbm>>) dst(%arg8 : memref<625xi32, #tpu.memory_space<vmem>>)
        tpu.yield
      }) : () -> ()
    } else {
    }
    %scan3A = arith.constant 0 : i32
    %scan3A_9 = arith.constant 0 : i32
    %scan3A_10 = arith.constant 625 : i32
    %scan3A_11 = arith.addi %scan3A_9, %scan3A_10 : i32
    %scan3A_12 = arith.constant 1 : i32
    scf.for %scan3A_111 = %scan3A_9 to %scan3A_11 step %scan3A_12  : i32 {
      %broadcast_in_dim3A_112 = arith.constant 1.000000e+00 : f32
      %broadcast_in_dim3A_113 = vector.broadcast %broadcast_in_dim3A_112 : f32 to vector<16xf32>
      %mul3A_114 = arith.constant 16 : i32
      %mul3A_115 = arith.muli %scan3A_111, %mul3A_114 : i32
      %swap3A_116 = arith.index_cast %mul3A_115 : i32 to index
      %swap3A_117 = tpu.vector_load %arg9[%swap3A_116] {strides = array<i32>} : memref<10000xf32, #tpu.memory_space<vmem>>, vector<16xf32>,
      %swap3A_118 = vector.shape_cast %swap3A_117 : vector<16xf32> to vector<16xf32>
      %swap3A_119 = vector.shape_cast %broadcast_in_dim3A_113 : vector<16xf32> to vector<16xf32>
      tpu.vector_store %arg9[%swap3A_116], %swap3A_119 {strides = array<i32>} : memref<10000xf32, #tpu.memory_space<vmem>>, vector<16xf32>,
    }
    %scan3A_13 = arith.constant 625 : i32
    %broadcast_in_dim3A = arith.constant 0.000000e+00 : f32
    %broadcast_in_dim3A_14 = vector.broadcast %broadcast_in_dim3A : f32 to vector<16xf32>
    %swap3A = arith.constant 0 : index
    %swap3A_15 = tpu.vector_load %arg10[%swap3A] {strides = array<i32>} : memref<128xf32, #tpu.memory_space<vmem>>, vector<16xf32>,
    %swap3A_16 = vector.shape_cast %swap3A_15 : vector<16xf32> to vector<16xf32>
    %swap3A_17 = vector.shape_cast %broadcast_in_dim3A_14 : vector<16xf32> to vector<16xf32>
    tpu.vector_store %arg10[%swap3A], %swap3A_17 {strides = array<i32>} : memref<128xf32, #tpu.memory_space<vmem>>, vector<16xf32>,
    %broadcast_in_dim3A_18 = arith.constant 0.000000e+00 : f32
    %broadcast_in_dim3A_19 = vector.broadcast %broadcast_in_dim3A_18 : f32 to vector<16xf32>
    %swap3A_20 = arith.constant 16 : index
    %swap3A_21 = tpu.vector_load %arg10[%swap3A_20] {strides = array<i32>} : memref<128xf32, #tpu.memory_space<vmem>>, vector<16xf32>,
    %swap3A_22 = vector.shape_cast %swap3A_21 : vector<16xf32> to vector<16xf32>
    %swap3A_23 = vector.shape_cast %broadcast_in_dim3A_19 : vector<16xf32> to vector<16xf32>
    tpu.vector_store %arg10[%swap3A_20], %swap3A_23 {strides = array<i32>} : memref<128xf32, #tpu.memory_space<vmem>>, vector<16xf32>,
    %broadcast_in_dim3A_24 = arith.constant 0.000000e+00 : f32
    %broadcast_in_dim3A_25 = vector.broadcast %broadcast_in_dim3A_24 : f32 to vector<16xf32>
    %swap3A_26 = arith.constant 32 : index
    %swap3A_27 = tpu.vector_load %arg10[%swap3A_26] {strides = array<i32>} : memref<128xf32, #tpu.memory_space<vmem>>, vector<16xf32>,
    %swap3A_28 = vector.shape_cast %swap3A_27 : vector<16xf32> to vector<16xf32>
    %swap3A_29 = vector.shape_cast %broadcast_in_dim3A_25 : vector<16xf32> to vector<16xf32>
    tpu.vector_store %arg10[%swap3A_26], %swap3A_29 {strides = array<i32>} : memref<128xf32, #tpu.memory_space<vmem>>, vector<16xf32>,
    %broadcast_in_dim3A_30 = arith.constant 0.000000e+00 : f32
    %broadcast_in_dim3A_31 = vector.broadcast %broadcast_in_dim3A_30 : f32 to vector<16xf32>
    %swap3A_32 = arith.constant 48 : index
    %swap3A_33 = tpu.vector_load %arg10[%swap3A_32] {strides = array<i32>} : memref<128xf32, #tpu.memory_space<vmem>>, vector<16xf32>,
    %swap3A_34 = vector.shape_cast %swap3A_33 : vector<16xf32> to vector<16xf32>
    %swap3A_35 = vector.shape_cast %broadcast_in_dim3A_31 : vector<16xf32> to vector<16xf32>
    tpu.vector_store %arg10[%swap3A_32], %swap3A_35 {strides = array<i32>} : memref<128xf32, #tpu.memory_space<vmem>>, vector<16xf32>,
    %broadcast_in_dim3A_36 = arith.constant 0.000000e+00 : f32
    %broadcast_in_dim3A_37 = vector.broadcast %broadcast_in_dim3A_36 : f32 to vector<16xf32>
    %swap3A_38 = arith.constant 64 : index
    %swap3A_39 = tpu.vector_load %arg10[%swap3A_38] {strides = array<i32>} : memref<128xf32, #tpu.memory_space<vmem>>, vector<16xf32>,
    %swap3A_40 = vector.shape_cast %swap3A_39 : vector<16xf32> to vector<16xf32>
    %swap3A_41 = vector.shape_cast %broadcast_in_dim3A_37 : vector<16xf32> to vector<16xf32>
    tpu.vector_store %arg10[%swap3A_38], %swap3A_41 {strides = array<i32>} : memref<128xf32, #tpu.memory_space<vmem>>, vector<16xf32>,
    %broadcast_in_dim3A_42 = arith.constant 0.000000e+00 : f32
    %broadcast_in_dim3A_43 = vector.broadcast %broadcast_in_dim3A_42 : f32 to vector<16xf32>
    %swap3A_44 = arith.constant 80 : index
    %swap3A_45 = tpu.vector_load %arg10[%swap3A_44] {strides = array<i32>} : memref<128xf32, #tpu.memory_space<vmem>>, vector<16xf32>,
    %swap3A_46 = vector.shape_cast %swap3A_45 : vector<16xf32> to vector<16xf32>
    %swap3A_47 = vector.shape_cast %broadcast_in_dim3A_43 : vector<16xf32> to vector<16xf32>
    tpu.vector_store %arg10[%swap3A_44], %swap3A_47 {strides = array<i32>} : memref<128xf32, #tpu.memory_space<vmem>>, vector<16xf32>,
    %broadcast_in_dim3A_48 = arith.constant 0.000000e+00 : f32
    %broadcast_in_dim3A_49 = vector.broadcast %broadcast_in_dim3A_48 : f32 to vector<16xf32>
    %swap3A_50 = arith.constant 96 : index
    %swap3A_51 = tpu.vector_load %arg10[%swap3A_50] {strides = array<i32>} : memref<128xf32, #tpu.memory_space<vmem>>, vector<16xf32>,
    %swap3A_52 = vector.shape_cast %swap3A_51 : vector<16xf32> to vector<16xf32>
    %swap3A_53 = vector.shape_cast %broadcast_in_dim3A_49 : vector<16xf32> to vector<16xf32>
    tpu.vector_store %arg10[%swap3A_50], %swap3A_53 {strides = array<i32>} : memref<128xf32, #tpu.memory_space<vmem>>, vector<16xf32>,
    %broadcast_in_dim3A_54 = arith.constant 0.000000e+00 : f32
    %broadcast_in_dim3A_55 = vector.broadcast %broadcast_in_dim3A_54 : f32 to vector<16xf32>
    %swap3A_56 = arith.constant 112 : index
    %swap3A_57 = tpu.vector_load %arg10[%swap3A_56] {strides = array<i32>} : memref<128xf32, #tpu.memory_space<vmem>>, vector<16xf32>,
    %swap3A_58 = vector.shape_cast %swap3A_57 : vector<16xf32> to vector<16xf32>
    %swap3A_59 = vector.shape_cast %broadcast_in_dim3A_55 : vector<16xf32> to vector<16xf32>
    tpu.vector_store %arg10[%swap3A_56], %swap3A_59 {strides = array<i32>} : memref<128xf32, #tpu.memory_space<vmem>>, vector<16xf32>,
    %mul3A_60 = arith.constant 640 : i32
    %mul3A_61 = arith.muli %arg1, %mul3A_60 : i32
    %add3A_62 = arith.constant 0 : i32
    %add3A_63 = arith.addi %mul3A_61, %add3A_62 : i32
    "tpu.region"() ({
      %run_scoped3A = tpu.sem_alloc : memref<!tpu.dma_semaphore, #tpu.memory_space<semaphore_mem>>
      %dma_start3A_111 = tpu.memref_slice %arg11[%add3A_63] : memref<10240xf32, #tpu.memory_space<vmem_shared>> -> memref<128xf32, #tpu.memory_space<vmem_shared>>
      %dma_start3A_112 = tpu.memref_slice %arg11[%add3A_63] : memref<10240xf32, #tpu.memory_space<vmem_shared>> -> memref<128xf32, #tpu.memory_space<vmem_shared>>
      tpu.enqueue_dma source(%arg10 : memref<128xf32, #tpu.memory_space<vmem>>) target(%dma_start3A_112 : memref<128xf32, #tpu.memory_space<vmem_shared>>) target_semaphore(%run_scoped3A : memref<!tpu.dma_semaphore, #tpu.memory_space<semaphore_mem>>)
      %dma_wait3A_113 = tpu.memref_slice %arg11[%add3A_63] : memref<10240xf32, #tpu.memory_space<vmem_shared>> -> memref<128xf32, #tpu.memory_space<vmem_shared>>
      %dma_wait3A_114 = tpu.memref_slice %arg11[%add3A_63] : memref<10240xf32, #tpu.memory_space<vmem_shared>> -> memref<128xf32, #tpu.memory_space<vmem_shared>>
      tpu.wait_dma2 semaphore(%run_scoped3A : memref<!tpu.dma_semaphore, #tpu.memory_space<semaphore_mem>>) src(%arg10 : memref<128xf32, #tpu.memory_space<vmem>>) dst(%dma_wait3A_114 : memref<128xf32, #tpu.memory_space<vmem_shared>>)
      tpu.yield
    }) : () -> ()
    %mul3A_64 = arith.constant 640 : i32
    %mul3A_65 = arith.muli %arg1, %mul3A_64 : i32
    %add3A_66 = arith.constant 128 : i32
    %add3A_67 = arith.addi %mul3A_65, %add3A_66 : i32
    "tpu.region"() ({
      %run_scoped3A = tpu.sem_alloc : memref<!tpu.dma_semaphore, #tpu.memory_space<semaphore_mem>>
      %dma_start3A_111 = tpu.memref_slice %arg11[%add3A_67] : memref<10240xf32, #tpu.memory_space<vmem_shared>> -> memref<128xf32, #tpu.memory_space<vmem_shared>>
      %dma_start3A_112 = tpu.memref_slice %arg11[%add3A_67] : memref<10240xf32, #tpu.memory_space<vmem_shared>> -> memref<128xf32, #tpu.memory_space<vmem_shared>>
      tpu.enqueue_dma source(%arg10 : memref<128xf32, #tpu.memory_space<vmem>>) target(%dma_start3A_112 : memref<128xf32, #tpu.memory_space<vmem_shared>>) target_semaphore(%run_scoped3A : memref<!tpu.dma_semaphore, #tpu.memory_space<semaphore_mem>>)
      %dma_wait3A_113 = tpu.memref_slice %arg11[%add3A_67] : memref<10240xf32, #tpu.memory_space<vmem_shared>> -> memref<128xf32, #tpu.memory_space<vmem_shared>>
      %dma_wait3A_114 = tpu.memref_slice %arg11[%add3A_67] : memref<10240xf32, #tpu.memory_space<vmem_shared>> -> memref<128xf32, #tpu.memory_space<vmem_shared>>
      tpu.wait_dma2 semaphore(%run_scoped3A : memref<!tpu.dma_semaphore, #tpu.memory_space<semaphore_mem>>) src(%arg10 : memref<128xf32, #tpu.memory_space<vmem>>) dst(%dma_wait3A_114 : memref<128xf32, #tpu.memory_space<vmem_shared>>)
      tpu.yield
    }) : () -> ()
    %mul3A_68 = arith.constant 640 : i32
    %mul3A_69 = arith.muli %arg1, %mul3A_68 : i32
    %add3A_70 = arith.constant 256 : i32
    %add3A_71 = arith.addi %mul3A_69, %add3A_70 : i32
    "tpu.region"() ({
      %run_scoped3A = tpu.sem_alloc : memref<!tpu.dma_semaphore, #tpu.memory_space<semaphore_mem>>
      %dma_start3A_111 = tpu.memref_slice %arg11[%add3A_71] : memref<10240xf32, #tpu.memory_space<vmem_shared>> -> memref<128xf32, #tpu.memory_space<vmem_shared>>
      %dma_start3A_112 = tpu.memref_slice %arg11[%add3A_71] : memref<10240xf32, #tpu.memory_space<vmem_shared>> -> memref<128xf32, #tpu.memory_space<vmem_shared>>
      tpu.enqueue_dma source(%arg10 : memref<128xf32, #tpu.memory_space<vmem>>) target(%dma_start3A_112 : memref<128xf32, #tpu.memory_space<vmem_shared>>) target_semaphore(%run_scoped3A : memref<!tpu.dma_semaphore, #tpu.memory_space<semaphore_mem>>)
      %dma_wait3A_113 = tpu.memref_slice %arg11[%add3A_71] : memref<10240xf32, #tpu.memory_space<vmem_shared>> -> memref<128xf32, #tpu.memory_space<vmem_shared>>
      %dma_wait3A_114 = tpu.memref_slice %arg11[%add3A_71] : memref<10240xf32, #tpu.memory_space<vmem_shared>> -> memref<128xf32, #tpu.memory_space<vmem_shared>>
      tpu.wait_dma2 semaphore(%run_scoped3A : memref<!tpu.dma_semaphore, #tpu.memory_space<semaphore_mem>>) src(%arg10 : memref<128xf32, #tpu.memory_space<vmem>>) dst(%dma_wait3A_114 : memref<128xf32, #tpu.memory_space<vmem_shared>>)
      tpu.yield
    }) : () -> ()
    %mul3A_72 = arith.constant 640 : i32
    %mul3A_73 = arith.muli %arg1, %mul3A_72 : i32
    %add3A_74 = arith.constant 384 : i32
    %add3A_75 = arith.addi %mul3A_73, %add3A_74 : i32
    "tpu.region"() ({
      %run_scoped3A = tpu.sem_alloc : memref<!tpu.dma_semaphore, #tpu.memory_space<semaphore_mem>>
      %dma_start3A_111 = tpu.memref_slice %arg11[%add3A_75] : memref<10240xf32, #tpu.memory_space<vmem_shared>> -> memref<128xf32, #tpu.memory_space<vmem_shared>>
      %dma_start3A_112 = tpu.memref_slice %arg11[%add3A_75] : memref<10240xf32, #tpu.memory_space<vmem_shared>> -> memref<128xf32, #tpu.memory_space<vmem_shared>>
      tpu.enqueue_dma source(%arg10 : memref<128xf32, #tpu.memory_space<vmem>>) target(%dma_start3A_112 : memref<128xf32, #tpu.memory_space<vmem_shared>>) target_semaphore(%run_scoped3A : memref<!tpu.dma_semaphore, #tpu.memory_space<semaphore_mem>>)
      %dma_wait3A_113 = tpu.memref_slice %arg11[%add3A_75] : memref<10240xf32, #tpu.memory_space<vmem_shared>> -> memref<128xf32, #tpu.memory_space<vmem_shared>>
      %dma_wait3A_114 = tpu.memref_slice %arg11[%add3A_75] : memref<10240xf32, #tpu.memory_space<vmem_shared>> -> memref<128xf32, #tpu.memory_space<vmem_shared>>
      tpu.wait_dma2 semaphore(%run_scoped3A : memref<!tpu.dma_semaphore, #tpu.memory_space<semaphore_mem>>) src(%arg10 : memref<128xf32, #tpu.memory_space<vmem>>) dst(%dma_wait3A_114 : memref<128xf32, #tpu.memory_space<vmem_shared>>)
      tpu.yield
    }) : () -> ()
    %mul3A_76 = arith.constant 640 : i32
    %mul3A_77 = arith.muli %arg1, %mul3A_76 : i32
    %add3A_78 = arith.constant 512 : i32
    %add3A_79 = arith.addi %mul3A_77, %add3A_78 : i32
    "tpu.region"() ({
      %run_scoped3A = tpu.sem_alloc : memref<!tpu.dma_semaphore, #tpu.memory_space<semaphore_mem>>
      %dma_start3A_111 = tpu.memref_slice %arg11[%add3A_79] : memref<10240xf32, #tpu.memory_space<vmem_shared>> -> memref<128xf32, #tpu.memory_space<vmem_shared>>
      %dma_start3A_112 = tpu.memref_slice %arg11[%add3A_79] : memref<10240xf32, #tpu.memory_space<vmem_shared>> -> memref<128xf32, #tpu.memory_space<vmem_shared>>
      tpu.enqueue_dma source(%arg10 : memref<128xf32, #tpu.memory_space<vmem>>) target(%dma_start3A_112 : memref<128xf32, #tpu.memory_space<vmem_shared>>) target_semaphore(%run_scoped3A : memref<!tpu.dma_semaphore, #tpu.memory_space<semaphore_mem>>)
      %dma_wait3A_113 = tpu.memref_slice %arg11[%add3A_79] : memref<10240xf32, #tpu.memory_space<vmem_shared>> -> memref<128xf32, #tpu.memory_space<vmem_shared>>
      %dma_wait3A_114 = tpu.memref_slice %arg11[%add3A_79] : memref<10240xf32, #tpu.memory_space<vmem_shared>> -> memref<128xf32, #tpu.memory_space<vmem_shared>>
      tpu.wait_dma2 semaphore(%run_scoped3A : memref<!tpu.dma_semaphore, #tpu.memory_space<semaphore_mem>>) src(%arg10 : memref<128xf32, #tpu.memory_space<vmem>>) dst(%dma_wait3A_114 : memref<128xf32, #tpu.memory_space<vmem_shared>>)
      tpu.yield
    }) : () -> ()
    %eq3A_80 = arith.constant 0 : i32
    %eq3A_81 = arith.cmpi eq, %arg0, %eq3A_80 : i32
    %eq3A_82 = arith.constant 0 : i32
    %eq3A_83 = arith.cmpi eq, %arg1, %eq3A_82 : i32
    %and3A = arith.andi %eq3A_81, %eq3A_83 : i1
    %convert_element_type3A_84 = arith.extui %and3A : i1 to i32
    %cond3A_85 = arith.constant 0 : i32
    %cond3A_86 = arith.cmpi ne, %convert_element_type3A_84, %cond3A_85 : i32
    scf.if %cond3A_86 {
      "tpu.region"() ({
        %run_scoped3A = tpu.sem_alloc : memref<!tpu.dma_semaphore, #tpu.memory_space<semaphore_mem>>
        tpu.enqueue_dma source(%arg10 : memref<128xf32, #tpu.memory_space<vmem>>) target(%arg12 : memref<128xf32, #tpu.memory_space<vmem_shared>>) target_semaphore(%run_scoped3A : memref<!tpu.dma_semaphore, #tpu.memory_space<semaphore_mem>>)
        tpu.wait_dma2 semaphore(%run_scoped3A : memref<!tpu.dma_semaphore, #tpu.memory_space<semaphore_mem>>) src(%arg10 : memref<128xf32, #tpu.memory_space<vmem>>) dst(%arg12 : memref<128xf32, #tpu.memory_space<vmem_shared>>)
        tpu.yield
      }) : () -> ()
    } else {
    }
    %dma_wait3A = arith.constant 0 : i32
    %dma_wait3A_87 = arith.constant 0 : i32
    %dma_wait3A_88 = tpu.memref_slice %arg2[%add3A, %dma_wait3A, %dma_wait3A_87] : memref<32x1x10000xi32, #tpu.memory_space<hbm>> -> memref<1x1x10000xi32, #tpu.memory_space<hbm>>
    %dma_wait3A_89 = tpu.memref_squeeze %dma_wait3A_88 : memref<1x1x10000xi32, #tpu.memory_space<hbm>> -> memref<10000xi32, #tpu.memory_space<hbm>>
    %dma_wait3A_90 = arith.constant 0 : i32
    %dma_wait3A_91 = tpu.memref_slice %arg2[%add3A, %dma_wait3A, %dma_wait3A_90] : memref<32x1x10000xi32, #tpu.memory_space<hbm>> -> memref<1x1x10000xi32, #tpu.memory_space<hbm>>
    %dma_wait3A_92 = tpu.memref_squeeze %dma_wait3A_91 : memref<1x1x10000xi32, #tpu.memory_space<hbm>> -> memref<10000xi32, #tpu.memory_space<hbm>>
    tpu.wait_dma2 semaphore(%arg13 : memref<!tpu.dma_semaphore, #tpu.memory_space<semaphore_mem>>) src(%dma_wait3A_92 : memref<10000xi32, #tpu.memory_space<hbm>>) dst(%arg7 : memref<10000xi32, #tpu.memory_space<vmem>>)
    %barrier3A = arith.constant 0 : index
    tpu.barrier barrier_id(%barrier3A)
    "tpu.region"() ({
      %run_scoped3A = tpu.sem_alloc : memref<!tpu.dma_semaphore, #tpu.memory_space<semaphore_mem>>
      %dma_start3A_111 = arith.constant 0 : i32
      %dma_start3A_112 = tpu.memref_slice %arg11[%dma_start3A_111] : memref<10240xf32, #tpu.memory_space<vmem_shared>> -> memref<10240xf32, #tpu.memory_space<vmem_shared>>
      tpu.enqueue_indirect_dma source(%arg9 : memref<10000xf32, #tpu.memory_space<vmem>>) target(%dma_start3A_112 : memref<10240xf32, #tpu.memory_space<vmem_shared>>) offsets(%arg7 : memref<10000xi32, #tpu.memory_space<vmem>>) semaphore(%run_scoped3A : memref<!tpu.dma_semaphore, #tpu.memory_space<semaphore_mem>>) {add = true}
      %dma_wait3A_113 = arith.constant 0 : i32
      %dma_wait3A_114 = tpu.memref_slice %arg11[%dma_wait3A_113] : memref<10240xf32, #tpu.memory_space<vmem_shared>> -> memref<10240xf32, #tpu.memory_space<vmem_shared>>
      tpu.wait_indirect_dma semaphore(%run_scoped3A : memref<!tpu.dma_semaphore, #tpu.memory_space<semaphore_mem>>) src(%arg9 : memref<10000xf32, #tpu.memory_space<vmem>>) dst(%dma_wait3A_114 : memref<10240xf32, #tpu.memory_space<vmem_shared>>)
      tpu.yield
    }) : () -> ()
    %eq3A_93 = arith.constant 0 : i32
    %eq3A_94 = arith.cmpi eq, %arg0, %eq3A_93 : i32
    %convert_element_type3A_95 = arith.extui %eq3A_94 : i1 to i32
    %cond3A_96 = arith.constant 0 : i32
    %cond3A_97 = arith.cmpi ne, %convert_element_type3A_95, %cond3A_96 : i32
    scf.if %cond3A_97 {
      "tpu.region"() ({
        %run_scoped3A = tpu.sem_alloc : memref<!tpu.dma_semaphore, #tpu.memory_space<semaphore_mem>>
        %dma_start3A_111 = arith.constant 0 : i32
        %dma_start3A_112 = tpu.memref_slice %arg9[%dma_start3A_111] : memref<10000xf32, #tpu.memory_space<vmem>> -> memref<625xf32, #tpu.memory_space<vmem>>
        %dma_start3A_113 = arith.constant 0 : i32
        %dma_start3A_114 = tpu.memref_slice %arg12[%dma_start3A_113] : memref<128xf32, #tpu.memory_space<vmem_shared>> -> memref<128xf32, #tpu.memory_space<vmem_shared>>
        tpu.enqueue_indirect_dma source(%dma_start3A_112 : memref<625xf32, #tpu.memory_space<vmem>>) target(%dma_start3A_114 : memref<128xf32, #tpu.memory_space<vmem_shared>>) offsets(%arg8 : memref<625xi32, #tpu.memory_space<vmem>>) semaphore(%run_scoped3A : memref<!tpu.dma_semaphore, #tpu.memory_space<semaphore_mem>>) {add = true}
        %dma_wait3A_115 = arith.constant 0 : i32
        %dma_wait3A_116 = tpu.memref_slice %arg9[%dma_wait3A_115] : memref<10000xf32, #tpu.memory_space<vmem>> -> memref<625xf32, #tpu.memory_space<vmem>>
        %dma_wait3A_117 = arith.constant 0 : i32
        %dma_wait3A_118 = tpu.memref_slice %arg12[%dma_wait3A_117] : memref<128xf32, #tpu.memory_space<vmem_shared>> -> memref<128xf32, #tpu.memory_space<vmem_shared>>
        tpu.wait_indirect_dma semaphore(%run_scoped3A : memref<!tpu.dma_semaphore, #tpu.memory_space<semaphore_mem>>) src(%dma_wait3A_116 : memref<625xf32, #tpu.memory_space<vmem>>) dst(%dma_wait3A_118 : memref<128xf32, #tpu.memory_space<vmem_shared>>)
        tpu.yield
      }) : () -> ()
    } else {
    }
    %barrier3A_98 = arith.constant 0 : index
    tpu.barrier barrier_id(%barrier3A_98)
    %lt3A = arith.constant 10 : i32
    %lt3A_99 = arith.cmpi slt, %arg1, %lt3A : i32
    %convert_element_type3A_100 = arith.extui %lt3A_99 : i1 to i32
    %cond3A_101 = arith.constant 0 : i32
    %cond3A_102 = arith.cmpi ne, %convert_element_type3A_100, %cond3A_101 : i32
    scf.if %cond3A_102 {
      %eq3A_111 = arith.constant 0 : i32
      %eq3A_112 = arith.cmpi eq, %arg0, %eq3A_111 : i32
      %convert_element_type3A_113 = arith.extui %eq3A_112 : i1 to i32
      %cond3A_114 = arith.constant 0 : i32
      %cond3A_115 = arith.cmpi ne, %convert_element_type3A_113, %cond3A_114 : i32
      scf.if %cond3A_115 {
        %mul3A_121 = arith.constant 1024 : i32
        %mul3A_122 = arith.muli %arg1, %mul3A_121 : i32
        %mul3A_123 = arith.constant 1024 : i32
        %mul3A_124 = arith.muli %arg1, %mul3A_123 : i32
        "tpu.region"() ({
          %run_scoped3A = tpu.sem_alloc : memref<!tpu.dma_semaphore, #tpu.memory_space<semaphore_mem>>
          %dma_start3A_125 = tpu.memref_slice %arg4[%mul3A_124] : memref<10240xf32, #tpu.memory_space<hbm>> -> memref<1024xf32, #tpu.memory_space<hbm>>
          %dma_start3A_126 = tpu.memref_slice %arg11[%mul3A_122] : memref<10240xf32, #tpu.memory_space<vmem_shared>> -> memref<1024xf32, #tpu.memory_space<vmem_shared>>
          tpu.enqueue_dma source(%dma_start3A_126 : memref<1024xf32, #tpu.memory_space<vmem_shared>>) target(%dma_start3A_125 : memref<1024xf32, #tpu.memory_space<hbm>>) target_semaphore(%run_scoped3A : memref<!tpu.dma_semaphore, #tpu.memory_space<semaphore_mem>>)
          %dma_wait3A_127 = tpu.memref_slice %arg4[%mul3A_124] : memref<10240xf32, #tpu.memory_space<hbm>> -> memref<1024xf32, #tpu.memory_space<hbm>>
          %dma_wait3A_128 = tpu.memref_slice %arg11[%mul3A_122] : memref<10240xf32, #tpu.memory_space<vmem_shared>> -> memref<1024xf32, #tpu.memory_space<vmem_shared>>
          tpu.wait_dma2 semaphore(%run_scoped3A : memref<!tpu.dma_semaphore, #tpu.memory_space<semaphore_mem>>) src(%dma_wait3A_128 : memref<1024xf32, #tpu.memory_space<vmem_shared>>) dst(%dma_wait3A_127 : memref<1024xf32, #tpu.memory_space<hbm>>)
          tpu.yield
        }) : () -> ()
      } else {
      }
      %eq3A_116 = arith.constant 1 : i32
      %eq3A_117 = arith.cmpi eq, %arg0, %eq3A_116 : i32
      %convert_element_type3A_118 = arith.extui %eq3A_117 : i1 to i32
      %cond3A_119 = arith.constant 0 : i32
      %cond3A_120 = arith.cmpi ne, %convert_element_type3A_118, %cond3A_119 : i32
      scf.if %cond3A_120 {
        %mul3A_121 = arith.constant 1024 : i32
        %mul3A_122 = arith.muli %arg1, %mul3A_121 : i32
        %mul3A_123 = arith.constant 1024 : i32
        %mul3A_124 = arith.muli %arg1, %mul3A_123 : i32
        "tpu.region"() ({
          %run_scoped3A = tpu.sem_alloc : memref<!tpu.dma_semaphore, #tpu.memory_space<semaphore_mem>>
          %dma_start3A_125 = tpu.memref_slice %arg5[%mul3A_124] : memref<10240xf32, #tpu.memory_space<hbm>> -> memref<1024xf32, #tpu.memory_space<hbm>>
          %dma_start3A_126 = tpu.memref_slice %arg11[%mul3A_122] : memref<10240xf32, #tpu.memory_space<vmem_shared>> -> memref<1024xf32, #tpu.memory_space<vmem_shared>>
          tpu.enqueue_dma source(%dma_start3A_126 : memref<1024xf32, #tpu.memory_space<vmem_shared>>) target(%dma_start3A_125 : memref<1024xf32, #tpu.memory_space<hbm>>) target_semaphore(%run_scoped3A : memref<!tpu.dma_semaphore, #tpu.memory_space<semaphore_mem>>)
          %dma_wait3A_127 = tpu.memref_slice %arg5[%mul3A_124] : memref<10240xf32, #tpu.memory_space<hbm>> -> memref<1024xf32, #tpu.memory_space<hbm>>
          %dma_wait3A_128 = tpu.memref_slice %arg11[%mul3A_122] : memref<10240xf32, #tpu.memory_space<vmem_shared>> -> memref<1024xf32, #tpu.memory_space<vmem_shared>>
          tpu.wait_dma2 semaphore(%run_scoped3A : memref<!tpu.dma_semaphore, #tpu.memory_space<semaphore_mem>>) src(%dma_wait3A_128 : memref<1024xf32, #tpu.memory_space<vmem_shared>>) dst(%dma_wait3A_127 : memref<1024xf32, #tpu.memory_space<hbm>>)
          tpu.yield
        }) : () -> ()
      } else {
      }
    } else {
    }
    %eq3A_103 = arith.constant 0 : i32
    %eq3A_104 = arith.cmpi eq, %arg0, %eq3A_103 : i32
    %eq3A_105 = arith.constant 0 : i32
    %eq3A_106 = arith.cmpi eq, %arg1, %eq3A_105 : i32
    %and3A_107 = arith.andi %eq3A_104, %eq3A_106 : i1
    %convert_element_type3A_108 = arith.extui %and3A_107 : i1 to i32
    %cond3A_109 = arith.constant 0 : i32
    %cond3A_110 = arith.cmpi ne, %convert_element_type3A_108, %cond3A_109 : i32
    scf.if %cond3A_110 {
      "tpu.region"() ({
        %run_scoped3A = tpu.sem_alloc : memref<!tpu.dma_semaphore, #tpu.memory_space<semaphore_mem>>
        tpu.enqueue_dma source(%arg12 : memref<128xf32, #tpu.memory_space<vmem_shared>>) target(%arg6 : memref<128xf32, #tpu.memory_space<hbm>>) target_semaphore(%run_scoped3A : memref<!tpu.dma_semaphore, #tpu.memory_space<semaphore_mem>>)
        tpu.wait_dma2 semaphore(%run_scoped3A : memref<!tpu.dma_semaphore, #tpu.memory_space<semaphore_mem>>) src(%arg12 : memref<128xf32, #tpu.memory_space<vmem_shared>>) dst(%arg6 : memref<128xf32, #tpu.memory_space<hbm>>)
        tpu.yield
      }) : () -> ()
    } else {
    }
    return
  }
}

#map = affine_map<(d0, d1) -> (0, 0)>
#map1 = affine_map<(d0, d1) -> (0, 0, 0)>
module attributes {stable_mosaic.version = 14 : i64} {
  func.func @_sc_agg_body(%arg0: i32, %arg1: i32, %arg2: memref<10000x128xf32, #tpu.memory_space<hbm>>, %arg3: memref<2560x125xi32, #tpu.memory_space<hbm>>, %arg4: memref<2560x125xi32, #tpu.memory_space<hbm>>, %arg5: memref<2x10000x128xf32, #tpu.memory_space<hbm>>, %arg6: memref<40x125xi32, #tpu.memory_space<vmem>>, %arg7: memref<40x125xi32, #tpu.memory_space<vmem>>, %arg8: memref<125x128xf32, #tpu.memory_space<vmem>>, %arg9: memref<125x128xf32, #tpu.memory_space<vmem>>, %arg10: memref<25x128xf32, #tpu.memory_space<vmem>>, %arg11: memref<10000x128xf32, #tpu.memory_space<vmem_shared>>, %arg12: memref<!tpu.dma_semaphore, #tpu.memory_space<semaphore_mem>>, %arg13: memref<!tpu.dma_semaphore, #tpu.memory_space<semaphore_mem>>, %arg14: memref<!tpu.dma_semaphore, #tpu.memory_space<semaphore_mem>>, %arg15: memref<!tpu.dma_semaphore, #tpu.memory_space<semaphore_mem>>) attributes {dimension_semantics = [#tpu.dimension_semantics<core_parallel>, #tpu.dimension_semantics<subcore_parallel>], iteration_bounds = array<i64: 2, 16>, scalar_prefetch = 0 : i64, scratch_operands = 10 : i64, tpu.core_type = #tpu.core_type<sc_vector_subcore>, window_params = [{transform_indices = #map}, {transform_indices = #map}, {transform_indices = #map}, {transform_indices = #map1}]} {
    %mul3A = arith.constant 16 : i32
    %mul3A_0 = arith.muli %arg0, %mul3A : i32
    %add3A = arith.addi %mul3A_0, %arg1 : i32
    %mul3A_1 = arith.constant 80 : i32
    %mul3A_2 = arith.muli %add3A, %mul3A_1 : i32
    %add3A_3 = arith.constant 0 : i32
    %add3A_4 = arith.addi %mul3A_2, %add3A_3 : i32
    "tpu.region"() ({
      %run_scoped3A = tpu.sem_alloc : memref<!tpu.dma_semaphore, #tpu.memory_space<semaphore_mem>>
      %dma_start3A_173 = arith.constant 0 : i32
      %dma_start3A_174 = tpu.memref_slice %arg3[%add3A_4, %dma_start3A_173] : memref<2560x125xi32, #tpu.memory_space<hbm>> -> memref<40x125xi32, #tpu.memory_space<hbm>>
      %dma_start3A_175 = arith.constant 0 : i32
      %dma_start3A_176 = tpu.memref_slice %arg3[%add3A_4, %dma_start3A_175] : memref<2560x125xi32, #tpu.memory_space<hbm>> -> memref<40x125xi32, #tpu.memory_space<hbm>>
      tpu.enqueue_dma source(%dma_start3A_176 : memref<40x125xi32, #tpu.memory_space<hbm>>) target(%arg6 : memref<40x125xi32, #tpu.memory_space<vmem>>) target_semaphore(%run_scoped3A : memref<!tpu.dma_semaphore, #tpu.memory_space<semaphore_mem>>)
      %dma_wait3A_177 = arith.constant 0 : i32
      %dma_wait3A_178 = tpu.memref_slice %arg3[%add3A_4, %dma_wait3A_177] : memref<2560x125xi32, #tpu.memory_space<hbm>> -> memref<40x125xi32, #tpu.memory_space<hbm>>
      %dma_wait3A_179 = arith.constant 0 : i32
      %dma_wait3A_180 = tpu.memref_slice %arg3[%add3A_4, %dma_wait3A_179] : memref<2560x125xi32, #tpu.memory_space<hbm>> -> memref<40x125xi32, #tpu.memory_space<hbm>>
      tpu.wait_dma2 semaphore(%run_scoped3A : memref<!tpu.dma_semaphore, #tpu.memory_space<semaphore_mem>>) src(%dma_wait3A_180 : memref<40x125xi32, #tpu.memory_space<hbm>>) dst(%arg6 : memref<40x125xi32, #tpu.memory_space<vmem>>)
      tpu.yield
    }) : () -> ()
    "tpu.region"() ({
      %run_scoped3A = tpu.sem_alloc : memref<!tpu.dma_semaphore, #tpu.memory_space<semaphore_mem>>
      %dma_start3A_173 = arith.constant 0 : i32
      %dma_start3A_174 = tpu.memref_slice %arg4[%add3A_4, %dma_start3A_173] : memref<2560x125xi32, #tpu.memory_space<hbm>> -> memref<40x125xi32, #tpu.memory_space<hbm>>
      %dma_start3A_175 = arith.constant 0 : i32
      %dma_start3A_176 = tpu.memref_slice %arg4[%add3A_4, %dma_start3A_175] : memref<2560x125xi32, #tpu.memory_space<hbm>> -> memref<40x125xi32, #tpu.memory_space<hbm>>
      tpu.enqueue_dma source(%dma_start3A_176 : memref<40x125xi32, #tpu.memory_space<hbm>>) target(%arg7 : memref<40x125xi32, #tpu.memory_space<vmem>>) target_semaphore(%run_scoped3A : memref<!tpu.dma_semaphore, #tpu.memory_space<semaphore_mem>>)
      %dma_wait3A_177 = arith.constant 0 : i32
      %dma_wait3A_178 = tpu.memref_slice %arg4[%add3A_4, %dma_wait3A_177] : memref<2560x125xi32, #tpu.memory_space<hbm>> -> memref<40x125xi32, #tpu.memory_space<hbm>>
      %dma_wait3A_179 = arith.constant 0 : i32
      %dma_wait3A_180 = tpu.memref_slice %arg4[%add3A_4, %dma_wait3A_179] : memref<2560x125xi32, #tpu.memory_space<hbm>> -> memref<40x125xi32, #tpu.memory_space<hbm>>
      tpu.wait_dma2 semaphore(%run_scoped3A : memref<!tpu.dma_semaphore, #tpu.memory_space<semaphore_mem>>) src(%dma_wait3A_180 : memref<40x125xi32, #tpu.memory_space<hbm>>) dst(%arg7 : memref<40x125xi32, #tpu.memory_space<vmem>>)
      tpu.yield
    }) : () -> ()
    %dma_start3A = arith.constant 0 : i32
    %dma_start3A_5 = arith.constant 0 : i32
    %dma_start3A_6 = tpu.memref_slice %arg6[%dma_start3A, %dma_start3A_5] : memref<40x125xi32, #tpu.memory_space<vmem>> -> memref<1x125xi32, #tpu.memory_space<vmem>>
    %dma_start3A_7 = tpu.memref_squeeze %dma_start3A_6 : memref<1x125xi32, #tpu.memory_space<vmem>> -> memref<125xi32, #tpu.memory_space<vmem>>
    %dma_start3A_8 = arith.constant 0 : i32
    %dma_start3A_9 = arith.constant 0 : i32
    %dma_start3A_10 = tpu.memref_slice %arg2[%dma_start3A_8, %dma_start3A_9] : memref<10000x128xf32, #tpu.memory_space<hbm>> -> memref<10000x128xf32, #tpu.memory_space<hbm>>
    tpu.enqueue_indirect_dma source(%dma_start3A_10 : memref<10000x128xf32, #tpu.memory_space<hbm>>) target(%arg8 : memref<125x128xf32, #tpu.memory_space<vmem>>) offsets(%dma_start3A_7 : memref<125xi32, #tpu.memory_space<vmem>>) semaphore(%arg12 : memref<!tpu.dma_semaphore, #tpu.memory_space<semaphore_mem>>)
    %scan3A = arith.constant 0 : i32
    %scan3A_11 = arith.constant 0 : i32
    %scan3A_12 = arith.constant 25 : i32
    %scan3A_13 = arith.addi %scan3A_11, %scan3A_12 : i32
    %scan3A_14 = arith.constant 1 : i32
    scf.for %scan3A_173 = %scan3A_11 to %scan3A_13 step %scan3A_14  : i32 {
      %broadcast_in_dim3A = arith.constant 0.000000e+00 : f32
      %broadcast_in_dim3A_174 = vector.broadcast %broadcast_in_dim3A : f32 to vector<16xf32>
      %swap3A = arith.index_cast %scan3A_173 : i32 to index
      %swap3A_175 = arith.constant 0 : index
      %swap3A_176 = tpu.vector_load %arg10[%swap3A, %swap3A_175] {strides = array<i32>} : memref<25x128xf32, #tpu.memory_space<vmem>>, vector<1x16xf32>,
      %swap3A_177 = vector.shape_cast %swap3A_176 : vector<1x16xf32> to vector<16xf32>
      %swap3A_178 = vector.shape_cast %broadcast_in_dim3A_174 : vector<16xf32> to vector<1x16xf32>
      tpu.vector_store %arg10[%swap3A, %swap3A_175], %swap3A_178 {strides = array<i32>} : memref<25x128xf32, #tpu.memory_space<vmem>>, vector<1x16xf32>,
      %broadcast_in_dim3A_179 = arith.constant 0.000000e+00 : f32
      %broadcast_in_dim3A_180 = vector.broadcast %broadcast_in_dim3A_179 : f32 to vector<16xf32>
      %swap3A_181 = arith.index_cast %scan3A_173 : i32 to index
      %swap3A_182 = arith.constant 16 : index
      %swap3A_183 = tpu.vector_load %arg10[%swap3A_181, %swap3A_182] {strides = array<i32>} : memref<25x128xf32, #tpu.memory_space<vmem>>, vector<1x16xf32>,
      %swap3A_184 = vector.shape_cast %swap3A_183 : vector<1x16xf32> to vector<16xf32>
      %swap3A_185 = vector.shape_cast %broadcast_in_dim3A_180 : vector<16xf32> to vector<1x16xf32>
      tpu.vector_store %arg10[%swap3A_181, %swap3A_182], %swap3A_185 {strides = array<i32>} : memref<25x128xf32, #tpu.memory_space<vmem>>, vector<1x16xf32>,
      %broadcast_in_dim3A_186 = arith.constant 0.000000e+00 : f32
      %broadcast_in_dim3A_187 = vector.broadcast %broadcast_in_dim3A_186 : f32 to vector<16xf32>
      %swap3A_188 = arith.index_cast %scan3A_173 : i32 to index
      %swap3A_189 = arith.constant 32 : index
      %swap3A_190 = tpu.vector_load %arg10[%swap3A_188, %swap3A_189] {strides = array<i32>} : memref<25x128xf32, #tpu.memory_space<vmem>>, vector<1x16xf32>,
      %swap3A_191 = vector.shape_cast %swap3A_190 : vector<1x16xf32> to vector<16xf32>
      %swap3A_192 = vector.shape_cast %broadcast_in_dim3A_187 : vector<16xf32> to vector<1x16xf32>
      tpu.vector_store %arg10[%swap3A_188, %swap3A_189], %swap3A_192 {strides = array<i32>} : memref<25x128xf32, #tpu.memory_space<vmem>>, vector<1x16xf32>,
      %broadcast_in_dim3A_193 = arith.constant 0.000000e+00 : f32
      %broadcast_in_dim3A_194 = vector.broadcast %broadcast_in_dim3A_193 : f32 to vector<16xf32>
      %swap3A_195 = arith.index_cast %scan3A_173 : i32 to index
      %swap3A_196 = arith.constant 48 : index
      %swap3A_197 = tpu.vector_load %arg10[%swap3A_195, %swap3A_196] {strides = array<i32>} : memref<25x128xf32, #tpu.memory_space<vmem>>, vector<1x16xf32>,
      %swap3A_198 = vector.shape_cast %swap3A_197 : vector<1x16xf32> to vector<16xf32>
      %swap3A_199 = vector.shape_cast %broadcast_in_dim3A_194 : vector<16xf32> to vector<1x16xf32>
      tpu.vector_store %arg10[%swap3A_195, %swap3A_196], %swap3A_199 {strides = array<i32>} : memref<25x128xf32, #tpu.memory_space<vmem>>, vector<1x16xf32>,
      %broadcast_in_dim3A_200 = arith.constant 0.000000e+00 : f32
      %broadcast_in_dim3A_201 = vector.broadcast %broadcast_in_dim3A_200 : f32 to vector<16xf32>
      %swap3A_202 = arith.index_cast %scan3A_173 : i32 to index
      %swap3A_203 = arith.constant 64 : index
      %swap3A_204 = tpu.vector_load %arg10[%swap3A_202, %swap3A_203] {strides = array<i32>} : memref<25x128xf32, #tpu.memory_space<vmem>>, vector<1x16xf32>,
      %swap3A_205 = vector.shape_cast %swap3A_204 : vector<1x16xf32> to vector<16xf32>
      %swap3A_206 = vector.shape_cast %broadcast_in_dim3A_201 : vector<16xf32> to vector<1x16xf32>
      tpu.vector_store %arg10[%swap3A_202, %swap3A_203], %swap3A_206 {strides = array<i32>} : memref<25x128xf32, #tpu.memory_space<vmem>>, vector<1x16xf32>,
      %broadcast_in_dim3A_207 = arith.constant 0.000000e+00 : f32
      %broadcast_in_dim3A_208 = vector.broadcast %broadcast_in_dim3A_207 : f32 to vector<16xf32>
      %swap3A_209 = arith.index_cast %scan3A_173 : i32 to index
      %swap3A_210 = arith.constant 80 : index
      %swap3A_211 = tpu.vector_load %arg10[%swap3A_209, %swap3A_210] {strides = array<i32>} : memref<25x128xf32, #tpu.memory_space<vmem>>, vector<1x16xf32>,
      %swap3A_212 = vector.shape_cast %swap3A_211 : vector<1x16xf32> to vector<16xf32>
      %swap3A_213 = vector.shape_cast %broadcast_in_dim3A_208 : vector<16xf32> to vector<1x16xf32>
      tpu.vector_store %arg10[%swap3A_209, %swap3A_210], %swap3A_213 {strides = array<i32>} : memref<25x128xf32, #tpu.memory_space<vmem>>, vector<1x16xf32>,
      %broadcast_in_dim3A_214 = arith.constant 0.000000e+00 : f32
      %broadcast_in_dim3A_215 = vector.broadcast %broadcast_in_dim3A_214 : f32 to vector<16xf32>
      %swap3A_216 = arith.index_cast %scan3A_173 : i32 to index
      %swap3A_217 = arith.constant 96 : index
      %swap3A_218 = tpu.vector_load %arg10[%swap3A_216, %swap3A_217] {strides = array<i32>} : memref<25x128xf32, #tpu.memory_space<vmem>>, vector<1x16xf32>,
      %swap3A_219 = vector.shape_cast %swap3A_218 : vector<1x16xf32> to vector<16xf32>
      %swap3A_220 = vector.shape_cast %broadcast_in_dim3A_215 : vector<16xf32> to vector<1x16xf32>
      tpu.vector_store %arg10[%swap3A_216, %swap3A_217], %swap3A_220 {strides = array<i32>} : memref<25x128xf32, #tpu.memory_space<vmem>>, vector<1x16xf32>,
      %broadcast_in_dim3A_221 = arith.constant 0.000000e+00 : f32
      %broadcast_in_dim3A_222 = vector.broadcast %broadcast_in_dim3A_221 : f32 to vector<16xf32>
      %swap3A_223 = arith.index_cast %scan3A_173 : i32 to index
      %swap3A_224 = arith.constant 112 : index
      %swap3A_225 = tpu.vector_load %arg10[%swap3A_223, %swap3A_224] {strides = array<i32>} : memref<25x128xf32, #tpu.memory_space<vmem>>, vector<1x16xf32>,
      %swap3A_226 = vector.shape_cast %swap3A_225 : vector<1x16xf32> to vector<16xf32>
      %swap3A_227 = vector.shape_cast %broadcast_in_dim3A_222 : vector<16xf32> to vector<1x16xf32>
      tpu.vector_store %arg10[%swap3A_223, %swap3A_224], %swap3A_227 {strides = array<i32>} : memref<25x128xf32, #tpu.memory_space<vmem>>, vector<1x16xf32>,
    }
    %scan3A_15 = arith.constant 25 : i32
    %mul3A_16 = arith.constant 625 : i32
    %mul3A_17 = arith.muli %arg1, %mul3A_16 : i32
    %add3A_18 = arith.constant 0 : i32
    %add3A_19 = arith.addi %mul3A_17, %add3A_18 : i32
    "tpu.region"() ({
      %run_scoped3A = tpu.sem_alloc : memref<!tpu.dma_semaphore, #tpu.memory_space<semaphore_mem>>
      %dma_start3A_173 = arith.constant 0 : i32
      %dma_start3A_174 = tpu.memref_slice %arg11[%add3A_19, %dma_start3A_173] : memref<10000x128xf32, #tpu.memory_space<vmem_shared>> -> memref<25x128xf32, #tpu.memory_space<vmem_shared>>
      %dma_start3A_175 = arith.constant 0 : i32
      %dma_start3A_176 = tpu.memref_slice %arg11[%add3A_19, %dma_start3A_175] : memref<10000x128xf32, #tpu.memory_space<vmem_shared>> -> memref<25x128xf32, #tpu.memory_space<vmem_shared>>
      tpu.enqueue_dma source(%arg10 : memref<25x128xf32, #tpu.memory_space<vmem>>) target(%dma_start3A_176 : memref<25x128xf32, #tpu.memory_space<vmem_shared>>) target_semaphore(%run_scoped3A : memref<!tpu.dma_semaphore, #tpu.memory_space<semaphore_mem>>)
      %dma_wait3A_177 = arith.constant 0 : i32
      %dma_wait3A_178 = tpu.memref_slice %arg11[%add3A_19, %dma_wait3A_177] : memref<10000x128xf32, #tpu.memory_space<vmem_shared>> -> memref<25x128xf32, #tpu.memory_space<vmem_shared>>
      %dma_wait3A_179 = arith.constant 0 : i32
      %dma_wait3A_180 = tpu.memref_slice %arg11[%add3A_19, %dma_wait3A_179] : memref<10000x128xf32, #tpu.memory_space<vmem_shared>> -> memref<25x128xf32, #tpu.memory_space<vmem_shared>>
      tpu.wait_dma2 semaphore(%run_scoped3A : memref<!tpu.dma_semaphore, #tpu.memory_space<semaphore_mem>>) src(%arg10 : memref<25x128xf32, #tpu.memory_space<vmem>>) dst(%dma_wait3A_180 : memref<25x128xf32, #tpu.memory_space<vmem_shared>>)
      tpu.yield
    }) : () -> ()
    %mul3A_20 = arith.constant 625 : i32
    %mul3A_21 = arith.muli %arg1, %mul3A_20 : i32
    %add3A_22 = arith.constant 25 : i32
    %add3A_23 = arith.addi %mul3A_21, %add3A_22 : i32
    "tpu.region"() ({
      %run_scoped3A = tpu.sem_alloc : memref<!tpu.dma_semaphore, #tpu.memory_space<semaphore_mem>>
      %dma_start3A_173 = arith.constant 0 : i32
      %dma_start3A_174 = tpu.memref_slice %arg11[%add3A_23, %dma_start3A_173] : memref<10000x128xf32, #tpu.memory_space<vmem_shared>> -> memref<25x128xf32, #tpu.memory_space<vmem_shared>>
      %dma_start3A_175 = arith.constant 0 : i32
      %dma_start3A_176 = tpu.memref_slice %arg11[%add3A_23, %dma_start3A_175] : memref<10000x128xf32, #tpu.memory_space<vmem_shared>> -> memref<25x128xf32, #tpu.memory_space<vmem_shared>>
      tpu.enqueue_dma source(%arg10 : memref<25x128xf32, #tpu.memory_space<vmem>>) target(%dma_start3A_176 : memref<25x128xf32, #tpu.memory_space<vmem_shared>>) target_semaphore(%run_scoped3A : memref<!tpu.dma_semaphore, #tpu.memory_space<semaphore_mem>>)
      %dma_wait3A_177 = arith.constant 0 : i32
      %dma_wait3A_178 = tpu.memref_slice %arg11[%add3A_23, %dma_wait3A_177] : memref<10000x128xf32, #tpu.memory_space<vmem_shared>> -> memref<25x128xf32, #tpu.memory_space<vmem_shared>>
      %dma_wait3A_179 = arith.constant 0 : i32
      %dma_wait3A_180 = tpu.memref_slice %arg11[%add3A_23, %dma_wait3A_179] : memref<10000x128xf32, #tpu.memory_space<vmem_shared>> -> memref<25x128xf32, #tpu.memory_space<vmem_shared>>
      tpu.wait_dma2 semaphore(%run_scoped3A : memref<!tpu.dma_semaphore, #tpu.memory_space<semaphore_mem>>) src(%arg10 : memref<25x128xf32, #tpu.memory_space<vmem>>) dst(%dma_wait3A_180 : memref<25x128xf32, #tpu.memory_space<vmem_shared>>)
      tpu.yield
    }) : () -> ()
    %mul3A_24 = arith.constant 625 : i32
    %mul3A_25 = arith.muli %arg1, %mul3A_24 : i32
    %add3A_26 = arith.constant 50 : i32
    %add3A_27 = arith.addi %mul3A_25, %add3A_26 : i32
    "tpu.region"() ({
      %run_scoped3A = tpu.sem_alloc : memref<!tpu.dma_semaphore, #tpu.memory_space<semaphore_mem>>
      %dma_start3A_173 = arith.constant 0 : i32
      %dma_start3A_174 = tpu.memref_slice %arg11[%add3A_27, %dma_start3A_173] : memref<10000x128xf32, #tpu.memory_space<vmem_shared>> -> memref<25x128xf32, #tpu.memory_space<vmem_shared>>
      %dma_start3A_175 = arith.constant 0 : i32
      %dma_start3A_176 = tpu.memref_slice %arg11[%add3A_27, %dma_start3A_175] : memref<10000x128xf32, #tpu.memory_space<vmem_shared>> -> memref<25x128xf32, #tpu.memory_space<vmem_shared>>
      tpu.enqueue_dma source(%arg10 : memref<25x128xf32, #tpu.memory_space<vmem>>) target(%dma_start3A_176 : memref<25x128xf32, #tpu.memory_space<vmem_shared>>) target_semaphore(%run_scoped3A : memref<!tpu.dma_semaphore, #tpu.memory_space<semaphore_mem>>)
      %dma_wait3A_177 = arith.constant 0 : i32
      %dma_wait3A_178 = tpu.memref_slice %arg11[%add3A_27, %dma_wait3A_177] : memref<10000x128xf32, #tpu.memory_space<vmem_shared>> -> memref<25x128xf32, #tpu.memory_space<vmem_shared>>
      %dma_wait3A_179 = arith.constant 0 : i32
      %dma_wait3A_180 = tpu.memref_slice %arg11[%add3A_27, %dma_wait3A_179] : memref<10000x128xf32, #tpu.memory_space<vmem_shared>> -> memref<25x128xf32, #tpu.memory_space<vmem_shared>>
      tpu.wait_dma2 semaphore(%run_scoped3A : memref<!tpu.dma_semaphore, #tpu.memory_space<semaphore_mem>>) src(%arg10 : memref<25x128xf32, #tpu.memory_space<vmem>>) dst(%dma_wait3A_180 : memref<25x128xf32, #tpu.memory_space<vmem_shared>>)
      tpu.yield
    }) : () -> ()
    %mul3A_28 = arith.constant 625 : i32
    %mul3A_29 = arith.muli %arg1, %mul3A_28 : i32
    %add3A_30 = arith.constant 75 : i32
    %add3A_31 = arith.addi %mul3A_29, %add3A_30 : i32
    "tpu.region"() ({
      %run_scoped3A = tpu.sem_alloc : memref<!tpu.dma_semaphore, #tpu.memory_space<semaphore_mem>>
      %dma_start3A_173 = arith.constant 0 : i32
      %dma_start3A_174 = tpu.memref_slice %arg11[%add3A_31, %dma_start3A_173] : memref<10000x128xf32, #tpu.memory_space<vmem_shared>> -> memref<25x128xf32, #tpu.memory_space<vmem_shared>>
      %dma_start3A_175 = arith.constant 0 : i32
      %dma_start3A_176 = tpu.memref_slice %arg11[%add3A_31, %dma_start3A_175] : memref<10000x128xf32, #tpu.memory_space<vmem_shared>> -> memref<25x128xf32, #tpu.memory_space<vmem_shared>>
      tpu.enqueue_dma source(%arg10 : memref<25x128xf32, #tpu.memory_space<vmem>>) target(%dma_start3A_176 : memref<25x128xf32, #tpu.memory_space<vmem_shared>>) target_semaphore(%run_scoped3A : memref<!tpu.dma_semaphore, #tpu.memory_space<semaphore_mem>>)
      %dma_wait3A_177 = arith.constant 0 : i32
      %dma_wait3A_178 = tpu.memref_slice %arg11[%add3A_31, %dma_wait3A_177] : memref<10000x128xf32, #tpu.memory_space<vmem_shared>> -> memref<25x128xf32, #tpu.memory_space<vmem_shared>>
      %dma_wait3A_179 = arith.constant 0 : i32
      %dma_wait3A_180 = tpu.memref_slice %arg11[%add3A_31, %dma_wait3A_179] : memref<10000x128xf32, #tpu.memory_space<vmem_shared>> -> memref<25x128xf32, #tpu.memory_space<vmem_shared>>
      tpu.wait_dma2 semaphore(%run_scoped3A : memref<!tpu.dma_semaphore, #tpu.memory_space<semaphore_mem>>) src(%arg10 : memref<25x128xf32, #tpu.memory_space<vmem>>) dst(%dma_wait3A_180 : memref<25x128xf32, #tpu.memory_space<vmem_shared>>)
      tpu.yield
    }) : () -> ()
    %mul3A_32 = arith.constant 625 : i32
    %mul3A_33 = arith.muli %arg1, %mul3A_32 : i32
    %add3A_34 = arith.constant 100 : i32
    %add3A_35 = arith.addi %mul3A_33, %add3A_34 : i32
    "tpu.region"() ({
      %run_scoped3A = tpu.sem_alloc : memref<!tpu.dma_semaphore, #tpu.memory_space<semaphore_mem>>
      %dma_start3A_173 = arith.constant 0 : i32
      %dma_start3A_174 = tpu.memref_slice %arg11[%add3A_35, %dma_start3A_173] : memref<10000x128xf32, #tpu.memory_space<vmem_shared>> -> memref<25x128xf32, #tpu.memory_space<vmem_shared>>
      %dma_start3A_175 = arith.constant 0 : i32
      %dma_start3A_176 = tpu.memref_slice %arg11[%add3A_35, %dma_start3A_175] : memref<10000x128xf32, #tpu.memory_space<vmem_shared>> -> memref<25x128xf32, #tpu.memory_space<vmem_shared>>
      tpu.enqueue_dma source(%arg10 : memref<25x128xf32, #tpu.memory_space<vmem>>) target(%dma_start3A_176 : memref<25x128xf32, #tpu.memory_space<vmem_shared>>) target_semaphore(%run_scoped3A : memref<!tpu.dma_semaphore, #tpu.memory_space<semaphore_mem>>)
      %dma_wait3A_177 = arith.constant 0 : i32
      %dma_wait3A_178 = tpu.memref_slice %arg11[%add3A_35, %dma_wait3A_177] : memref<10000x128xf32, #tpu.memory_space<vmem_shared>> -> memref<25x128xf32, #tpu.memory_space<vmem_shared>>
      %dma_wait3A_179 = arith.constant 0 : i32
      %dma_wait3A_180 = tpu.memref_slice %arg11[%add3A_35, %dma_wait3A_179] : memref<10000x128xf32, #tpu.memory_space<vmem_shared>> -> memref<25x128xf32, #tpu.memory_space<vmem_shared>>
      tpu.wait_dma2 semaphore(%run_scoped3A : memref<!tpu.dma_semaphore, #tpu.memory_space<semaphore_mem>>) src(%arg10 : memref<25x128xf32, #tpu.memory_space<vmem>>) dst(%dma_wait3A_180 : memref<25x128xf32, #tpu.memory_space<vmem_shared>>)
      tpu.yield
    }) : () -> ()
    %mul3A_36 = arith.constant 625 : i32
    %mul3A_37 = arith.muli %arg1, %mul3A_36 : i32
    %add3A_38 = arith.constant 125 : i32
    %add3A_39 = arith.addi %mul3A_37, %add3A_38 : i32
    "tpu.region"() ({
      %run_scoped3A = tpu.sem_alloc : memref<!tpu.dma_semaphore, #tpu.memory_space<semaphore_mem>>
      %dma_start3A_173 = arith.constant 0 : i32
      %dma_start3A_174 = tpu.memref_slice %arg11[%add3A_39, %dma_start3A_173] : memref<10000x128xf32, #tpu.memory_space<vmem_shared>> -> memref<25x128xf32, #tpu.memory_space<vmem_shared>>
      %dma_start3A_175 = arith.constant 0 : i32
      %dma_start3A_176 = tpu.memref_slice %arg11[%add3A_39, %dma_start3A_175] : memref<10000x128xf32, #tpu.memory_space<vmem_shared>> -> memref<25x128xf32, #tpu.memory_space<vmem_shared>>
      tpu.enqueue_dma source(%arg10 : memref<25x128xf32, #tpu.memory_space<vmem>>) target(%dma_start3A_176 : memref<25x128xf32, #tpu.memory_space<vmem_shared>>) target_semaphore(%run_scoped3A : memref<!tpu.dma_semaphore, #tpu.memory_space<semaphore_mem>>)
      %dma_wait3A_177 = arith.constant 0 : i32
      %dma_wait3A_178 = tpu.memref_slice %arg11[%add3A_39, %dma_wait3A_177] : memref<10000x128xf32, #tpu.memory_space<vmem_shared>> -> memref<25x128xf32, #tpu.memory_space<vmem_shared>>
      %dma_wait3A_179 = arith.constant 0 : i32
      %dma_wait3A_180 = tpu.memref_slice %arg11[%add3A_39, %dma_wait3A_179] : memref<10000x128xf32, #tpu.memory_space<vmem_shared>> -> memref<25x128xf32, #tpu.memory_space<vmem_shared>>
      tpu.wait_dma2 semaphore(%run_scoped3A : memref<!tpu.dma_semaphore, #tpu.memory_space<semaphore_mem>>) src(%arg10 : memref<25x128xf32, #tpu.memory_space<vmem>>) dst(%dma_wait3A_180 : memref<25x128xf32, #tpu.memory_space<vmem_shared>>)
      tpu.yield
    }) : () -> ()
    %mul3A_40 = arith.constant 625 : i32
    %mul3A_41 = arith.muli %arg1, %mul3A_40 : i32
    %add3A_42 = arith.constant 150 : i32
    %add3A_43 = arith.addi %mul3A_41, %add3A_42 : i32
    "tpu.region"() ({
      %run_scoped3A = tpu.sem_alloc : memref<!tpu.dma_semaphore, #tpu.memory_space<semaphore_mem>>
      %dma_start3A_173 = arith.constant 0 : i32
      %dma_start3A_174 = tpu.memref_slice %arg11[%add3A_43, %dma_start3A_173] : memref<10000x128xf32, #tpu.memory_space<vmem_shared>> -> memref<25x128xf32, #tpu.memory_space<vmem_shared>>
      %dma_start3A_175 = arith.constant 0 : i32
      %dma_start3A_176 = tpu.memref_slice %arg11[%add3A_43, %dma_start3A_175] : memref<10000x128xf32, #tpu.memory_space<vmem_shared>> -> memref<25x128xf32, #tpu.memory_space<vmem_shared>>
      tpu.enqueue_dma source(%arg10 : memref<25x128xf32, #tpu.memory_space<vmem>>) target(%dma_start3A_176 : memref<25x128xf32, #tpu.memory_space<vmem_shared>>) target_semaphore(%run_scoped3A : memref<!tpu.dma_semaphore, #tpu.memory_space<semaphore_mem>>)
      %dma_wait3A_177 = arith.constant 0 : i32
      %dma_wait3A_178 = tpu.memref_slice %arg11[%add3A_43, %dma_wait3A_177] : memref<10000x128xf32, #tpu.memory_space<vmem_shared>> -> memref<25x128xf32, #tpu.memory_space<vmem_shared>>
      %dma_wait3A_179 = arith.constant 0 : i32
      %dma_wait3A_180 = tpu.memref_slice %arg11[%add3A_43, %dma_wait3A_179] : memref<10000x128xf32, #tpu.memory_space<vmem_shared>> -> memref<25x128xf32, #tpu.memory_space<vmem_shared>>
      tpu.wait_dma2 semaphore(%run_scoped3A : memref<!tpu.dma_semaphore, #tpu.memory_space<semaphore_mem>>) src(%arg10 : memref<25x128xf32, #tpu.memory_space<vmem>>) dst(%dma_wait3A_180 : memref<25x128xf32, #tpu.memory_space<vmem_shared>>)
      tpu.yield
    }) : () -> ()
    %mul3A_44 = arith.constant 625 : i32
    %mul3A_45 = arith.muli %arg1, %mul3A_44 : i32
    %add3A_46 = arith.constant 175 : i32
    %add3A_47 = arith.addi %mul3A_45, %add3A_46 : i32
    "tpu.region"() ({
      %run_scoped3A = tpu.sem_alloc : memref<!tpu.dma_semaphore, #tpu.memory_space<semaphore_mem>>
      %dma_start3A_173 = arith.constant 0 : i32
      %dma_start3A_174 = tpu.memref_slice %arg11[%add3A_47, %dma_start3A_173] : memref<10000x128xf32, #tpu.memory_space<vmem_shared>> -> memref<25x128xf32, #tpu.memory_space<vmem_shared>>
      %dma_start3A_175 = arith.constant 0 : i32
      %dma_start3A_176 = tpu.memref_slice %arg11[%add3A_47, %dma_start3A_175] : memref<10000x128xf32, #tpu.memory_space<vmem_shared>> -> memref<25x128xf32, #tpu.memory_space<vmem_shared>>
      tpu.enqueue_dma source(%arg10 : memref<25x128xf32, #tpu.memory_space<vmem>>) target(%dma_start3A_176 : memref<25x128xf32, #tpu.memory_space<vmem_shared>>) target_semaphore(%run_scoped3A : memref<!tpu.dma_semaphore, #tpu.memory_space<semaphore_mem>>)
      %dma_wait3A_177 = arith.constant 0 : i32
      %dma_wait3A_178 = tpu.memref_slice %arg11[%add3A_47, %dma_wait3A_177] : memref<10000x128xf32, #tpu.memory_space<vmem_shared>> -> memref<25x128xf32, #tpu.memory_space<vmem_shared>>
      %dma_wait3A_179 = arith.constant 0 : i32
      %dma_wait3A_180 = tpu.memref_slice %arg11[%add3A_47, %dma_wait3A_179] : memref<10000x128xf32, #tpu.memory_space<vmem_shared>> -> memref<25x128xf32, #tpu.memory_space<vmem_shared>>
      tpu.wait_dma2 semaphore(%run_scoped3A : memref<!tpu.dma_semaphore, #tpu.memory_space<semaphore_mem>>) src(%arg10 : memref<25x128xf32, #tpu.memory_space<vmem>>) dst(%dma_wait3A_180 : memref<25x128xf32, #tpu.memory_space<vmem_shared>>)
      tpu.yield
    }) : () -> ()
    %mul3A_48 = arith.constant 625 : i32
    %mul3A_49 = arith.muli %arg1, %mul3A_48 : i32
    %add3A_50 = arith.constant 200 : i32
    %add3A_51 = arith.addi %mul3A_49, %add3A_50 : i32
    "tpu.region"() ({
      %run_scoped3A = tpu.sem_alloc : memref<!tpu.dma_semaphore, #tpu.memory_space<semaphore_mem>>
      %dma_start3A_173 = arith.constant 0 : i32
      %dma_start3A_174 = tpu.memref_slice %arg11[%add3A_51, %dma_start3A_173] : memref<10000x128xf32, #tpu.memory_space<vmem_shared>> -> memref<25x128xf32, #tpu.memory_space<vmem_shared>>
      %dma_start3A_175 = arith.constant 0 : i32
      %dma_start3A_176 = tpu.memref_slice %arg11[%add3A_51, %dma_start3A_175] : memref<10000x128xf32, #tpu.memory_space<vmem_shared>> -> memref<25x128xf32, #tpu.memory_space<vmem_shared>>
      tpu.enqueue_dma source(%arg10 : memref<25x128xf32, #tpu.memory_space<vmem>>) target(%dma_start3A_176 : memref<25x128xf32, #tpu.memory_space<vmem_shared>>) target_semaphore(%run_scoped3A : memref<!tpu.dma_semaphore, #tpu.memory_space<semaphore_mem>>)
      %dma_wait3A_177 = arith.constant 0 : i32
      %dma_wait3A_178 = tpu.memref_slice %arg11[%add3A_51, %dma_wait3A_177] : memref<10000x128xf32, #tpu.memory_space<vmem_shared>> -> memref<25x128xf32, #tpu.memory_space<vmem_shared>>
      %dma_wait3A_179 = arith.constant 0 : i32
      %dma_wait3A_180 = tpu.memref_slice %arg11[%add3A_51, %dma_wait3A_179] : memref<10000x128xf32, #tpu.memory_space<vmem_shared>> -> memref<25x128xf32, #tpu.memory_space<vmem_shared>>
      tpu.wait_dma2 semaphore(%run_scoped3A : memref<!tpu.dma_semaphore, #tpu.memory_space<semaphore_mem>>) src(%arg10 : memref<25x128xf32, #tpu.memory_space<vmem>>) dst(%dma_wait3A_180 : memref<25x128xf32, #tpu.memory_space<vmem_shared>>)
      tpu.yield
    }) : () -> ()
    %mul3A_52 = arith.constant 625 : i32
    %mul3A_53 = arith.muli %arg1, %mul3A_52 : i32
    %add3A_54 = arith.constant 225 : i32
    %add3A_55 = arith.addi %mul3A_53, %add3A_54 : i32
    "tpu.region"() ({
      %run_scoped3A = tpu.sem_alloc : memref<!tpu.dma_semaphore, #tpu.memory_space<semaphore_mem>>
      %dma_start3A_173 = arith.constant 0 : i32
      %dma_start3A_174 = tpu.memref_slice %arg11[%add3A_55, %dma_start3A_173] : memref<10000x128xf32, #tpu.memory_space<vmem_shared>> -> memref<25x128xf32, #tpu.memory_space<vmem_shared>>
      %dma_start3A_175 = arith.constant 0 : i32
      %dma_start3A_176 = tpu.memref_slice %arg11[%add3A_55, %dma_start3A_175] : memref<10000x128xf32, #tpu.memory_space<vmem_shared>> -> memref<25x128xf32, #tpu.memory_space<vmem_shared>>
      tpu.enqueue_dma source(%arg10 : memref<25x128xf32, #tpu.memory_space<vmem>>) target(%dma_start3A_176 : memref<25x128xf32, #tpu.memory_space<vmem_shared>>) target_semaphore(%run_scoped3A : memref<!tpu.dma_semaphore, #tpu.memory_space<semaphore_mem>>)
      %dma_wait3A_177 = arith.constant 0 : i32
      %dma_wait3A_178 = tpu.memref_slice %arg11[%add3A_55, %dma_wait3A_177] : memref<10000x128xf32, #tpu.memory_space<vmem_shared>> -> memref<25x128xf32, #tpu.memory_space<vmem_shared>>
      %dma_wait3A_179 = arith.constant 0 : i32
      %dma_wait3A_180 = tpu.memref_slice %arg11[%add3A_55, %dma_wait3A_179] : memref<10000x128xf32, #tpu.memory_space<vmem_shared>> -> memref<25x128xf32, #tpu.memory_space<vmem_shared>>
      tpu.wait_dma2 semaphore(%run_scoped3A : memref<!tpu.dma_semaphore, #tpu.memory_space<semaphore_mem>>) src(%arg10 : memref<25x128xf32, #tpu.memory_space<vmem>>) dst(%dma_wait3A_180 : memref<25x128xf32, #tpu.memory_space<vmem_shared>>)
      tpu.yield
    }) : () -> ()
    %mul3A_56 = arith.constant 625 : i32
    %mul3A_57 = arith.muli %arg1, %mul3A_56 : i32
    %add3A_58 = arith.constant 250 : i32
    %add3A_59 = arith.addi %mul3A_57, %add3A_58 : i32
    "tpu.region"() ({
      %run_scoped3A = tpu.sem_alloc : memref<!tpu.dma_semaphore, #tpu.memory_space<semaphore_mem>>
      %dma_start3A_173 = arith.constant 0 : i32
      %dma_start3A_174 = tpu.memref_slice %arg11[%add3A_59, %dma_start3A_173] : memref<10000x128xf32, #tpu.memory_space<vmem_shared>> -> memref<25x128xf32, #tpu.memory_space<vmem_shared>>
      %dma_start3A_175 = arith.constant 0 : i32
      %dma_start3A_176 = tpu.memref_slice %arg11[%add3A_59, %dma_start3A_175] : memref<10000x128xf32, #tpu.memory_space<vmem_shared>> -> memref<25x128xf32, #tpu.memory_space<vmem_shared>>
      tpu.enqueue_dma source(%arg10 : memref<25x128xf32, #tpu.memory_space<vmem>>) target(%dma_start3A_176 : memref<25x128xf32, #tpu.memory_space<vmem_shared>>) target_semaphore(%run_scoped3A : memref<!tpu.dma_semaphore, #tpu.memory_space<semaphore_mem>>)
      %dma_wait3A_177 = arith.constant 0 : i32
      %dma_wait3A_178 = tpu.memref_slice %arg11[%add3A_59, %dma_wait3A_177] : memref<10000x128xf32, #tpu.memory_space<vmem_shared>> -> memref<25x128xf32, #tpu.memory_space<vmem_shared>>
      %dma_wait3A_179 = arith.constant 0 : i32
      %dma_wait3A_180 = tpu.memref_slice %arg11[%add3A_59, %dma_wait3A_179] : memref<10000x128xf32, #tpu.memory_space<vmem_shared>> -> memref<25x128xf32, #tpu.memory_space<vmem_shared>>
      tpu.wait_dma2 semaphore(%run_scoped3A : memref<!tpu.dma_semaphore, #tpu.memory_space<semaphore_mem>>) src(%arg10 : memref<25x128xf32, #tpu.memory_space<vmem>>) dst(%dma_wait3A_180 : memref<25x128xf32, #tpu.memory_space<vmem_shared>>)
      tpu.yield
    }) : () -> ()
    %mul3A_60 = arith.constant 625 : i32
    %mul3A_61 = arith.muli %arg1, %mul3A_60 : i32
    %add3A_62 = arith.constant 275 : i32
    %add3A_63 = arith.addi %mul3A_61, %add3A_62 : i32
    "tpu.region"() ({
      %run_scoped3A = tpu.sem_alloc : memref<!tpu.dma_semaphore, #tpu.memory_space<semaphore_mem>>
      %dma_start3A_173 = arith.constant 0 : i32
      %dma_start3A_174 = tpu.memref_slice %arg11[%add3A_63, %dma_start3A_173] : memref<10000x128xf32, #tpu.memory_space<vmem_shared>> -> memref<25x128xf32, #tpu.memory_space<vmem_shared>>
      %dma_start3A_175 = arith.constant 0 : i32
      %dma_start3A_176 = tpu.memref_slice %arg11[%add3A_63, %dma_start3A_175] : memref<10000x128xf32, #tpu.memory_space<vmem_shared>> -> memref<25x128xf32, #tpu.memory_space<vmem_shared>>
      tpu.enqueue_dma source(%arg10 : memref<25x128xf32, #tpu.memory_space<vmem>>) target(%dma_start3A_176 : memref<25x128xf32, #tpu.memory_space<vmem_shared>>) target_semaphore(%run_scoped3A : memref<!tpu.dma_semaphore, #tpu.memory_space<semaphore_mem>>)
      %dma_wait3A_177 = arith.constant 0 : i32
      %dma_wait3A_178 = tpu.memref_slice %arg11[%add3A_63, %dma_wait3A_177] : memref<10000x128xf32, #tpu.memory_space<vmem_shared>> -> memref<25x128xf32, #tpu.memory_space<vmem_shared>>
      %dma_wait3A_179 = arith.constant 0 : i32
      %dma_wait3A_180 = tpu.memref_slice %arg11[%add3A_63, %dma_wait3A_179] : memref<10000x128xf32, #tpu.memory_space<vmem_shared>> -> memref<25x128xf32, #tpu.memory_space<vmem_shared>>
      tpu.wait_dma2 semaphore(%run_scoped3A : memref<!tpu.dma_semaphore, #tpu.memory_space<semaphore_mem>>) src(%arg10 : memref<25x128xf32, #tpu.memory_space<vmem>>) dst(%dma_wait3A_180 : memref<25x128xf32, #tpu.memory_space<vmem_shared>>)
      tpu.yield
    }) : () -> ()
    %mul3A_64 = arith.constant 625 : i32
    %mul3A_65 = arith.muli %arg1, %mul3A_64 : i32
    %add3A_66 = arith.constant 300 : i32
    %add3A_67 = arith.addi %mul3A_65, %add3A_66 : i32
    "tpu.region"() ({
      %run_scoped3A = tpu.sem_alloc : memref<!tpu.dma_semaphore, #tpu.memory_space<semaphore_mem>>
      %dma_start3A_173 = arith.constant 0 : i32
      %dma_start3A_174 = tpu.memref_slice %arg11[%add3A_67, %dma_start3A_173] : memref<10000x128xf32, #tpu.memory_space<vmem_shared>> -> memref<25x128xf32, #tpu.memory_space<vmem_shared>>
      %dma_start3A_175 = arith.constant 0 : i32
      %dma_start3A_176 = tpu.memref_slice %arg11[%add3A_67, %dma_start3A_175] : memref<10000x128xf32, #tpu.memory_space<vmem_shared>> -> memref<25x128xf32, #tpu.memory_space<vmem_shared>>
      tpu.enqueue_dma source(%arg10 : memref<25x128xf32, #tpu.memory_space<vmem>>) target(%dma_start3A_176 : memref<25x128xf32, #tpu.memory_space<vmem_shared>>) target_semaphore(%run_scoped3A : memref<!tpu.dma_semaphore, #tpu.memory_space<semaphore_mem>>)
      %dma_wait3A_177 = arith.constant 0 : i32
      %dma_wait3A_178 = tpu.memref_slice %arg11[%add3A_67, %dma_wait3A_177] : memref<10000x128xf32, #tpu.memory_space<vmem_shared>> -> memref<25x128xf32, #tpu.memory_space<vmem_shared>>
      %dma_wait3A_179 = arith.constant 0 : i32
      %dma_wait3A_180 = tpu.memref_slice %arg11[%add3A_67, %dma_wait3A_179] : memref<10000x128xf32, #tpu.memory_space<vmem_shared>> -> memref<25x128xf32, #tpu.memory_space<vmem_shared>>
      tpu.wait_dma2 semaphore(%run_scoped3A : memref<!tpu.dma_semaphore, #tpu.memory_space<semaphore_mem>>) src(%arg10 : memref<25x128xf32, #tpu.memory_space<vmem>>) dst(%dma_wait3A_180 : memref<25x128xf32, #tpu.memory_space<vmem_shared>>)
      tpu.yield
    }) : () -> ()
    %mul3A_68 = arith.constant 625 : i32
    %mul3A_69 = arith.muli %arg1, %mul3A_68 : i32
    %add3A_70 = arith.constant 325 : i32
    %add3A_71 = arith.addi %mul3A_69, %add3A_70 : i32
    "tpu.region"() ({
      %run_scoped3A = tpu.sem_alloc : memref<!tpu.dma_semaphore, #tpu.memory_space<semaphore_mem>>
      %dma_start3A_173 = arith.constant 0 : i32
      %dma_start3A_174 = tpu.memref_slice %arg11[%add3A_71, %dma_start3A_173] : memref<10000x128xf32, #tpu.memory_space<vmem_shared>> -> memref<25x128xf32, #tpu.memory_space<vmem_shared>>
      %dma_start3A_175 = arith.constant 0 : i32
      %dma_start3A_176 = tpu.memref_slice %arg11[%add3A_71, %dma_start3A_175] : memref<10000x128xf32, #tpu.memory_space<vmem_shared>> -> memref<25x128xf32, #tpu.memory_space<vmem_shared>>
      tpu.enqueue_dma source(%arg10 : memref<25x128xf32, #tpu.memory_space<vmem>>) target(%dma_start3A_176 : memref<25x128xf32, #tpu.memory_space<vmem_shared>>) target_semaphore(%run_scoped3A : memref<!tpu.dma_semaphore, #tpu.memory_space<semaphore_mem>>)
      %dma_wait3A_177 = arith.constant 0 : i32
      %dma_wait3A_178 = tpu.memref_slice %arg11[%add3A_71, %dma_wait3A_177] : memref<10000x128xf32, #tpu.memory_space<vmem_shared>> -> memref<25x128xf32, #tpu.memory_space<vmem_shared>>
      %dma_wait3A_179 = arith.constant 0 : i32
      %dma_wait3A_180 = tpu.memref_slice %arg11[%add3A_71, %dma_wait3A_179] : memref<10000x128xf32, #tpu.memory_space<vmem_shared>> -> memref<25x128xf32, #tpu.memory_space<vmem_shared>>
      tpu.wait_dma2 semaphore(%run_scoped3A : memref<!tpu.dma_semaphore, #tpu.memory_space<semaphore_mem>>) src(%arg10 : memref<25x128xf32, #tpu.memory_space<vmem>>) dst(%dma_wait3A_180 : memref<25x128xf32, #tpu.memory_space<vmem_shared>>)
      tpu.yield
    }) : () -> ()
    %mul3A_72 = arith.constant 625 : i32
    %mul3A_73 = arith.muli %arg1, %mul3A_72 : i32
    %add3A_74 = arith.constant 350 : i32
    %add3A_75 = arith.addi %mul3A_73, %add3A_74 : i32
    "tpu.region"() ({
      %run_scoped3A = tpu.sem_alloc : memref<!tpu.dma_semaphore, #tpu.memory_space<semaphore_mem>>
      %dma_start3A_173 = arith.constant 0 : i32
      %dma_start3A_174 = tpu.memref_slice %arg11[%add3A_75, %dma_start3A_173] : memref<10000x128xf32, #tpu.memory_space<vmem_shared>> -> memref<25x128xf32, #tpu.memory_space<vmem_shared>>
      %dma_start3A_175 = arith.constant 0 : i32
      %dma_start3A_176 = tpu.memref_slice %arg11[%add3A_75, %dma_start3A_175] : memref<10000x128xf32, #tpu.memory_space<vmem_shared>> -> memref<25x128xf32, #tpu.memory_space<vmem_shared>>
      tpu.enqueue_dma source(%arg10 : memref<25x128xf32, #tpu.memory_space<vmem>>) target(%dma_start3A_176 : memref<25x128xf32, #tpu.memory_space<vmem_shared>>) target_semaphore(%run_scoped3A : memref<!tpu.dma_semaphore, #tpu.memory_space<semaphore_mem>>)
      %dma_wait3A_177 = arith.constant 0 : i32
      %dma_wait3A_178 = tpu.memref_slice %arg11[%add3A_75, %dma_wait3A_177] : memref<10000x128xf32, #tpu.memory_space<vmem_shared>> -> memref<25x128xf32, #tpu.memory_space<vmem_shared>>
      %dma_wait3A_179 = arith.constant 0 : i32
      %dma_wait3A_180 = tpu.memref_slice %arg11[%add3A_75, %dma_wait3A_179] : memref<10000x128xf32, #tpu.memory_space<vmem_shared>> -> memref<25x128xf32, #tpu.memory_space<vmem_shared>>
      tpu.wait_dma2 semaphore(%run_scoped3A : memref<!tpu.dma_semaphore, #tpu.memory_space<semaphore_mem>>) src(%arg10 : memref<25x128xf32, #tpu.memory_space<vmem>>) dst(%dma_wait3A_180 : memref<25x128xf32, #tpu.memory_space<vmem_shared>>)
      tpu.yield
    }) : () -> ()
    %mul3A_76 = arith.constant 625 : i32
    %mul3A_77 = arith.muli %arg1, %mul3A_76 : i32
    %add3A_78 = arith.constant 375 : i32
    %add3A_79 = arith.addi %mul3A_77, %add3A_78 : i32
    "tpu.region"() ({
      %run_scoped3A = tpu.sem_alloc : memref<!tpu.dma_semaphore, #tpu.memory_space<semaphore_mem>>
      %dma_start3A_173 = arith.constant 0 : i32
      %dma_start3A_174 = tpu.memref_slice %arg11[%add3A_79, %dma_start3A_173] : memref<10000x128xf32, #tpu.memory_space<vmem_shared>> -> memref<25x128xf32, #tpu.memory_space<vmem_shared>>
      %dma_start3A_175 = arith.constant 0 : i32
      %dma_start3A_176 = tpu.memref_slice %arg11[%add3A_79, %dma_start3A_175] : memref<10000x128xf32, #tpu.memory_space<vmem_shared>> -> memref<25x128xf32, #tpu.memory_space<vmem_shared>>
      tpu.enqueue_dma source(%arg10 : memref<25x128xf32, #tpu.memory_space<vmem>>) target(%dma_start3A_176 : memref<25x128xf32, #tpu.memory_space<vmem_shared>>) target_semaphore(%run_scoped3A : memref<!tpu.dma_semaphore, #tpu.memory_space<semaphore_mem>>)
      %dma_wait3A_177 = arith.constant 0 : i32
      %dma_wait3A_178 = tpu.memref_slice %arg11[%add3A_79, %dma_wait3A_177] : memref<10000x128xf32, #tpu.memory_space<vmem_shared>> -> memref<25x128xf32, #tpu.memory_space<vmem_shared>>
      %dma_wait3A_179 = arith.constant 0 : i32
      %dma_wait3A_180 = tpu.memref_slice %arg11[%add3A_79, %dma_wait3A_179] : memref<10000x128xf32, #tpu.memory_space<vmem_shared>> -> memref<25x128xf32, #tpu.memory_space<vmem_shared>>
      tpu.wait_dma2 semaphore(%run_scoped3A : memref<!tpu.dma_semaphore, #tpu.memory_space<semaphore_mem>>) src(%arg10 : memref<25x128xf32, #tpu.memory_space<vmem>>) dst(%dma_wait3A_180 : memref<25x128xf32, #tpu.memory_space<vmem_shared>>)
      tpu.yield
    }) : () -> ()
    %mul3A_80 = arith.constant 625 : i32
    %mul3A_81 = arith.muli %arg1, %mul3A_80 : i32
    %add3A_82 = arith.constant 400 : i32
    %add3A_83 = arith.addi %mul3A_81, %add3A_82 : i32
    "tpu.region"() ({
      %run_scoped3A = tpu.sem_alloc : memref<!tpu.dma_semaphore, #tpu.memory_space<semaphore_mem>>
      %dma_start3A_173 = arith.constant 0 : i32
      %dma_start3A_174 = tpu.memref_slice %arg11[%add3A_83, %dma_start3A_173] : memref<10000x128xf32, #tpu.memory_space<vmem_shared>> -> memref<25x128xf32, #tpu.memory_space<vmem_shared>>
      %dma_start3A_175 = arith.constant 0 : i32
      %dma_start3A_176 = tpu.memref_slice %arg11[%add3A_83, %dma_start3A_175] : memref<10000x128xf32, #tpu.memory_space<vmem_shared>> -> memref<25x128xf32, #tpu.memory_space<vmem_shared>>
      tpu.enqueue_dma source(%arg10 : memref<25x128xf32, #tpu.memory_space<vmem>>) target(%dma_start3A_176 : memref<25x128xf32, #tpu.memory_space<vmem_shared>>) target_semaphore(%run_scoped3A : memref<!tpu.dma_semaphore, #tpu.memory_space<semaphore_mem>>)
      %dma_wait3A_177 = arith.constant 0 : i32
      %dma_wait3A_178 = tpu.memref_slice %arg11[%add3A_83, %dma_wait3A_177] : memref<10000x128xf32, #tpu.memory_space<vmem_shared>> -> memref<25x128xf32, #tpu.memory_space<vmem_shared>>
      %dma_wait3A_179 = arith.constant 0 : i32
      %dma_wait3A_180 = tpu.memref_slice %arg11[%add3A_83, %dma_wait3A_179] : memref<10000x128xf32, #tpu.memory_space<vmem_shared>> -> memref<25x128xf32, #tpu.memory_space<vmem_shared>>
      tpu.wait_dma2 semaphore(%run_scoped3A : memref<!tpu.dma_semaphore, #tpu.memory_space<semaphore_mem>>) src(%arg10 : memref<25x128xf32, #tpu.memory_space<vmem>>) dst(%dma_wait3A_180 : memref<25x128xf32, #tpu.memory_space<vmem_shared>>)
      tpu.yield
    }) : () -> ()
    %mul3A_84 = arith.constant 625 : i32
    %mul3A_85 = arith.muli %arg1, %mul3A_84 : i32
    %add3A_86 = arith.constant 425 : i32
    %add3A_87 = arith.addi %mul3A_85, %add3A_86 : i32
    "tpu.region"() ({
      %run_scoped3A = tpu.sem_alloc : memref<!tpu.dma_semaphore, #tpu.memory_space<semaphore_mem>>
      %dma_start3A_173 = arith.constant 0 : i32
      %dma_start3A_174 = tpu.memref_slice %arg11[%add3A_87, %dma_start3A_173] : memref<10000x128xf32, #tpu.memory_space<vmem_shared>> -> memref<25x128xf32, #tpu.memory_space<vmem_shared>>
      %dma_start3A_175 = arith.constant 0 : i32
      %dma_start3A_176 = tpu.memref_slice %arg11[%add3A_87, %dma_start3A_175] : memref<10000x128xf32, #tpu.memory_space<vmem_shared>> -> memref<25x128xf32, #tpu.memory_space<vmem_shared>>
      tpu.enqueue_dma source(%arg10 : memref<25x128xf32, #tpu.memory_space<vmem>>) target(%dma_start3A_176 : memref<25x128xf32, #tpu.memory_space<vmem_shared>>) target_semaphore(%run_scoped3A : memref<!tpu.dma_semaphore, #tpu.memory_space<semaphore_mem>>)
      %dma_wait3A_177 = arith.constant 0 : i32
      %dma_wait3A_178 = tpu.memref_slice %arg11[%add3A_87, %dma_wait3A_177] : memref<10000x128xf32, #tpu.memory_space<vmem_shared>> -> memref<25x128xf32, #tpu.memory_space<vmem_shared>>
      %dma_wait3A_179 = arith.constant 0 : i32
      %dma_wait3A_180 = tpu.memref_slice %arg11[%add3A_87, %dma_wait3A_179] : memref<10000x128xf32, #tpu.memory_space<vmem_shared>> -> memref<25x128xf32, #tpu.memory_space<vmem_shared>>
      tpu.wait_dma2 semaphore(%run_scoped3A : memref<!tpu.dma_semaphore, #tpu.memory_space<semaphore_mem>>) src(%arg10 : memref<25x128xf32, #tpu.memory_space<vmem>>) dst(%dma_wait3A_180 : memref<25x128xf32, #tpu.memory_space<vmem_shared>>)
      tpu.yield
    }) : () -> ()
    %mul3A_88 = arith.constant 625 : i32
    %mul3A_89 = arith.muli %arg1, %mul3A_88 : i32
    %add3A_90 = arith.constant 450 : i32
    %add3A_91 = arith.addi %mul3A_89, %add3A_90 : i32
    "tpu.region"() ({
      %run_scoped3A = tpu.sem_alloc : memref<!tpu.dma_semaphore, #tpu.memory_space<semaphore_mem>>
      %dma_start3A_173 = arith.constant 0 : i32
      %dma_start3A_174 = tpu.memref_slice %arg11[%add3A_91, %dma_start3A_173] : memref<10000x128xf32, #tpu.memory_space<vmem_shared>> -> memref<25x128xf32, #tpu.memory_space<vmem_shared>>
      %dma_start3A_175 = arith.constant 0 : i32
      %dma_start3A_176 = tpu.memref_slice %arg11[%add3A_91, %dma_start3A_175] : memref<10000x128xf32, #tpu.memory_space<vmem_shared>> -> memref<25x128xf32, #tpu.memory_space<vmem_shared>>
      tpu.enqueue_dma source(%arg10 : memref<25x128xf32, #tpu.memory_space<vmem>>) target(%dma_start3A_176 : memref<25x128xf32, #tpu.memory_space<vmem_shared>>) target_semaphore(%run_scoped3A : memref<!tpu.dma_semaphore, #tpu.memory_space<semaphore_mem>>)
      %dma_wait3A_177 = arith.constant 0 : i32
      %dma_wait3A_178 = tpu.memref_slice %arg11[%add3A_91, %dma_wait3A_177] : memref<10000x128xf32, #tpu.memory_space<vmem_shared>> -> memref<25x128xf32, #tpu.memory_space<vmem_shared>>
      %dma_wait3A_179 = arith.constant 0 : i32
      %dma_wait3A_180 = tpu.memref_slice %arg11[%add3A_91, %dma_wait3A_179] : memref<10000x128xf32, #tpu.memory_space<vmem_shared>> -> memref<25x128xf32, #tpu.memory_space<vmem_shared>>
      tpu.wait_dma2 semaphore(%run_scoped3A : memref<!tpu.dma_semaphore, #tpu.memory_space<semaphore_mem>>) src(%arg10 : memref<25x128xf32, #tpu.memory_space<vmem>>) dst(%dma_wait3A_180 : memref<25x128xf32, #tpu.memory_space<vmem_shared>>)
      tpu.yield
    }) : () -> ()
    %mul3A_92 = arith.constant 625 : i32
    %mul3A_93 = arith.muli %arg1, %mul3A_92 : i32
    %add3A_94 = arith.constant 475 : i32
    %add3A_95 = arith.addi %mul3A_93, %add3A_94 : i32
    "tpu.region"() ({
      %run_scoped3A = tpu.sem_alloc : memref<!tpu.dma_semaphore, #tpu.memory_space<semaphore_mem>>
      %dma_start3A_173 = arith.constant 0 : i32
      %dma_start3A_174 = tpu.memref_slice %arg11[%add3A_95, %dma_start3A_173] : memref<10000x128xf32, #tpu.memory_space<vmem_shared>> -> memref<25x128xf32, #tpu.memory_space<vmem_shared>>
      %dma_start3A_175 = arith.constant 0 : i32
      %dma_start3A_176 = tpu.memref_slice %arg11[%add3A_95, %dma_start3A_175] : memref<10000x128xf32, #tpu.memory_space<vmem_shared>> -> memref<25x128xf32, #tpu.memory_space<vmem_shared>>
      tpu.enqueue_dma source(%arg10 : memref<25x128xf32, #tpu.memory_space<vmem>>) target(%dma_start3A_176 : memref<25x128xf32, #tpu.memory_space<vmem_shared>>) target_semaphore(%run_scoped3A : memref<!tpu.dma_semaphore, #tpu.memory_space<semaphore_mem>>)
      %dma_wait3A_177 = arith.constant 0 : i32
      %dma_wait3A_178 = tpu.memref_slice %arg11[%add3A_95, %dma_wait3A_177] : memref<10000x128xf32, #tpu.memory_space<vmem_shared>> -> memref<25x128xf32, #tpu.memory_space<vmem_shared>>
      %dma_wait3A_179 = arith.constant 0 : i32
      %dma_wait3A_180 = tpu.memref_slice %arg11[%add3A_95, %dma_wait3A_179] : memref<10000x128xf32, #tpu.memory_space<vmem_shared>> -> memref<25x128xf32, #tpu.memory_space<vmem_shared>>
      tpu.wait_dma2 semaphore(%run_scoped3A : memref<!tpu.dma_semaphore, #tpu.memory_space<semaphore_mem>>) src(%arg10 : memref<25x128xf32, #tpu.memory_space<vmem>>) dst(%dma_wait3A_180 : memref<25x128xf32, #tpu.memory_space<vmem_shared>>)
      tpu.yield
    }) : () -> ()
    %mul3A_96 = arith.constant 625 : i32
    %mul3A_97 = arith.muli %arg1, %mul3A_96 : i32
    %add3A_98 = arith.constant 500 : i32
    %add3A_99 = arith.addi %mul3A_97, %add3A_98 : i32
    "tpu.region"() ({
      %run_scoped3A = tpu.sem_alloc : memref<!tpu.dma_semaphore, #tpu.memory_space<semaphore_mem>>
      %dma_start3A_173 = arith.constant 0 : i32
      %dma_start3A_174 = tpu.memref_slice %arg11[%add3A_99, %dma_start3A_173] : memref<10000x128xf32, #tpu.memory_space<vmem_shared>> -> memref<25x128xf32, #tpu.memory_space<vmem_shared>>
      %dma_start3A_175 = arith.constant 0 : i32
      %dma_start3A_176 = tpu.memref_slice %arg11[%add3A_99, %dma_start3A_175] : memref<10000x128xf32, #tpu.memory_space<vmem_shared>> -> memref<25x128xf32, #tpu.memory_space<vmem_shared>>
      tpu.enqueue_dma source(%arg10 : memref<25x128xf32, #tpu.memory_space<vmem>>) target(%dma_start3A_176 : memref<25x128xf32, #tpu.memory_space<vmem_shared>>) target_semaphore(%run_scoped3A : memref<!tpu.dma_semaphore, #tpu.memory_space<semaphore_mem>>)
      %dma_wait3A_177 = arith.constant 0 : i32
      %dma_wait3A_178 = tpu.memref_slice %arg11[%add3A_99, %dma_wait3A_177] : memref<10000x128xf32, #tpu.memory_space<vmem_shared>> -> memref<25x128xf32, #tpu.memory_space<vmem_shared>>
      %dma_wait3A_179 = arith.constant 0 : i32
      %dma_wait3A_180 = tpu.memref_slice %arg11[%add3A_99, %dma_wait3A_179] : memref<10000x128xf32, #tpu.memory_space<vmem_shared>> -> memref<25x128xf32, #tpu.memory_space<vmem_shared>>
      tpu.wait_dma2 semaphore(%run_scoped3A : memref<!tpu.dma_semaphore, #tpu.memory_space<semaphore_mem>>) src(%arg10 : memref<25x128xf32, #tpu.memory_space<vmem>>) dst(%dma_wait3A_180 : memref<25x128xf32, #tpu.memory_space<vmem_shared>>)
      tpu.yield
    }) : () -> ()
    %mul3A_100 = arith.constant 625 : i32
    %mul3A_101 = arith.muli %arg1, %mul3A_100 : i32
    %add3A_102 = arith.constant 525 : i32
    %add3A_103 = arith.addi %mul3A_101, %add3A_102 : i32
    "tpu.region"() ({
      %run_scoped3A = tpu.sem_alloc : memref<!tpu.dma_semaphore, #tpu.memory_space<semaphore_mem>>
      %dma_start3A_173 = arith.constant 0 : i32
      %dma_start3A_174 = tpu.memref_slice %arg11[%add3A_103, %dma_start3A_173] : memref<10000x128xf32, #tpu.memory_space<vmem_shared>> -> memref<25x128xf32, #tpu.memory_space<vmem_shared>>
      %dma_start3A_175 = arith.constant 0 : i32
      %dma_start3A_176 = tpu.memref_slice %arg11[%add3A_103, %dma_start3A_175] : memref<10000x128xf32, #tpu.memory_space<vmem_shared>> -> memref<25x128xf32, #tpu.memory_space<vmem_shared>>
      tpu.enqueue_dma source(%arg10 : memref<25x128xf32, #tpu.memory_space<vmem>>) target(%dma_start3A_176 : memref<25x128xf32, #tpu.memory_space<vmem_shared>>) target_semaphore(%run_scoped3A : memref<!tpu.dma_semaphore, #tpu.memory_space<semaphore_mem>>)
      %dma_wait3A_177 = arith.constant 0 : i32
      %dma_wait3A_178 = tpu.memref_slice %arg11[%add3A_103, %dma_wait3A_177] : memref<10000x128xf32, #tpu.memory_space<vmem_shared>> -> memref<25x128xf32, #tpu.memory_space<vmem_shared>>
      %dma_wait3A_179 = arith.constant 0 : i32
      %dma_wait3A_180 = tpu.memref_slice %arg11[%add3A_103, %dma_wait3A_179] : memref<10000x128xf32, #tpu.memory_space<vmem_shared>> -> memref<25x128xf32, #tpu.memory_space<vmem_shared>>
      tpu.wait_dma2 semaphore(%run_scoped3A : memref<!tpu.dma_semaphore, #tpu.memory_space<semaphore_mem>>) src(%arg10 : memref<25x128xf32, #tpu.memory_space<vmem>>) dst(%dma_wait3A_180 : memref<25x128xf32, #tpu.memory_space<vmem_shared>>)
      tpu.yield
    }) : () -> ()
    %mul3A_104 = arith.constant 625 : i32
    %mul3A_105 = arith.muli %arg1, %mul3A_104 : i32
    %add3A_106 = arith.constant 550 : i32
    %add3A_107 = arith.addi %mul3A_105, %add3A_106 : i32
    "tpu.region"() ({
      %run_scoped3A = tpu.sem_alloc : memref<!tpu.dma_semaphore, #tpu.memory_space<semaphore_mem>>
      %dma_start3A_173 = arith.constant 0 : i32
      %dma_start3A_174 = tpu.memref_slice %arg11[%add3A_107, %dma_start3A_173] : memref<10000x128xf32, #tpu.memory_space<vmem_shared>> -> memref<25x128xf32, #tpu.memory_space<vmem_shared>>
      %dma_start3A_175 = arith.constant 0 : i32
      %dma_start3A_176 = tpu.memref_slice %arg11[%add3A_107, %dma_start3A_175] : memref<10000x128xf32, #tpu.memory_space<vmem_shared>> -> memref<25x128xf32, #tpu.memory_space<vmem_shared>>
      tpu.enqueue_dma source(%arg10 : memref<25x128xf32, #tpu.memory_space<vmem>>) target(%dma_start3A_176 : memref<25x128xf32, #tpu.memory_space<vmem_shared>>) target_semaphore(%run_scoped3A : memref<!tpu.dma_semaphore, #tpu.memory_space<semaphore_mem>>)
      %dma_wait3A_177 = arith.constant 0 : i32
      %dma_wait3A_178 = tpu.memref_slice %arg11[%add3A_107, %dma_wait3A_177] : memref<10000x128xf32, #tpu.memory_space<vmem_shared>> -> memref<25x128xf32, #tpu.memory_space<vmem_shared>>
      %dma_wait3A_179 = arith.constant 0 : i32
      %dma_wait3A_180 = tpu.memref_slice %arg11[%add3A_107, %dma_wait3A_179] : memref<10000x128xf32, #tpu.memory_space<vmem_shared>> -> memref<25x128xf32, #tpu.memory_space<vmem_shared>>
      tpu.wait_dma2 semaphore(%run_scoped3A : memref<!tpu.dma_semaphore, #tpu.memory_space<semaphore_mem>>) src(%arg10 : memref<25x128xf32, #tpu.memory_space<vmem>>) dst(%dma_wait3A_180 : memref<25x128xf32, #tpu.memory_space<vmem_shared>>)
      tpu.yield
    }) : () -> ()
    %mul3A_108 = arith.constant 625 : i32
    %mul3A_109 = arith.muli %arg1, %mul3A_108 : i32
    %add3A_110 = arith.constant 575 : i32
    %add3A_111 = arith.addi %mul3A_109, %add3A_110 : i32
    "tpu.region"() ({
      %run_scoped3A = tpu.sem_alloc : memref<!tpu.dma_semaphore, #tpu.memory_space<semaphore_mem>>
      %dma_start3A_173 = arith.constant 0 : i32
      %dma_start3A_174 = tpu.memref_slice %arg11[%add3A_111, %dma_start3A_173] : memref<10000x128xf32, #tpu.memory_space<vmem_shared>> -> memref<25x128xf32, #tpu.memory_space<vmem_shared>>
      %dma_start3A_175 = arith.constant 0 : i32
      %dma_start3A_176 = tpu.memref_slice %arg11[%add3A_111, %dma_start3A_175] : memref<10000x128xf32, #tpu.memory_space<vmem_shared>> -> memref<25x128xf32, #tpu.memory_space<vmem_shared>>
      tpu.enqueue_dma source(%arg10 : memref<25x128xf32, #tpu.memory_space<vmem>>) target(%dma_start3A_176 : memref<25x128xf32, #tpu.memory_space<vmem_shared>>) target_semaphore(%run_scoped3A : memref<!tpu.dma_semaphore, #tpu.memory_space<semaphore_mem>>)
      %dma_wait3A_177 = arith.constant 0 : i32
      %dma_wait3A_178 = tpu.memref_slice %arg11[%add3A_111, %dma_wait3A_177] : memref<10000x128xf32, #tpu.memory_space<vmem_shared>> -> memref<25x128xf32, #tpu.memory_space<vmem_shared>>
      %dma_wait3A_179 = arith.constant 0 : i32
      %dma_wait3A_180 = tpu.memref_slice %arg11[%add3A_111, %dma_wait3A_179] : memref<10000x128xf32, #tpu.memory_space<vmem_shared>> -> memref<25x128xf32, #tpu.memory_space<vmem_shared>>
      tpu.wait_dma2 semaphore(%run_scoped3A : memref<!tpu.dma_semaphore, #tpu.memory_space<semaphore_mem>>) src(%arg10 : memref<25x128xf32, #tpu.memory_space<vmem>>) dst(%dma_wait3A_180 : memref<25x128xf32, #tpu.memory_space<vmem_shared>>)
      tpu.yield
    }) : () -> ()
    %mul3A_112 = arith.constant 625 : i32
    %mul3A_113 = arith.muli %arg1, %mul3A_112 : i32
    %add3A_114 = arith.constant 600 : i32
    %add3A_115 = arith.addi %mul3A_113, %add3A_114 : i32
    "tpu.region"() ({
      %run_scoped3A = tpu.sem_alloc : memref<!tpu.dma_semaphore, #tpu.memory_space<semaphore_mem>>
      %dma_start3A_173 = arith.constant 0 : i32
      %dma_start3A_174 = tpu.memref_slice %arg11[%add3A_115, %dma_start3A_173] : memref<10000x128xf32, #tpu.memory_space<vmem_shared>> -> memref<25x128xf32, #tpu.memory_space<vmem_shared>>
      %dma_start3A_175 = arith.constant 0 : i32
      %dma_start3A_176 = tpu.memref_slice %arg11[%add3A_115, %dma_start3A_175] : memref<10000x128xf32, #tpu.memory_space<vmem_shared>> -> memref<25x128xf32, #tpu.memory_space<vmem_shared>>
      tpu.enqueue_dma source(%arg10 : memref<25x128xf32, #tpu.memory_space<vmem>>) target(%dma_start3A_176 : memref<25x128xf32, #tpu.memory_space<vmem_shared>>) target_semaphore(%run_scoped3A : memref<!tpu.dma_semaphore, #tpu.memory_space<semaphore_mem>>)
      %dma_wait3A_177 = arith.constant 0 : i32
      %dma_wait3A_178 = tpu.memref_slice %arg11[%add3A_115, %dma_wait3A_177] : memref<10000x128xf32, #tpu.memory_space<vmem_shared>> -> memref<25x128xf32, #tpu.memory_space<vmem_shared>>
      %dma_wait3A_179 = arith.constant 0 : i32
      %dma_wait3A_180 = tpu.memref_slice %arg11[%add3A_115, %dma_wait3A_179] : memref<10000x128xf32, #tpu.memory_space<vmem_shared>> -> memref<25x128xf32, #tpu.memory_space<vmem_shared>>
      tpu.wait_dma2 semaphore(%run_scoped3A : memref<!tpu.dma_semaphore, #tpu.memory_space<semaphore_mem>>) src(%arg10 : memref<25x128xf32, #tpu.memory_space<vmem>>) dst(%dma_wait3A_180 : memref<25x128xf32, #tpu.memory_space<vmem_shared>>)
      tpu.yield
    }) : () -> ()
    %barrier3A = arith.constant 0 : index
    tpu.barrier barrier_id(%barrier3A)
    %scan3A_116 = arith.constant 0 : i32
    %scan3A_117 = arith.constant 0 : i32
    %scan3A_118 = arith.constant 20 : i32
    %scan3A_119 = arith.addi %scan3A_117, %scan3A_118 : i32
    %scan3A_120 = arith.constant 1 : i32
    scf.for %scan3A_173 = %scan3A_117 to %scan3A_119 step %scan3A_120  : i32 {
      %mul3A_174 = arith.constant 2 : i32
      %mul3A_175 = arith.muli %scan3A_173, %mul3A_174 : i32
      %add3A_176 = arith.constant 0 : i32
      %add3A_177 = arith.addi %mul3A_175, %add3A_176 : i32
      %add3A_178 = arith.constant 1 : i32
      %add3A_179 = arith.addi %add3A_177, %add3A_178 : i32
      %lt3A_180 = arith.constant 40 : i32
      %lt3A_181 = arith.cmpi slt, %add3A_179, %lt3A_180 : i32
      %convert_element_type3A_182 = arith.extui %lt3A_181 : i1 to i32
      %cond3A_183 = arith.constant 0 : i32
      %cond3A_184 = arith.cmpi ne, %convert_element_type3A_182, %cond3A_183 : i32
      scf.if %cond3A_184 {
        %ge3A = arith.constant 1 : i32
        %ge3A_220 = arith.cmpi sge, %add3A_177, %ge3A : i32
        %convert_element_type3A_221 = arith.extui %ge3A_220 : i1 to i32
        %cond3A_222 = arith.constant 0 : i32
        %cond3A_223 = arith.cmpi ne, %convert_element_type3A_221, %cond3A_222 : i32
        scf.if %cond3A_223 {
          %sub3A = arith.constant 1 : i32
          %sub3A_232 = arith.subi %add3A_177, %sub3A : i32
          %dma_wait3A_233 = arith.constant 0 : i32
          %dma_wait3A_234 = tpu.memref_slice %arg7[%sub3A_232, %dma_wait3A_233] : memref<40x125xi32, #tpu.memory_space<vmem>> -> memref<1x125xi32, #tpu.memory_space<vmem>>
          %dma_wait3A_235 = tpu.memref_squeeze %dma_wait3A_234 : memref<1x125xi32, #tpu.memory_space<vmem>> -> memref<125xi32, #tpu.memory_space<vmem>>
          %dma_wait3A_236 = arith.constant 0 : i32
          %dma_wait3A_237 = arith.constant 0 : i32
          %dma_wait3A_238 = tpu.memref_slice %arg11[%dma_wait3A_236, %dma_wait3A_237] : memref<10000x128xf32, #tpu.memory_space<vmem_shared>> -> memref<10000x128xf32, #tpu.memory_space<vmem_shared>>
          tpu.wait_indirect_dma semaphore(%arg15 : memref<!tpu.dma_semaphore, #tpu.memory_space<semaphore_mem>>) src(%arg9 : memref<125x128xf32, #tpu.memory_space<vmem>>) dst(%dma_wait3A_238 : memref<10000x128xf32, #tpu.memory_space<vmem_shared>>)
        } else {
        }
        %add3A_224 = arith.constant 1 : i32
        %add3A_225 = arith.addi %add3A_177, %add3A_224 : i32
        %dma_start3A_226 = arith.constant 0 : i32
        %dma_start3A_227 = tpu.memref_slice %arg6[%add3A_225, %dma_start3A_226] : memref<40x125xi32, #tpu.memory_space<vmem>> -> memref<1x125xi32, #tpu.memory_space<vmem>>
        %dma_start3A_228 = tpu.memref_squeeze %dma_start3A_227 : memref<1x125xi32, #tpu.memory_space<vmem>> -> memref<125xi32, #tpu.memory_space<vmem>>
        %dma_start3A_229 = arith.constant 0 : i32
        %dma_start3A_230 = arith.constant 0 : i32
        %dma_start3A_231 = tpu.memref_slice %arg2[%dma_start3A_229, %dma_start3A_230] : memref<10000x128xf32, #tpu.memory_space<hbm>> -> memref<10000x128xf32, #tpu.memory_space<hbm>>
        tpu.enqueue_indirect_dma source(%dma_start3A_231 : memref<10000x128xf32, #tpu.memory_space<hbm>>) target(%arg9 : memref<125x128xf32, #tpu.memory_space<vmem>>) offsets(%dma_start3A_228 : memref<125xi32, #tpu.memory_space<vmem>>) semaphore(%arg13 : memref<!tpu.dma_semaphore, #tpu.memory_space<semaphore_mem>>)
      } else {
      }
      %dma_wait3A_185 = arith.constant 0 : i32
      %dma_wait3A_186 = tpu.memref_slice %arg6[%add3A_177, %dma_wait3A_185] : memref<40x125xi32, #tpu.memory_space<vmem>> -> memref<1x125xi32, #tpu.memory_space<vmem>>
      %dma_wait3A_187 = tpu.memref_squeeze %dma_wait3A_186 : memref<1x125xi32, #tpu.memory_space<vmem>> -> memref<125xi32, #tpu.memory_space<vmem>>
      %dma_wait3A_188 = arith.constant 0 : i32
      %dma_wait3A_189 = arith.constant 0 : i32
      %dma_wait3A_190 = tpu.memref_slice %arg2[%dma_wait3A_188, %dma_wait3A_189] : memref<10000x128xf32, #tpu.memory_space<hbm>> -> memref<10000x128xf32, #tpu.memory_space<hbm>>
      tpu.wait_indirect_dma semaphore(%arg12 : memref<!tpu.dma_semaphore, #tpu.memory_space<semaphore_mem>>) src(%dma_wait3A_190 : memref<10000x128xf32, #tpu.memory_space<hbm>>) dst(%arg8 : memref<125x128xf32, #tpu.memory_space<vmem>>)
      %dma_start3A_191 = arith.constant 0 : i32
      %dma_start3A_192 = tpu.memref_slice %arg7[%add3A_177, %dma_start3A_191] : memref<40x125xi32, #tpu.memory_space<vmem>> -> memref<1x125xi32, #tpu.memory_space<vmem>>
      %dma_start3A_193 = tpu.memref_squeeze %dma_start3A_192 : memref<1x125xi32, #tpu.memory_space<vmem>> -> memref<125xi32, #tpu.memory_space<vmem>>
      %dma_start3A_194 = arith.constant 0 : i32
      %dma_start3A_195 = arith.constant 0 : i32
      %dma_start3A_196 = tpu.memref_slice %arg11[%dma_start3A_194, %dma_start3A_195] : memref<10000x128xf32, #tpu.memory_space<vmem_shared>> -> memref<10000x128xf32, #tpu.memory_space<vmem_shared>>
      tpu.enqueue_indirect_dma source(%arg8 : memref<125x128xf32, #tpu.memory_space<vmem>>) target(%dma_start3A_196 : memref<10000x128xf32, #tpu.memory_space<vmem_shared>>) offsets(%dma_start3A_193 : memref<125xi32, #tpu.memory_space<vmem>>) semaphore(%arg14 : memref<!tpu.dma_semaphore, #tpu.memory_space<semaphore_mem>>) {add = true}
      %mul3A_197 = arith.constant 2 : i32
      %mul3A_198 = arith.muli %scan3A_173, %mul3A_197 : i32
      %add3A_199 = arith.constant 1 : i32
      %add3A_200 = arith.addi %mul3A_198, %add3A_199 : i32
      %add3A_201 = arith.constant 1 : i32
      %add3A_202 = arith.addi %add3A_200, %add3A_201 : i32
      %lt3A_203 = arith.constant 40 : i32
      %lt3A_204 = arith.cmpi slt, %add3A_202, %lt3A_203 : i32
      %convert_element_type3A_205 = arith.extui %lt3A_204 : i1 to i32
      %cond3A_206 = arith.constant 0 : i32
      %cond3A_207 = arith.cmpi ne, %convert_element_type3A_205, %cond3A_206 : i32
      scf.if %cond3A_207 {
        %ge3A = arith.constant 1 : i32
        %ge3A_220 = arith.cmpi sge, %add3A_200, %ge3A : i32
        %convert_element_type3A_221 = arith.extui %ge3A_220 : i1 to i32
        %cond3A_222 = arith.constant 0 : i32
        %cond3A_223 = arith.cmpi ne, %convert_element_type3A_221, %cond3A_222 : i32
        scf.if %cond3A_223 {
          %sub3A = arith.constant 1 : i32
          %sub3A_232 = arith.subi %add3A_200, %sub3A : i32
          %dma_wait3A_233 = arith.constant 0 : i32
          %dma_wait3A_234 = tpu.memref_slice %arg7[%sub3A_232, %dma_wait3A_233] : memref<40x125xi32, #tpu.memory_space<vmem>> -> memref<1x125xi32, #tpu.memory_space<vmem>>
          %dma_wait3A_235 = tpu.memref_squeeze %dma_wait3A_234 : memref<1x125xi32, #tpu.memory_space<vmem>> -> memref<125xi32, #tpu.memory_space<vmem>>
          %dma_wait3A_236 = arith.constant 0 : i32
          %dma_wait3A_237 = arith.constant 0 : i32
          %dma_wait3A_238 = tpu.memref_slice %arg11[%dma_wait3A_236, %dma_wait3A_237] : memref<10000x128xf32, #tpu.memory_space<vmem_shared>> -> memref<10000x128xf32, #tpu.memory_space<vmem_shared>>
          tpu.wait_indirect_dma semaphore(%arg14 : memref<!tpu.dma_semaphore, #tpu.memory_space<semaphore_mem>>) src(%arg8 : memref<125x128xf32, #tpu.memory_space<vmem>>) dst(%dma_wait3A_238 : memref<10000x128xf32, #tpu.memory_space<vmem_shared>>)
        } else {
        }
        %add3A_224 = arith.constant 1 : i32
        %add3A_225 = arith.addi %add3A_200, %add3A_224 : i32
        %dma_start3A_226 = arith.constant 0 : i32
        %dma_start3A_227 = tpu.memref_slice %arg6[%add3A_225, %dma_start3A_226] : memref<40x125xi32, #tpu.memory_space<vmem>> -> memref<1x125xi32, #tpu.memory_space<vmem>>
        %dma_start3A_228 = tpu.memref_squeeze %dma_start3A_227 : memref<1x125xi32, #tpu.memory_space<vmem>> -> memref<125xi32, #tpu.memory_space<vmem>>
        %dma_start3A_229 = arith.constant 0 : i32
        %dma_start3A_230 = arith.constant 0 : i32
        %dma_start3A_231 = tpu.memref_slice %arg2[%dma_start3A_229, %dma_start3A_230] : memref<10000x128xf32, #tpu.memory_space<hbm>> -> memref<10000x128xf32, #tpu.memory_space<hbm>>
        tpu.enqueue_indirect_dma source(%dma_start3A_231 : memref<10000x128xf32, #tpu.memory_space<hbm>>) target(%arg8 : memref<125x128xf32, #tpu.memory_space<vmem>>) offsets(%dma_start3A_228 : memref<125xi32, #tpu.memory_space<vmem>>) semaphore(%arg12 : memref<!tpu.dma_semaphore, #tpu.memory_space<semaphore_mem>>)
      } else {
      }
      %dma_wait3A_208 = arith.constant 0 : i32
      %dma_wait3A_209 = tpu.memref_slice %arg6[%add3A_200, %dma_wait3A_208] : memref<40x125xi32, #tpu.memory_space<vmem>> -> memref<1x125xi32, #tpu.memory_space<vmem>>
      %dma_wait3A_210 = tpu.memref_squeeze %dma_wait3A_209 : memref<1x125xi32, #tpu.memory_space<vmem>> -> memref<125xi32, #tpu.memory_space<vmem>>
      %dma_wait3A_211 = arith.constant 0 : i32
      %dma_wait3A_212 = arith.constant 0 : i32
      %dma_wait3A_213 = tpu.memref_slice %arg2[%dma_wait3A_211, %dma_wait3A_212] : memref<10000x128xf32, #tpu.memory_space<hbm>> -> memref<10000x128xf32, #tpu.memory_space<hbm>>
      tpu.wait_indirect_dma semaphore(%arg13 : memref<!tpu.dma_semaphore, #tpu.memory_space<semaphore_mem>>) src(%dma_wait3A_213 : memref<10000x128xf32, #tpu.memory_space<hbm>>) dst(%arg9 : memref<125x128xf32, #tpu.memory_space<vmem>>)
      %dma_start3A_214 = arith.constant 0 : i32
      %dma_start3A_215 = tpu.memref_slice %arg7[%add3A_200, %dma_start3A_214] : memref<40x125xi32, #tpu.memory_space<vmem>> -> memref<1x125xi32, #tpu.memory_space<vmem>>
      %dma_start3A_216 = tpu.memref_squeeze %dma_start3A_215 : memref<1x125xi32, #tpu.memory_space<vmem>> -> memref<125xi32, #tpu.memory_space<vmem>>
      %dma_start3A_217 = arith.constant 0 : i32
      %dma_start3A_218 = arith.constant 0 : i32
      %dma_start3A_219 = tpu.memref_slice %arg11[%dma_start3A_217, %dma_start3A_218] : memref<10000x128xf32, #tpu.memory_space<vmem_shared>> -> memref<10000x128xf32, #tpu.memory_space<vmem_shared>>
      tpu.enqueue_indirect_dma source(%arg9 : memref<125x128xf32, #tpu.memory_space<vmem>>) target(%dma_start3A_219 : memref<10000x128xf32, #tpu.memory_space<vmem_shared>>) offsets(%dma_start3A_216 : memref<125xi32, #tpu.memory_space<vmem>>) semaphore(%arg15 : memref<!tpu.dma_semaphore, #tpu.memory_space<semaphore_mem>>) {add = true}
    }
    %scan3A_121 = arith.constant 20 : i32
    %dma_wait3A = arith.constant 38 : i32
    %dma_wait3A_122 = arith.constant 0 : i32
    %dma_wait3A_123 = tpu.memref_slice %arg7[%dma_wait3A, %dma_wait3A_122] : memref<40x125xi32, #tpu.memory_space<vmem>> -> memref<1x125xi32, #tpu.memory_space<vmem>>
    %dma_wait3A_124 = tpu.memref_squeeze %dma_wait3A_123 : memref<1x125xi32, #tpu.memory_space<vmem>> -> memref<125xi32, #tpu.memory_space<vmem>>
    %dma_wait3A_125 = arith.constant 0 : i32
    %dma_wait3A_126 = arith.constant 0 : i32
    %dma_wait3A_127 = tpu.memref_slice %arg11[%dma_wait3A_125, %dma_wait3A_126] : memref<10000x128xf32, #tpu.memory_space<vmem_shared>> -> memref<10000x128xf32, #tpu.memory_space<vmem_shared>>
    tpu.wait_indirect_dma semaphore(%arg14 : memref<!tpu.dma_semaphore, #tpu.memory_space<semaphore_mem>>) src(%arg8 : memref<125x128xf32, #tpu.memory_space<vmem>>) dst(%dma_wait3A_127 : memref<10000x128xf32, #tpu.memory_space<vmem_shared>>)
    %dma_wait3A_128 = arith.constant 39 : i32
    %dma_wait3A_129 = arith.constant 0 : i32
    %dma_wait3A_130 = tpu.memref_slice %arg7[%dma_wait3A_128, %dma_wait3A_129] : memref<40x125xi32, #tpu.memory_space<vmem>> -> memref<1x125xi32, #tpu.memory_space<vmem>>
    %dma_wait3A_131 = tpu.memref_squeeze %dma_wait3A_130 : memref<1x125xi32, #tpu.memory_space<vmem>> -> memref<125xi32, #tpu.memory_space<vmem>>
    %dma_wait3A_132 = arith.constant 0 : i32
    %dma_wait3A_133 = arith.constant 0 : i32
    %dma_wait3A_134 = tpu.memref_slice %arg11[%dma_wait3A_132, %dma_wait3A_133] : memref<10000x128xf32, #tpu.memory_space<vmem_shared>> -> memref<10000x128xf32, #tpu.memory_space<vmem_shared>>
    tpu.wait_indirect_dma semaphore(%arg15 : memref<!tpu.dma_semaphore, #tpu.memory_space<semaphore_mem>>) src(%arg9 : memref<125x128xf32, #tpu.memory_space<vmem>>) dst(%dma_wait3A_134 : memref<10000x128xf32, #tpu.memory_space<vmem_shared>>)
    %mul3A_135 = arith.constant 80 : i32
    %mul3A_136 = arith.muli %add3A, %mul3A_135 : i32
    %add3A_137 = arith.constant 40 : i32
    %add3A_138 = arith.addi %mul3A_136, %add3A_137 : i32
    "tpu.region"() ({
      %run_scoped3A = tpu.sem_alloc : memref<!tpu.dma_semaphore, #tpu.memory_space<semaphore_mem>>
      %dma_start3A_173 = arith.constant 0 : i32
      %dma_start3A_174 = tpu.memref_slice %arg3[%add3A_138, %dma_start3A_173] : memref<2560x125xi32, #tpu.memory_space<hbm>> -> memref<40x125xi32, #tpu.memory_space<hbm>>
      %dma_start3A_175 = arith.constant 0 : i32
      %dma_start3A_176 = tpu.memref_slice %arg3[%add3A_138, %dma_start3A_175] : memref<2560x125xi32, #tpu.memory_space<hbm>> -> memref<40x125xi32, #tpu.memory_space<hbm>>
      tpu.enqueue_dma source(%dma_start3A_176 : memref<40x125xi32, #tpu.memory_space<hbm>>) target(%arg6 : memref<40x125xi32, #tpu.memory_space<vmem>>) target_semaphore(%run_scoped3A : memref<!tpu.dma_semaphore, #tpu.memory_space<semaphore_mem>>)
      %dma_wait3A_177 = arith.constant 0 : i32
      %dma_wait3A_178 = tpu.memref_slice %arg3[%add3A_138, %dma_wait3A_177] : memref<2560x125xi32, #tpu.memory_space<hbm>> -> memref<40x125xi32, #tpu.memory_space<hbm>>
      %dma_wait3A_179 = arith.constant 0 : i32
      %dma_wait3A_180 = tpu.memref_slice %arg3[%add3A_138, %dma_wait3A_179] : memref<2560x125xi32, #tpu.memory_space<hbm>> -> memref<40x125xi32, #tpu.memory_space<hbm>>
      tpu.wait_dma2 semaphore(%run_scoped3A : memref<!tpu.dma_semaphore, #tpu.memory_space<semaphore_mem>>) src(%dma_wait3A_180 : memref<40x125xi32, #tpu.memory_space<hbm>>) dst(%arg6 : memref<40x125xi32, #tpu.memory_space<vmem>>)
      tpu.yield
    }) : () -> ()
    "tpu.region"() ({
      %run_scoped3A = tpu.sem_alloc : memref<!tpu.dma_semaphore, #tpu.memory_space<semaphore_mem>>
      %dma_start3A_173 = arith.constant 0 : i32
      %dma_start3A_174 = tpu.memref_slice %arg4[%add3A_138, %dma_start3A_173] : memref<2560x125xi32, #tpu.memory_space<hbm>> -> memref<40x125xi32, #tpu.memory_space<hbm>>
      %dma_start3A_175 = arith.constant 0 : i32
      %dma_start3A_176 = tpu.memref_slice %arg4[%add3A_138, %dma_start3A_175] : memref<2560x125xi32, #tpu.memory_space<hbm>> -> memref<40x125xi32, #tpu.memory_space<hbm>>
      tpu.enqueue_dma source(%dma_start3A_176 : memref<40x125xi32, #tpu.memory_space<hbm>>) target(%arg7 : memref<40x125xi32, #tpu.memory_space<vmem>>) target_semaphore(%run_scoped3A : memref<!tpu.dma_semaphore, #tpu.memory_space<semaphore_mem>>)
      %dma_wait3A_177 = arith.constant 0 : i32
      %dma_wait3A_178 = tpu.memref_slice %arg4[%add3A_138, %dma_wait3A_177] : memref<2560x125xi32, #tpu.memory_space<hbm>> -> memref<40x125xi32, #tpu.memory_space<hbm>>
      %dma_wait3A_179 = arith.constant 0 : i32
      %dma_wait3A_180 = tpu.memref_slice %arg4[%add3A_138, %dma_wait3A_179] : memref<2560x125xi32, #tpu.memory_space<hbm>> -> memref<40x125xi32, #tpu.memory_space<hbm>>
      tpu.wait_dma2 semaphore(%run_scoped3A : memref<!tpu.dma_semaphore, #tpu.memory_space<semaphore_mem>>) src(%dma_wait3A_180 : memref<40x125xi32, #tpu.memory_space<hbm>>) dst(%arg7 : memref<40x125xi32, #tpu.memory_space<vmem>>)
      tpu.yield
    }) : () -> ()
    %dma_start3A_139 = arith.constant 0 : i32
    %dma_start3A_140 = arith.constant 0 : i32
    %dma_start3A_141 = tpu.memref_slice %arg6[%dma_start3A_139, %dma_start3A_140] : memref<40x125xi32, #tpu.memory_space<vmem>> -> memref<1x125xi32, #tpu.memory_space<vmem>>
    %dma_start3A_142 = tpu.memref_squeeze %dma_start3A_141 : memref<1x125xi32, #tpu.memory_space<vmem>> -> memref<125xi32, #tpu.memory_space<vmem>>
    %dma_start3A_143 = arith.constant 0 : i32
    %dma_start3A_144 = arith.constant 0 : i32
    %dma_start3A_145 = tpu.memref_slice %arg2[%dma_start3A_143, %dma_start3A_144] : memref<10000x128xf32, #tpu.memory_space<hbm>> -> memref<10000x128xf32, #tpu.memory_space<hbm>>
    tpu.enqueue_indirect_dma source(%dma_start3A_145 : memref<10000x128xf32, #tpu.memory_space<hbm>>) target(%arg8 : memref<125x128xf32, #tpu.memory_space<vmem>>) offsets(%dma_start3A_142 : memref<125xi32, #tpu.memory_space<vmem>>) semaphore(%arg12 : memref<!tpu.dma_semaphore, #tpu.memory_space<semaphore_mem>>)
    %scan3A_146 = arith.constant 0 : i32
    %scan3A_147 = arith.constant 0 : i32
    %scan3A_148 = arith.constant 20 : i32
    %scan3A_149 = arith.addi %scan3A_147, %scan3A_148 : i32
    %scan3A_150 = arith.constant 1 : i32
    scf.for %scan3A_173 = %scan3A_147 to %scan3A_149 step %scan3A_150  : i32 {
      %mul3A_174 = arith.constant 2 : i32
      %mul3A_175 = arith.muli %scan3A_173, %mul3A_174 : i32
      %add3A_176 = arith.constant 0 : i32
      %add3A_177 = arith.addi %mul3A_175, %add3A_176 : i32
      %add3A_178 = arith.constant 1 : i32
      %add3A_179 = arith.addi %add3A_177, %add3A_178 : i32
      %lt3A_180 = arith.constant 40 : i32
      %lt3A_181 = arith.cmpi slt, %add3A_179, %lt3A_180 : i32
      %convert_element_type3A_182 = arith.extui %lt3A_181 : i1 to i32
      %cond3A_183 = arith.constant 0 : i32
      %cond3A_184 = arith.cmpi ne, %convert_element_type3A_182, %cond3A_183 : i32
      scf.if %cond3A_184 {
        %ge3A = arith.constant 1 : i32
        %ge3A_220 = arith.cmpi sge, %add3A_177, %ge3A : i32
        %convert_element_type3A_221 = arith.extui %ge3A_220 : i1 to i32
        %cond3A_222 = arith.constant 0 : i32
        %cond3A_223 = arith.cmpi ne, %convert_element_type3A_221, %cond3A_222 : i32
        scf.if %cond3A_223 {
          %sub3A = arith.constant 1 : i32
          %sub3A_232 = arith.subi %add3A_177, %sub3A : i32
          %dma_wait3A_233 = arith.constant 0 : i32
          %dma_wait3A_234 = tpu.memref_slice %arg7[%sub3A_232, %dma_wait3A_233] : memref<40x125xi32, #tpu.memory_space<vmem>> -> memref<1x125xi32, #tpu.memory_space<vmem>>
          %dma_wait3A_235 = tpu.memref_squeeze %dma_wait3A_234 : memref<1x125xi32, #tpu.memory_space<vmem>> -> memref<125xi32, #tpu.memory_space<vmem>>
          %dma_wait3A_236 = arith.constant 0 : i32
          %dma_wait3A_237 = arith.constant 0 : i32
          %dma_wait3A_238 = tpu.memref_slice %arg11[%dma_wait3A_236, %dma_wait3A_237] : memref<10000x128xf32, #tpu.memory_space<vmem_shared>> -> memref<10000x128xf32, #tpu.memory_space<vmem_shared>>
          tpu.wait_indirect_dma semaphore(%arg15 : memref<!tpu.dma_semaphore, #tpu.memory_space<semaphore_mem>>) src(%arg9 : memref<125x128xf32, #tpu.memory_space<vmem>>) dst(%dma_wait3A_238 : memref<10000x128xf32, #tpu.memory_space<vmem_shared>>)
        } else {
        }
        %add3A_224 = arith.constant 1 : i32
        %add3A_225 = arith.addi %add3A_177, %add3A_224 : i32
        %dma_start3A_226 = arith.constant 0 : i32
        %dma_start3A_227 = tpu.memref_slice %arg6[%add3A_225, %dma_start3A_226] : memref<40x125xi32, #tpu.memory_space<vmem>> -> memref<1x125xi32, #tpu.memory_space<vmem>>
        %dma_start3A_228 = tpu.memref_squeeze %dma_start3A_227 : memref<1x125xi32, #tpu.memory_space<vmem>> -> memref<125xi32, #tpu.memory_space<vmem>>
        %dma_start3A_229 = arith.constant 0 : i32
        %dma_start3A_230 = arith.constant 0 : i32
        %dma_start3A_231 = tpu.memref_slice %arg2[%dma_start3A_229, %dma_start3A_230] : memref<10000x128xf32, #tpu.memory_space<hbm>> -> memref<10000x128xf32, #tpu.memory_space<hbm>>
        tpu.enqueue_indirect_dma source(%dma_start3A_231 : memref<10000x128xf32, #tpu.memory_space<hbm>>) target(%arg9 : memref<125x128xf32, #tpu.memory_space<vmem>>) offsets(%dma_start3A_228 : memref<125xi32, #tpu.memory_space<vmem>>) semaphore(%arg13 : memref<!tpu.dma_semaphore, #tpu.memory_space<semaphore_mem>>)
      } else {
      }
      %dma_wait3A_185 = arith.constant 0 : i32
      %dma_wait3A_186 = tpu.memref_slice %arg6[%add3A_177, %dma_wait3A_185] : memref<40x125xi32, #tpu.memory_space<vmem>> -> memref<1x125xi32, #tpu.memory_space<vmem>>
      %dma_wait3A_187 = tpu.memref_squeeze %dma_wait3A_186 : memref<1x125xi32, #tpu.memory_space<vmem>> -> memref<125xi32, #tpu.memory_space<vmem>>
      %dma_wait3A_188 = arith.constant 0 : i32
      %dma_wait3A_189 = arith.constant 0 : i32
      %dma_wait3A_190 = tpu.memref_slice %arg2[%dma_wait3A_188, %dma_wait3A_189] : memref<10000x128xf32, #tpu.memory_space<hbm>> -> memref<10000x128xf32, #tpu.memory_space<hbm>>
      tpu.wait_indirect_dma semaphore(%arg12 : memref<!tpu.dma_semaphore, #tpu.memory_space<semaphore_mem>>) src(%dma_wait3A_190 : memref<10000x128xf32, #tpu.memory_space<hbm>>) dst(%arg8 : memref<125x128xf32, #tpu.memory_space<vmem>>)
      %dma_start3A_191 = arith.constant 0 : i32
      %dma_start3A_192 = tpu.memref_slice %arg7[%add3A_177, %dma_start3A_191] : memref<40x125xi32, #tpu.memory_space<vmem>> -> memref<1x125xi32, #tpu.memory_space<vmem>>
      %dma_start3A_193 = tpu.memref_squeeze %dma_start3A_192 : memref<1x125xi32, #tpu.memory_space<vmem>> -> memref<125xi32, #tpu.memory_space<vmem>>
      %dma_start3A_194 = arith.constant 0 : i32
      %dma_start3A_195 = arith.constant 0 : i32
      %dma_start3A_196 = tpu.memref_slice %arg11[%dma_start3A_194, %dma_start3A_195] : memref<10000x128xf32, #tpu.memory_space<vmem_shared>> -> memref<10000x128xf32, #tpu.memory_space<vmem_shared>>
      tpu.enqueue_indirect_dma source(%arg8 : memref<125x128xf32, #tpu.memory_space<vmem>>) target(%dma_start3A_196 : memref<10000x128xf32, #tpu.memory_space<vmem_shared>>) offsets(%dma_start3A_193 : memref<125xi32, #tpu.memory_space<vmem>>) semaphore(%arg14 : memref<!tpu.dma_semaphore, #tpu.memory_space<semaphore_mem>>) {add = true}
      %mul3A_197 = arith.constant 2 : i32
      %mul3A_198 = arith.muli %scan3A_173, %mul3A_197 : i32
      %add3A_199 = arith.constant 1 : i32
      %add3A_200 = arith.addi %mul3A_198, %add3A_199 : i32
      %add3A_201 = arith.constant 1 : i32
      %add3A_202 = arith.addi %add3A_200, %add3A_201 : i32
      %lt3A_203 = arith.constant 40 : i32
      %lt3A_204 = arith.cmpi slt, %add3A_202, %lt3A_203 : i32
      %convert_element_type3A_205 = arith.extui %lt3A_204 : i1 to i32
      %cond3A_206 = arith.constant 0 : i32
      %cond3A_207 = arith.cmpi ne, %convert_element_type3A_205, %cond3A_206 : i32
      scf.if %cond3A_207 {
        %ge3A = arith.constant 1 : i32
        %ge3A_220 = arith.cmpi sge, %add3A_200, %ge3A : i32
        %convert_element_type3A_221 = arith.extui %ge3A_220 : i1 to i32
        %cond3A_222 = arith.constant 0 : i32
        %cond3A_223 = arith.cmpi ne, %convert_element_type3A_221, %cond3A_222 : i32
        scf.if %cond3A_223 {
          %sub3A = arith.constant 1 : i32
          %sub3A_232 = arith.subi %add3A_200, %sub3A : i32
          %dma_wait3A_233 = arith.constant 0 : i32
          %dma_wait3A_234 = tpu.memref_slice %arg7[%sub3A_232, %dma_wait3A_233] : memref<40x125xi32, #tpu.memory_space<vmem>> -> memref<1x125xi32, #tpu.memory_space<vmem>>
          %dma_wait3A_235 = tpu.memref_squeeze %dma_wait3A_234 : memref<1x125xi32, #tpu.memory_space<vmem>> -> memref<125xi32, #tpu.memory_space<vmem>>
          %dma_wait3A_236 = arith.constant 0 : i32
          %dma_wait3A_237 = arith.constant 0 : i32
          %dma_wait3A_238 = tpu.memref_slice %arg11[%dma_wait3A_236, %dma_wait3A_237] : memref<10000x128xf32, #tpu.memory_space<vmem_shared>> -> memref<10000x128xf32, #tpu.memory_space<vmem_shared>>
          tpu.wait_indirect_dma semaphore(%arg14 : memref<!tpu.dma_semaphore, #tpu.memory_space<semaphore_mem>>) src(%arg8 : memref<125x128xf32, #tpu.memory_space<vmem>>) dst(%dma_wait3A_238 : memref<10000x128xf32, #tpu.memory_space<vmem_shared>>)
        } else {
        }
        %add3A_224 = arith.constant 1 : i32
        %add3A_225 = arith.addi %add3A_200, %add3A_224 : i32
        %dma_start3A_226 = arith.constant 0 : i32
        %dma_start3A_227 = tpu.memref_slice %arg6[%add3A_225, %dma_start3A_226] : memref<40x125xi32, #tpu.memory_space<vmem>> -> memref<1x125xi32, #tpu.memory_space<vmem>>
        %dma_start3A_228 = tpu.memref_squeeze %dma_start3A_227 : memref<1x125xi32, #tpu.memory_space<vmem>> -> memref<125xi32, #tpu.memory_space<vmem>>
        %dma_start3A_229 = arith.constant 0 : i32
        %dma_start3A_230 = arith.constant 0 : i32
        %dma_start3A_231 = tpu.memref_slice %arg2[%dma_start3A_229, %dma_start3A_230] : memref<10000x128xf32, #tpu.memory_space<hbm>> -> memref<10000x128xf32, #tpu.memory_space<hbm>>
        tpu.enqueue_indirect_dma source(%dma_start3A_231 : memref<10000x128xf32, #tpu.memory_space<hbm>>) target(%arg8 : memref<125x128xf32, #tpu.memory_space<vmem>>) offsets(%dma_start3A_228 : memref<125xi32, #tpu.memory_space<vmem>>) semaphore(%arg12 : memref<!tpu.dma_semaphore, #tpu.memory_space<semaphore_mem>>)
      } else {
      }
      %dma_wait3A_208 = arith.constant 0 : i32
      %dma_wait3A_209 = tpu.memref_slice %arg6[%add3A_200, %dma_wait3A_208] : memref<40x125xi32, #tpu.memory_space<vmem>> -> memref<1x125xi32, #tpu.memory_space<vmem>>
      %dma_wait3A_210 = tpu.memref_squeeze %dma_wait3A_209 : memref<1x125xi32, #tpu.memory_space<vmem>> -> memref<125xi32, #tpu.memory_space<vmem>>
      %dma_wait3A_211 = arith.constant 0 : i32
      %dma_wait3A_212 = arith.constant 0 : i32
      %dma_wait3A_213 = tpu.memref_slice %arg2[%dma_wait3A_211, %dma_wait3A_212] : memref<10000x128xf32, #tpu.memory_space<hbm>> -> memref<10000x128xf32, #tpu.memory_space<hbm>>
      tpu.wait_indirect_dma semaphore(%arg13 : memref<!tpu.dma_semaphore, #tpu.memory_space<semaphore_mem>>) src(%dma_wait3A_213 : memref<10000x128xf32, #tpu.memory_space<hbm>>) dst(%arg9 : memref<125x128xf32, #tpu.memory_space<vmem>>)
      %dma_start3A_214 = arith.constant 0 : i32
      %dma_start3A_215 = tpu.memref_slice %arg7[%add3A_200, %dma_start3A_214] : memref<40x125xi32, #tpu.memory_space<vmem>> -> memref<1x125xi32, #tpu.memory_space<vmem>>
      %dma_start3A_216 = tpu.memref_squeeze %dma_start3A_215 : memref<1x125xi32, #tpu.memory_space<vmem>> -> memref<125xi32, #tpu.memory_space<vmem>>
      %dma_start3A_217 = arith.constant 0 : i32
      %dma_start3A_218 = arith.constant 0 : i32
      %dma_start3A_219 = tpu.memref_slice %arg11[%dma_start3A_217, %dma_start3A_218] : memref<10000x128xf32, #tpu.memory_space<vmem_shared>> -> memref<10000x128xf32, #tpu.memory_space<vmem_shared>>
      tpu.enqueue_indirect_dma source(%arg9 : memref<125x128xf32, #tpu.memory_space<vmem>>) target(%dma_start3A_219 : memref<10000x128xf32, #tpu.memory_space<vmem_shared>>) offsets(%dma_start3A_216 : memref<125xi32, #tpu.memory_space<vmem>>) semaphore(%arg15 : memref<!tpu.dma_semaphore, #tpu.memory_space<semaphore_mem>>) {add = true}
    }
    %scan3A_151 = arith.constant 20 : i32
    %dma_wait3A_152 = arith.constant 38 : i32
    %dma_wait3A_153 = arith.constant 0 : i32
    %dma_wait3A_154 = tpu.memref_slice %arg7[%dma_wait3A_152, %dma_wait3A_153] : memref<40x125xi32, #tpu.memory_space<vmem>> -> memref<1x125xi32, #tpu.memory_space<vmem>>
    %dma_wait3A_155 = tpu.memref_squeeze %dma_wait3A_154 : memref<1x125xi32, #tpu.memory_space<vmem>> -> memref<125xi32, #tpu.memory_space<vmem>>
    %dma_wait3A_156 = arith.constant 0 : i32
    %dma_wait3A_157 = arith.constant 0 : i32
    %dma_wait3A_158 = tpu.memref_slice %arg11[%dma_wait3A_156, %dma_wait3A_157] : memref<10000x128xf32, #tpu.memory_space<vmem_shared>> -> memref<10000x128xf32, #tpu.memory_space<vmem_shared>>
    tpu.wait_indirect_dma semaphore(%arg14 : memref<!tpu.dma_semaphore, #tpu.memory_space<semaphore_mem>>) src(%arg8 : memref<125x128xf32, #tpu.memory_space<vmem>>) dst(%dma_wait3A_158 : memref<10000x128xf32, #tpu.memory_space<vmem_shared>>)
    %dma_wait3A_159 = arith.constant 39 : i32
    %dma_wait3A_160 = arith.constant 0 : i32
    %dma_wait3A_161 = tpu.memref_slice %arg7[%dma_wait3A_159, %dma_wait3A_160] : memref<40x125xi32, #tpu.memory_space<vmem>> -> memref<1x125xi32, #tpu.memory_space<vmem>>
    %dma_wait3A_162 = tpu.memref_squeeze %dma_wait3A_161 : memref<1x125xi32, #tpu.memory_space<vmem>> -> memref<125xi32, #tpu.memory_space<vmem>>
    %dma_wait3A_163 = arith.constant 0 : i32
    %dma_wait3A_164 = arith.constant 0 : i32
    %dma_wait3A_165 = tpu.memref_slice %arg11[%dma_wait3A_163, %dma_wait3A_164] : memref<10000x128xf32, #tpu.memory_space<vmem_shared>> -> memref<10000x128xf32, #tpu.memory_space<vmem_shared>>
    tpu.wait_indirect_dma semaphore(%arg15 : memref<!tpu.dma_semaphore, #tpu.memory_space<semaphore_mem>>) src(%arg9 : memref<125x128xf32, #tpu.memory_space<vmem>>) dst(%dma_wait3A_165 : memref<10000x128xf32, #tpu.memory_space<vmem_shared>>)
    %barrier3A_166 = arith.constant 0 : index
    tpu.barrier barrier_id(%barrier3A_166)
    %lt3A = arith.constant 15 : i32
    %lt3A_167 = arith.cmpi slt, %arg1, %lt3A : i32
    %convert_element_type3A = arith.extui %lt3A_167 : i1 to i32
    %cond3A = arith.constant 0 : i32
    %cond3A_168 = arith.cmpi ne, %convert_element_type3A, %cond3A : i32
    scf.if %cond3A_168 {
      %mul3A_173 = arith.constant 624 : i32
      %mul3A_174 = arith.muli %arg1, %mul3A_173 : i32
      %mul3A_175 = arith.constant 624 : i32
      %mul3A_176 = arith.muli %arg1, %mul3A_175 : i32
      "tpu.region"() ({
        %run_scoped3A = tpu.sem_alloc : memref<!tpu.dma_semaphore, #tpu.memory_space<semaphore_mem>>
        %dma_start3A_177 = arith.constant 0 : i32
        %dma_start3A_178 = tpu.memref_slice %arg5[%arg0, %mul3A_176, %dma_start3A_177] : memref<2x10000x128xf32, #tpu.memory_space<hbm>> -> memref<1x624x128xf32, #tpu.memory_space<hbm>>
        %dma_start3A_179 = tpu.memref_squeeze %dma_start3A_178 : memref<1x624x128xf32, #tpu.memory_space<hbm>> -> memref<624x128xf32, #tpu.memory_space<hbm>>
        %dma_start3A_180 = arith.constant 0 : i32
        %dma_start3A_181 = tpu.memref_slice %arg11[%mul3A_174, %dma_start3A_180] : memref<10000x128xf32, #tpu.memory_space<vmem_shared>> -> memref<624x128xf32, #tpu.memory_space<vmem_shared>>
        tpu.enqueue_dma source(%dma_start3A_181 : memref<624x128xf32, #tpu.memory_space<vmem_shared>>) target(%dma_start3A_179 : memref<624x128xf32, #tpu.memory_space<hbm>>) target_semaphore(%run_scoped3A : memref<!tpu.dma_semaphore, #tpu.memory_space<semaphore_mem>>)
        %dma_wait3A_182 = arith.constant 0 : i32
        %dma_wait3A_183 = tpu.memref_slice %arg5[%arg0, %mul3A_176, %dma_wait3A_182] : memref<2x10000x128xf32, #tpu.memory_space<hbm>> -> memref<1x624x128xf32, #tpu.memory_space<hbm>>
        %dma_wait3A_184 = tpu.memref_squeeze %dma_wait3A_183 : memref<1x624x128xf32, #tpu.memory_space<hbm>> -> memref<624x128xf32, #tpu.memory_space<hbm>>
        %dma_wait3A_185 = arith.constant 0 : i32
        %dma_wait3A_186 = tpu.memref_slice %arg11[%mul3A_174, %dma_wait3A_185] : memref<10000x128xf32, #tpu.memory_space<vmem_shared>> -> memref<624x128xf32, #tpu.memory_space<vmem_shared>>
        tpu.wait_dma2 semaphore(%run_scoped3A : memref<!tpu.dma_semaphore, #tpu.memory_space<semaphore_mem>>) src(%dma_wait3A_186 : memref<624x128xf32, #tpu.memory_space<vmem_shared>>) dst(%dma_wait3A_184 : memref<624x128xf32, #tpu.memory_space<hbm>>)
        tpu.yield
      }) : () -> ()
    } else {
    }
    %eq3A = arith.constant 15 : i32
    %eq3A_169 = arith.cmpi eq, %arg1, %eq3A : i32
    %convert_element_type3A_170 = arith.extui %eq3A_169 : i1 to i32
    %cond3A_171 = arith.constant 0 : i32
    %cond3A_172 = arith.cmpi ne, %convert_element_type3A_170, %cond3A_171 : i32
    scf.if %cond3A_172 {
      "tpu.region"() ({
        %run_scoped3A = tpu.sem_alloc : memref<!tpu.dma_semaphore, #tpu.memory_space<semaphore_mem>>
        %dma_start3A_173 = arith.constant 9360 : i32
        %dma_start3A_174 = arith.constant 0 : i32
        %dma_start3A_175 = tpu.memref_slice %arg5[%arg0, %dma_start3A_173, %dma_start3A_174] : memref<2x10000x128xf32, #tpu.memory_space<hbm>> -> memref<1x640x128xf32, #tpu.memory_space<hbm>>
        %dma_start3A_176 = tpu.memref_squeeze %dma_start3A_175 : memref<1x640x128xf32, #tpu.memory_space<hbm>> -> memref<640x128xf32, #tpu.memory_space<hbm>>
        %dma_start3A_177 = arith.constant 9360 : i32
        %dma_start3A_178 = arith.constant 0 : i32
        %dma_start3A_179 = tpu.memref_slice %arg11[%dma_start3A_177, %dma_start3A_178] : memref<10000x128xf32, #tpu.memory_space<vmem_shared>> -> memref<640x128xf32, #tpu.memory_space<vmem_shared>>
        tpu.enqueue_dma source(%dma_start3A_179 : memref<640x128xf32, #tpu.memory_space<vmem_shared>>) target(%dma_start3A_176 : memref<640x128xf32, #tpu.memory_space<hbm>>) target_semaphore(%run_scoped3A : memref<!tpu.dma_semaphore, #tpu.memory_space<semaphore_mem>>)
        %dma_wait3A_180 = arith.constant 9360 : i32
        %dma_wait3A_181 = arith.constant 0 : i32
        %dma_wait3A_182 = tpu.memref_slice %arg5[%arg0, %dma_wait3A_180, %dma_wait3A_181] : memref<2x10000x128xf32, #tpu.memory_space<hbm>> -> memref<1x640x128xf32, #tpu.memory_space<hbm>>
        %dma_wait3A_183 = tpu.memref_squeeze %dma_wait3A_182 : memref<1x640x128xf32, #tpu.memory_space<hbm>> -> memref<640x128xf32, #tpu.memory_space<hbm>>
        %dma_wait3A_184 = arith.constant 9360 : i32
        %dma_wait3A_185 = arith.constant 0 : i32
        %dma_wait3A_186 = tpu.memref_slice %arg11[%dma_wait3A_184, %dma_wait3A_185] : memref<10000x128xf32, #tpu.memory_space<vmem_shared>> -> memref<640x128xf32, #tpu.memory_space<vmem_shared>>
        tpu.wait_dma2 semaphore(%run_scoped3A : memref<!tpu.dma_semaphore, #tpu.memory_space<semaphore_mem>>) src(%dma_wait3A_186 : memref<640x128xf32, #tpu.memory_space<vmem_shared>>) dst(%dma_wait3A_183 : memref<640x128xf32, #tpu.memory_space<hbm>>)
        tpu.yield
      }) : () -> ()
    } else {
    }
    return
  }
}

module attributes {stable_mosaic.version = 14 : i64} {
  func.func @_k1a_body(%arg0: i32, %arg1: memref<1000x128xf32, #tpu.memory_space<vmem>>, %arg2: memref<1000x4xf32, #tpu.memory_space<vmem>>, %arg3: memref<128x128xf32, #tpu.memory_space<vmem>>, %arg4: memref<4x128xf32, #tpu.memory_space<vmem>>, %arg5: memref<1000x128xf32, #tpu.memory_space<vmem>>) attributes {dimension_semantics = [#tpu.dimension_semantics<arbitrary>], iteration_bounds = array<i64: 10>, scalar_prefetch = 0 : i64, scratch_operands = 0 : i64, tpu.core_type = #tpu.core_type<tc>, window_params = [{transform_indices = @transform_0, window_bounds = array<i64: 1000, 128>}, {transform_indices = @transform_1, window_bounds = array<i64: 1000, 4>}, {pipeline_mode = #tpu.pipeline_mode<synchronous>, transform_indices = @transform_2, window_bounds = array<i64: 128, 128>}, {pipeline_mode = #tpu.pipeline_mode<synchronous>, transform_indices = @transform_3, window_bounds = array<i64: 4, 128>}, {transform_indices = @transform_4, window_bounds = array<i64: 1000, 128>}]} {
    %get3A = arith.constant 0 : index
    %get3A_0 = arith.constant 0 : index
    %get3A_1 = vector.load %arg1[%get3A, %get3A_0] : memref<1000x128xf32, #tpu.memory_space<vmem>>, vector<1000x128xf32>
    %get3A_2 = arith.constant 0 : index
    %get3A_3 = arith.constant 0 : index
    %get3A_4 = vector.load %arg3[%get3A_2, %get3A_3] : memref<128x128xf32, #tpu.memory_space<vmem>>, vector<128x128xf32>
    %dot_general3A = arith.constant dense<0.000000e+00> : vector<1000x128xf32>
    %dot_general3A_5 = tpu.matmul %get3A_1, %get3A_4, %dot_general3A {dimension_numbers = #tpu.dot_dimension_numbers<[1], [0], [0], [1], [0, 0, 1, 1], [], []>, precision = #tpu.contract_precision<fp32>, transpose_lhs_hint = false} : vector<1000x128xf32>, vector<128x128xf32>, vector<1000x128xf32> -> vector<1000x128xf32>
    %get3A_6 = arith.constant 0 : index
    %get3A_7 = arith.constant 0 : index
    %get3A_8 = vector.load %arg2[%get3A_6, %get3A_7] : memref<1000x4xf32, #tpu.memory_space<vmem>>, vector<1000x4xf32>
    %get3A_9 = arith.constant 0 : index
    %get3A_10 = arith.constant 0 : index
    %get3A_11 = vector.load %arg4[%get3A_9, %get3A_10] : memref<4x128xf32, #tpu.memory_space<vmem>>, vector<4x128xf32>
    %dot_general3A_12 = arith.constant dense<0.000000e+00> : vector<1000x128xf32>
    %dot_general3A_13 = tpu.matmul %get3A_8, %get3A_11, %dot_general3A_12 {dimension_numbers = #tpu.dot_dimension_numbers<[1], [0], [0], [1], [0, 0, 1, 1], [], []>, precision = #tpu.contract_precision<fp32>, transpose_lhs_hint = false} : vector<1000x4xf32>, vector<4x128xf32>, vector<1000x128xf32> -> vector<1000x128xf32>
    %add3A = arith.addf %dot_general3A_5, %dot_general3A_13 : vector<1000x128xf32>
    %swap3A = arith.constant 0 : index
    %swap3A_14 = arith.constant 0 : index
    %swap3A_15 = vector.load %arg5[%swap3A, %swap3A_14] : memref<1000x128xf32, #tpu.memory_space<vmem>>, vector<1000x128xf32>
    tpu.vector_store %arg5[%swap3A, %swap3A_14], %add3A {strides = array<i32>} : memref<1000x128xf32, #tpu.memory_space<vmem>>, vector<1000x128xf32>,
    return
  }
  func.func @transform_0(%arg0: i32) -> (i32, i32) {
    %c0_i32 = arith.constant 0 : i32
    %c0_i32_0 = arith.constant 0 : i32
    return %arg0, %c0_i32 : i32, i32
  }
  func.func @transform_1(%arg0: i32) -> (i32, i32) {
    %c0_i32 = arith.constant 0 : i32
    %c0_i32_0 = arith.constant 0 : i32
    return %arg0, %c0_i32 : i32, i32
  }
  func.func @transform_2(%arg0: i32) -> (i32, i32) {
    %c0_i32 = arith.constant 0 : i32
    %c0_i32_0 = arith.constant 0 : i32
    %c0_i32_1 = arith.constant 0 : i32
    return %c0_i32, %c0_i32_0 : i32, i32
  }
  func.func @transform_3(%arg0: i32) -> (i32, i32) {
    %c0_i32 = arith.constant 0 : i32
    %c0_i32_0 = arith.constant 0 : i32
    %c0_i32_1 = arith.constant 0 : i32
    return %c0_i32, %c0_i32_0 : i32, i32
  }
  func.func @transform_4(%arg0: i32) -> (i32, i32) {
    %c0_i32 = arith.constant 0 : i32
    %c0_i32_0 = arith.constant 0 : i32
    return %arg0, %c0_i32 : i32, i32
  }
}

module attributes {stable_mosaic.version = 14 : i64} {
  func.func @_k1b_body(%arg0: i32, %arg1: memref<1000x128xf32, #tpu.memory_space<vmem>>, %arg2: memref<1000x1xf32, #tpu.memory_space<vmem>>, %arg3: memref<1000x1xf32, #tpu.memory_space<vmem>>, %arg4: memref<1000x128xf32, #tpu.memory_space<vmem>>, %arg5: memref<1000x1xf32, #tpu.memory_space<vmem>>) attributes {dimension_semantics = [#tpu.dimension_semantics<arbitrary>], iteration_bounds = array<i64: 10>, scalar_prefetch = 0 : i64, scratch_operands = 0 : i64, tpu.core_type = #tpu.core_type<tc>, window_params = [{transform_indices = @transform_0, window_bounds = array<i64: 1000, 128>}, {transform_indices = @transform_1, window_bounds = array<i64: 1000, 1>}, {transform_indices = @transform_2, window_bounds = array<i64: 1000, 1>}, {transform_indices = @transform_3, window_bounds = array<i64: 1000, 128>}, {transform_indices = @transform_4, window_bounds = array<i64: 1000, 1>}]} {
    %get3A = arith.constant 0 : index
    %get3A_0 = arith.constant 0 : index
    %get3A_1 = vector.load %arg2[%get3A, %get3A_0] : memref<1000x1xf32, #tpu.memory_space<vmem>>, vector<1000x1xf32>
    %get3A_2 = arith.constant 0 : index
    %get3A_3 = arith.constant 0 : index
    %get3A_4 = vector.load %arg3[%get3A_2, %get3A_3] : memref<1000x1xf32, #tpu.memory_space<vmem>>, vector<1000x1xf32>
    %add3A = arith.addf %get3A_1, %get3A_4 : vector<1000x1xf32>
    %add3A_5 = arith.constant 1.000000e+00 : f32
    %add3A_6 = vector.broadcast %add3A_5 : f32 to vector<1000x1xf32>
    %add3A_7 = arith.addf %add3A, %add3A_6 : vector<1000x1xf32>
    %rsqrt3A = math.rsqrt %add3A_7 : vector<1000x1xf32>
    %get3A_8 = arith.constant 0 : index
    %get3A_9 = arith.constant 0 : index
    %get3A_10 = vector.load %arg1[%get3A_8, %get3A_9] : memref<1000x128xf32, #tpu.memory_space<vmem>>, vector<1000x128xf32>
    %mul3A = vector.broadcast %rsqrt3A : vector<1000x1xf32> to vector<1000x128xf32>
    %mul3A_11 = arith.mulf %get3A_10, %mul3A : vector<1000x128xf32>
    %swap3A = arith.constant 0 : index
    %swap3A_12 = arith.constant 0 : index
    %swap3A_13 = vector.load %arg4[%swap3A, %swap3A_12] : memref<1000x128xf32, #tpu.memory_space<vmem>>, vector<1000x128xf32>
    tpu.vector_store %arg4[%swap3A, %swap3A_12], %mul3A_11 {strides = array<i32>} : memref<1000x128xf32, #tpu.memory_space<vmem>>, vector<1000x128xf32>,
    %swap3A_14 = arith.constant 0 : index
    %swap3A_15 = arith.constant 0 : index
    %swap3A_16 = vector.load %arg5[%swap3A_14, %swap3A_15] : memref<1000x1xf32, #tpu.memory_space<vmem>>, vector<1000x1xf32>
    tpu.vector_store %arg5[%swap3A_14, %swap3A_15], %rsqrt3A {strides = array<i32>} : memref<1000x1xf32, #tpu.memory_space<vmem>>, vector<1000x1xf32>,
    return
  }
  func.func @transform_0(%arg0: i32) -> (i32, i32) {
    %c0_i32 = arith.constant 0 : i32
    %c0_i32_0 = arith.constant 0 : i32
    return %arg0, %c0_i32 : i32, i32
  }
  func.func @transform_1(%arg0: i32) -> (i32, i32) {
    %c0_i32 = arith.constant 0 : i32
    %c0_i32_0 = arith.constant 0 : i32
    return %arg0, %c0_i32 : i32, i32
  }
  func.func @transform_2(%arg0: i32) -> (i32, i32) {
    %c0_i32 = arith.constant 0 : i32
    %c0_i32_0 = arith.constant 0 : i32
    return %arg0, %c0_i32 : i32, i32
  }
  func.func @transform_3(%arg0: i32) -> (i32, i32) {
    %c0_i32 = arith.constant 0 : i32
    %c0_i32_0 = arith.constant 0 : i32
    return %arg0, %c0_i32 : i32, i32
  }
  func.func @transform_4(%arg0: i32) -> (i32, i32) {
    %c0_i32 = arith.constant 0 : i32
    %c0_i32_0 = arith.constant 0 : i32
    return %arg0, %c0_i32 : i32, i32
  }
}

module attributes {stable_mosaic.version = 14 : i64} {
  func.func @_k2_body(%arg0: i32, %arg1: memref<1000x128xf32, #tpu.memory_space<vmem>>, %arg2: memref<1000x128xf32, #tpu.memory_space<vmem>>, %arg3: memref<1000x128xf32, #tpu.memory_space<vmem>>, %arg4: memref<1000x1xf32, #tpu.memory_space<vmem>>, %arg5: memref<1x128xf32, #tpu.memory_space<vmem>>, %arg6: memref<128x128xf32, #tpu.memory_space<vmem>>, %arg7: memref<1000x128xf32, #tpu.memory_space<vmem>>) attributes {dimension_semantics = [#tpu.dimension_semantics<arbitrary>], iteration_bounds = array<i64: 10>, scalar_prefetch = 0 : i64, scratch_operands = 0 : i64, tpu.core_type = #tpu.core_type<tc>, window_params = [{transform_indices = @transform_0, window_bounds = array<i64: 1000, 128>}, {transform_indices = @transform_1, window_bounds = array<i64: 1000, 128>}, {transform_indices = @transform_2, window_bounds = array<i64: 1000, 128>}, {transform_indices = @transform_3, window_bounds = array<i64: 1000, 1>}, {pipeline_mode = #tpu.pipeline_mode<synchronous>, transform_indices = @transform_4, window_bounds = array<i64: 1, 128>}, {pipeline_mode = #tpu.pipeline_mode<synchronous>, transform_indices = @transform_5, window_bounds = array<i64: 128, 128>}, {transform_indices = @transform_6, window_bounds = array<i64: 1000, 128>}]} {
    %get3A = arith.constant 0 : index
    %get3A_0 = arith.constant 0 : index
    %get3A_1 = vector.load %arg4[%get3A, %get3A_0] : memref<1000x1xf32, #tpu.memory_space<vmem>>, vector<1000x1xf32>
    %get3A_2 = arith.constant 0 : index
    %get3A_3 = arith.constant 0 : index
    %get3A_4 = vector.load %arg1[%get3A_2, %get3A_3] : memref<1000x128xf32, #tpu.memory_space<vmem>>, vector<1000x128xf32>
    %get3A_5 = arith.constant 0 : index
    %get3A_6 = arith.constant 0 : index
    %get3A_7 = vector.load %arg2[%get3A_5, %get3A_6] : memref<1000x128xf32, #tpu.memory_space<vmem>>, vector<1000x128xf32>
    %add3A = arith.addf %get3A_4, %get3A_7 : vector<1000x128xf32>
    %get3A_8 = arith.constant 0 : index
    %get3A_9 = arith.constant 0 : index
    %get3A_10 = vector.load %arg3[%get3A_8, %get3A_9] : memref<1000x128xf32, #tpu.memory_space<vmem>>, vector<1000x128xf32>
    %add3A_11 = arith.addf %add3A, %get3A_10 : vector<1000x128xf32>
    %mul3A = vector.broadcast %get3A_1 : vector<1000x1xf32> to vector<1000x128xf32>
    %mul3A_12 = arith.mulf %add3A_11, %mul3A : vector<1000x128xf32>
    %get3A_13 = arith.constant 0 : index
    %get3A_14 = arith.constant 0 : index
    %get3A_15 = vector.load %arg5[%get3A_13, %get3A_14] : memref<1x128xf32, #tpu.memory_space<vmem>>, vector<1x128xf32>
    %add3A_16 = vector.broadcast %get3A_15 : vector<1x128xf32> to vector<1000x128xf32>
    %add3A_17 = arith.addf %mul3A_12, %add3A_16 : vector<1000x128xf32>
    %max3A = arith.constant 0.000000e+00 : f32
    %max3A_18 = vector.broadcast %max3A : f32 to vector<1000x128xf32>
    %max3A_19 = arith.maximumf %add3A_17, %max3A_18 : vector<1000x128xf32>
    %get3A_20 = arith.constant 0 : index
    %get3A_21 = arith.constant 0 : index
    %get3A_22 = vector.load %arg6[%get3A_20, %get3A_21] : memref<128x128xf32, #tpu.memory_space<vmem>>, vector<128x128xf32>
    %dot_general3A = arith.constant dense<0.000000e+00> : vector<1000x128xf32>
    %dot_general3A_23 = tpu.matmul %max3A_19, %get3A_22, %dot_general3A {dimension_numbers = #tpu.dot_dimension_numbers<[1], [0], [0], [1], [0, 0, 1, 1], [], []>, precision = #tpu.contract_precision<fp32>, transpose_lhs_hint = false} : vector<1000x128xf32>, vector<128x128xf32>, vector<1000x128xf32> -> vector<1000x128xf32>
    %mul3A_24 = vector.broadcast %get3A_1 : vector<1000x1xf32> to vector<1000x128xf32>
    %mul3A_25 = arith.mulf %dot_general3A_23, %mul3A_24 : vector<1000x128xf32>
    %swap3A = arith.constant 0 : index
    %swap3A_26 = arith.constant 0 : index
    %swap3A_27 = vector.load %arg7[%swap3A, %swap3A_26] : memref<1000x128xf32, #tpu.memory_space<vmem>>, vector<1000x128xf32>
    tpu.vector_store %arg7[%swap3A, %swap3A_26], %mul3A_25 {strides = array<i32>} : memref<1000x128xf32, #tpu.memory_space<vmem>>, vector<1000x128xf32>,
    return
  }
  func.func @transform_0(%arg0: i32) -> (i32, i32) {
    %c0_i32 = arith.constant 0 : i32
    %c0_i32_0 = arith.constant 0 : i32
    return %arg0, %c0_i32 : i32, i32
  }
  func.func @transform_1(%arg0: i32) -> (i32, i32) {
    %c0_i32 = arith.constant 0 : i32
    %c0_i32_0 = arith.constant 0 : i32
    return %arg0, %c0_i32 : i32, i32
  }
  func.func @transform_2(%arg0: i32) -> (i32, i32) {
    %c0_i32 = arith.constant 0 : i32
    %c0_i32_0 = arith.constant 0 : i32
    return %arg0, %c0_i32 : i32, i32
  }
  func.func @transform_3(%arg0: i32) -> (i32, i32) {
    %c0_i32 = arith.constant 0 : i32
    %c0_i32_0 = arith.constant 0 : i32
    return %arg0, %c0_i32 : i32, i32
  }
  func.func @transform_4(%arg0: i32) -> (i32, i32) {
    %c0_i32 = arith.constant 0 : i32
    %c0_i32_0 = arith.constant 0 : i32
    %c0_i32_1 = arith.constant 0 : i32
    return %c0_i32, %c0_i32_0 : i32, i32
  }
  func.func @transform_5(%arg0: i32) -> (i32, i32) {
    %c0_i32 = arith.constant 0 : i32
    %c0_i32_0 = arith.constant 0 : i32
    %c0_i32_1 = arith.constant 0 : i32
    return %c0_i32, %c0_i32_0 : i32, i32
  }
  func.func @transform_6(%arg0: i32) -> (i32, i32) {
    %c0_i32 = arith.constant 0 : i32
    %c0_i32_0 = arith.constant 0 : i32
    return %arg0, %c0_i32 : i32, i32
  }
}

module attributes {stable_mosaic.version = 14 : i64} {
  func.func @_k3_body(%arg0: i32, %arg1: memref<1000x128xf32, #tpu.memory_space<vmem>>, %arg2: memref<1000x128xf32, #tpu.memory_space<vmem>>, %arg3: memref<1000x128xf32, #tpu.memory_space<vmem>>, %arg4: memref<1000x1xf32, #tpu.memory_space<vmem>>, %arg5: memref<1x128xf32, #tpu.memory_space<vmem>>, %arg6: memref<1x1x1000xi32, #tpu.memory_space<vmem>>, %arg7: memref<64x1xf32, #tpu.memory_space<vmem>>, %arg8: memref<128x16xf32, #tpu.memory_space<vmem>>, %arg9: memref<1x16xf32, #tpu.memory_space<vmem>>, %arg10: memref<64x16xf32, #tpu.memory_space<vmem>>, %arg11: memref<64x128xf32, #tpu.memory_space<vmem>>) attributes {dimension_semantics = [#tpu.dimension_semantics<arbitrary>], iteration_bounds = array<i64: 10>, scalar_prefetch = 0 : i64, scratch_operands = 1 : i64, tpu.core_type = #tpu.core_type<tc>, window_params = [{transform_indices = @transform_0, window_bounds = array<i64: 1000, 128>}, {transform_indices = @transform_1, window_bounds = array<i64: 1000, 128>}, {transform_indices = @transform_2, window_bounds = array<i64: 1000, 128>}, {transform_indices = @transform_3, window_bounds = array<i64: 1000, 1>}, {pipeline_mode = #tpu.pipeline_mode<synchronous>, transform_indices = @transform_4, window_bounds = array<i64: 1, 128>}, {transform_indices = @transform_5, window_bounds = array<i64: 1, 1, 1000>}, {pipeline_mode = #tpu.pipeline_mode<synchronous>, transform_indices = @transform_6, window_bounds = array<i64: 64, 1>}, {pipeline_mode = #tpu.pipeline_mode<synchronous>, transform_indices = @transform_7, window_bounds = array<i64: 128, 16>}, {pipeline_mode = #tpu.pipeline_mode<synchronous>, transform_indices = @transform_8, window_bounds = array<i64: 1, 16>}, {pipeline_mode = #tpu.pipeline_mode<synchronous>, transform_indices = @transform_9, window_bounds = array<i64: 64, 16>}]} {
    %eq3A = arith.constant 0 : i32
    %eq3A_0 = arith.cmpi eq, %arg0, %eq3A : i32
    %convert_element_type3A = arith.extui %eq3A_0 : i1 to i32
    %cond3A = arith.constant 0 : i32
    %cond3A_1 = arith.cmpi ne, %convert_element_type3A, %cond3A : i32
    scf.if %cond3A_1 {
      %broadcast_in_dim3A = arith.constant 0.000000e+00 : f32
      %broadcast_in_dim3A_43 = vector.broadcast %broadcast_in_dim3A : f32 to vector<64x128xf32>
      %swap3A_44 = arith.constant 0 : index
      %swap3A_45 = arith.constant 0 : index
      %swap3A_46 = vector.load %arg11[%swap3A_44, %swap3A_45] : memref<64x128xf32, #tpu.memory_space<vmem>>, vector<64x128xf32>
      tpu.vector_store %arg11[%swap3A_44, %swap3A_45], %broadcast_in_dim3A_43 {strides = array<i32>} : memref<64x128xf32, #tpu.memory_space<vmem>>, vector<64x128xf32>,
    } else {
    }
    %get3A = arith.constant 0 : index
    %get3A_2 = arith.constant 0 : index
    %get3A_3 = vector.load %arg1[%get3A, %get3A_2] : memref<1000x128xf32, #tpu.memory_space<vmem>>, vector<1000x128xf32>
    %get3A_4 = arith.constant 0 : index
    %get3A_5 = arith.constant 0 : index
    %get3A_6 = vector.load %arg2[%get3A_4, %get3A_5] : memref<1000x128xf32, #tpu.memory_space<vmem>>, vector<1000x128xf32>
    %add3A = arith.addf %get3A_3, %get3A_6 : vector<1000x128xf32>
    %get3A_7 = arith.constant 0 : index
    %get3A_8 = arith.constant 0 : index
    %get3A_9 = vector.load %arg3[%get3A_7, %get3A_8] : memref<1000x128xf32, #tpu.memory_space<vmem>>, vector<1000x128xf32>
    %add3A_10 = arith.addf %add3A, %get3A_9 : vector<1000x128xf32>
    %get3A_11 = arith.constant 0 : index
    %get3A_12 = arith.constant 0 : index
    %get3A_13 = vector.load %arg4[%get3A_11, %get3A_12] : memref<1000x1xf32, #tpu.memory_space<vmem>>, vector<1000x1xf32>
    %mul3A = vector.broadcast %get3A_13 : vector<1000x1xf32> to vector<1000x128xf32>
    %mul3A_14 = arith.mulf %add3A_10, %mul3A : vector<1000x128xf32>
    %get3A_15 = arith.constant 0 : index
    %get3A_16 = arith.constant 0 : index
    %get3A_17 = vector.load %arg5[%get3A_15, %get3A_16] : memref<1x128xf32, #tpu.memory_space<vmem>>, vector<1x128xf32>
    %add3A_18 = vector.broadcast %get3A_17 : vector<1x128xf32> to vector<1000x128xf32>
    %add3A_19 = arith.addf %mul3A_14, %add3A_18 : vector<1000x128xf32>
    %max3A = arith.constant 0.000000e+00 : f32
    %max3A_20 = vector.broadcast %max3A : f32 to vector<1000x128xf32>
    %max3A_21 = arith.maximumf %add3A_19, %max3A_20 : vector<1000x128xf32>
    %get3A_22 = arith.constant 0 : index
    %get3A_23 = arith.constant 0 : index
    %get3A_24 = arith.constant 0 : index
    %get3A_25 = vector.load %arg6[%get3A_22, %get3A_23, %get3A_24] : memref<1x1x1000xi32, #tpu.memory_space<vmem>>, vector<1x1x1000xi32>
    %get3A_26 = vector.shape_cast %get3A_25 : vector<1x1x1000xi32> to vector<1x1000xi32>
    %iota3A = tpu.iota {dimensions = array<i32: 0>} : vector<64x1000xi32>
    %eq3A_27 = vector.broadcast %get3A_26 : vector<1x1000xi32> to vector<64x1000xi32>
    %eq3A_28 = arith.cmpi eq, %eq3A_27, %iota3A : vector<64x1000xi32>
    %convert_element_type3A_29 = arith.extui %eq3A_28 : vector<64x1000xi1> to vector<64x1000xi32>
    %convert_element_type3A_30 = arith.sitofp %convert_element_type3A_29 : vector<64x1000xi32> to vector<64x1000xf32>
    %get3A_31 = arith.constant 0 : index
    %get3A_32 = arith.constant 0 : index
    %get3A_33 = vector.load %arg11[%get3A_31, %get3A_32] : memref<64x128xf32, #tpu.memory_space<vmem>>, vector<64x128xf32>
    %dot_general3A = arith.constant dense<0.000000e+00> : vector<64x128xf32>
    %dot_general3A_34 = tpu.matmul %convert_element_type3A_30, %max3A_21, %dot_general3A {dimension_numbers = #tpu.dot_dimension_numbers<[1], [0], [0], [1], [0, 0, 1, 1], [], []>, precision = #tpu.contract_precision<fp32>, transpose_lhs_hint = false} : vector<64x1000xf32>, vector<1000x128xf32>, vector<64x128xf32> -> vector<64x128xf32>
    %add3A_35 = arith.addf %get3A_33, %dot_general3A_34 : vector<64x128xf32>
    %swap3A = arith.constant 0 : index
    %swap3A_36 = arith.constant 0 : index
    %swap3A_37 = vector.load %arg11[%swap3A, %swap3A_36] : memref<64x128xf32, #tpu.memory_space<vmem>>, vector<64x128xf32>
    tpu.vector_store %arg11[%swap3A, %swap3A_36], %add3A_35 {strides = array<i32>} : memref<64x128xf32, #tpu.memory_space<vmem>>, vector<64x128xf32>,
    %eq3A_38 = arith.constant 9 : i32
    %eq3A_39 = arith.cmpi eq, %arg0, %eq3A_38 : i32
    %convert_element_type3A_40 = arith.extui %eq3A_39 : i1 to i32
    %cond3A_41 = arith.constant 0 : i32
    %cond3A_42 = arith.cmpi ne, %convert_element_type3A_40, %cond3A_41 : i32
    scf.if %cond3A_42 {
      %get3A_43 = arith.constant 0 : index
      %get3A_44 = arith.constant 0 : index
      %get3A_45 = vector.load %arg7[%get3A_43, %get3A_44] : memref<64x1xf32, #tpu.memory_space<vmem>>, vector<64x1xf32>
      %max3A_46 = arith.constant 1.000000e+00 : f32
      %max3A_47 = vector.broadcast %max3A_46 : f32 to vector<64x1xf32>
      %max3A_48 = arith.maximumf %get3A_45, %max3A_47 : vector<64x1xf32>
      %get3A_49 = arith.constant 0 : index
      %get3A_50 = arith.constant 0 : index
      %get3A_51 = vector.load %arg11[%get3A_49, %get3A_50] : memref<64x128xf32, #tpu.memory_space<vmem>>, vector<64x128xf32>
      %div3A = vector.broadcast %max3A_48 : vector<64x1xf32> to vector<64x128xf32>
      %div3A_52 = arith.divf %get3A_51, %div3A : vector<64x128xf32>
      %get3A_53 = arith.constant 0 : index
      %get3A_54 = arith.constant 0 : index
      %get3A_55 = vector.load %arg8[%get3A_53, %get3A_54] : memref<128x16xf32, #tpu.memory_space<vmem>>, vector<128x16xf32>
      %dot_general3A_56 = arith.constant dense<0.000000e+00> : vector<64x16xf32>
      %dot_general3A_57 = tpu.matmul %div3A_52, %get3A_55, %dot_general3A_56 {dimension_numbers = #tpu.dot_dimension_numbers<[1], [0], [0], [1], [0, 0, 1, 1], [], []>, precision = #tpu.contract_precision<fp32>, transpose_lhs_hint = false} : vector<64x128xf32>, vector<128x16xf32>, vector<64x16xf32> -> vector<64x16xf32>
      %get3A_58 = arith.constant 0 : index
      %get3A_59 = arith.constant 0 : index
      %get3A_60 = vector.load %arg9[%get3A_58, %get3A_59] : memref<1x16xf32, #tpu.memory_space<vmem>>, vector<1x16xf32>
      %add3A_61 = vector.broadcast %get3A_60 : vector<1x16xf32> to vector<64x16xf32>
      %add3A_62 = arith.addf %dot_general3A_57, %add3A_61 : vector<64x16xf32>
      %swap3A_63 = arith.constant 0 : index
      %swap3A_64 = arith.constant 0 : index
      %swap3A_65 = vector.load %arg10[%swap3A_63, %swap3A_64] : memref<64x16xf32, #tpu.memory_space<vmem>>, vector<64x16xf32>
      tpu.vector_store %arg10[%swap3A_63, %swap3A_64], %add3A_62 {strides = array<i32>} : memref<64x16xf32, #tpu.memory_space<vmem>>, vector<64x16xf32>,
    } else {
    }
    return
  }
  func.func @transform_0(%arg0: i32) -> (i32, i32) {
    %c0_i32 = arith.constant 0 : i32
    %c0_i32_0 = arith.constant 0 : i32
    return %arg0, %c0_i32 : i32, i32
  }
  func.func @transform_1(%arg0: i32) -> (i32, i32) {
    %c0_i32 = arith.constant 0 : i32
    %c0_i32_0 = arith.constant 0 : i32
    return %arg0, %c0_i32 : i32, i32
  }
  func.func @transform_2(%arg0: i32) -> (i32, i32) {
    %c0_i32 = arith.constant 0 : i32
    %c0_i32_0 = arith.constant 0 : i32
    return %arg0, %c0_i32 : i32, i32
  }
  func.func @transform_3(%arg0: i32) -> (i32, i32) {
    %c0_i32 = arith.constant 0 : i32
    %c0_i32_0 = arith.constant 0 : i32
    return %arg0, %c0_i32 : i32, i32
  }
  func.func @transform_4(%arg0: i32) -> (i32, i32) {
    %c0_i32 = arith.constant 0 : i32
    %c0_i32_0 = arith.constant 0 : i32
    %c0_i32_1 = arith.constant 0 : i32
    return %c0_i32, %c0_i32_0 : i32, i32
  }
  func.func @transform_5(%arg0: i32) -> (i32, i32, i32) {
    %c0_i32 = arith.constant 0 : i32
    %c0_i32_0 = arith.constant 0 : i32
    %c0_i32_1 = arith.constant 0 : i32
    return %arg0, %c0_i32, %c0_i32_0 : i32, i32, i32
  }
  func.func @transform_6(%arg0: i32) -> (i32, i32) {
    %c0_i32 = arith.constant 0 : i32
    %c0_i32_0 = arith.constant 0 : i32
    %c0_i32_1 = arith.constant 0 : i32
    return %c0_i32, %c0_i32_0 : i32, i32
  }
  func.func @transform_7(%arg0: i32) -> (i32, i32) {
    %c0_i32 = arith.constant 0 : i32
    %c0_i32_0 = arith.constant 0 : i32
    %c0_i32_1 = arith.constant 0 : i32
    return %c0_i32, %c0_i32_0 : i32, i32
  }
  func.func @transform_8(%arg0: i32) -> (i32, i32) {
    %c0_i32 = arith.constant 0 : i32
    %c0_i32_0 = arith.constant 0 : i32
    %c0_i32_1 = arith.constant 0 : i32
    return %c0_i32, %c0_i32_0 : i32, i32
  }
  func.func @transform_9(%arg0: i32) -> (i32, i32) {
    %c0_i32 = arith.constant 0 : i32
    %c0_i32_0 = arith.constant 0 : i32
    %c0_i32_1 = arith.constant 0 : i32
    return %c0_i32, %c0_i32_0 : i32, i32
  }
}

</mosaic_0001>

<sc_bundles>
// kernel: kernel.12.cloned.1.call-start
scs
__scs_entry_jumppad:
0x0: {  	(pc) =	sbr.rel $0x88, $3  }
0x1: {  	(tag) =	ssettag $0x0;
	lr =	simm.s32 $0x1  }
0x2: {  	[smem:$0x3F97] =	sst lr;
	_ =	strace $0xD0000000  }
0x3: {  	_ = 	snop  }
0x4: {  	_ = 	snop  }
0x5: {  	_ = 	snop  }
0x6: {  	_ = 	snop  }
0x7: {  	_ = 	snop  }
__scs_overlays_trampoline_lowered:
0x8: {  	[smem:$0x3FA6] =	sst s0  }
0x9: {  	[smem:$0x3FA7] =	sst s1  }
0xa: {  	[smem:$0x3FA8] =	sst s2  }
0xb: {  	[smem:$0x3FA9] =	sst s3  }
0xc: {  	[smem:$0x3FAA] =	sst s4  }
0xd: {  	[smem:$0x3FAB] =	sst s5  }
0xe: {  	[smem:$0x3FAC] =	sst s6  }
0xf: {  	[smem:$0x3FAD] =	sst s7  }
0x10: {  	[smem:$0x3FAE] =	sst s8  }
0x11: {  	[smem:$0x3FAF] =	sst s9;
	s0 =	simm.s32 @!p0 $0x0  }
0x12: {  	s1 =	sld [smem:$0x3F95];
	s0 =	simm.s32 @p0 $0x1  }
0x13: {  	[smem:$0x3FB0] =	sst s0;
	s0 =	simm.s32 @!p1 $0x0  }
0x14: {  	s2 =	sld [smem:$0x3F94];
	s0 =	simm.s32 @p1 $0x1  }
0x15: {  	[smem:$0x3FB1] =	sst s0;
	s0 =	simm.s32 @!p2 $0x0  }
0x16: {  	s3 =	sld [smem:$0x3FDB];
	s0 =	simm.s32 @p2 $0x1  }
0x17: {  	s4 =	simm.s32 $0x1BF5;
	[smem:$0x3FB3] =	sst s0  }
0x18: {  	s0 =	sld [smem:$0x3F96];
	_ =	swait.ge [sflag:s4], $0x0  }
0x19: {  	s7 =	sld [smem:$0x3F97]  }
0x1a: {  	s8 =	sadd.s32 $0xFFFFE003, lr  }
0x1b: {  	s9 =	sadd.s32 $0xFFFFFEF7, lr;
	s5 =	simm.s32 $0xFFFFFFFF;
	p2 =	slt.u32 s8, $0xFFFFF086  }
0x1c: {  	p1 =	slt.u32 s9, $0xF7A;
	s5 =	simm.s32 @!p2 $0x0  }
0x1d: {  	s5 =	simm.s32 @p1 $0x1;
	p0 =	seq.s32 s7, s2  }
0x1e: {  	s7 =	smul.u32 @!p0 $0xF7A, s2;
	p2 =	seq.s32 @!p0 s5, $0x0  }
0x1f: {  	s9 =	smul.u32 $0xF7A, s1;
	s8 =	simm.s32 @!p0 $0x1BF5;
	p2 =	por !p2, p0  }
0x20: {  	[sflag:s8] =	ssyncset.s32 @!p0 $0xFFFFF086;
	s6 =	sadd.s32 @!p0 s3, s7;
	s7 =	simm.s32 @!p0 $0x108  }
0x21: {  	s3 =	sadd.s32 s3, s9;
	s6 =	sadd.s32 @!p0 $0x88, s6;
	s7 =	simm.s32 @p2 $0x1082  }
0x22: {  	[simem:s7], [sflag:s8] =	dma.local @!p0 [hbm:s6], $0xF7A  }
0x23: {  	s9 =	sor.u32 $0xD0000000, s2;
	s6 =	simm.s32 $0x108;
	_ =	swait.ge @!p0 [sflag:s8], $0x0  }
0x24: {  	s3 =	sadd.s32 $0x88, s3;
	s6 =	simm.s32 @!p1 $0x1082;
	[sflag:s4] =	ssyncset.s32 $0xFFFFF086  }
0x25: {  	[simem:s6], [sflag:s4] =	dma.local [hbm:s3], $0xF7A  }
0x26: {  	[smem:$0x3F97] =	sst s1;
	(tag) =	ssettag s2;
	_ =	strace s9  }
0x27: {  	s1 =	sld [smem:$0x3FA7]  }
0x28: {  	s2 =	sld [smem:$0x3FA8]  }
0x29: {  	s4 =	sld [smem:$0x3FAA]  }
0x2a: {  	p0 =	seq.s32 s5, $0x0;
	s5 =	sld [smem:$0x3FAB]  }
0x2b: {  	s6 =	sld [smem:$0x3FAC]  }
0x2c: {  	s7 =	sld [smem:$0x3FAD]  }
0x2d: {  	s3 =	simm.s32 $0x108;
	s8 =	sld [smem:$0x3FAE]  }
0x2e: {  	s3 =	simm.s32 @!p0 $0x1082;
	s9 =	sld [smem:$0x3FAF]  }
0x2f: {  	lr =	sadd.s32 s0, s3;
	s0 =	sld [smem:$0x3FA6]  }
0x30: {  	s3 =	sld [smem:$0x3FA9]  }
0x31: {  	[smem:$0x3FB2] =	sst s10  }
0x32: {  	s10 =	sld [smem:$0x3FB0];
	_ =	sdelay $0x3  }
0x33: {  	p0 =	seq.s32 s10, $0x1;
	s10 =	sld [smem:$0x3FB2];
	_ =	sdelay $0x3  }
0x34: {  	[smem:$0x3FB2] =	sst s10  }
0x35: {  	s10 =	sld [smem:$0x3FB1];
	_ =	sdelay $0x3  }
0x36: {  	p1 =	seq.s32 s10, $0x1;
	s10 =	sld [smem:$0x3FB2];
	_ =	sdelay $0x3  }
0x37: {  	[smem:$0x3FB2] =	sst s10  }
0x38: {  	s10 =	sld [smem:$0x3FB3]  }
0x39: {  	_ = 	snop;
	(pc) =	sbr.ind lr, $3  }
0x3a: {  	_ = 	snop  }
0x3b: {  	_ = 	snop  }
0x3c: {  	p2 =	seq.s32 s10, $0x1;
	s10 =	sld [smem:$0x3FB2]  }
0x3d: {  	_ =	shalt  }
0x3e: {  	_ =	shalt  }
0x3f: {  	_ =	shalt  }
0x40: {  	_ =	shalt  }
0x41: {  	_ =	shalt  }
0x42: {  	_ =	shalt  }
0x43: {  	_ =	shalt  }
0x44: {  	_ =	shalt  }
0x45: {  	_ =	shalt  }
0x46: {  	_ =	shalt  }
0x47: {  	_ =	shalt  }
0x48: {  	_ =	shalt  }
0x49: {  	_ =	shalt  }
0x4a: {  	_ =	shalt  }
0x4b: {  	_ =	shalt  }
0x4c: {  	_ =	shalt  }
0x4d: {  	_ =	shalt  }
0x4e: {  	_ =	shalt  }
0x4f: {  	_ =	shalt  }
0x50: {  	_ =	shalt  }
0x51: {  	_ =	shalt  }
0x52: {  	_ =	shalt  }
0x53: {  	_ =	shalt  }
0x54: {  	_ =	shalt  }
0x55: {  	_ =	shalt  }
0x56: {  	_ =	shalt  }
0x57: {  	_ =	shalt  }
0x58: {  	_ =	shalt  }
0x59: {  	_ =	shalt  }
0x5a: {  	_ =	shalt  }
0x5b: {  	_ =	shalt  }
0x5c: {  	_ =	shalt  }
0x5d: {  	_ =	shalt  }
0x5e: {  	_ =	shalt  }
0x5f: {  	_ =	shalt  }
0x60: {  	_ =	shalt  }
0x61: {  	_ =	shalt  }
0x62: {  	_ =	shalt  }
0x63: {  	_ =	shalt  }
0x64: {  	_ =	shalt  }
0x65: {  	_ =	shalt  }
0x66: {  	_ =	shalt  }
0x67: {  	_ =	shalt  }
0x68: {  	_ =	shalt  }
0x69: {  	_ =	shalt  }
0x6a: {  	_ =	shalt  }
0x6b: {  	_ =	shalt  }
0x6c: {  	_ =	shalt  }
0x6d: {  	_ =	shalt  }
0x6e: {  	_ =	shalt  }
0x6f: {  	_ =	shalt  }
0x70: {  	_ =	shalt  }
0x71: {  	_ =	shalt  }
0x72: {  	_ =	shalt  }
0x73: {  	_ =	shalt  }
0x74: {  	_ =	shalt  }
0x75: {  	_ =	shalt  }
0x76: {  	_ =	shalt  }
0x77: {  	_ =	shalt  }
0x78: {  	_ =	shalt  }
0x79: {  	_ =	shalt  }
0x7a: {  	_ =	shalt  }
0x7b: {  	_ =	shalt  }
0x7c: {  	_ =	shalt  }
0x7d: {  	_ =	shalt  }
0x7e: {  	_ =	shalt  }
0x7f: {  	_ =	shalt  }
0x80: {  	_ =	shalt  }
0x81: {  	_ =	shalt  }
0x82: {  	_ =	shalt  }
0x83: {  	_ =	shalt  }
0x84: {  	_ =	shalt  }
0x85: {  	_ =	shalt  }
0x86: {  	_ =	shalt  }
0x87: {  	_ =	shalt  }
.Lfunc_end0:
.L_simem_size_0:
called_computation.1_lowered:
.L_overlay_start_0:
0x88: {  	s2 =	sld [smem:$0x3FD9]  }
0x89: {  	s3 =	sld [smem:$0x3FFE];
	_ =	sdelay $0x1  }
0x8a: {  	s1 =	srdreg.scid  }
0x8b: {  	s0 =	sand.u32 $0x1, s1  }
0x8c: {  	s16 =	sshll.u32 s0, $0xA;
	s2 =	sadd.s32 s3, s2  }
0x8d: {  	s2 =	sadd.s32 s2, s16  }
0x8e: {  	[smem:$0x3FBE] =	sst s2  }
0x8f: {  	_ = 	snop  }
0x90: {  	(tm) =	ssettm $0x1  }
0x91: {  	s17 =	sld [smem:$0x3FFB];
	_ =	sdelay $0x3  }
0x92: {  	_ =	strace s17  }
0x93: {  	s2 =	sld [smem:$0x3FFC];
	_ =	sdelay $0x3  }
0x94: {  	_ =	strace s2  }
0x95: {  	s2 =	sld [smem:$0x3FFD];
	_ =	sdelay $0x3  }
0x96: {  	_ =	strace s2  }
0x97: {  	_ =	strace $0x8FFFFFFF  }
0x98: {  	s18 =	sld [smem:$0x3FDB];
	_ =	sdelay $0x1  }
0x99: {  	s19 =	simm.s32 $_scs_section_size  }
0x9a: {  	s4 =	simm.s32 $_size__tile_overlayer_lowered;
	s5 =	simm.s32 $_tile_overlayer_lowered  }
0x9b: {  	s22 =	simm.s32 $0x1BFF;
	s21 =	sshll.u32 s5, $0x1;
	s2 =	sadd.s32 s19, s18  }
0x9c: {  	s6 =	simm.s32 $0x0;
	s20 =	sshll.u32 s4, $0x1;
	s4 =	sadd.s32 s21, s2  }
0x9d: {  	[timem:s6], [sflag:s22] =	dma.local [hbm:s4], s20  }
0x9e: {  	_ =	swait.ge [sflag:s22], s20  }
0x9f: {  	s3 =	ssub.s32 $0x0, s20;
	[sflag:s22] =	ssyncset.done $0x0  }
0xa0: {  	[sflag:s22] =	ssyncadd.s32 s3;
	_ =	sdelay $0x1  }
0xa1: {  	s23 =	simm.s32 $0x1B8B  }
0xa2: {  	_ =	swait.ge [sflag:s23], $0x1  }
0xa3: {  	[sflag:s23] =	ssyncset.done $0x0  }
0xa4: {  	s25 =	simm.s32 $0x1B8E;
	s24 =	sld [smem:$0x3FFE];
	[sflag:s23] =	ssyncadd.s32 $0xFFFFFFFF  }
0xa5: {  	s26 =	simm.s32 $execute0_lowered;
	[smem:$0x3FD2] =	sst s25  }
0xa6: {  	s4 =	sshll.u32 s26, $0x1;
	_ =	strace $0x80000049;
	[dreg:$0x1] =	wrdreg $0xFFFFFFFF  }
0xa7: {  	s28 =	simm.s32 $_size_execute0_lowered;
	s2 =	sadd.s32 s2, s4;
	[dreg:$0x0] =	wrdreg $0x0  }
0xa8: {  	s4 =	sshll.u32 s28, $0x1;
	[dreg:$0x2] =	wrdreg s2  }
0xa9: {  	[dreg:$0x3] =	wrdreg s4  }
0xaa: {  	[dreg:$0x4] =	wrdreg $0xC0  }
0xab: {  	_ =	task [dreg:s6], $0x5FFFF  }
0xac: {  	[dreg:$0x1] =	wrdreg $0xFFFFFFFF  }
0xad: {  	[dreg:$0x0] =	wrdreg $0x60  }
0xae: {  	[dreg:$0x2] =	wrdreg s24  }
0xaf: {  	[dreg:$0x3] =	wrdreg $0xB8000  }
0xb0: {  	[dreg:$0x4] =	wrdreg $0x9  }
0xb1: {  	_ =	task.clear_ibuf [dreg:s6], $0x5FFFF;
	_ =	strace $0x90000049  }
0xb2: {  	s29 =	simm.s32 $0x9;
	_ =	strace $0x8000004B  }
0xb3: {  	_ =	swait.ge [sflag:s29], $0x1  }
0xb4: {  	[sflag:s29] =	ssyncadd.s32 $0xFFFFFFFF  }
0xb5: {  	_ =	strace $0x9000004B  }
0xb6: {  	_ =	sfence  }
0xb7: {  	s30 =	sld [smem:$0x0];
	_ =	sdelay $0x2  }
0xb8: {  	s31 =	sshll.u32 s1, $0xD;
	s1 =	sshrl.u32 s1, $0x2  }
0xb9: {  	s3 =	sand.u32 $0x4000, s31;
	s1 =	sadd.s32 s1, s30  }
0xba: {  	s0 =	sor.u32 s3, s0;
	s1 =	sshll.u32 s1, $0x11  }
0xbb: {  	s0 =	sor.u32 s1, s0  }
0xbc: {  	s0 =	sadd.s32 $0x8F2B, s0  }
0xbd: {  	[sflag:s0] =	ssyncadd.remote.s32 $0x1  }
0xbe: {  	_ =	sfence.sel $0xFFFF  }
0xbf: {  	[dreg:$0x0] =	wrdreg $0xFFFFFFFF;
	(pc) =	sbr.abs _section_cstart, $3  }
0xc0: {  	[dreg:$0x1] =	wrdreg $0xFFFFFFFF  }
0xc1: {  	_ =	task.clear_ibuf [dreg:s6], $0x2FFFF;
	_ =	strace $0x9FFFFFFF  }
0xc2: {  	(tm) =	ssettm $0x7FFFFFFF  }
0xc3: {  	_ =	shalt  }
tec
execute0_lowered:
.L_overlay_start_1:
0x0: {  	(tag) =	ssettag $0x1  }
0x1: {  	s0 =	rddreg [dreg:$0x0]  }
0x2: {  	s1 =	rddreg [dreg:$0x1];
	s2 =	simm.s32 $0x0  }
0x3: {  	s3 =	srdreg.scid;
	s12 =	stileid.u32;
	s28 =	simm.s32 $0x2780  }
0x4: {  	s29 =	simm.s32 $0x0;
	[smem:$0x7FF] =	sst s2;
	s3 =	sand.u32 $0x1, s3  }
0x5: {  	s4 =	sadd.s32 $0x23800, s0;
	s7 =	sadd.s32 $0x19800, s0;
	s6 =	smul.u32 $0x4E200, s12  }
0x6: {  	s8 =	sadd.s32 $0xF800, s0;
	s0 =	sadd.s32 $0x71C00, s0;
	s17 =	smul.u32 $0x13800, s12  }
0x7: {  	s19 =	smul.u32 $0x4E000, s12;
	p0 =	seq.s32 s12, $0xF;
	s6 =	sshrl.u32 s6, $0x2  }
0x8: {  	_ =	strace $0x8000004A;
	s5 =	sshll.u32 s3, $0x4;
	s6 =	sadd.s32 s6, s1  }
0x9: {  	s9 =	ssub.s32 $0x2, s3;
	s3 =	smul.u32 $0x138800, s3;
	s25 =	sadd.s32 $0xC80, s6  }
0xa: {  	s5 =	sor.u32 s12, s5;
	s26 =	sadd.s32 $0x1900, s6;
	[dreg:$0x5] =	wrdreg s25  }
0xb: {  	s11 =	sshrl.u32 s9, $0x1;
	s30 =	sadd.s32 $0x2580, s6;
	[dreg:$0x6] =	wrdreg s26  }
0xc: {  	s12 =	simm.s32 $0x5;
	s31 =	sadd.s32 $0x3200, s6;
	[dreg:$0x7] =	wrdreg s30  }
0xd: {  	s9 =	ssub.s32 s9, s11;
	s11 =	sadd.s32 $0x3E80, s6;
	[dreg:$0x8] =	wrdreg s31  }
0xe: {  	s10 =	smul.u32 $0x500, s5;
	s13 =	sadd.s32 $0x4B00, s6;
	[dreg:$0x9] =	wrdreg s11  }
0xf: {  	s5 =	smul.u32 $0x2800, s5;
	s14 =	sadd.s32 $0x5780, s6;
	[dreg:$0xa] =	wrdreg s13  }
0x10: {  	s21 =	sadd.s32 s17, s3;
	s15 =	sadd.s32 $0x6400, s6;
	[dreg:$0xb] =	wrdreg s14  }
0x11: {  	s3 =	sshrl.u32 s3, $0x3;
	s16 =	sadd.s32 $0x7080, s6;
	[dreg:$0xc] =	wrdreg s15  }
0x12: {  	s17 =	simm.s32 $0x80;
	s18 =	sadd.s32 $0x7D00, s6;
	[dreg:$0xd] =	wrdreg s16  }
0x13: {  	s20 =	sadd.s32 $0x8980, s6;
	s22 =	smax.u32 s9, $0x1;
	[dreg:$0xe] =	wrdreg s18  }
0x14: {  	s23 =	sadd.s32 $0x9600, s6;
	s9 =	sadd.s32 $0x11300, s6;
	[dreg:$0x11] =	wrdreg s20  }
0x15: {  	s24 =	sadd.s32 s7, s10;
	s10 =	sadd.s32 s8, s10;
	[dreg:$0x14] =	wrdreg s22  }
0x16: {  	s5 =	sshrl.u32 s5, $0x3;
	[dreg:$0x17] =	wrdreg s23;
	s25 =	sadd.s32 $0xAF00, s6  }
0x17: {  	s26 =	sadd.s32 $0xBB80, s6;
	s30 =	sadd.s32 $0xC800, s6;
	s31 =	sadd.s32 $0xD480, s6  }
0x18: {  	s11 =	sadd.s32 $0x12C00, s6;
	s13 =	simm.s32 $0x1400;
	[dreg:$0x3] =	wrdreg s24  }
0x19: {  	s14 =	simm.s32 $0x7D;
	s15 =	simm.s32 $0x2800;
	[dreg:$0x4] =	wrdreg s10  }
0x1a: {  	s16 =	simm.s32 $0xA800;
	s18 =	simm.s32 $0x6800;
	[dreg:$0x19] =	wrdreg s25  }
0x1b: {  	s20 =	simm.s32 $0x3;
	s22 =	simm.s32 $0x2;
	[dreg:$0x1a] =	wrdreg s26  }
0x1c: {  	s23 =	simm.s32 $0x1480;
	s5 =	sadd.s32 $0x280, s5;
	[dreg:$0x1b] =	wrdreg s30  }
0x1d: {  	s24 =	sadd.s32 $0xA280, s6;
	[dreg:$0x1c] =	wrdreg s31;
	s10 =	sadd.s32 $0x11F80, s6  }
0x1e: {  	s25 =	simm.s32 $0x1380;
	s26 =	simm.s32 $0x2700;
	s7 =	sadd.s32 s7, s5  }
0x1f: {  	s5 =	sadd.s32 s8, s5;
	[dreg:$0x18] =	wrdreg s24;
	s8 =	sadd.s32 $0x10680, s6  }
0x20: {  	s24 =	simm.s32 $0x4;
	[dreg:$0x10] =	wrdreg s5;
	s5 =	sshrl.u32 s21, $0x3  }
0x21: {  	[dreg:$0xf] =	wrdreg s7;
	s5 =	sadd.s32 s0, s5;
	s0 =	sadd.s32 s0, s3  }
0x22: {  	s7 =	sshrl.u32 s19, $0x2;
	s19 =	simm.s32 $0x1;
	s0 =	sadd.s32 $0x24900, s0  }
0x23: {  	s21 =	simm.s32 $0x100;
	[dreg:$0x13] =	wrdreg s0;
	s0 =	sadd.s32 $0x124800, s1  }
0x24: {  	[dreg:$0x12] =	wrdreg s5;
	s5 =	sadd.s32 s7, s1;
	s0 =	sshrl.u32 @p0 s0, $0x3  }
0x25: {  	s3 =	sadd.s32 $0xE100, s6;
	[dreg:$0x15] =	wrdreg s0;
	s0 =	sshrl.u32 @!p0 s5, $0x3  }
0x26: {  	v0 =	vimm.f32 $0.0e+00;
	s7 =	sadd.s32 $0xFA00, s6;
	s5 =	sadd.s32 $0xED80, s6;
	[dreg:$0x16] =	wrdreg s0  }
.LBB2_1:
0x27: {  	s0 =	rddreg [dreg:$0x3]  }
0x28: {  	[tilespmem:s2], [sflag:$0x5] =	stream.linear.gather [hbm4b:s0+s2], $0x1400, $0x38;
	[tilespmem:$0x1F080] =	vst v63  }
0x29: {  	_ =	swait.ge [sflag:s12], $0x1400  }
0x2a: {  	[sflag:s12] =	ssyncset.done $0x0  }
0x2b: {  	s0 =	rddreg [dreg:$0x4];
	[sflag:s12] =	ssyncadd.s32 $0xFFFFEC00  }
0x2c: {  	[tilespmem:s13], [sflag:$0x5] =	stream.linear.gather [hbm4b:s0+s2], $0x1400, $0x38;
	[tilespmem:$0x1F080] =	vst v63  }
0x2d: {  	_ =	swait.ge [sflag:s12], $0x1400  }
0x2e: {  	[sflag:s12] =	ssyncset.done $0x0  }
0x2f: {  	s30 =	simm.s32 $0x0;
	s31 =	simm.s32 $0x200;
	[sflag:s12] =	ssyncadd.s32 $0xFFFFEC00  }
0x30: {  	[tilespmem:s15], [sflag:$0x1] =	stream.indirect.gather [hbm4b:s4+s14], $0x80, s2, s14, $0xb8;
	[tilespmem:$0x1F080] =	vst v63  }
.LBB2_2:
0x31: {  	p1 =	sne.s32 s31, $0x3000;
	[tilespmem:s30+$0xA870] =	vst v0  }
0x32: {  	[tilespmem:s30+$0xA800] =	vst v0  }
0x33: {  	[tilespmem:s30+$0xA810] =	vst v0  }
.Ltmp0:
0x34: {  	[tilespmem:s30+$0xA820] =	vst v0;
	(pc) =	sbr.rel @p1 .LBB2_2-.Ltmp0, $4  }
0x35: {  	[tilespmem:s30+$0xA830] =	vst v0  }
0x36: {  	[tilespmem:s30+$0xA840] =	vst v0  }
0x37: {  	[tilespmem:s30+$0xA850] =	vst v0  }
0x38: {  	[tilespmem:s30+$0xA860] =	vst v0;
	s30 =	sshra.s32 s31, $0x2;
	s31 =	sadd.s32 $0x200, s31  }
0x39: {  	[tilespmem:s30+$0xA870] =	vst v0  }
0x3a: {  	[tilespmem:s30+$0xA800] =	vst v0  }
0x3b: {  	[tilespmem:s30+$0xA810] =	vst v0  }
0x3c: {  	[tilespmem:s30+$0xA820] =	vst v0  }
0x3d: {  	[tilespmem:s30+$0xA830] =	vst v0  }
0x3e: {  	[tilespmem:s30+$0xA840] =	vst v0  }
0x3f: {  	[tilespmem:s30+$0xA850] =	vst v0  }
0x40: {  	[tilespmem:s30+$0xA860] =	vst v0  }
0x41: {  	[spmem:s6] =	stream.linear.scatter [tilespmem:s16], [sflag:$0x5], $0xC80, $0x38;
	[tilespmem:$0x1F080] =	vst v63  }
0x42: {  	_ =	swait.ge [sflag:s12], $0xC80  }
0x43: {  	[sflag:s12] =	ssyncset.done $0x0  }
0x44: {  	s0 =	rddreg [dreg:$0x5];
	[sflag:s12] =	ssyncadd.s32 $0xFFFFF380  }
0x45: {  	[spmem:s0] =	stream.linear.scatter [tilespmem:s16], [sflag:$0x5], $0xC80, $0x38;
	[tilespmem:$0x1F080] =	vst v63  }
0x46: {  	_ =	swait.ge [sflag:s12], $0xC80  }
0x47: {  	[sflag:s12] =	ssyncset.done $0x0  }
0x48: {  	s0 =	rddreg [dreg:$0x6];
	[sflag:s12] =	ssyncadd.s32 $0xFFFFF380  }
0x49: {  	[spmem:s0] =	stream.linear.scatter [tilespmem:s16], [sflag:$0x5], $0xC80, $0x38;
	[tilespmem:$0x1F080] =	vst v63  }
0x4a: {  	_ =	swait.ge [sflag:s12], $0xC80  }
0x4b: {  	[sflag:s12] =	ssyncset.done $0x0  }
0x4c: {  	s0 =	rddreg [dreg:$0x7];
	[sflag:s12] =	ssyncadd.s32 $0xFFFFF380  }
0x4d: {  	[spmem:s0] =	stream.linear.scatter [tilespmem:s16], [sflag:$0x5], $0xC80, $0x38;
	[tilespmem:$0x1F080] =	vst v63  }
0x4e: {  	_ =	swait.ge [sflag:s12], $0xC80  }
0x4f: {  	[sflag:s12] =	ssyncset.done $0x0  }
0x50: {  	s0 =	rddreg [dreg:$0x8];
	[sflag:s12] =	ssyncadd.s32 $0xFFFFF380  }
0x51: {  	[spmem:s0] =	stream.linear.scatter [tilespmem:s16], [sflag:$0x5], $0xC80, $0x38;
	[tilespmem:$0x1F080] =	vst v63  }
0x52: {  	_ =	swait.ge [sflag:s12], $0xC80  }
0x53: {  	[sflag:s12] =	ssyncset.done $0x0  }
0x54: {  	s0 =	rddreg [dreg:$0x9];
	[sflag:s12] =	ssyncadd.s32 $0xFFFFF380  }
0x55: {  	[spmem:s0] =	stream.linear.scatter [tilespmem:s16], [sflag:$0x5], $0xC80, $0x38;
	[tilespmem:$0x1F080] =	vst v63  }
0x56: {  	_ =	swait.ge [sflag:s12], $0xC80  }
0x57: {  	[sflag:s12] =	ssyncset.done $0x0  }
0x58: {  	s0 =	rddreg [dreg:$0xa];
	[sflag:s12] =	ssyncadd.s32 $0xFFFFF380  }
0x59: {  	[spmem:s0] =	stream.linear.scatter [tilespmem:s16], [sflag:$0x5], $0xC80, $0x38;
	[tilespmem:$0x1F080] =	vst v63  }
0x5a: {  	_ =	swait.ge [sflag:s12], $0xC80  }
0x5b: {  	[sflag:s12] =	ssyncset.done $0x0  }
0x5c: {  	s0 =	rddreg [dreg:$0xb];
	[sflag:s12] =	ssyncadd.s32 $0xFFFFF380  }
0x5d: {  	[spmem:s0] =	stream.linear.scatter [tilespmem:s16], [sflag:$0x5], $0xC80, $0x38;
	[tilespmem:$0x1F080] =	vst v63  }
0x5e: {  	_ =	swait.ge [sflag:s12], $0xC80  }
0x5f: {  	[sflag:s12] =	ssyncset.done $0x0  }
0x60: {  	s0 =	rddreg [dreg:$0xc];
	[sflag:s12] =	ssyncadd.s32 $0xFFFFF380  }
0x61: {  	[spmem:s0] =	stream.linear.scatter [tilespmem:s16], [sflag:$0x5], $0xC80, $0x38;
	[tilespmem:$0x1F080] =	vst v63  }
0x62: {  	_ =	swait.ge [sflag:s12], $0xC80  }
0x63: {  	[sflag:s12] =	ssyncset.done $0x0  }
0x64: {  	s0 =	rddreg [dreg:$0xd];
	[sflag:s12] =	ssyncadd.s32 $0xFFFFF380  }
0x65: {  	[spmem:s0] =	stream.linear.scatter [tilespmem:s16], [sflag:$0x5], $0xC80, $0x38;
	[tilespmem:$0x1F080] =	vst v63  }
0x66: {  	_ =	swait.ge [sflag:s12], $0xC80  }
0x67: {  	[sflag:s12] =	ssyncset.done $0x0  }
0x68: {  	s0 =	rddreg [dreg:$0xe];
	[sflag:s12] =	ssyncadd.s32 $0xFFFFF380  }
0x69: {  	[spmem:s0] =	stream.linear.scatter [tilespmem:s16], [sflag:$0x5], $0xC80, $0x38;
	[tilespmem:$0x1F080] =	vst v63  }
0x6a: {  	_ =	swait.ge [sflag:s12], $0xC80  }
0x6b: {  	[sflag:s12] =	ssyncset.done $0x0  }
0x6c: {  	s0 =	rddreg [dreg:$0x11];
	[sflag:s12] =	ssyncadd.s32 $0xFFFFF380  }
0x6d: {  	[spmem:s0] =	stream.linear.scatter [tilespmem:s16], [sflag:$0x5], $0xC80, $0x38;
	[tilespmem:$0x1F080] =	vst v63  }
0x6e: {  	_ =	swait.ge [sflag:s12], $0xC80  }
0x6f: {  	[sflag:s12] =	ssyncset.done $0x0  }
0x70: {  	s0 =	rddreg [dreg:$0x17];
	[sflag:s12] =	ssyncadd.s32 $0xFFFFF380  }
0x71: {  	[spmem:s0] =	stream.linear.scatter [tilespmem:s16], [sflag:$0x5], $0xC80, $0x38;
	[tilespmem:$0x1F080] =	vst v63  }
0x72: {  	_ =	swait.ge [sflag:s12], $0xC80  }
0x73: {  	[sflag:s12] =	ssyncset.done $0x0  }
0x74: {  	s0 =	rddreg [dreg:$0x18];
	[sflag:s12] =	ssyncadd.s32 $0xFFFFF380  }
0x75: {  	[spmem:s0] =	stream.linear.scatter [tilespmem:s16], [sflag:$0x5], $0xC80, $0x38;
	[tilespmem:$0x1F080] =	vst v63  }
0x76: {  	_ =	swait.ge [sflag:s12], $0xC80  }
0x77: {  	[sflag:s12] =	ssyncset.done $0x0  }
0x78: {  	s0 =	rddreg [dreg:$0x19];
	[sflag:s12] =	ssyncadd.s32 $0xFFFFF380  }
0x79: {  	[spmem:s0] =	stream.linear.scatter [tilespmem:s16], [sflag:$0x5], $0xC80, $0x38;
	[tilespmem:$0x1F080] =	vst v63  }
0x7a: {  	_ =	swait.ge [sflag:s12], $0xC80  }
0x7b: {  	[sflag:s12] =	ssyncset.done $0x0  }
0x7c: {  	s0 =	rddreg [dreg:$0x1a];
	[sflag:s12] =	ssyncadd.s32 $0xFFFFF380  }
0x7d: {  	[spmem:s0] =	stream.linear.scatter [tilespmem:s16], [sflag:$0x5], $0xC80, $0x38;
	[tilespmem:$0x1F080] =	vst v63  }
0x7e: {  	_ =	swait.ge [sflag:s12], $0xC80  }
0x7f: {  	[sflag:s12] =	ssyncset.done $0x0  }
0x80: {  	s0 =	rddreg [dreg:$0x1b];
	[sflag:s12] =	ssyncadd.s32 $0xFFFFF380  }
0x81: {  	[spmem:s0] =	stream.linear.scatter [tilespmem:s16], [sflag:$0x5], $0xC80, $0x38;
	[tilespmem:$0x1F080] =	vst v63  }
0x82: {  	_ =	swait.ge [sflag:s12], $0xC80  }
0x83: {  	[sflag:s12] =	ssyncset.done $0x0  }
0x84: {  	s0 =	rddreg [dreg:$0x1c];
	[sflag:s12] =	ssyncadd.s32 $0xFFFFF380  }
0x85: {  	[spmem:s0] =	stream.linear.scatter [tilespmem:s16], [sflag:$0x5], $0xC80, $0x38;
	[tilespmem:$0x1F080] =	vst v63  }
0x86: {  	_ =	swait.ge [sflag:s12], $0xC80  }
0x87: {  	[sflag:s12] =	ssyncset.done $0x0  }
0x88: {  	[sflag:s12] =	ssyncadd.s32 $0xFFFFF380  }
0x89: {  	[spmem:s3] =	stream.linear.scatter [tilespmem:s16], [sflag:$0x5], $0xC80, $0x38;
	[tilespmem:$0x1F080] =	vst v63  }
0x8a: {  	_ =	swait.ge [sflag:s12], $0xC80  }
0x8b: {  	[sflag:s12] =	ssyncset.done $0x0  }
0x8c: {  	[sflag:s12] =	ssyncadd.s32 $0xFFFFF380  }
0x8d: {  	[spmem:s5] =	stream.linear.scatter [tilespmem:s16], [sflag:$0x5], $0xC80, $0x38;
	[tilespmem:$0x1F080] =	vst v63  }
0x8e: {  	_ =	swait.ge [sflag:s12], $0xC80  }
0x8f: {  	[sflag:s12] =	ssyncset.done $0x0  }
0x90: {  	[sflag:s12] =	ssyncadd.s32 $0xFFFFF380  }
0x91: {  	[spmem:s7] =	stream.linear.scatter [tilespmem:s16], [sflag:$0x5], $0xC80, $0x38;
	[tilespmem:$0x1F080] =	vst v63  }
0x92: {  	_ =	swait.ge [sflag:s12], $0xC80  }
0x93: {  	[sflag:s12] =	ssyncset.done $0x0  }
0x94: {  	[sflag:s12] =	ssyncadd.s32 $0xFFFFF380  }
0x95: {  	[spmem:s8] =	stream.linear.scatter [tilespmem:s16], [sflag:$0x5], $0xC80, $0x38;
	[tilespmem:$0x1F080] =	vst v63  }
0x96: {  	_ =	swait.ge [sflag:s12], $0xC80  }
0x97: {  	[sflag:s12] =	ssyncset.done $0x0  }
0x98: {  	[sflag:s12] =	ssyncadd.s32 $0xFFFFF380  }
0x99: {  	[spmem:s9] =	stream.linear.scatter [tilespmem:s16], [sflag:$0x5], $0xC80, $0x38;
	[tilespmem:$0x1F080] =	vst v63  }
0x9a: {  	_ =	swait.ge [sflag:s12], $0xC80  }
0x9b: {  	[sflag:s12] =	ssyncset.done $0x0  }
0x9c: {  	[sflag:s12] =	ssyncadd.s32 $0xFFFFF380  }
0x9d: {  	[spmem:s10] =	stream.linear.scatter [tilespmem:s16], [sflag:$0x5], $0xC80, $0x38;
	[tilespmem:$0x1F080] =	vst v63  }
0x9e: {  	_ =	swait.ge [sflag:s12], $0xC80  }
0x9f: {  	[sflag:s12] =	ssyncset.done $0x0  }
0xa0: {  	[sflag:s12] =	ssyncadd.s32 $0xFFFFF380  }
0xa1: {  	[spmem:s11] =	stream.linear.scatter [tilespmem:s16], [sflag:$0x5], $0xC80, $0x38;
	[tilespmem:$0x1F080] =	vst v63  }
0xa2: {  	_ =	swait.ge [sflag:s12], $0xC80  }
0xa3: {  	[sflag:s12] =	ssyncset.done $0x0  }
0xa4: {  	[sflag:s12] =	ssyncadd.s32 $0xFFFFF380  }
0xa5: {  	[bflag:$0x0] =	sbarrier.arrive $0xFFFF  }
0xa6: {  	[tilespmem:s18], [sflag:$0x2] =	stream.indirect.gather [hbm4b:s4+s14], $0x80, s17, s14, $0xb8;
	[tilespmem:$0x1F080] =	vst v63  }
0xa7: {  	_ =	swait.ge [sflag:s19], $0x3E80  }
0xa8: {  	[sflag:s19] =	ssyncset.done $0x0  }
0xa9: {  	[sflag:s19] =	ssyncadd.s32 $0xFFFFC180  }
0xaa: {  	[spmem:s1] =	stream.indirect.scatter.add.f32 [tilespmem:s15], [sflag:$0x3], $0x80, s13, s14, $0xb8;
	[tilespmem:$0x1F080] =	vst v63  }
0xab: {  	_ =	swait.ge [sflag:s20], $0x3E80  }
0xac: {  	[sflag:s20] =	ssyncset.done $0x0  }
0xad: {  	[sflag:s20] =	ssyncadd.s32 $0xFFFFC180  }
0xae: {  	[tilespmem:s15], [sflag:$0x1] =	stream.indirect.gather [hbm4b:s4+s14], $0x80, s21, s14, $0xb8;
	[tilespmem:$0x1F080] =	vst v63  }
0xaf: {  	_ =	swait.ge [sflag:s22], $0x3E80  }
0xb0: {  	[sflag:s22] =	ssyncset.done $0x0  }
0xb1: {  	[sflag:s22] =	ssyncadd.s32 $0xFFFFC180  }
0xb2: {  	[spmem:s1] =	stream.indirect.scatter.add.f32 [tilespmem:s18], [sflag:$0x4], $0x80, s23, s14, $0xb8;
	[tilespmem:$0x1F080] =	vst v63  }
0xb3: {  	_ =	swait.ge [sflag:s24], $0x3E80  }
0xb4: {  	[sflag:s24] =	ssyncset.done $0x0  }
0xb5: {  	s30 =	simm.s32 $0x180;
	[sflag:s24] =	ssyncadd.s32 $0xFFFFC180  }
0xb6: {  	[tilespmem:s18], [sflag:$0x2] =	stream.indirect.gather [hbm4b:s4+s14], $0x80, s30, s14, $0xb8;
	[tilespmem:$0x1F080] =	vst v63  }
0xb7: {  	_ =	swait.ge [sflag:s19], $0x3E80  }
0xb8: {  	[sflag:s19] =	ssyncset.done $0x0  }
0xb9: {  	s30 =	simm.s32 $0x1500;
	[sflag:s19] =	ssyncadd.s32 $0xFFFFC180  }
0xba: {  	[spmem:s1] =	stream.indirect.scatter.add.f32 [tilespmem:s15], [sflag:$0x3], $0x80, s30, s14, $0xb8;
	[tilespmem:$0x1F080] =	vst v63  }
0xbb: {  	_ =	swait.ge [sflag:s20], $0x3E80  }
0xbc: {  	[sflag:s20] =	ssyncset.done $0x0  }
0xbd: {  	s30 =	simm.s32 $0x200;
	[sflag:s20] =	ssyncadd.s32 $0xFFFFC180  }
0xbe: {  	[tilespmem:s15], [sflag:$0x1] =	stream.indirect.gather [hbm4b:s4+s14], $0x80, s30, s14, $0xb8;
	[tilespmem:$0x1F080] =	vst v63  }
0xbf: {  	_ =	swait.ge [sflag:s22], $0x3E80  }
0xc0: {  	[sflag:s22] =	ssyncset.done $0x0  }
0xc1: {  	s31 =	simm.s32 $0x1580;
	s30 =	simm.s32 $0xFFFFBC00;
	[sflag:s22] =	ssyncadd.s32 $0xFFFFC180  }
.LBB2_4:
0xc2: {  	[spmem:s1] =	stream.indirect.scatter.add.f32 [tilespmem:s18], [sflag:$0x4], $0x80, s31, s14, $0xb8;
	[tilespmem:$0x1F080] =	vst v63  }
0xc3: {  	s31 =	smov.u32 s30  }
0xc4: {  	p1 =	sne.s32 s30, $0xFFFFFC00;
	s30 =	sadd.s32 $0x400, s30;
	_ =	swait.ge [sflag:s24], $0x3E80  }
0xc5: {  	s31 =	sshra.s32 s31, $0x2;
	[sflag:s24] =	ssyncset.done $0x0  }
0xc6: {  	s0 =	sadd.s32 $0x1380, s31;
	[sflag:s24] =	ssyncadd.s32 $0xFFFFC180  }
0xc7: {  	[tilespmem:s18], [sflag:$0x2] =	stream.indirect.gather [hbm4b:s4+s14], $0x80, s0, s14, $0xb8;
	[tilespmem:$0x1F080] =	vst v63  }
0xc8: {  	_ =	swait.ge [sflag:s19], $0x3E80  }
0xc9: {  	[sflag:s19] =	ssyncset.done $0x0  }
0xca: {  	s0 =	sadd.s32 $0x2700, s31;
	[sflag:s19] =	ssyncadd.s32 $0xFFFFC180  }
0xcb: {  	[spmem:s1] =	stream.indirect.scatter.add.f32 [tilespmem:s15], [sflag:$0x3], $0x80, s0, s14, $0xb8;
	[tilespmem:$0x1F080] =	vst v63  }
0xcc: {  	_ =	swait.ge [sflag:s20], $0x3E80  }
0xcd: {  	[sflag:s20] =	ssyncset.done $0x0  }
.Ltmp1:
0xce: {  	s0 =	sadd.s32 $0x1400, s31;
	[sflag:s20] =	ssyncadd.s32 $0xFFFFC180;
	(pc) =	sbr.rel @p1 .LBB2_4-.Ltmp1, $4  }
0xcf: {  	[tilespmem:s15], [sflag:$0x1] =	stream.indirect.gather [hbm4b:s4+s14], $0x80, s0, s14, $0xb8;
	[tilespmem:$0x1F080] =	vst v63  }
0xd0: {  	_ =	swait.ge [sflag:s22], $0x3E80  }
0xd1: {  	[sflag:s22] =	ssyncset.done $0x0  }
0xd2: {  	s31 =	sadd.s32 $0x2780, s31;
	[sflag:s22] =	ssyncadd.s32 $0xFFFFC180  }
0xd3: {  	[spmem:s1] =	stream.indirect.scatter.add.f32 [tilespmem:s18], [sflag:$0x4], $0x80, s31, s14, $0xb8;
	[tilespmem:$0x1F080] =	vst v63  }
0xd4: {  	_ =	swait.ge [sflag:s24], $0x3E80  }
0xd5: {  	[sflag:s24] =	ssyncset.done $0x0  }
0xd6: {  	[sflag:s24] =	ssyncadd.s32 $0xFFFFC180  }
0xd7: {  	[tilespmem:s18], [sflag:$0x2] =	stream.indirect.gather [hbm4b:s4+s14], $0x80, s25, s14, $0xb8;
	[tilespmem:$0x1F080] =	vst v63  }
0xd8: {  	_ =	swait.ge [sflag:s19], $0x3E80  }
0xd9: {  	[sflag:s19] =	ssyncset.done $0x0  }
0xda: {  	[sflag:s19] =	ssyncadd.s32 $0xFFFFC180  }
0xdb: {  	[spmem:s1] =	stream.indirect.scatter.add.f32 [tilespmem:s15], [sflag:$0x3], $0x80, s26, s14, $0xb8;
	[tilespmem:$0x1F080] =	vst v63  }
0xdc: {  	_ =	swait.ge [sflag:s22], $0x3E80  }
0xdd: {  	[sflag:s22] =	ssyncset.done $0x0  }
0xde: {  	[sflag:s22] =	ssyncadd.s32 $0xFFFFC180  }
0xdf: {  	[spmem:s1] =	stream.indirect.scatter.add.f32 [tilespmem:s18], [sflag:$0x4], $0x80, s28, s14, $0xb8;
	[tilespmem:$0x1F080] =	vst v63  }
0xe0: {  	_ =	swait.ge [sflag:s20], $0x3E80  }
0xe1: {  	[sflag:s20] =	ssyncset.done $0x0  }
0xe2: {  	[sflag:s20] =	ssyncadd.s32 $0xFFFFC180  }
0xe3: {  	_ =	swait.ge [sflag:s24], $0x3E80  }
0xe4: {  	[sflag:s24] =	ssyncset.done $0x0  }
0xe5: {  	s0 =	rddreg [dreg:$0xf];
	[sflag:s24] =	ssyncadd.s32 $0xFFFFC180  }
0xe6: {  	[tilespmem:s2], [sflag:$0x5] =	stream.linear.gather [hbm4b:s0+s2], $0x1400, $0x38;
	[tilespmem:$0x1F080] =	vst v63  }
0xe7: {  	_ =	swait.ge [sflag:s12], $0x1400  }
0xe8: {  	[sflag:s12] =	ssyncset.done $0x0  }
0xe9: {  	s0 =	rddreg [dreg:$0x10];
	[sflag:s12] =	ssyncadd.s32 $0xFFFFEC00  }
0xea: {  	[tilespmem:s13], [sflag:$0x5] =	stream.linear.gather [hbm4b:s0+s2], $0x1400, $0x38;
	[tilespmem:$0x1F080] =	vst v63  }
0xeb: {  	_ =	swait.ge [sflag:s12], $0x1400  }
0xec: {  	[sflag:s12] =	ssyncset.done $0x0  }
0xed: {  	[sflag:s12] =	ssyncadd.s32 $0xFFFFEC00  }
0xee: {  	[tilespmem:s15], [sflag:$0x1] =	stream.indirect.gather [hbm4b:s4+s14], $0x80, s2, s14, $0xb8;
	[tilespmem:$0x1F080] =	vst v63  }
0xef: {  	_ = 	snop  }
0xf0: {  	[tilespmem:s18], [sflag:$0x2] =	stream.indirect.gather [hbm4b:s4+s14], $0x80, s17, s14, $0xb8;
	[tilespmem:$0x1F080] =	vst v63  }
0xf1: {  	_ =	swait.ge [sflag:s19], $0x3E80  }
0xf2: {  	[sflag:s19] =	ssyncset.done $0x0  }
0xf3: {  	[sflag:s19] =	ssyncadd.s32 $0xFFFFC180  }
0xf4: {  	[spmem:s1] =	stream.indirect.scatter.add.f32 [tilespmem:s15], [sflag:$0x3], $0x80, s13, s14, $0xb8;
	[tilespmem:$0x1F080] =	vst v63  }
0xf5: {  	_ =	swait.ge [sflag:s20], $0x3E80  }
0xf6: {  	[sflag:s20] =	ssyncset.done $0x0  }
0xf7: {  	[sflag:s20] =	ssyncadd.s32 $0xFFFFC180  }
0xf8: {  	[tilespmem:s15], [sflag:$0x1] =	stream.indirect.gather [hbm4b:s4+s14], $0x80, s21, s14, $0xb8;
	[tilespmem:$0x1F080] =	vst v63  }
0xf9: {  	_ =	swait.ge [sflag:s22], $0x3E80  }
0xfa: {  	[sflag:s22] =	ssyncset.done $0x0  }
0xfb: {  	[sflag:s22] =	ssyncadd.s32 $0xFFFFC180  }
0xfc: {  	[spmem:s1] =	stream.indirect.scatter.add.f32 [tilespmem:s18], [sflag:$0x4], $0x80, s23, s14, $0xb8;
	[tilespmem:$0x1F080] =	vst v63  }
0xfd: {  	_ =	swait.ge [sflag:s24], $0x3E80  }
0xfe: {  	[sflag:s24] =	ssyncset.done $0x0  }
0xff: {  	s0 =	simm.s32 $0x180;
	[sflag:s24] =	ssyncadd.s32 $0xFFFFC180  }
0x100: {  	[tilespmem:s18], [sflag:$0x2] =	stream.indirect.gather [hbm4b:s4+s14], $0x80, s0, s14, $0xb8;
	[tilespmem:$0x1F080] =	vst v63  }
0x101: {  	_ =	swait.ge [sflag:s19], $0x3E80  }
0x102: {  	[sflag:s19] =	ssyncset.done $0x0  }
0x103: {  	s0 =	simm.s32 $0x1500;
	[sflag:s19] =	ssyncadd.s32 $0xFFFFC180  }
0x104: {  	[spmem:s1] =	stream.indirect.scatter.add.f32 [tilespmem:s15], [sflag:$0x3], $0x80, s0, s14, $0xb8;
	[tilespmem:$0x1F080] =	vst v63  }
0x105: {  	_ =	swait.ge [sflag:s20], $0x3E80  }
0x106: {  	[sflag:s20] =	ssyncset.done $0x0  }
0x107: {  	s0 =	simm.s32 $0x200;
	[sflag:s20] =	ssyncadd.s32 $0xFFFFC180  }
0x108: {  	[tilespmem:s15], [sflag:$0x1] =	stream.indirect.gather [hbm4b:s4+s14], $0x80, s0, s14, $0xb8;
	[tilespmem:$0x1F080] =	vst v63  }
0x109: {  	_ =	swait.ge [sflag:s22], $0x3E80  }
0x10a: {  	[sflag:s22] =	ssyncset.done $0x0  }
0x10b: {  	s30 =	simm.s32 $0xFFFFBC00;
	s31 =	simm.s32 $0x1580;
	[sflag:s22] =	ssyncadd.s32 $0xFFFFC180  }
.LBB2_6:
0x10c: {  	[spmem:s1] =	stream.indirect.scatter.add.f32 [tilespmem:s18], [sflag:$0x4], $0x80, s31, s14, $0xb8;
	[tilespmem:$0x1F080] =	vst v63  }
0x10d: {  	s0 =	smov.u32 s30  }
0x10e: {  	p1 =	sne.s32 s30, $0xFFFFFC00;
	s30 =	sadd.s32 $0x400, s30;
	_ =	swait.ge [sflag:s24], $0x3E80  }
0x10f: {  	s0 =	sshra.s32 s0, $0x2;
	[sflag:s24] =	ssyncset.done $0x0  }
0x110: {  	s31 =	sadd.s32 $0x1380, s0;
	[sflag:s24] =	ssyncadd.s32 $0xFFFFC180  }
0x111: {  	[tilespmem:s18], [sflag:$0x2] =	stream.indirect.gather [hbm4b:s4+s14], $0x80, s31, s14, $0xb8;
	[tilespmem:$0x1F080] =	vst v63  }
0x112: {  	_ =	swait.ge [sflag:s19], $0x3E80  }
0x113: {  	[sflag:s19] =	ssyncset.done $0x0  }
0x114: {  	s31 =	sadd.s32 $0x2700, s0;
	[sflag:s19] =	ssyncadd.s32 $0xFFFFC180  }
0x115: {  	[spmem:s1] =	stream.indirect.scatter.add.f32 [tilespmem:s15], [sflag:$0x3], $0x80, s31, s14, $0xb8;
	[tilespmem:$0x1F080] =	vst v63  }
0x116: {  	_ =	swait.ge [sflag:s20], $0x3E80  }
0x117: {  	[sflag:s20] =	ssyncset.done $0x0  }
.Ltmp2:
0x118: {  	s31 =	sadd.s32 $0x1400, s0;
	[sflag:s20] =	ssyncadd.s32 $0xFFFFC180;
	(pc) =	sbr.rel @p1 .LBB2_6-.Ltmp2, $4  }
0x119: {  	[tilespmem:s15], [sflag:$0x1] =	stream.indirect.gather [hbm4b:s4+s14], $0x80, s31, s14, $0xb8;
	[tilespmem:$0x1F080] =	vst v63  }
0x11a: {  	_ =	swait.ge [sflag:s22], $0x3E80  }
0x11b: {  	[sflag:s22] =	ssyncset.done $0x0  }
0x11c: {  	s31 =	sadd.s32 $0x2780, s0;
	[sflag:s22] =	ssyncadd.s32 $0xFFFFC180  }
0x11d: {  	[spmem:s1] =	stream.indirect.scatter.add.f32 [tilespmem:s18], [sflag:$0x4], $0x80, s31, s14, $0xb8;
	[tilespmem:$0x1F080] =	vst v63  }
0x11e: {  	_ =	swait.ge [sflag:s24], $0x3E80  }
0x11f: {  	[sflag:s24] =	ssyncset.done $0x0  }
0x120: {  	[sflag:s24] =	ssyncadd.s32 $0xFFFFC180  }
0x121: {  	[tilespmem:s18], [sflag:$0x2] =	stream.indirect.gather [hbm4b:s4+s14], $0x80, s25, s14, $0xb8;
	[tilespmem:$0x1F080] =	vst v63  }
0x122: {  	_ =	swait.ge [sflag:s19], $0x3E80  }
0x123: {  	[sflag:s19] =	ssyncset.done $0x0  }
0x124: {  	[sflag:s19] =	ssyncadd.s32 $0xFFFFC180  }
0x125: {  	[spmem:s1] =	stream.indirect.scatter.add.f32 [tilespmem:s15], [sflag:$0x3], $0x80, s26, s14, $0xb8;
	[tilespmem:$0x1F080] =	vst v63  }
0x126: {  	_ =	swait.ge [sflag:s22], $0x3E80  }
0x127: {  	[sflag:s22] =	ssyncset.done $0x0  }
0x128: {  	[sflag:s22] =	ssyncadd.s32 $0xFFFFC180  }
0x129: {  	[spmem:s1] =	stream.indirect.scatter.add.f32 [tilespmem:s18], [sflag:$0x4], $0x80, s28, s14, $0xb8;
	[tilespmem:$0x1F080] =	vst v63  }
0x12a: {  	_ =	swait.ge [sflag:s20], $0x3E80  }
0x12b: {  	[sflag:s20] =	ssyncset.done $0x0  }
0x12c: {  	[sflag:s20] =	ssyncadd.s32 $0xFFFFC180  }
0x12d: {  	_ =	swait.ge [sflag:s24], $0x3E80  }
0x12e: {  	[sflag:s24] =	ssyncset.done $0x0  }
0x12f: {  	[sflag:s24] =	ssyncadd.s32 $0xFFFFC180  }
0x130: {  	[bflag:$0x0] =	sbarrier.arrive $0xFFFF  }
0x131: {  	s30 =	rddreg [dreg:$0x13]  }
0x132: {  	s0 =	simm.s32 @p0 $0x1FC5;
	s31 =	rddreg [dreg:$0x15]  }
0x133: {  	[hbm:s30], [sflag:s0] =	dma.local @p0 [spmem:s31], $0x2800  }
0x134: {  	s0 =	simm.s32 @p0 $0x5  }
0x135: {  	s30 =	stileid.u32;
	_ =	swait.ge @p0 [sflag:s0], $0x2800  }
0x136: {  	s30 =	sshll.u32 @!p0 s30, $0x6;
	[sflag:s0] =	ssyncset.done @p0 $0x0;
	s31 =	rddreg [dreg:$0x16]  }
0x137: {  	[sflag:s0] =	ssyncadd.s32 @p0 $0xFFFFD800;
	s0 =	sor.u32 @!p0 $0x1C05, s30;
	s30 =	rddreg [dreg:$0x12]  }
0x138: {  	[hbm:s30], [sflag:s0] =	dma.local @!p0 [spmem:s31], $0x2700  }
0x139: {  	s0 =	simm.s32 @!p0 $0x5  }
0x13a: {  	_ =	swait.ge @!p0 [sflag:s0], $0x2700  }
0x13b: {  	s29 =	sadd.s32 $0x1, s29;
	s31 =	rddreg [dreg:$0x14]  }
0x13c: {  	p1 =	sne.s32 s29, s31  }
.Ltmp3:
0x13d: {  	_ = 	snop;
	(pc) =	sbr.rel @p1 .LBB2_1-.Ltmp3, $3  }
0x13e: {  	_ =	sdelay $0x1  }
0x13f: {  	[sflag:s0] =	ssyncset.done @!p0 $0x0  }
0x140: {  	[sflag:s0] =	ssyncadd.s32 @!p0 $0xFFFFD900  }
0x141: {  	_ =	sfence.sel $0x180000  }
0x142: {  	[bflag:$0x0] =	sbarrier.arrive $0xFFFF  }
0x143: {  	_ =	strace $0x9000004A  }
0x144: {  	s0 =	stileid.u32;
	[bflag:$0x2] =	sbarrier.arrive $0xFFFF  }
0x145: {  	p0 =	sne.s32 s0, $0x0;
	s0 =	rddreg [dreg:$0x2]  }
0x146: {  	s0 =	sadd.s32 @!p0 $0x100000, s0  }
0x147: {  	[sflag:s0] =	ssyncadd.tile.s32 @!p0 $0x1;
	_ =	shalt  }
.Lfunc_end2:
_tile_overlayer_lowered:
.L_overlay_start_2:
0x148: {  	(tag) =	ssettag $0x2  }
0x149: {  	s0 =	rddreg [dreg:$0x0];
	s2 =	stileid.u32  }
0x14a: {  	s1 =	rddreg [dreg:$0x1];
	p0 =	sne.s32 s2, $0x0  }
0x14b: {  	s3 =	rddreg [dreg:$0x2];
	[bflag:$0x3] =	sbarrier.arrive $0xFFFF;
	s2 =	simm.s32 @!p0 $0x1C05  }
0x14c: {  	[timem:s3], [sflag:s2] =	dma.local @!p0 [hbm:s0], s1  }
0x14d: {  	s0 =	simm.s32 @!p0 $0x5  }
0x14e: {  	_ =	swait.ge @!p0 [sflag:s0], s1  }
0x14f: {  	s1 =	ssub.s32 @!p0 $0x0, s1;
	[sflag:s0] =	ssyncset.done @!p0 $0x0  }
0x150: {  	[sflag:s0] =	ssyncadd.s32 @!p0 s1  }
0x151: {  	[bflag:$0x3] =	sbarrier.arrive $0xFFFF  }
0x152: {  	_ =	shalt  }

// kernel: kernel.15.cloned.1.call-start
scs
__scs_entry_jumppad:
0x0: {  	(pc) =	sbr.rel $0x88, $3  }
0x1: {  	(tag) =	ssettag $0x0;
	lr =	simm.s32 $0x1  }
0x2: {  	[smem:$0x3F97] =	sst lr;
	_ =	strace $0xD0000000  }
0x3: {  	_ = 	snop  }
0x4: {  	_ = 	snop  }
0x5: {  	_ = 	snop  }
0x6: {  	_ = 	snop  }
0x7: {  	_ = 	snop  }
__scs_overlays_trampoline_lowered:
0x8: {  	[smem:$0x3FA6] =	sst s0  }
0x9: {  	[smem:$0x3FA7] =	sst s1  }
0xa: {  	[smem:$0x3FA8] =	sst s2  }
0xb: {  	[smem:$0x3FA9] =	sst s3  }
0xc: {  	[smem:$0x3FAA] =	sst s4  }
0xd: {  	[smem:$0x3FAB] =	sst s5  }
0xe: {  	[smem:$0x3FAC] =	sst s6  }
0xf: {  	[smem:$0x3FAD] =	sst s7  }
0x10: {  	[smem:$0x3FAE] =	sst s8  }
0x11: {  	[smem:$0x3FAF] =	sst s9;
	s0 =	simm.s32 @!p0 $0x0  }
0x12: {  	s1 =	sld [smem:$0x3F95];
	s0 =	simm.s32 @p0 $0x1  }
0x13: {  	[smem:$0x3FB0] =	sst s0;
	s0 =	simm.s32 @!p1 $0x0  }
0x14: {  	s2 =	sld [smem:$0x3F94];
	s0 =	simm.s32 @p1 $0x1  }
0x15: {  	[smem:$0x3FB1] =	sst s0;
	s0 =	simm.s32 @!p2 $0x0  }
0x16: {  	s3 =	sld [smem:$0x3FDB];
	s0 =	simm.s32 @p2 $0x1  }
0x17: {  	s4 =	simm.s32 $0x1BF5;
	[smem:$0x3FB3] =	sst s0  }
0x18: {  	s0 =	sld [smem:$0x3F96];
	_ =	swait.ge [sflag:s4], $0x0  }
0x19: {  	s7 =	sld [smem:$0x3F97]  }
0x1a: {  	s8 =	sadd.s32 $0xFFFFE003, lr  }
0x1b: {  	s9 =	sadd.s32 $0xFFFFFEF7, lr;
	s5 =	simm.s32 $0xFFFFFFFF;
	p2 =	slt.u32 s8, $0xFFFFF086  }
0x1c: {  	p1 =	slt.u32 s9, $0xF7A;
	s5 =	simm.s32 @!p2 $0x0  }
0x1d: {  	s5 =	simm.s32 @p1 $0x1;
	p0 =	seq.s32 s7, s2  }
0x1e: {  	s7 =	smul.u32 @!p0 $0xF7A, s2;
	p2 =	seq.s32 @!p0 s5, $0x0  }
0x1f: {  	s9 =	smul.u32 $0xF7A, s1;
	s8 =	simm.s32 @!p0 $0x1BF5;
	p2 =	por !p2, p0  }
0x20: {  	[sflag:s8] =	ssyncset.s32 @!p0 $0xFFFFF086;
	s6 =	sadd.s32 @!p0 s3, s7;
	s7 =	simm.s32 @!p0 $0x108  }
0x21: {  	s3 =	sadd.s32 s3, s9;
	s6 =	sadd.s32 @!p0 $0x88, s6;
	s7 =	simm.s32 @p2 $0x1082  }
0x22: {  	[simem:s7], [sflag:s8] =	dma.local @!p0 [hbm:s6], $0xF7A  }
0x23: {  	s9 =	sor.u32 $0xD0000000, s2;
	s6 =	simm.s32 $0x108;
	_ =	swait.ge @!p0 [sflag:s8], $0x0  }
0x24: {  	s3 =	sadd.s32 $0x88, s3;
	s6 =	simm.s32 @!p1 $0x1082;
	[sflag:s4] =	ssyncset.s32 $0xFFFFF086  }
0x25: {  	[simem:s6], [sflag:s4] =	dma.local [hbm:s3], $0xF7A  }
0x26: {  	[smem:$0x3F97] =	sst s1;
	(tag) =	ssettag s2;
	_ =	strace s9  }
0x27: {  	s1 =	sld [smem:$0x3FA7]  }
0x28: {  	s2 =	sld [smem:$0x3FA8]  }
0x29: {  	s4 =	sld [smem:$0x3FAA]  }
0x2a: {  	p0 =	seq.s32 s5, $0x0;
	s5 =	sld [smem:$0x3FAB]  }
0x2b: {  	s6 =	sld [smem:$0x3FAC]  }
0x2c: {  	s7 =	sld [smem:$0x3FAD]  }
0x2d: {  	s3 =	simm.s32 $0x108;
	s8 =	sld [smem:$0x3FAE]  }
0x2e: {  	s3 =	simm.s32 @!p0 $0x1082;
	s9 =	sld [smem:$0x3FAF]  }
0x2f: {  	lr =	sadd.s32 s0, s3;
	s0 =	sld [smem:$0x3FA6]  }
0x30: {  	s3 =	sld [smem:$0x3FA9]  }
0x31: {  	[smem:$0x3FB2] =	sst s10  }
0x32: {  	s10 =	sld [smem:$0x3FB0];
	_ =	sdelay $0x3  }
0x33: {  	p0 =	seq.s32 s10, $0x1;
	s10 =	sld [smem:$0x3FB2];
	_ =	sdelay $0x3  }
0x34: {  	[smem:$0x3FB2] =	sst s10  }
0x35: {  	s10 =	sld [smem:$0x3FB1];
	_ =	sdelay $0x3  }
0x36: {  	p1 =	seq.s32 s10, $0x1;
	s10 =	sld [smem:$0x3FB2];
	_ =	sdelay $0x3  }
0x37: {  	[smem:$0x3FB2] =	sst s10  }
0x38: {  	s10 =	sld [smem:$0x3FB3]  }
0x39: {  	_ = 	snop;
	(pc) =	sbr.ind lr, $3  }
0x3a: {  	_ = 	snop  }
0x3b: {  	_ = 	snop  }
0x3c: {  	p2 =	seq.s32 s10, $0x1;
	s10 =	sld [smem:$0x3FB2]  }
0x3d: {  	_ =	shalt  }
0x3e: {  	_ =	shalt  }
0x3f: {  	_ =	shalt  }
0x40: {  	_ =	shalt  }
0x41: {  	_ =	shalt  }
0x42: {  	_ =	shalt  }
0x43: {  	_ =	shalt  }
0x44: {  	_ =	shalt  }
0x45: {  	_ =	shalt  }
0x46: {  	_ =	shalt  }
0x47: {  	_ =	shalt  }
0x48: {  	_ =	shalt  }
0x49: {  	_ =	shalt  }
0x4a: {  	_ =	shalt  }
0x4b: {  	_ =	shalt  }
0x4c: {  	_ =	shalt  }
0x4d: {  	_ =	shalt  }
0x4e: {  	_ =	shalt  }
0x4f: {  	_ =	shalt  }
0x50: {  	_ =	shalt  }
0x51: {  	_ =	shalt  }
0x52: {  	_ =	shalt  }
0x53: {  	_ =	shalt  }
0x54: {  	_ =	shalt  }
0x55: {  	_ =	shalt  }
0x56: {  	_ =	shalt  }
0x57: {  	_ =	shalt  }
0x58: {  	_ =	shalt  }
0x59: {  	_ =	shalt  }
0x5a: {  	_ =	shalt  }
0x5b: {  	_ =	shalt  }
0x5c: {  	_ =	shalt  }
0x5d: {  	_ =	shalt  }
0x5e: {  	_ =	shalt  }
0x5f: {  	_ =	shalt  }
0x60: {  	_ =	shalt  }
0x61: {  	_ =	shalt  }
0x62: {  	_ =	shalt  }
0x63: {  	_ =	shalt  }
0x64: {  	_ =	shalt  }
0x65: {  	_ =	shalt  }
0x66: {  	_ =	shalt  }
0x67: {  	_ =	shalt  }
0x68: {  	_ =	shalt  }
0x69: {  	_ =	shalt  }
0x6a: {  	_ =	shalt  }
0x6b: {  	_ =	shalt  }
0x6c: {  	_ =	shalt  }
0x6d: {  	_ =	shalt  }
0x6e: {  	_ =	shalt  }
0x6f: {  	_ =	shalt  }
0x70: {  	_ =	shalt  }
0x71: {  	_ =	shalt  }
0x72: {  	_ =	shalt  }
0x73: {  	_ =	shalt  }
0x74: {  	_ =	shalt  }
0x75: {  	_ =	shalt  }
0x76: {  	_ =	shalt  }
0x77: {  	_ =	shalt  }
0x78: {  	_ =	shalt  }
0x79: {  	_ =	shalt  }
0x7a: {  	_ =	shalt  }
0x7b: {  	_ =	shalt  }
0x7c: {  	_ =	shalt  }
0x7d: {  	_ =	shalt  }
0x7e: {  	_ =	shalt  }
0x7f: {  	_ =	shalt  }
0x80: {  	_ =	shalt  }
0x81: {  	_ =	shalt  }
0x82: {  	_ =	shalt  }
0x83: {  	_ =	shalt  }
0x84: {  	_ =	shalt  }
0x85: {  	_ =	shalt  }
0x86: {  	_ =	shalt  }
0x87: {  	_ =	shalt  }
.Lfunc_end0:
.L_simem_size_0:
called_computation.2_lowered:
.L_overlay_start_0:
0x88: {  	s2 =	sld [smem:$0x3FD9]  }
0x89: {  	s3 =	sld [smem:$0x3FFE];
	_ =	sdelay $0x1  }
0x8a: {  	s1 =	srdreg.scid  }
0x8b: {  	s0 =	sand.u32 $0x1, s1  }
0x8c: {  	s16 =	sshll.u32 s0, $0xA;
	s2 =	sadd.s32 s3, s2  }
0x8d: {  	s2 =	sadd.s32 s2, s16  }
0x8e: {  	[smem:$0x3FBE] =	sst s2  }
0x8f: {  	_ = 	snop  }
0x90: {  	(tm) =	ssettm $0x1  }
0x91: {  	s17 =	sld [smem:$0x3FFB];
	_ =	sdelay $0x3  }
0x92: {  	_ =	strace s17  }
0x93: {  	s2 =	sld [smem:$0x3FFC];
	_ =	sdelay $0x3  }
0x94: {  	_ =	strace s2  }
0x95: {  	s2 =	sld [smem:$0x3FFD];
	_ =	sdelay $0x3  }
0x96: {  	_ =	strace s2  }
0x97: {  	_ =	strace $0x8FFFFFFF  }
0x98: {  	s18 =	sld [smem:$0x3FDB];
	_ =	sdelay $0x1  }
0x99: {  	s19 =	simm.s32 $_scs_section_size  }
0x9a: {  	s4 =	simm.s32 $_size__tile_overlayer_lowered;
	s5 =	simm.s32 $_tile_overlayer_lowered  }
0x9b: {  	s22 =	simm.s32 $0x1BFF;
	s21 =	sshll.u32 s5, $0x1;
	s2 =	sadd.s32 s19, s18  }
0x9c: {  	s6 =	simm.s32 $0x0;
	s20 =	sshll.u32 s4, $0x1;
	s4 =	sadd.s32 s21, s2  }
0x9d: {  	[timem:s6], [sflag:s22] =	dma.local [hbm:s4], s20  }
0x9e: {  	_ =	swait.ge [sflag:s22], s20  }
0x9f: {  	s3 =	ssub.s32 $0x0, s20;
	[sflag:s22] =	ssyncset.done $0x0  }
0xa0: {  	[sflag:s22] =	ssyncadd.s32 s3;
	_ =	sdelay $0x1  }
0xa1: {  	s23 =	simm.s32 $0x1B8B  }
0xa2: {  	_ =	swait.ge [sflag:s23], $0x1  }
0xa3: {  	[sflag:s23] =	ssyncset.done $0x0  }
0xa4: {  	s25 =	simm.s32 $0x1B8E;
	s24 =	sld [smem:$0x3FFE];
	[sflag:s23] =	ssyncadd.s32 $0xFFFFFFFF  }
0xa5: {  	s26 =	simm.s32 $execute0_lowered;
	[smem:$0x3FD2] =	sst s25  }
0xa6: {  	s4 =	sshll.u32 s26, $0x1;
	_ =	strace $0x8000004C;
	[dreg:$0x1] =	wrdreg $0xFFFFFFFF  }
0xa7: {  	s28 =	simm.s32 $_size_execute0_lowered;
	s2 =	sadd.s32 s2, s4;
	[dreg:$0x0] =	wrdreg $0x0  }
0xa8: {  	s4 =	sshll.u32 s28, $0x1;
	[dreg:$0x2] =	wrdreg s2  }
0xa9: {  	[dreg:$0x3] =	wrdreg s4  }
0xaa: {  	[dreg:$0x4] =	wrdreg $0xC0  }
0xab: {  	_ =	task [dreg:s6], $0x5FFFF  }
0xac: {  	[dreg:$0x1] =	wrdreg $0xFFFFFFFF  }
0xad: {  	[dreg:$0x0] =	wrdreg $0x60  }
0xae: {  	[dreg:$0x2] =	wrdreg s24  }
0xaf: {  	[dreg:$0x3] =	wrdreg $0xB8000  }
0xb0: {  	[dreg:$0x4] =	wrdreg $0x9  }
0xb1: {  	_ =	task.clear_ibuf [dreg:s6], $0x5FFFF;
	_ =	strace $0x9000004C  }
0xb2: {  	s29 =	simm.s32 $0x9;
	_ =	strace $0x8000004E  }
0xb3: {  	_ =	swait.ge [sflag:s29], $0x1  }
0xb4: {  	[sflag:s29] =	ssyncadd.s32 $0xFFFFFFFF  }
0xb5: {  	_ =	strace $0x9000004E  }
0xb6: {  	_ =	sfence  }
0xb7: {  	s30 =	sld [smem:$0x0];
	_ =	sdelay $0x2  }
0xb8: {  	s31 =	sshll.u32 s1, $0xD;
	s1 =	sshrl.u32 s1, $0x2  }
0xb9: {  	s3 =	sand.u32 $0x4000, s31;
	s1 =	sadd.s32 s1, s30  }
0xba: {  	s0 =	sor.u32 s3, s0;
	s1 =	sshll.u32 s1, $0x11  }
0xbb: {  	s0 =	sor.u32 s1, s0  }
0xbc: {  	s0 =	sadd.s32 $0x8F2B, s0  }
0xbd: {  	[sflag:s0] =	ssyncadd.remote.s32 $0x1  }
0xbe: {  	_ =	sfence.sel $0xFFFF  }
0xbf: {  	[dreg:$0x0] =	wrdreg $0xFFFFFFFF;
	(pc) =	sbr.abs _section_cstart, $3  }
0xc0: {  	[dreg:$0x1] =	wrdreg $0xFFFFFFFF  }
0xc1: {  	_ =	task.clear_ibuf [dreg:s6], $0x2FFFF;
	_ =	strace $0x9FFFFFFF  }
0xc2: {  	(tm) =	ssettm $0x7FFFFFFF  }
0xc3: {  	_ =	shalt  }
tec
execute0_lowered:
.L_overlay_start_1:
0x0: {  	(tag) =	ssettag $0x1  }
0x1: {  	s0 =	rddreg [dreg:$0x0]  }
0x2: {  	s1 =	rddreg [dreg:$0x1];
	s2 =	simm.s32 $0x0  }
0x3: {  	s3 =	srdreg.scid;
	s12 =	stileid.u32;
	s28 =	simm.s32 $0x2780  }
0x4: {  	s29 =	simm.s32 $0x0;
	[smem:$0x7FF] =	sst s2;
	s3 =	sand.u32 $0x1, s3  }
0x5: {  	s4 =	sadd.s32 $0x23800, s0;
	s7 =	sadd.s32 $0x19800, s0;
	s6 =	smul.u32 $0x4E200, s12  }
0x6: {  	s8 =	sadd.s32 $0xF800, s0;
	s0 =	sadd.s32 $0x71C00, s0;
	s17 =	smul.u32 $0x13800, s12  }
0x7: {  	s19 =	smul.u32 $0x4E000, s12;
	p0 =	seq.s32 s12, $0xF;
	s6 =	sshrl.u32 s6, $0x2  }
0x8: {  	_ =	strace $0x8000004D;
	s5 =	sshll.u32 s3, $0x4;
	s6 =	sadd.s32 s6, s1  }
0x9: {  	s9 =	ssub.s32 $0x2, s3;
	s3 =	smul.u32 $0x138800, s3;
	s25 =	sadd.s32 $0xC80, s6  }
0xa: {  	s5 =	sor.u32 s12, s5;
	s26 =	sadd.s32 $0x1900, s6;
	[dreg:$0x5] =	wrdreg s25  }
0xb: {  	s11 =	sshrl.u32 s9, $0x1;
	s30 =	sadd.s32 $0x2580, s6;
	[dreg:$0x6] =	wrdreg s26  }
0xc: {  	s12 =	simm.s32 $0x5;
	s31 =	sadd.s32 $0x3200, s6;
	[dreg:$0x7] =	wrdreg s30  }
0xd: {  	s9 =	ssub.s32 s9, s11;
	s11 =	sadd.s32 $0x3E80, s6;
	[dreg:$0x8] =	wrdreg s31  }
0xe: {  	s10 =	smul.u32 $0x500, s5;
	s13 =	sadd.s32 $0x4B00, s6;
	[dreg:$0x9] =	wrdreg s11  }
0xf: {  	s5 =	smul.u32 $0x2800, s5;
	s14 =	sadd.s32 $0x5780, s6;
	[dreg:$0xa] =	wrdreg s13  }
0x10: {  	s21 =	sadd.s32 s17, s3;
	s15 =	sadd.s32 $0x6400, s6;
	[dreg:$0xb] =	wrdreg s14  }
0x11: {  	s3 =	sshrl.u32 s3, $0x3;
	s16 =	sadd.s32 $0x7080, s6;
	[dreg:$0xc] =	wrdreg s15  }
0x12: {  	s17 =	simm.s32 $0x80;
	s18 =	sadd.s32 $0x7D00, s6;
	[dreg:$0xd] =	wrdreg s16  }
0x13: {  	s20 =	sadd.s32 $0x8980, s6;
	s22 =	smax.u32 s9, $0x1;
	[dreg:$0xe] =	wrdreg s18  }
0x14: {  	s23 =	sadd.s32 $0x9600, s6;
	s9 =	sadd.s32 $0x11300, s6;
	[dreg:$0x11] =	wrdreg s20  }
0x15: {  	s24 =	sadd.s32 s7, s10;
	s10 =	sadd.s32 s8, s10;
	[dreg:$0x14] =	wrdreg s22  }
0x16: {  	s5 =	sshrl.u32 s5, $0x3;
	[dreg:$0x17] =	wrdreg s23;
	s25 =	sadd.s32 $0xAF00, s6  }
0x17: {  	s26 =	sadd.s32 $0xBB80, s6;
	s30 =	sadd.s32 $0xC800, s6;
	s31 =	sadd.s32 $0xD480, s6  }
0x18: {  	s11 =	sadd.s32 $0x12C00, s6;
	s13 =	simm.s32 $0x1400;
	[dreg:$0x3] =	wrdreg s24  }
0x19: {  	s14 =	simm.s32 $0x7D;
	s15 =	simm.s32 $0x2800;
	[dreg:$0x4] =	wrdreg s10  }
0x1a: {  	s16 =	simm.s32 $0xA800;
	s18 =	simm.s32 $0x6800;
	[dreg:$0x19] =	wrdreg s25  }
0x1b: {  	s20 =	simm.s32 $0x3;
	s22 =	simm.s32 $0x2;
	[dreg:$0x1a] =	wrdreg s26  }
0x1c: {  	s23 =	simm.s32 $0x1480;
	s5 =	sadd.s32 $0x280, s5;
	[dreg:$0x1b] =	wrdreg s30  }
0x1d: {  	s24 =	sadd.s32 $0xA280, s6;
	[dreg:$0x1c] =	wrdreg s31;
	s10 =	sadd.s32 $0x11F80, s6  }
0x1e: {  	s25 =	simm.s32 $0x1380;
	s26 =	simm.s32 $0x2700;
	s7 =	sadd.s32 s7, s5  }
0x1f: {  	s5 =	sadd.s32 s8, s5;
	[dreg:$0x18] =	wrdreg s24;
	s8 =	sadd.s32 $0x10680, s6  }
0x20: {  	s24 =	simm.s32 $0x4;
	[dreg:$0x10] =	wrdreg s5;
	s5 =	sshrl.u32 s21, $0x3  }
0x21: {  	[dreg:$0xf] =	wrdreg s7;
	s5 =	sadd.s32 s0, s5;
	s0 =	sadd.s32 s0, s3  }
0x22: {  	s7 =	sshrl.u32 s19, $0x2;
	s19 =	simm.s32 $0x1;
	s0 =	sadd.s32 $0x24900, s0  }
0x23: {  	s21 =	simm.s32 $0x100;
	[dreg:$0x13] =	wrdreg s0;
	s0 =	sadd.s32 $0x124800, s1  }
0x24: {  	[dreg:$0x12] =	wrdreg s5;
	s5 =	sadd.s32 s7, s1;
	s0 =	sshrl.u32 @p0 s0, $0x3  }
0x25: {  	s3 =	sadd.s32 $0xE100, s6;
	[dreg:$0x15] =	wrdreg s0;
	s0 =	sshrl.u32 @!p0 s5, $0x3  }
0x26: {  	v0 =	vimm.f32 $0.0e+00;
	s7 =	sadd.s32 $0xFA00, s6;
	s5 =	sadd.s32 $0xED80, s6;
	[dreg:$0x16] =	wrdreg s0  }
.LBB2_1:
0x27: {  	s0 =	rddreg [dreg:$0x3]  }
0x28: {  	[tilespmem:s2], [sflag:$0x5] =	stream.linear.gather [hbm4b:s0+s2], $0x1400, $0x38;
	[tilespmem:$0x1F080] =	vst v63  }
0x29: {  	_ =	swait.ge [sflag:s12], $0x1400  }
0x2a: {  	[sflag:s12] =	ssyncset.done $0x0  }
0x2b: {  	s0 =	rddreg [dreg:$0x4];
	[sflag:s12] =	ssyncadd.s32 $0xFFFFEC00  }
0x2c: {  	[tilespmem:s13], [sflag:$0x5] =	stream.linear.gather [hbm4b:s0+s2], $0x1400, $0x38;
	[tilespmem:$0x1F080] =	vst v63  }
0x2d: {  	_ =	swait.ge [sflag:s12], $0x1400  }
0x2e: {  	[sflag:s12] =	ssyncset.done $0x0  }
0x2f: {  	s30 =	simm.s32 $0x0;
	s31 =	simm.s32 $0x200;
	[sflag:s12] =	ssyncadd.s32 $0xFFFFEC00  }
0x30: {  	[tilespmem:s15], [sflag:$0x1] =	stream.indirect.gather [hbm4b:s4+s14], $0x80, s2, s14, $0xb8;
	[tilespmem:$0x1F080] =	vst v63  }
.LBB2_2:
0x31: {  	p1 =	sne.s32 s31, $0x3000;
	[tilespmem:s30+$0xA870] =	vst v0  }
0x32: {  	[tilespmem:s30+$0xA800] =	vst v0  }
0x33: {  	[tilespmem:s30+$0xA810] =	vst v0  }
.Ltmp0:
0x34: {  	[tilespmem:s30+$0xA820] =	vst v0;
	(pc) =	sbr.rel @p1 .LBB2_2-.Ltmp0, $4  }
0x35: {  	[tilespmem:s30+$0xA830] =	vst v0  }
0x36: {  	[tilespmem:s30+$0xA840] =	vst v0  }
0x37: {  	[tilespmem:s30+$0xA850] =	vst v0  }
0x38: {  	[tilespmem:s30+$0xA860] =	vst v0;
	s30 =	sshra.s32 s31, $0x2;
	s31 =	sadd.s32 $0x200, s31  }
0x39: {  	[tilespmem:s30+$0xA870] =	vst v0  }
0x3a: {  	[tilespmem:s30+$0xA800] =	vst v0  }
0x3b: {  	[tilespmem:s30+$0xA810] =	vst v0  }
0x3c: {  	[tilespmem:s30+$0xA820] =	vst v0  }
0x3d: {  	[tilespmem:s30+$0xA830] =	vst v0  }
0x3e: {  	[tilespmem:s30+$0xA840] =	vst v0  }
0x3f: {  	[tilespmem:s30+$0xA850] =	vst v0  }
0x40: {  	[tilespmem:s30+$0xA860] =	vst v0  }
0x41: {  	[spmem:s6] =	stream.linear.scatter [tilespmem:s16], [sflag:$0x5], $0xC80, $0x38;
	[tilespmem:$0x1F080] =	vst v63  }
0x42: {  	_ =	swait.ge [sflag:s12], $0xC80  }
0x43: {  	[sflag:s12] =	ssyncset.done $0x0  }
0x44: {  	s0 =	rddreg [dreg:$0x5];
	[sflag:s12] =	ssyncadd.s32 $0xFFFFF380  }
0x45: {  	[spmem:s0] =	stream.linear.scatter [tilespmem:s16], [sflag:$0x5], $0xC80, $0x38;
	[tilespmem:$0x1F080] =	vst v63  }
0x46: {  	_ =	swait.ge [sflag:s12], $0xC80  }
0x47: {  	[sflag:s12] =	ssyncset.done $0x0  }
0x48: {  	s0 =	rddreg [dreg:$0x6];
	[sflag:s12] =	ssyncadd.s32 $0xFFFFF380  }
0x49: {  	[spmem:s0] =	stream.linear.scatter [tilespmem:s16], [sflag:$0x5], $0xC80, $0x38;
	[tilespmem:$0x1F080] =	vst v63  }
0x4a: {  	_ =	swait.ge [sflag:s12], $0xC80  }
0x4b: {  	[sflag:s12] =	ssyncset.done $0x0  }
0x4c: {  	s0 =	rddreg [dreg:$0x7];
	[sflag:s12] =	ssyncadd.s32 $0xFFFFF380  }
0x4d: {  	[spmem:s0] =	stream.linear.scatter [tilespmem:s16], [sflag:$0x5], $0xC80, $0x38;
	[tilespmem:$0x1F080] =	vst v63  }
0x4e: {  	_ =	swait.ge [sflag:s12], $0xC80  }
0x4f: {  	[sflag:s12] =	ssyncset.done $0x0  }
0x50: {  	s0 =	rddreg [dreg:$0x8];
	[sflag:s12] =	ssyncadd.s32 $0xFFFFF380  }
0x51: {  	[spmem:s0] =	stream.linear.scatter [tilespmem:s16], [sflag:$0x5], $0xC80, $0x38;
	[tilespmem:$0x1F080] =	vst v63  }
0x52: {  	_ =	swait.ge [sflag:s12], $0xC80  }
0x53: {  	[sflag:s12] =	ssyncset.done $0x0  }
0x54: {  	s0 =	rddreg [dreg:$0x9];
	[sflag:s12] =	ssyncadd.s32 $0xFFFFF380  }
0x55: {  	[spmem:s0] =	stream.linear.scatter [tilespmem:s16], [sflag:$0x5], $0xC80, $0x38;
	[tilespmem:$0x1F080] =	vst v63  }
0x56: {  	_ =	swait.ge [sflag:s12], $0xC80  }
0x57: {  	[sflag:s12] =	ssyncset.done $0x0  }
0x58: {  	s0 =	rddreg [dreg:$0xa];
	[sflag:s12] =	ssyncadd.s32 $0xFFFFF380  }
0x59: {  	[spmem:s0] =	stream.linear.scatter [tilespmem:s16], [sflag:$0x5], $0xC80, $0x38;
	[tilespmem:$0x1F080] =	vst v63  }
0x5a: {  	_ =	swait.ge [sflag:s12], $0xC80  }
0x5b: {  	[sflag:s12] =	ssyncset.done $0x0  }
0x5c: {  	s0 =	rddreg [dreg:$0xb];
	[sflag:s12] =	ssyncadd.s32 $0xFFFFF380  }
0x5d: {  	[spmem:s0] =	stream.linear.scatter [tilespmem:s16], [sflag:$0x5], $0xC80, $0x38;
	[tilespmem:$0x1F080] =	vst v63  }
0x5e: {  	_ =	swait.ge [sflag:s12], $0xC80  }
0x5f: {  	[sflag:s12] =	ssyncset.done $0x0  }
0x60: {  	s0 =	rddreg [dreg:$0xc];
	[sflag:s12] =	ssyncadd.s32 $0xFFFFF380  }
0x61: {  	[spmem:s0] =	stream.linear.scatter [tilespmem:s16], [sflag:$0x5], $0xC80, $0x38;
	[tilespmem:$0x1F080] =	vst v63  }
0x62: {  	_ =	swait.ge [sflag:s12], $0xC80  }
0x63: {  	[sflag:s12] =	ssyncset.done $0x0  }
0x64: {  	s0 =	rddreg [dreg:$0xd];
	[sflag:s12] =	ssyncadd.s32 $0xFFFFF380  }
0x65: {  	[spmem:s0] =	stream.linear.scatter [tilespmem:s16], [sflag:$0x5], $0xC80, $0x38;
	[tilespmem:$0x1F080] =	vst v63  }
0x66: {  	_ =	swait.ge [sflag:s12], $0xC80  }
0x67: {  	[sflag:s12] =	ssyncset.done $0x0  }
0x68: {  	s0 =	rddreg [dreg:$0xe];
	[sflag:s12] =	ssyncadd.s32 $0xFFFFF380  }
0x69: {  	[spmem:s0] =	stream.linear.scatter [tilespmem:s16], [sflag:$0x5], $0xC80, $0x38;
	[tilespmem:$0x1F080] =	vst v63  }
0x6a: {  	_ =	swait.ge [sflag:s12], $0xC80  }
0x6b: {  	[sflag:s12] =	ssyncset.done $0x0  }
0x6c: {  	s0 =	rddreg [dreg:$0x11];
	[sflag:s12] =	ssyncadd.s32 $0xFFFFF380  }
0x6d: {  	[spmem:s0] =	stream.linear.scatter [tilespmem:s16], [sflag:$0x5], $0xC80, $0x38;
	[tilespmem:$0x1F080] =	vst v63  }
0x6e: {  	_ =	swait.ge [sflag:s12], $0xC80  }
0x6f: {  	[sflag:s12] =	ssyncset.done $0x0  }
0x70: {  	s0 =	rddreg [dreg:$0x17];
	[sflag:s12] =	ssyncadd.s32 $0xFFFFF380  }
0x71: {  	[spmem:s0] =	stream.linear.scatter [tilespmem:s16], [sflag:$0x5], $0xC80, $0x38;
	[tilespmem:$0x1F080] =	vst v63  }
0x72: {  	_ =	swait.ge [sflag:s12], $0xC80  }
0x73: {  	[sflag:s12] =	ssyncset.done $0x0  }
0x74: {  	s0 =	rddreg [dreg:$0x18];
	[sflag:s12] =	ssyncadd.s32 $0xFFFFF380  }
0x75: {  	[spmem:s0] =	stream.linear.scatter [tilespmem:s16], [sflag:$0x5], $0xC80, $0x38;
	[tilespmem:$0x1F080] =	vst v63  }
0x76: {  	_ =	swait.ge [sflag:s12], $0xC80  }
0x77: {  	[sflag:s12] =	ssyncset.done $0x0  }
0x78: {  	s0 =	rddreg [dreg:$0x19];
	[sflag:s12] =	ssyncadd.s32 $0xFFFFF380  }
0x79: {  	[spmem:s0] =	stream.linear.scatter [tilespmem:s16], [sflag:$0x5], $0xC80, $0x38;
	[tilespmem:$0x1F080] =	vst v63  }
0x7a: {  	_ =	swait.ge [sflag:s12], $0xC80  }
0x7b: {  	[sflag:s12] =	ssyncset.done $0x0  }
0x7c: {  	s0 =	rddreg [dreg:$0x1a];
	[sflag:s12] =	ssyncadd.s32 $0xFFFFF380  }
0x7d: {  	[spmem:s0] =	stream.linear.scatter [tilespmem:s16], [sflag:$0x5], $0xC80, $0x38;
	[tilespmem:$0x1F080] =	vst v63  }
0x7e: {  	_ =	swait.ge [sflag:s12], $0xC80  }
0x7f: {  	[sflag:s12] =	ssyncset.done $0x0  }
0x80: {  	s0 =	rddreg [dreg:$0x1b];
	[sflag:s12] =	ssyncadd.s32 $0xFFFFF380  }
0x81: {  	[spmem:s0] =	stream.linear.scatter [tilespmem:s16], [sflag:$0x5], $0xC80, $0x38;
	[tilespmem:$0x1F080] =	vst v63  }
0x82: {  	_ =	swait.ge [sflag:s12], $0xC80  }
0x83: {  	[sflag:s12] =	ssyncset.done $0x0  }
0x84: {  	s0 =	rddreg [dreg:$0x1c];
	[sflag:s12] =	ssyncadd.s32 $0xFFFFF380  }
0x85: {  	[spmem:s0] =	stream.linear.scatter [tilespmem:s16], [sflag:$0x5], $0xC80, $0x38;
	[tilespmem:$0x1F080] =	vst v63  }
0x86: {  	_ =	swait.ge [sflag:s12], $0xC80  }
0x87: {  	[sflag:s12] =	ssyncset.done $0x0  }
0x88: {  	[sflag:s12] =	ssyncadd.s32 $0xFFFFF380  }
0x89: {  	[spmem:s3] =	stream.linear.scatter [tilespmem:s16], [sflag:$0x5], $0xC80, $0x38;
	[tilespmem:$0x1F080] =	vst v63  }
0x8a: {  	_ =	swait.ge [sflag:s12], $0xC80  }
0x8b: {  	[sflag:s12] =	ssyncset.done $0x0  }
0x8c: {  	[sflag:s12] =	ssyncadd.s32 $0xFFFFF380  }
0x8d: {  	[spmem:s5] =	stream.linear.scatter [tilespmem:s16], [sflag:$0x5], $0xC80, $0x38;
	[tilespmem:$0x1F080] =	vst v63  }
0x8e: {  	_ =	swait.ge [sflag:s12], $0xC80  }
0x8f: {  	[sflag:s12] =	ssyncset.done $0x0  }
0x90: {  	[sflag:s12] =	ssyncadd.s32 $0xFFFFF380  }
0x91: {  	[spmem:s7] =	stream.linear.scatter [tilespmem:s16], [sflag:$0x5], $0xC80, $0x38;
	[tilespmem:$0x1F080] =	vst v63  }
0x92: {  	_ =	swait.ge [sflag:s12], $0xC80  }
0x93: {  	[sflag:s12] =	ssyncset.done $0x0  }
0x94: {  	[sflag:s12] =	ssyncadd.s32 $0xFFFFF380  }
0x95: {  	[spmem:s8] =	stream.linear.scatter [tilespmem:s16], [sflag:$0x5], $0xC80, $0x38;
	[tilespmem:$0x1F080] =	vst v63  }
0x96: {  	_ =	swait.ge [sflag:s12], $0xC80  }
0x97: {  	[sflag:s12] =	ssyncset.done $0x0  }
0x98: {  	[sflag:s12] =	ssyncadd.s32 $0xFFFFF380  }
0x99: {  	[spmem:s9] =	stream.linear.scatter [tilespmem:s16], [sflag:$0x5], $0xC80, $0x38;
	[tilespmem:$0x1F080] =	vst v63  }
0x9a: {  	_ =	swait.ge [sflag:s12], $0xC80  }
0x9b: {  	[sflag:s12] =	ssyncset.done $0x0  }
0x9c: {  	[sflag:s12] =	ssyncadd.s32 $0xFFFFF380  }
0x9d: {  	[spmem:s10] =	stream.linear.scatter [tilespmem:s16], [sflag:$0x5], $0xC80, $0x38;
	[tilespmem:$0x1F080] =	vst v63  }
0x9e: {  	_ =	swait.ge [sflag:s12], $0xC80  }
0x9f: {  	[sflag:s12] =	ssyncset.done $0x0  }
0xa0: {  	[sflag:s12] =	ssyncadd.s32 $0xFFFFF380  }
0xa1: {  	[spmem:s11] =	stream.linear.scatter [tilespmem:s16], [sflag:$0x5], $0xC80, $0x38;
	[tilespmem:$0x1F080] =	vst v63  }
0xa2: {  	_ =	swait.ge [sflag:s12], $0xC80  }
0xa3: {  	[sflag:s12] =	ssyncset.done $0x0  }
0xa4: {  	[sflag:s12] =	ssyncadd.s32 $0xFFFFF380  }
0xa5: {  	[bflag:$0x0] =	sbarrier.arrive $0xFFFF  }
0xa6: {  	[tilespmem:s18], [sflag:$0x2] =	stream.indirect.gather [hbm4b:s4+s14], $0x80, s17, s14, $0xb8;
	[tilespmem:$0x1F080] =	vst v63  }
0xa7: {  	_ =	swait.ge [sflag:s19], $0x3E80  }
0xa8: {  	[sflag:s19] =	ssyncset.done $0x0  }
0xa9: {  	[sflag:s19] =	ssyncadd.s32 $0xFFFFC180  }
0xaa: {  	[spmem:s1] =	stream.indirect.scatter.add.f32 [tilespmem:s15], [sflag:$0x3], $0x80, s13, s14, $0xb8;
	[tilespmem:$0x1F080] =	vst v63  }
0xab: {  	_ =	swait.ge [sflag:s20], $0x3E80  }
0xac: {  	[sflag:s20] =	ssyncset.done $0x0  }
0xad: {  	[sflag:s20] =	ssyncadd.s32 $0xFFFFC180  }
0xae: {  	[tilespmem:s15], [sflag:$0x1] =	stream.indirect.gather [hbm4b:s4+s14], $0x80, s21, s14, $0xb8;
	[tilespmem:$0x1F080] =	vst v63  }
0xaf: {  	_ =	swait.ge [sflag:s22], $0x3E80  }
0xb0: {  	[sflag:s22] =	ssyncset.done $0x0  }
0xb1: {  	[sflag:s22] =	ssyncadd.s32 $0xFFFFC180  }
0xb2: {  	[spmem:s1] =	stream.indirect.scatter.add.f32 [tilespmem:s18], [sflag:$0x4], $0x80, s23, s14, $0xb8;
	[tilespmem:$0x1F080] =	vst v63  }
0xb3: {  	_ =	swait.ge [sflag:s24], $0x3E80  }
0xb4: {  	[sflag:s24] =	ssyncset.done $0x0  }
0xb5: {  	s30 =	simm.s32 $0x180;
	[sflag:s24] =	ssyncadd.s32 $0xFFFFC180  }
0xb6: {  	[tilespmem:s18], [sflag:$0x2] =	stream.indirect.gather [hbm4b:s4+s14], $0x80, s30, s14, $0xb8;
	[tilespmem:$0x1F080] =	vst v63  }
0xb7: {  	_ =	swait.ge [sflag:s19], $0x3E80  }
0xb8: {  	[sflag:s19] =	ssyncset.done $0x0  }
0xb9: {  	s30 =	simm.s32 $0x1500;
	[sflag:s19] =	ssyncadd.s32 $0xFFFFC180  }
0xba: {  	[spmem:s1] =	stream.indirect.scatter.add.f32 [tilespmem:s15], [sflag:$0x3], $0x80, s30, s14, $0xb8;
	[tilespmem:$0x1F080] =	vst v63  }
0xbb: {  	_ =	swait.ge [sflag:s20], $0x3E80  }
0xbc: {  	[sflag:s20] =	ssyncset.done $0x0  }
0xbd: {  	s30 =	simm.s32 $0x200;
	[sflag:s20] =	ssyncadd.s32 $0xFFFFC180  }
0xbe: {  	[tilespmem:s15], [sflag:$0x1] =	stream.indirect.gather [hbm4b:s4+s14], $0x80, s30, s14, $0xb8;
	[tilespmem:$0x1F080] =	vst v63  }
0xbf: {  	_ =	swait.ge [sflag:s22], $0x3E80  }
0xc0: {  	[sflag:s22] =	ssyncset.done $0x0  }
0xc1: {  	s31 =	simm.s32 $0x1580;
	s30 =	simm.s32 $0xFFFFBC00;
	[sflag:s22] =	ssyncadd.s32 $0xFFFFC180  }
.LBB2_4:
0xc2: {  	[spmem:s1] =	stream.indirect.scatter.add.f32 [tilespmem:s18], [sflag:$0x4], $0x80, s31, s14, $0xb8;
	[tilespmem:$0x1F080] =	vst v63  }
0xc3: {  	s31 =	smov.u32 s30  }
0xc4: {  	p1 =	sne.s32 s30, $0xFFFFFC00;
	s30 =	sadd.s32 $0x400, s30;
	_ =	swait.ge [sflag:s24], $0x3E80  }
0xc5: {  	s31 =	sshra.s32 s31, $0x2;
	[sflag:s24] =	ssyncset.done $0x0  }
0xc6: {  	s0 =	sadd.s32 $0x1380, s31;
	[sflag:s24] =	ssyncadd.s32 $0xFFFFC180  }
0xc7: {  	[tilespmem:s18], [sflag:$0x2] =	stream.indirect.gather [hbm4b:s4+s14], $0x80, s0, s14, $0xb8;
	[tilespmem:$0x1F080] =	vst v63  }
0xc8: {  	_ =	swait.ge [sflag:s19], $0x3E80  }
0xc9: {  	[sflag:s19] =	ssyncset.done $0x0  }
0xca: {  	s0 =	sadd.s32 $0x2700, s31;
	[sflag:s19] =	ssyncadd.s32 $0xFFFFC180  }
0xcb: {  	[spmem:s1] =	stream.indirect.scatter.add.f32 [tilespmem:s15], [sflag:$0x3], $0x80, s0, s14, $0xb8;
	[tilespmem:$0x1F080] =	vst v63  }
0xcc: {  	_ =	swait.ge [sflag:s20], $0x3E80  }
0xcd: {  	[sflag:s20] =	ssyncset.done $0x0  }
.Ltmp1:
0xce: {  	s0 =	sadd.s32 $0x1400, s31;
	[sflag:s20] =	ssyncadd.s32 $0xFFFFC180;
	(pc) =	sbr.rel @p1 .LBB2_4-.Ltmp1, $4  }
0xcf: {  	[tilespmem:s15], [sflag:$0x1] =	stream.indirect.gather [hbm4b:s4+s14], $0x80, s0, s14, $0xb8;
	[tilespmem:$0x1F080] =	vst v63  }
0xd0: {  	_ =	swait.ge [sflag:s22], $0x3E80  }
0xd1: {  	[sflag:s22] =	ssyncset.done $0x0  }
0xd2: {  	s31 =	sadd.s32 $0x2780, s31;
	[sflag:s22] =	ssyncadd.s32 $0xFFFFC180  }
0xd3: {  	[spmem:s1] =	stream.indirect.scatter.add.f32 [tilespmem:s18], [sflag:$0x4], $0x80, s31, s14, $0xb8;
	[tilespmem:$0x1F080] =	vst v63  }
0xd4: {  	_ =	swait.ge [sflag:s24], $0x3E80  }
0xd5: {  	[sflag:s24] =	ssyncset.done $0x0  }
0xd6: {  	[sflag:s24] =	ssyncadd.s32 $0xFFFFC180  }
0xd7: {  	[tilespmem:s18], [sflag:$0x2] =	stream.indirect.gather [hbm4b:s4+s14], $0x80, s25, s14, $0xb8;
	[tilespmem:$0x1F080] =	vst v63  }
0xd8: {  	_ =	swait.ge [sflag:s19], $0x3E80  }
0xd9: {  	[sflag:s19] =	ssyncset.done $0x0  }
0xda: {  	[sflag:s19] =	ssyncadd.s32 $0xFFFFC180  }
0xdb: {  	[spmem:s1] =	stream.indirect.scatter.add.f32 [tilespmem:s15], [sflag:$0x3], $0x80, s26, s14, $0xb8;
	[tilespmem:$0x1F080] =	vst v63  }
0xdc: {  	_ =	swait.ge [sflag:s22], $0x3E80  }
0xdd: {  	[sflag:s22] =	ssyncset.done $0x0  }
0xde: {  	[sflag:s22] =	ssyncadd.s32 $0xFFFFC180  }
0xdf: {  	[spmem:s1] =	stream.indirect.scatter.add.f32 [tilespmem:s18], [sflag:$0x4], $0x80, s28, s14, $0xb8;
	[tilespmem:$0x1F080] =	vst v63  }
0xe0: {  	_ =	swait.ge [sflag:s20], $0x3E80  }
0xe1: {  	[sflag:s20] =	ssyncset.done $0x0  }
0xe2: {  	[sflag:s20] =	ssyncadd.s32 $0xFFFFC180  }
0xe3: {  	_ =	swait.ge [sflag:s24], $0x3E80  }
0xe4: {  	[sflag:s24] =	ssyncset.done $0x0  }
0xe5: {  	s0 =	rddreg [dreg:$0xf];
	[sflag:s24] =	ssyncadd.s32 $0xFFFFC180  }
0xe6: {  	[tilespmem:s2], [sflag:$0x5] =	stream.linear.gather [hbm4b:s0+s2], $0x1400, $0x38;
	[tilespmem:$0x1F080] =	vst v63  }
0xe7: {  	_ =	swait.ge [sflag:s12], $0x1400  }
0xe8: {  	[sflag:s12] =	ssyncset.done $0x0  }
0xe9: {  	s0 =	rddreg [dreg:$0x10];
	[sflag:s12] =	ssyncadd.s32 $0xFFFFEC00  }
0xea: {  	[tilespmem:s13], [sflag:$0x5] =	stream.linear.gather [hbm4b:s0+s2], $0x1400, $0x38;
	[tilespmem:$0x1F080] =	vst v63  }
0xeb: {  	_ =	swait.ge [sflag:s12], $0x1400  }
0xec: {  	[sflag:s12] =	ssyncset.done $0x0  }
0xed: {  	[sflag:s12] =	ssyncadd.s32 $0xFFFFEC00  }
0xee: {  	[tilespmem:s15], [sflag:$0x1] =	stream.indirect.gather [hbm4b:s4+s14], $0x80, s2, s14, $0xb8;
	[tilespmem:$0x1F080] =	vst v63  }
0xef: {  	_ = 	snop  }
0xf0: {  	[tilespmem:s18], [sflag:$0x2] =	stream.indirect.gather [hbm4b:s4+s14], $0x80, s17, s14, $0xb8;
	[tilespmem:$0x1F080] =	vst v63  }
0xf1: {  	_ =	swait.ge [sflag:s19], $0x3E80  }
0xf2: {  	[sflag:s19] =	ssyncset.done $0x0  }
0xf3: {  	[sflag:s19] =	ssyncadd.s32 $0xFFFFC180  }
0xf4: {  	[spmem:s1] =	stream.indirect.scatter.add.f32 [tilespmem:s15], [sflag:$0x3], $0x80, s13, s14, $0xb8;
	[tilespmem:$0x1F080] =	vst v63  }
0xf5: {  	_ =	swait.ge [sflag:s20], $0x3E80  }
0xf6: {  	[sflag:s20] =	ssyncset.done $0x0  }
0xf7: {  	[sflag:s20] =	ssyncadd.s32 $0xFFFFC180  }
0xf8: {  	[tilespmem:s15], [sflag:$0x1] =	stream.indirect.gather [hbm4b:s4+s14], $0x80, s21, s14, $0xb8;
	[tilespmem:$0x1F080] =	vst v63  }
0xf9: {  	_ =	swait.ge [sflag:s22], $0x3E80  }
0xfa: {  	[sflag:s22] =	ssyncset.done $0x0  }
0xfb: {  	[sflag:s22] =	ssyncadd.s32 $0xFFFFC180  }
0xfc: {  	[spmem:s1] =	stream.indirect.scatter.add.f32 [tilespmem:s18], [sflag:$0x4], $0x80, s23, s14, $0xb8;
	[tilespmem:$0x1F080] =	vst v63  }
0xfd: {  	_ =	swait.ge [sflag:s24], $0x3E80  }
0xfe: {  	[sflag:s24] =	ssyncset.done $0x0  }
0xff: {  	s0 =	simm.s32 $0x180;
	[sflag:s24] =	ssyncadd.s32 $0xFFFFC180  }
0x100: {  	[tilespmem:s18], [sflag:$0x2] =	stream.indirect.gather [hbm4b:s4+s14], $0x80, s0, s14, $0xb8;
	[tilespmem:$0x1F080] =	vst v63  }
0x101: {  	_ =	swait.ge [sflag:s19], $0x3E80  }
0x102: {  	[sflag:s19] =	ssyncset.done $0x0  }
0x103: {  	s0 =	simm.s32 $0x1500;
	[sflag:s19] =	ssyncadd.s32 $0xFFFFC180  }
0x104: {  	[spmem:s1] =	stream.indirect.scatter.add.f32 [tilespmem:s15], [sflag:$0x3], $0x80, s0, s14, $0xb8;
	[tilespmem:$0x1F080] =	vst v63  }
0x105: {  	_ =	swait.ge [sflag:s20], $0x3E80  }
0x106: {  	[sflag:s20] =	ssyncset.done $0x0  }
0x107: {  	s0 =	simm.s32 $0x200;
	[sflag:s20] =	ssyncadd.s32 $0xFFFFC180  }
0x108: {  	[tilespmem:s15], [sflag:$0x1] =	stream.indirect.gather [hbm4b:s4+s14], $0x80, s0, s14, $0xb8;
	[tilespmem:$0x1F080] =	vst v63  }
0x109: {  	_ =	swait.ge [sflag:s22], $0x3E80  }
0x10a: {  	[sflag:s22] =	ssyncset.done $0x0  }
0x10b: {  	s30 =	simm.s32 $0xFFFFBC00;
	s31 =	simm.s32 $0x1580;
	[sflag:s22] =	ssyncadd.s32 $0xFFFFC180  }
.LBB2_6:
0x10c: {  	[spmem:s1] =	stream.indirect.scatter.add.f32 [tilespmem:s18], [sflag:$0x4], $0x80, s31, s14, $0xb8;
	[tilespmem:$0x1F080] =	vst v63  }
0x10d: {  	s0 =	smov.u32 s30  }
0x10e: {  	p1 =	sne.s32 s30, $0xFFFFFC00;
	s30 =	sadd.s32 $0x400, s30;
	_ =	swait.ge [sflag:s24], $0x3E80  }
0x10f: {  	s0 =	sshra.s32 s0, $0x2;
	[sflag:s24] =	ssyncset.done $0x0  }
0x110: {  	s31 =	sadd.s32 $0x1380, s0;
	[sflag:s24] =	ssyncadd.s32 $0xFFFFC180  }
0x111: {  	[tilespmem:s18], [sflag:$0x2] =	stream.indirect.gather [hbm4b:s4+s14], $0x80, s31, s14, $0xb8;
	[tilespmem:$0x1F080] =	vst v63  }
0x112: {  	_ =	swait.ge [sflag:s19], $0x3E80  }
0x113: {  	[sflag:s19] =	ssyncset.done $0x0  }
0x114: {  	s31 =	sadd.s32 $0x2700, s0;
	[sflag:s19] =	ssyncadd.s32 $0xFFFFC180  }
0x115: {  	[spmem:s1] =	stream.indirect.scatter.add.f32 [tilespmem:s15], [sflag:$0x3], $0x80, s31, s14, $0xb8;
	[tilespmem:$0x1F080] =	vst v63  }
0x116: {  	_ =	swait.ge [sflag:s20], $0x3E80  }
0x117: {  	[sflag:s20] =	ssyncset.done $0x0  }
.Ltmp2:
0x118: {  	s31 =	sadd.s32 $0x1400, s0;
	[sflag:s20] =	ssyncadd.s32 $0xFFFFC180;
	(pc) =	sbr.rel @p1 .LBB2_6-.Ltmp2, $4  }
0x119: {  	[tilespmem:s15], [sflag:$0x1] =	stream.indirect.gather [hbm4b:s4+s14], $0x80, s31, s14, $0xb8;
	[tilespmem:$0x1F080] =	vst v63  }
0x11a: {  	_ =	swait.ge [sflag:s22], $0x3E80  }
0x11b: {  	[sflag:s22] =	ssyncset.done $0x0  }
0x11c: {  	s31 =	sadd.s32 $0x2780, s0;
	[sflag:s22] =	ssyncadd.s32 $0xFFFFC180  }
0x11d: {  	[spmem:s1] =	stream.indirect.scatter.add.f32 [tilespmem:s18], [sflag:$0x4], $0x80, s31, s14, $0xb8;
	[tilespmem:$0x1F080] =	vst v63  }
0x11e: {  	_ =	swait.ge [sflag:s24], $0x3E80  }
0x11f: {  	[sflag:s24] =	ssyncset.done $0x0  }
0x120: {  	[sflag:s24] =	ssyncadd.s32 $0xFFFFC180  }
0x121: {  	[tilespmem:s18], [sflag:$0x2] =	stream.indirect.gather [hbm4b:s4+s14], $0x80, s25, s14, $0xb8;
	[tilespmem:$0x1F080] =	vst v63  }
0x122: {  	_ =	swait.ge [sflag:s19], $0x3E80  }
0x123: {  	[sflag:s19] =	ssyncset.done $0x0  }
0x124: {  	[sflag:s19] =	ssyncadd.s32 $0xFFFFC180  }
0x125: {  	[spmem:s1] =	stream.indirect.scatter.add.f32 [tilespmem:s15], [sflag:$0x3], $0x80, s26, s14, $0xb8;
	[tilespmem:$0x1F080] =	vst v63  }
0x126: {  	_ =	swait.ge [sflag:s22], $0x3E80  }
0x127: {  	[sflag:s22] =	ssyncset.done $0x0  }
0x128: {  	[sflag:s22] =	ssyncadd.s32 $0xFFFFC180  }
0x129: {  	[spmem:s1] =	stream.indirect.scatter.add.f32 [tilespmem:s18], [sflag:$0x4], $0x80, s28, s14, $0xb8;
	[tilespmem:$0x1F080] =	vst v63  }
0x12a: {  	_ =	swait.ge [sflag:s20], $0x3E80  }
0x12b: {  	[sflag:s20] =	ssyncset.done $0x0  }
0x12c: {  	[sflag:s20] =	ssyncadd.s32 $0xFFFFC180  }
0x12d: {  	_ =	swait.ge [sflag:s24], $0x3E80  }
0x12e: {  	[sflag:s24] =	ssyncset.done $0x0  }
0x12f: {  	[sflag:s24] =	ssyncadd.s32 $0xFFFFC180  }
0x130: {  	[bflag:$0x0] =	sbarrier.arrive $0xFFFF  }
0x131: {  	s30 =	rddreg [dreg:$0x13]  }
0x132: {  	s0 =	simm.s32 @p0 $0x1FC5;
	s31 =	rddreg [dreg:$0x15]  }
0x133: {  	[hbm:s30], [sflag:s0] =	dma.local @p0 [spmem:s31], $0x2800  }
0x134: {  	s0 =	simm.s32 @p0 $0x5  }
0x135: {  	s30 =	stileid.u32;
	_ =	swait.ge @p0 [sflag:s0], $0x2800  }
0x136: {  	s30 =	sshll.u32 @!p0 s30, $0x6;
	[sflag:s0] =	ssyncset.done @p0 $0x0;
	s31 =	rddreg [dreg:$0x16]  }
0x137: {  	[sflag:s0] =	ssyncadd.s32 @p0 $0xFFFFD800;
	s0 =	sor.u32 @!p0 $0x1C05, s30;
	s30 =	rddreg [dreg:$0x12]  }
0x138: {  	[hbm:s30], [sflag:s0] =	dma.local @!p0 [spmem:s31], $0x2700  }
0x139: {  	s0 =	simm.s32 @!p0 $0x5  }
0x13a: {  	_ =	swait.ge @!p0 [sflag:s0], $0x2700  }
0x13b: {  	s29 =	sadd.s32 $0x1, s29;
	s31 =	rddreg [dreg:$0x14]  }
0x13c: {  	p1 =	sne.s32 s29, s31  }
.Ltmp3:
0x13d: {  	_ = 	snop;
	(pc) =	sbr.rel @p1 .LBB2_1-.Ltmp3, $3  }
0x13e: {  	_ =	sdelay $0x1  }
0x13f: {  	[sflag:s0] =	ssyncset.done @!p0 $0x0  }
0x140: {  	[sflag:s0] =	ssyncadd.s32 @!p0 $0xFFFFD900  }
0x141: {  	_ =	sfence.sel $0x180000  }
0x142: {  	[bflag:$0x0] =	sbarrier.arrive $0xFFFF  }
0x143: {  	_ =	strace $0x9000004D  }
0x144: {  	s0 =	stileid.u32;
	[bflag:$0x2] =	sbarrier.arrive $0xFFFF  }
0x145: {  	p0 =	sne.s32 s0, $0x0;
	s0 =	rddreg [dreg:$0x2]  }
0x146: {  	s0 =	sadd.s32 @!p0 $0x100000, s0  }
0x147: {  	[sflag:s0] =	ssyncadd.tile.s32 @!p0 $0x1;
	_ =	shalt  }
.Lfunc_end2:
_tile_overlayer_lowered:
.L_overlay_start_2:
0x148: {  	(tag) =	ssettag $0x2  }
0x149: {  	s0 =	rddreg [dreg:$0x0];
	s2 =	stileid.u32  }
0x14a: {  	s1 =	rddreg [dreg:$0x1];
	p0 =	sne.s32 s2, $0x0  }
0x14b: {  	s3 =	rddreg [dreg:$0x2];
	[bflag:$0x3] =	sbarrier.arrive $0xFFFF;
	s2 =	simm.s32 @!p0 $0x1C05  }
0x14c: {  	[timem:s3], [sflag:s2] =	dma.local @!p0 [hbm:s0], s1  }
0x14d: {  	s0 =	simm.s32 @!p0 $0x5  }
0x14e: {  	_ =	swait.ge @!p0 [sflag:s0], s1  }
0x14f: {  	s1 =	ssub.s32 @!p0 $0x0, s1;
	[sflag:s0] =	ssyncset.done @!p0 $0x0  }
0x150: {  	[sflag:s0] =	ssyncadd.s32 @!p0 s1  }
0x151: {  	[bflag:$0x3] =	sbarrier.arrive $0xFFFF  }
0x152: {  	_ =	shalt  }

// kernel: kernel.9.cloned.1.call-start
scs
__scs_entry_jumppad:
0x0: {  	(pc) =	sbr.rel $0x88, $3  }
0x1: {  	(tag) =	ssettag $0x0;
	lr =	simm.s32 $0x1  }
0x2: {  	[smem:$0x3F97] =	sst lr;
	_ =	strace $0xD0000000  }
0x3: {  	_ = 	snop  }
0x4: {  	_ = 	snop  }
0x5: {  	_ = 	snop  }
0x6: {  	_ = 	snop  }
0x7: {  	_ = 	snop  }
__scs_overlays_trampoline_lowered:
0x8: {  	[smem:$0x3FA6] =	sst s0  }
0x9: {  	[smem:$0x3FA7] =	sst s1  }
0xa: {  	[smem:$0x3FA8] =	sst s2  }
0xb: {  	[smem:$0x3FA9] =	sst s3  }
0xc: {  	[smem:$0x3FAA] =	sst s4  }
0xd: {  	[smem:$0x3FAB] =	sst s5  }
0xe: {  	[smem:$0x3FAC] =	sst s6  }
0xf: {  	[smem:$0x3FAD] =	sst s7  }
0x10: {  	[smem:$0x3FAE] =	sst s8  }
0x11: {  	[smem:$0x3FAF] =	sst s9;
	s0 =	simm.s32 @!p0 $0x0  }
0x12: {  	s1 =	sld [smem:$0x3F95];
	s0 =	simm.s32 @p0 $0x1  }
0x13: {  	[smem:$0x3FB0] =	sst s0;
	s0 =	simm.s32 @!p1 $0x0  }
0x14: {  	s2 =	sld [smem:$0x3F94];
	s0 =	simm.s32 @p1 $0x1  }
0x15: {  	[smem:$0x3FB1] =	sst s0;
	s0 =	simm.s32 @!p2 $0x0  }
0x16: {  	s3 =	sld [smem:$0x3FDB];
	s0 =	simm.s32 @p2 $0x1  }
0x17: {  	s4 =	simm.s32 $0x1BF5;
	[smem:$0x3FB3] =	sst s0  }
0x18: {  	s0 =	sld [smem:$0x3F96];
	_ =	swait.ge [sflag:s4], $0x0  }
0x19: {  	s7 =	sld [smem:$0x3F97]  }
0x1a: {  	s8 =	sadd.s32 $0xFFFFE003, lr  }
0x1b: {  	s9 =	sadd.s32 $0xFFFFFEF7, lr;
	s5 =	simm.s32 $0xFFFFFFFF;
	p2 =	slt.u32 s8, $0xFFFFF086  }
0x1c: {  	p1 =	slt.u32 s9, $0xF7A;
	s5 =	simm.s32 @!p2 $0x0  }
0x1d: {  	s5 =	simm.s32 @p1 $0x1;
	p0 =	seq.s32 s7, s2  }
0x1e: {  	s7 =	smul.u32 @!p0 $0xF7A, s2;
	p2 =	seq.s32 @!p0 s5, $0x0  }
0x1f: {  	s9 =	smul.u32 $0xF7A, s1;
	s8 =	simm.s32 @!p0 $0x1BF5;
	p2 =	por !p2, p0  }
0x20: {  	[sflag:s8] =	ssyncset.s32 @!p0 $0xFFFFF086;
	s6 =	sadd.s32 @!p0 s3, s7;
	s7 =	simm.s32 @!p0 $0x108  }
0x21: {  	s3 =	sadd.s32 s3, s9;
	s6 =	sadd.s32 @!p0 $0x88, s6;
	s7 =	simm.s32 @p2 $0x1082  }
0x22: {  	[simem:s7], [sflag:s8] =	dma.local @!p0 [hbm:s6], $0xF7A  }
0x23: {  	s9 =	sor.u32 $0xD0000000, s2;
	s6 =	simm.s32 $0x108;
	_ =	swait.ge @!p0 [sflag:s8], $0x0  }
0x24: {  	s3 =	sadd.s32 $0x88, s3;
	s6 =	simm.s32 @!p1 $0x1082;
	[sflag:s4] =	ssyncset.s32 $0xFFFFF086  }
0x25: {  	[simem:s6], [sflag:s4] =	dma.local [hbm:s3], $0xF7A  }
0x26: {  	[smem:$0x3F97] =	sst s1;
	(tag) =	ssettag s2;
	_ =	strace s9  }
0x27: {  	s1 =	sld [smem:$0x3FA7]  }
0x28: {  	s2 =	sld [smem:$0x3FA8]  }
0x29: {  	s4 =	sld [smem:$0x3FAA]  }
0x2a: {  	p0 =	seq.s32 s5, $0x0;
	s5 =	sld [smem:$0x3FAB]  }
0x2b: {  	s6 =	sld [smem:$0x3FAC]  }
0x2c: {  	s7 =	sld [smem:$0x3FAD]  }
0x2d: {  	s3 =	simm.s32 $0x108;
	s8 =	sld [smem:$0x3FAE]  }
0x2e: {  	s3 =	simm.s32 @!p0 $0x1082;
	s9 =	sld [smem:$0x3FAF]  }
0x2f: {  	lr =	sadd.s32 s0, s3;
	s0 =	sld [smem:$0x3FA6]  }
0x30: {  	s3 =	sld [smem:$0x3FA9]  }
0x31: {  	[smem:$0x3FB2] =	sst s10  }
0x32: {  	s10 =	sld [smem:$0x3FB0];
	_ =	sdelay $0x3  }
0x33: {  	p0 =	seq.s32 s10, $0x1;
	s10 =	sld [smem:$0x3FB2];
	_ =	sdelay $0x3  }
0x34: {  	[smem:$0x3FB2] =	sst s10  }
0x35: {  	s10 =	sld [smem:$0x3FB1];
	_ =	sdelay $0x3  }
0x36: {  	p1 =	seq.s32 s10, $0x1;
	s10 =	sld [smem:$0x3FB2];
	_ =	sdelay $0x3  }
0x37: {  	[smem:$0x3FB2] =	sst s10  }
0x38: {  	s10 =	sld [smem:$0x3FB3]  }
0x39: {  	_ = 	snop;
	(pc) =	sbr.ind lr, $3  }
0x3a: {  	_ = 	snop  }
0x3b: {  	_ = 	snop  }
0x3c: {  	p2 =	seq.s32 s10, $0x1;
	s10 =	sld [smem:$0x3FB2]  }
0x3d: {  	_ =	shalt  }
0x3e: {  	_ =	shalt  }
0x3f: {  	_ =	shalt  }
0x40: {  	_ =	shalt  }
0x41: {  	_ =	shalt  }
0x42: {  	_ =	shalt  }
0x43: {  	_ =	shalt  }
0x44: {  	_ =	shalt  }
0x45: {  	_ =	shalt  }
0x46: {  	_ =	shalt  }
0x47: {  	_ =	shalt  }
0x48: {  	_ =	shalt  }
0x49: {  	_ =	shalt  }
0x4a: {  	_ =	shalt  }
0x4b: {  	_ =	shalt  }
0x4c: {  	_ =	shalt  }
0x4d: {  	_ =	shalt  }
0x4e: {  	_ =	shalt  }
0x4f: {  	_ =	shalt  }
0x50: {  	_ =	shalt  }
0x51: {  	_ =	shalt  }
0x52: {  	_ =	shalt  }
0x53: {  	_ =	shalt  }
0x54: {  	_ =	shalt  }
0x55: {  	_ =	shalt  }
0x56: {  	_ =	shalt  }
0x57: {  	_ =	shalt  }
0x58: {  	_ =	shalt  }
0x59: {  	_ =	shalt  }
0x5a: {  	_ =	shalt  }
0x5b: {  	_ =	shalt  }
0x5c: {  	_ =	shalt  }
0x5d: {  	_ =	shalt  }
0x5e: {  	_ =	shalt  }
0x5f: {  	_ =	shalt  }
0x60: {  	_ =	shalt  }
0x61: {  	_ =	shalt  }
0x62: {  	_ =	shalt  }
0x63: {  	_ =	shalt  }
0x64: {  	_ =	shalt  }
0x65: {  	_ =	shalt  }
0x66: {  	_ =	shalt  }
0x67: {  	_ =	shalt  }
0x68: {  	_ =	shalt  }
0x69: {  	_ =	shalt  }
0x6a: {  	_ =	shalt  }
0x6b: {  	_ =	shalt  }
0x6c: {  	_ =	shalt  }
0x6d: {  	_ =	shalt  }
0x6e: {  	_ =	shalt  }
0x6f: {  	_ =	shalt  }
0x70: {  	_ =	shalt  }
0x71: {  	_ =	shalt  }
0x72: {  	_ =	shalt  }
0x73: {  	_ =	shalt  }
0x74: {  	_ =	shalt  }
0x75: {  	_ =	shalt  }
0x76: {  	_ =	shalt  }
0x77: {  	_ =	shalt  }
0x78: {  	_ =	shalt  }
0x79: {  	_ =	shalt  }
0x7a: {  	_ =	shalt  }
0x7b: {  	_ =	shalt  }
0x7c: {  	_ =	shalt  }
0x7d: {  	_ =	shalt  }
0x7e: {  	_ =	shalt  }
0x7f: {  	_ =	shalt  }
0x80: {  	_ =	shalt  }
0x81: {  	_ =	shalt  }
0x82: {  	_ =	shalt  }
0x83: {  	_ =	shalt  }
0x84: {  	_ =	shalt  }
0x85: {  	_ =	shalt  }
0x86: {  	_ =	shalt  }
0x87: {  	_ =	shalt  }
.Lfunc_end0:
.L_simem_size_0:
called_computation_lowered:
.L_overlay_start_0:
0x88: {  	s2 =	sld [smem:$0x3FD9]  }
0x89: {  	s3 =	sld [smem:$0x3FFE];
	_ =	sdelay $0x1  }
0x8a: {  	s1 =	srdreg.scid  }
0x8b: {  	s0 =	sand.u32 $0x1, s1  }
0x8c: {  	s17 =	sshll.u32 s0, $0xA;
	s2 =	sadd.s32 s3, s2  }
0x8d: {  	s2 =	sadd.s32 s2, s17  }
0x8e: {  	[smem:$0x3FBE] =	sst s2  }
0x8f: {  	_ = 	snop  }
0x90: {  	s2 =	sld [smem:$0x3FD0];
	(tm) =	ssettm $0x1  }
0x91: {  	s18 =	sld [smem:$0x3FFB];
	_ =	sdelay $0x3  }
0x92: {  	_ =	strace s18  }
0x93: {  	s3 =	sld [smem:$0x3FFC];
	_ =	sdelay $0x3  }
0x94: {  	_ =	strace s3  }
0x95: {  	s3 =	sld [smem:$0x3FFD];
	_ =	sdelay $0x3  }
0x96: {  	_ =	strace s3  }
0x97: {  	_ =	strace $0x8FFFFFFF  }
0x98: {  	s19 =	sld [smem:$0x3FDB];
	_ =	sdelay $0x1  }
0x99: {  	s4 =	simm.s32 $_scs_section_size  }
0x9a: {  	s5 =	simm.s32 $_size__tile_overlayer_lowered;
	s6 =	simm.s32 $_tile_overlayer_lowered  }
0x9b: {  	s22 =	simm.s32 $0x1BFF;
	s21 =	sshll.u32 s6, $0x1;
	s3 =	sadd.s32 s4, s19  }
0x9c: {  	s7 =	simm.s32 $0x0;
	s20 =	sshll.u32 s5, $0x1;
	s5 =	sadd.s32 s21, s3  }
0x9d: {  	[timem:s7], [sflag:s22] =	dma.local [hbm:s5], s20  }
0x9e: {  	_ =	swait.ge [sflag:s22], s20  }
0x9f: {  	s4 =	ssub.s32 $0x0, s20;
	[sflag:s22] =	ssyncset.done $0x0  }
0xa0: {  	[sflag:s22] =	ssyncadd.s32 s4;
	_ =	sdelay $0x1  }
0xa1: {  	s23 =	simm.s32 $0x1B8B  }
0xa2: {  	_ =	swait.ge [sflag:s23], $0x1  }
0xa3: {  	[sflag:s23] =	ssyncset.done $0x0  }
0xa4: {  	s25 =	simm.s32 $0x1B8E;
	s24 =	sld [smem:$0x3FFE];
	[sflag:s23] =	ssyncadd.s32 $0xFFFFFFFF  }
0xa5: {  	s26 =	simm.s32 $execute0_lowered;
	[smem:$0x3FD2] =	sst s25  }
0xa6: {  	s5 =	sshll.u32 s26, $0x1;
	_ =	strace $0x80000046;
	[dreg:$0x1] =	wrdreg $0xFFFFFFFF  }
0xa7: {  	s28 =	simm.s32 $_size_execute0_lowered;
	s3 =	sadd.s32 s3, s5;
	[dreg:$0x0] =	wrdreg $0x0  }
0xa8: {  	s5 =	sshll.u32 s28, $0x1;
	[dreg:$0x2] =	wrdreg s3  }
0xa9: {  	[dreg:$0x3] =	wrdreg s5  }
0xaa: {  	[dreg:$0x4] =	wrdreg $0xC0  }
0xab: {  	_ =	task [dreg:s7], $0x5FFFF  }
0xac: {  	[dreg:$0x1] =	wrdreg $0xFFFFFFFF  }
0xad: {  	[dreg:$0x0] =	wrdreg $0x60  }
0xae: {  	[dreg:$0x2] =	wrdreg s24  }
0xaf: {  	[dreg:$0x3] =	wrdreg s2  }
0xb0: {  	[dreg:$0x4] =	wrdreg $0x52000  }
0xb1: {  	[dreg:$0x5] =	wrdreg $0x54800  }
0xb2: {  	[dreg:$0x6] =	wrdreg $0x9  }
0xb3: {  	_ =	task.clear_ibuf [dreg:s7], $0x7FFFF;
	_ =	strace $0x90000046  }
0xb4: {  	s29 =	simm.s32 $0x9;
	_ =	strace $0x80000048  }
0xb5: {  	_ =	swait.ge [sflag:s29], $0x1  }
0xb6: {  	[sflag:s29] =	ssyncadd.s32 $0xFFFFFFFF  }
0xb7: {  	_ =	strace $0x90000048  }
0xb8: {  	_ =	sfence  }
0xb9: {  	s30 =	sld [smem:$0x0];
	_ =	sdelay $0x2  }
0xba: {  	s31 =	sshll.u32 s1, $0xD;
	s1 =	sshrl.u32 s1, $0x2  }
0xbb: {  	s3 =	sand.u32 $0x4000, s31;
	s1 =	sadd.s32 s1, s30  }
0xbc: {  	s0 =	sor.u32 s3, s0;
	s1 =	sshll.u32 s1, $0x11  }
0xbd: {  	s0 =	sor.u32 s1, s0  }
0xbe: {  	s0 =	sadd.s32 $0x8F2B, s0  }
0xbf: {  	[sflag:s0] =	ssyncadd.remote.s32 $0x1  }
0xc0: {  	_ =	sfence.sel $0xFFFF  }
0xc1: {  	[dreg:$0x0] =	wrdreg $0xFFFFFFFF;
	(pc) =	sbr.abs _section_cstart, $3  }
0xc2: {  	[dreg:$0x1] =	wrdreg $0xFFFFFFFF  }
0xc3: {  	_ =	task.clear_ibuf [dreg:s7], $0x2FFFF;
	_ =	strace $0x9FFFFFFF  }
0xc4: {  	(tm) =	ssettm $0x7FFFFFFF  }
0xc5: {  	_ =	shalt  }
tec
execute0_lowered:
.L_overlay_start_1:
0x0: {  	(tag) =	ssettag $0x1  }
0x1: {  	s7 =	rddreg [dreg:$0x0]  }
0x2: {  	s1 =	rddreg [dreg:$0x1]  }
0x3: {  	s3 =	rddreg [dreg:$0x2]  }
0x4: {  	s0 =	srdreg.scid;
	s4 =	rddreg [dreg:$0x3]  }
0x5: {  	s5 =	simm.s32 $0x0;
	s20 =	simm.s32 $0x2710;
	s21 =	simm.s32 $0x2A00  }
0x6: {  	s22 =	simm.s32 $0x271;
	s17 =	sand.u32 $0x1, s0;
	s0 =	stileid.u32  }
0x7: {  	s23 =	simm.s32 $0x2780;
	s25 =	simm.s32 $0x0;
	s8 =	smul.u32 $0x50, s0  }
0x8: {  	[smem:$0x7FF] =	sst s5;
	s2 =	sshll.u32 s17, $0x4;
	s9 =	smul.u32 $0xA00, s0  }
0x9: {  	s31 =	ssub.s32 $0x2, s17;
	s18 =	sor.u32 s0, s17;
	s15 =	sshll.u32 s0, $0x7  }
0xa: {  	s19 =	sshll.u32 s0, $0xA;
	p0 =	sne.s32 s17, $0x0;
	s17 =	simm.s32 $0x5180  }
0xb: {  	p2 =	slt.u32 s0, $0xA;
	p3 =	sgt.u32 s0, $0x9;
	s6 =	sor.u32 s0, s2  }
0xc: {  	s2 =	rddreg [dreg:$0x4];
	_ =	strace $0x80000047;
	s12 =	sshrl.u32 s31, $0x1  }
0xd: {  	s24 =	sadd.s32 s19, s3;
	p1 =	sne.s32 s18, $0x0;
	s18 =	simm.s32 $0x2  }
0xe: {  	s19 =	simm.s32 $0x1;
	s6 =	smul.u32 $0x4F0, s6;
	s11 =	sadd.s32 s8, s7  }
.Ltmp0:
0xf: {  	s9 =	sshrl.u32 s9, $0x2;
	s16 =	ssub.s32 s31, s12;
	(pc) =	sbr.rel .LBB2_1-.Ltmp0, $4  }
0x10: {  	s24 =	sshrl.u32 s24, $0x3;
	s8 =	sadd.s32 s9, s3;
	s16 =	smax.u32 s16, $0x1  }
0x11: {  	s10 =	sadd.s32 s6, s7;
	s6 =	sadd.s32 $0xEC00, s7;
	s7 =	sadd.s32 $0xF200, s7  }
0x12: {  	s12 =	sadd.s32 $0x100, s8;
	s13 =	sadd.s32 $0x180, s8;
	s14 =	sadd.s32 $0x200, s8  }
0x13: {  	v0 =	vimm.f32 $1.000000000e+00;
	v1 =	vimm.f32 $0.0e+00;
	s9 =	sadd.s32 $0x4800, s10;
	s10 =	sadd.s32 $0xE600, s11;
	s11 =	sadd.s32 $0x80, s8  }
.LBB2_6:
0x14: {  	s28 =	sshll.u32 s0, $0x6  }
0x15: {  	s26 =	sadd.s32 s26, s15;
	s28 =	sor.u32 $0x1C02, s28  }
0x16: {  	[hbm:s26], [sflag:s28] =	dma.local [spmem:s24], $0x80  }
0x17: {  	_ =	swait.ge [sflag:s18], $0x80  }
0x18: {  	[sflag:s18] =	ssyncset.done $0x0  }
0x19: {  	[sflag:s18] =	ssyncadd.s32 $0xFFFFFF80  }
.LBB2_7:
0x1a: {  	s26 =	sshll.u32 @!p1 s0, $0x6;
	s25 =	sadd.s32 $0x1, s25  }
0x1b: {  	s28 =	sshrl.u32 @!p1 s4, $0x3;
	s26 =	sor.u32 @!p1 $0x1C02, s26;
	p4 =	sne.s32 s25, s16  }
0x1c: {  	[hbm:s1], [sflag:s26] =	dma.local @!p1 [spmem:s28], $0x10  }
.Ltmp1:
0x1d: {  	_ = 	snop;
	(pc) =	sbr.rel @!p4 .LBB2_8-.Ltmp1, $4  }
0x1e: {  	s26 =	simm.s32 @!p1 $0x2  }
0x1f: {  	_ =	swait.ge @!p1 [sflag:s26], $0x10  }
0x20: {  	[sflag:s26] =	ssyncset.done @!p1 $0x0  }
0x21: {  	[sflag:s26] =	ssyncadd.s32 @!p1 $0xFFFFFFF0  }
.LBB2_1:
0x22: {  	[tilespmem:s5], [sflag:$0x1] =	stream.linear.gather [hbm4b:s9+s5], $0x2780, $0x38;
	[tilespmem:$0x5488] =	vst v63  }
0x23: {  	s26 =	simm.s32 @!p0 $0x0;
	s28 =	simm.s32 @!p0 $0x2780  }
0x24: {  	[tilespmem:s28], [sflag:$0x2] =	stream.linear.gather @!p0 [hbm4b:s10+s26], $0x280, $0x38;
	[tilespmem:$0x5488] =	vst v63  }
0x25: {  	s26 =	simm.s32 @!p0 $0x2  }
0x26: {  	_ =	swait.ge @!p0 [sflag:s26], $0x280  }
0x27: {  	[sflag:s26] =	ssyncset.done @!p0 $0x0  }
0x28: {  	s28 =	simm.s32 $0x0;
	[sflag:s26] =	ssyncadd.s32 @!p0 $0xFFFFFD80;
	s26 =	simm.s32 $0x40  }
.LBB2_2:
0x29: {  	p4 =	sne.s32 s26, $0x9C00;
	[tilespmem:s28+$0x2A00] =	vst v0;
	s28 =	smov.u32 s26;
	s26 =	sadd.s32 $0x40, s26  }
.Ltmp2:
0x2a: {  	(pc) =	sbr.rel @p4 .LBB2_2-.Ltmp2, $2  }
0x2b: {  	_ =	sdelay $0x2  }
0x2c: {  	s28 =	sshra.s32 s28, $0x2  }
0x2d: {  	[tilespmem:s28+$0x2A00] =	vst v0  }
0x2e: {  	[tilespmem:$0x5180] =	vst v1  }
0x2f: {  	[tilespmem:$0x5190] =	vst v1  }
0x30: {  	[tilespmem:$0x51A0] =	vst v1  }
0x31: {  	[tilespmem:$0x51B0] =	vst v1  }
0x32: {  	[tilespmem:$0x51C0] =	vst v1  }
0x33: {  	[tilespmem:$0x51D0] =	vst v1  }
0x34: {  	[tilespmem:$0x51E0] =	vst v1  }
0x35: {  	[tilespmem:$0x51F0] =	vst v1  }
0x36: {  	[spmem:s8] =	stream.linear.scatter [tilespmem:s17], [sflag:$0x2], $0x80, $0x38;
	[tilespmem:$0x5488] =	vst v63  }
0x37: {  	_ =	swait.ge [sflag:s18], $0x80  }
0x38: {  	[sflag:s18] =	ssyncset.done $0x0  }
0x39: {  	[sflag:s18] =	ssyncadd.s32 $0xFFFFFF80  }
0x3a: {  	[spmem:s11] =	stream.linear.scatter [tilespmem:s17], [sflag:$0x2], $0x80, $0x38;
	[tilespmem:$0x5488] =	vst v63  }
0x3b: {  	_ =	swait.ge [sflag:s18], $0x80  }
0x3c: {  	[sflag:s18] =	ssyncset.done $0x0  }
0x3d: {  	[sflag:s18] =	ssyncadd.s32 $0xFFFFFF80  }
0x3e: {  	[spmem:s12] =	stream.linear.scatter [tilespmem:s17], [sflag:$0x2], $0x80, $0x38;
	[tilespmem:$0x5488] =	vst v63  }
0x3f: {  	_ =	swait.ge [sflag:s18], $0x80  }
0x40: {  	[sflag:s18] =	ssyncset.done $0x0  }
0x41: {  	[sflag:s18] =	ssyncadd.s32 $0xFFFFFF80  }
0x42: {  	[spmem:s13] =	stream.linear.scatter [tilespmem:s17], [sflag:$0x2], $0x80, $0x38;
	[tilespmem:$0x5488] =	vst v63  }
0x43: {  	_ =	swait.ge [sflag:s18], $0x80  }
0x44: {  	[sflag:s18] =	ssyncset.done $0x0  }
0x45: {  	[sflag:s18] =	ssyncadd.s32 $0xFFFFFF80  }
0x46: {  	[spmem:s14] =	stream.linear.scatter [tilespmem:s17], [sflag:$0x2], $0x80, $0x38;
	[tilespmem:$0x5488] =	vst v63  }
0x47: {  	_ =	swait.ge [sflag:s18], $0x80  }
0x48: {  	[sflag:s18] =	ssyncset.done $0x0  }
0x49: {  	s26 =	simm.s32 @!p1 $0x5180;
	[sflag:s18] =	ssyncadd.s32 $0xFFFFFF80  }
0x4a: {  	[spmem:s4] =	stream.linear.scatter @!p1 [tilespmem:s26], [sflag:$0x2], $0x80, $0x38;
	[tilespmem:$0x5488] =	vst v63  }
0x4b: {  	s26 =	simm.s32 @!p1 $0x2  }
0x4c: {  	_ =	swait.ge @!p1 [sflag:s26], $0x80  }
0x4d: {  	[sflag:s26] =	ssyncset.done @!p1 $0x0  }
0x4e: {  	[sflag:s26] =	ssyncadd.s32 @!p1 $0xFFFFFF80  }
0x4f: {  	_ =	swait.ge [sflag:s19], $0x2780  }
0x50: {  	[sflag:s19] =	ssyncset.done $0x0  }
0x51: {  	[sflag:s19] =	ssyncadd.s32 $0xFFFFD880  }
.Ltmp3:
0x52: {  	[bflag:$0x0] =	sbarrier.arrive $0xFFFF;
	(pc) =	sbr.rel @p0 .LBB2_5-.Ltmp3, $4  }
0x53: {  	[spmem:s3] =	stream.indirect.scatter.add.f32 [tilespmem:s21], [sflag:$0x2], $0x1, s5, s20, $0xb8;
	[tilespmem:$0x5488] =	vst v63  }
0x54: {  	_ =	swait.ge [sflag:s18], $0x2710  }
0x55: {  	[sflag:s18] =	ssyncset.done $0x0  }
0x56: {  	[sflag:s18] =	ssyncadd.s32 $0xFFFFD8F0  }
0x57: {  	[spmem:s4] =	stream.indirect.scatter.add.f32 [tilespmem:s21], [sflag:$0x2], $0x1, s23, s22, $0xb8;
	[tilespmem:$0x5488] =	vst v63  }
.Ltmp4:
0x58: {  	_ =	swait.ge [sflag:s18], $0x271;
	(pc) =	sbr.rel @p2 .LBB2_6-.Ltmp4, $4  }
.Ltmp5:
0x59: {  	[sflag:s18] =	ssyncset.done $0x0;
	(pc) =	sbr.rel @!p2 .LBB2_7-.Ltmp5, $4  }
0x5a: {  	[sflag:s18] =	ssyncadd.s32 $0xFFFFFD8F  }
0x5b: {  	[bflag:$0x0] =	sbarrier.arrive $0xFFFF  }
0x5c: {  	s26 =	smov.u32 s6  }
0x5d: {  	_ = 	snop  }
.LBB2_5:
.Ltmp6:
0x5e: {  	(pc) =	sbr.rel @p3 .LBB2_7-.Ltmp6, $4  }
.Ltmp7:
0x5f: {  	(pc) =	sbr.rel @!p3 .LBB2_6-.Ltmp7, $4  }
0x60: {  	_ = 	snop  }
0x61: {  	[bflag:$0x0] =	sbarrier.arrive $0xFFFF  }
0x62: {  	s26 =	smov.u32 s7  }
0x63: {  	_ = 	snop  }
.LBB2_8:
0x64: {  	_ =	sfence.sel $0x180000  }
0x65: {  	[bflag:$0x0] =	sbarrier.arrive $0xFFFF  }
0x66: {  	p0 =	sne.s32 s0, $0x0;
	_ =	strace $0x90000047  }
0x67: {  	s0 =	sadd.s32 @!p0 $0x100000, s2;
	[bflag:$0x2] =	sbarrier.arrive $0xFFFF  }
0x68: {  	[sflag:s0] =	ssyncadd.tile.s32 @!p0 $0x1;
	_ =	shalt  }
.Lfunc_end2:
_tile_overlayer_lowered:
.L_overlay_start_2:
0x69: {  	(tag) =	ssettag $0x2  }
0x6a: {  	s0 =	rddreg [dreg:$0x0];
	s2 =	stileid.u32  }
0x6b: {  	s1 =	rddreg [dreg:$0x1];
	p0 =	sne.s32 s2, $0x0  }
0x6c: {  	s3 =	rddreg [dreg:$0x2];
	[bflag:$0x3] =	sbarrier.arrive $0xFFFF;
	s2 =	simm.s32 @!p0 $0x1C02  }
0x6d: {  	[timem:s3], [sflag:s2] =	dma.local @!p0 [hbm:s0], s1  }
0x6e: {  	s0 =	simm.s32 @!p0 $0x2  }
0x6f: {  	_ =	swait.ge @!p0 [sflag:s0], s1  }
0x70: {  	s1 =	ssub.s32 @!p0 $0x0, s1;
	[sflag:s0] =	ssyncset.done @!p0 $0x0  }
0x71: {  	[sflag:s0] =	ssyncadd.s32 @!p0 s1  }
0x72: {  	[bflag:$0x3] =	sbarrier.arrive $0xFFFF  }
0x73: {  	_ =	shalt  }

</sc_bundles>
